<compile_context>
chip_gen: v7x
topology: tpu7x:2x2x1
jax: 0.10.2.dev20260603
libtpu: 0.0.44.dev20260713+nightly
codegen_flags: <defaults>
</compile_context>

<pallas_src>
import functools

import jax
import jax.numpy as jnp
from jax import lax
from jax.experimental import pallas as pl
from jax.experimental.pallas import tpu as pltpu
from jax.experimental.pallas import tpu_sc as plsc

E = 320000
N = 10000
D = 128
W = D // 2
N_FGROUPS = 4
GROUP_TILES = 8
WPT = W // GROUP_TILES
EPG = E // N_FGROUPS
CHUNK = 1600
PHASE_E = (48000, 32000)
PHASE_C = (0, PHASE_E[0] // CHUNK)
PHASE_N = (PHASE_E[0] // CHUNK, PHASE_E[1] // CHUNK)
RED_SUB = 2000


def _sc_body(ht_hbm, ei_hbm, out_hbm,
             parts_sp, table_v, idx_s0, idx_s1, idx_d0, idx_d1,
             part0, part1, red_v, out_all,
             sem_i0, sem_i1, sem_p0, sem_p1):
    cid = lax.axis_index("c")
    sid = lax.axis_index("s")
    g = sid // GROUP_TILES
    r = sid % GROUP_TILES
    p = cid * 2 + g
    ebase = p * EPG
    idx_s = (idx_s0, idx_s1)
    idx_d = (idx_d0, idx_d1)
    part = (part0, part1)
    sem_i = (sem_i0, sem_i1)
    sem_p = (sem_p0, sem_p1)

    pltpu.sync_copy(
        ht_hbm.at[pl.ds(pl.multiple_of(r * WPT * N, 8), WPT * N)], table_v)

    def issue_idx(gi, b):
        off = pl.multiple_of(ebase + gi * CHUNK, 8)
        pltpu.async_copy(ei_hbm.at[0, pl.ds(off, CHUNK)], idx_s[b], sem_i[b])
        pltpu.async_copy(ei_hbm.at[1, pl.ds(off, CHUNK)], idx_d[b], sem_i[b])

    def wait_idx(gi, b):
        off = pl.multiple_of(ebase + gi * CHUNK, 8)
        pltpu.make_async_copy(
            ei_hbm.at[0, pl.ds(off, CHUNK)], idx_s[b], sem_i[b]).wait()
        pltpu.make_async_copy(
            ei_hbm.at[1, pl.ds(off, CHUNK)], idx_d[b], sem_i[b]).wait()

    def part_dst(ci):
        return parts_sp.at[
            g, r, pl.ds(pl.multiple_of(ci * (CHUNK // 2), 8), CHUNK // 2)]

    lane2 = lax.iota(jnp.int32, 16) * 2

    def dot16(ks, kd):
        acc = jnp.zeros((32,), jnp.bfloat16)
        for w in range(WPT):
            sw = plsc.load_gather(table_v, [ks + (w * N)])
            dw = plsc.load_gather(table_v, [kd + (w * N)])
            sb = plsc.bitcast(sw, jnp.bfloat16)
            db = plsc.bitcast(dw, jnp.bfloat16)
            acc = acc + sb * db
        a1, a2 = plsc.unpack(acc, format=plsc.PackFormat.INTERLEAVED)
        return a1 + a2

    def compute(ci, b):
        isv, idv, pv = idx_s[b], idx_d[b], part[b]

        def group_body(j, carry):
            base32 = j * 32
            ks_a = plsc.load_gather(isv, [lane2 + base32])
            ks_b = plsc.load_gather(isv, [lane2 + (base32 + 1)])
            kd_a = plsc.load_gather(idv, [lane2 + base32])
            kd_b = plsc.load_gather(idv, [lane2 + (base32 + 1)])
            acc_a = dot16(ks_a, kd_a)
            acc_b = dot16(ks_b, kd_b)
            packed = plsc.bitcast(
                plsc.pack(acc_a, acc_b, format=plsc.PackFormat.INTERLEAVED),
                jnp.int32)
            pv[pl.ds(pl.multiple_of(j * 16, 16), 16)] = packed
            return carry

        lax.fori_loop(0, CHUNK // 32, group_body, 0)
        pltpu.async_copy(pv, part_dst(ci), sem_p[b])

    def wait_part(ci, b):
        pltpu.make_async_copy(part[b], part_dst(ci), sem_p[b]).wait()

    for ph in range(2):
        pc0, nc = PHASE_C[ph], PHASE_N[ph]
        ept_ph = PHASE_E[ph] // GROUP_TILES
        n_red = ept_ph // RED_SUB

        issue_idx(pc0, 0)

        def pair_body(i2, carry):
            for b in range(2):
                ci = i2 * 2 + b
                issue_idx(pc0 + ci + 1, 1 - b)
                wait_idx(pc0 + ci, b)

                @pl.when(ci >= 2)
                def _drain():
                    wait_part(ci - 2, b)

                compute(ci, b)
            return carry

        lax.fori_loop(0, (nc - 2) // 2, pair_body, 0)
        c0, c1 = nc - 2, nc - 1
        issue_idx(pc0 + c1, c1 % 2)
        wait_idx(pc0 + c0, c0 % 2)
        wait_part(c0 - 2, c0 % 2)
        compute(c0, c0 % 2)
        wait_idx(pc0 + c1, c1 % 2)
        wait_part(c1 - 2, c1 % 2)
        compute(c1, c1 % 2)
        wait_part(c0, c0 % 2)
        wait_part(c1, c1 % 2)

        plsc.subcore_barrier()

        for sub in range(n_red):
            soff = pl.multiple_of((r * ept_ph + sub * RED_SUB) // 2, 8)
            pltpu.sync_copy(
                parts_sp.at[g, :, pl.ds(soff, RED_SUB // 2)], red_v)

            def red_body(j, carry):
                base16 = jnp.minimum(j * 16, RED_SUB // 2 - 16)
                acc_a = jnp.zeros((16,), jnp.float32)
                acc_b = jnp.zeros((16,), jnp.float32)
                for t in range(GROUP_TILES):
                    pb = plsc.bitcast(
                        red_v[t, pl.ds(base16, 16)], jnp.bfloat16)
                    a, b2 = plsc.unpack(
                        pb, format=plsc.PackFormat.INTERLEAVED)
                    acc_a = acc_a + a
                    acc_b = acc_b + b2
                obase = sub * RED_SUB + base16 * 2
                plsc.store_scatter(out_all, [lane2 + obase], acc_a)
                plsc.store_scatter(out_all, [lane2 + (obase + 1)], acc_b)
                return carry

            lax.fori_loop(0, (RED_SUB // 2 + 15) // 16, red_body, 0)

        obase = pl.multiple_of(p * EPG + pc0 * CHUNK + r * ept_ph, 8)
        pltpu.sync_copy(
            out_all.at[pl.ds(0, ept_ph)], out_hbm.at[pl.ds(obase, ept_ph)])

        plsc.subcore_barrier()


@jax.jit
def _sc_call(ht, ei):
    mesh = plsc.VectorSubcoreMesh(core_axis_name="c", subcore_axis_name="s")
    fn = pl.kernel(
        _sc_body,
        out_type=jax.ShapeDtypeStruct((E,), jnp.float32),
        mesh=mesh,
        compiler_params=pltpu.CompilerParams(
            needs_layout_passes=False, use_tc_tiling_on_sc=False),
        scratch_types=[
            pltpu.VMEM_SHARED((2, GROUP_TILES, PHASE_E[0] // 2), jnp.int32),
            pltpu.VMEM((WPT * N,), jnp.int32),
            pltpu.VMEM((CHUNK,), jnp.int32),
            pltpu.VMEM((CHUNK,), jnp.int32),
            pltpu.VMEM((CHUNK,), jnp.int32),
            pltpu.VMEM((CHUNK,), jnp.int32),
            pltpu.VMEM((CHUNK // 2,), jnp.int32),
            pltpu.VMEM((CHUNK // 2,), jnp.int32),
            pltpu.VMEM((GROUP_TILES, RED_SUB // 2), jnp.int32),
            pltpu.VMEM((PHASE_E[0] // GROUP_TILES,), jnp.float32),
            pltpu.SemaphoreType.DMA,
            pltpu.SemaphoreType.DMA,
            pltpu.SemaphoreType.DMA,
            pltpu.SemaphoreType.DMA,
        ],
    )
    return fn(ht, ei)


def kernel(h, edge_index):
    h_packed = jax.lax.bitcast_convert_type(
        h.astype(jnp.bfloat16).reshape(N, W, 2), jnp.int32)
    ht = h_packed.T.reshape(W * N)
    out = _sc_call(ht, edge_index.astype(jnp.int32))
    return out.reshape(E, 1)

# --- scband reference (transcript-rebuilt; emitter-appended) ---
"""Pipeline reference for scband-dot-pruduct-predictor-34213709480233 (READ-ONLY COPY).

The authoritative reference and input builder live on the scoring server;
editing this copy changes nothing except your own understanding.
"""

import jax, jax.numpy as jnp
import numpy as np


def setup_inputs(seed: int = 0) -> dict:
    key = jax.random.key(seed)
    k1, k2 = jax.random.split(key)
    h = jax.random.normal(k1, (10000, 128), dtype=jnp.float32)
    edge_index = jax.random.randint(k2, (2, 320000), 0, 10000, dtype=jnp.int64)
    return {"h": h, "edge_index": edge_index}


def reference(h, edge_index):
    # DGL u_dot_v: for each edge (u, v), score = dot(h[u], h[v]) -> shape [E, 1]
    src = edge_index[0]
    dst = edge_index[1]
    h_src = jnp.take(h, src, axis=0)
    h_dst = jnp.take(h, dst, axis=0)
    score = jnp.sum(h_src * h_dst, axis=-1, keepdims=True)
    return score

if __name__ == "__main__":
    import jax
    _d = setup_inputs()
    print(jax.jit(kernel)(*tuple(_d.values())))

</pallas_src>

<mosaic_0001>
#map = affine_map<(d0, d1) -> (0)>
#map1 = affine_map<(d0, d1) -> (0, 0)>
module attributes {stable_mosaic.version = 14 : i64} {
  func.func @_sc_body(%arg0: i32, %arg1: i32, %arg2: memref<640000xi32, #tpu.memory_space<hbm>>, %arg3: memref<2x320000xi32, #tpu.memory_space<hbm>>, %arg4: memref<320000xf32, #tpu.memory_space<hbm>>, %arg5: memref<2x8x24000xi32, #tpu.memory_space<vmem_shared>>, %arg6: memref<80000xi32, #tpu.memory_space<vmem>>, %arg7: memref<1600xi32, #tpu.memory_space<vmem>>, %arg8: memref<1600xi32, #tpu.memory_space<vmem>>, %arg9: memref<1600xi32, #tpu.memory_space<vmem>>, %arg10: memref<1600xi32, #tpu.memory_space<vmem>>, %arg11: memref<800xi32, #tpu.memory_space<vmem>>, %arg12: memref<800xi32, #tpu.memory_space<vmem>>, %arg13: memref<8x1000xi32, #tpu.memory_space<vmem>>, %arg14: memref<6000xf32, #tpu.memory_space<vmem>>, %arg15: memref<!tpu.dma_semaphore, #tpu.memory_space<semaphore_mem>>, %arg16: memref<!tpu.dma_semaphore, #tpu.memory_space<semaphore_mem>>, %arg17: memref<!tpu.dma_semaphore, #tpu.memory_space<semaphore_mem>>, %arg18: memref<!tpu.dma_semaphore, #tpu.memory_space<semaphore_mem>>) attributes {dimension_semantics = [#tpu.dimension_semantics<core_parallel>, #tpu.dimension_semantics<subcore_parallel>], iteration_bounds = array<i64: 2, 16>, scalar_prefetch = 0 : i64, scratch_operands = 14 : i64, tpu.core_type = #tpu.core_type<sc_vector_subcore>, window_params = [{transform_indices = #map}, {transform_indices = #map1}, {transform_indices = #map}]} {
    %jit3A = arith.constant 8 : i32
    %div3A = arith.divsi %arg1, %jit3A : i32
    %sign3A = arith.constant 0 : i32
    %sign3A_0 = arith.cmpi sgt, %arg1, %sign3A : i32
    %sign3A_1 = arith.extui %sign3A_0 : i1 to i32
    %sign3A_2 = arith.constant 0 : i32
    %sign3A_3 = arith.cmpi slt, %arg1, %sign3A_2 : i32
    %sign3A_4 = arith.extui %sign3A_3 : i1 to i32
    %sign3A_5 = arith.subi %sign3A_1, %sign3A_4 : i32
    %sign3A_6 = arith.constant 0 : i32
    %sign3A_7 = arith.cmpi sgt, %jit3A, %sign3A_6 : i32
    %sign3A_8 = arith.extui %sign3A_7 : i1 to i32
    %sign3A_9 = arith.constant 0 : i32
    %sign3A_10 = arith.cmpi slt, %jit3A, %sign3A_9 : i32
    %sign3A_11 = arith.extui %sign3A_10 : i1 to i32
    %sign3A_12 = arith.subi %sign3A_8, %sign3A_11 : i32
    %ne3A = arith.cmpi ne, %sign3A_5, %sign3A_12 : i32
    %rem3A = arith.remsi %arg1, %jit3A : i32
    %ne3A_13 = arith.constant 0 : i32
    %ne3A_14 = arith.cmpi ne, %rem3A, %ne3A_13 : i32
    %and3A = arith.andi %ne3A, %ne3A_14 : i1
    %sub3A = arith.constant 1 : i32
    %sub3A_15 = arith.subi %div3A, %sub3A : i32
    %select_n3A = arith.select %and3A, %sub3A_15, %div3A : i32
    %jit3A_16 = arith.constant 8 : i32
    %eq3A = arith.constant 0 : i32
    %eq3A_17 = arith.cmpi eq, %jit3A_16, %eq3A : i32
    %jit3A_18 = arith.constant 1 : i32
    %select_n3A_19 = arith.select %eq3A_17, %jit3A_18, %jit3A_16 : i32
    %rem3A_20 = arith.remsi %arg1, %select_n3A_19 : i32
    %ne3A_21 = arith.constant 0 : i32
    %ne3A_22 = arith.cmpi ne, %rem3A_20, %ne3A_21 : i32
    %lt3A = arith.constant 0 : i32
    %lt3A_23 = arith.cmpi slt, %rem3A_20, %lt3A : i32
    %lt3A_24 = arith.constant 0 : i32
    %lt3A_25 = arith.cmpi slt, %select_n3A_19, %lt3A_24 : i32
    %ne3A_26 = arith.xori %lt3A_23, %lt3A_25 : i1
    %and3A_27 = arith.andi %ne3A_26, %ne3A_22 : i1
    %add3A = arith.addi %rem3A_20, %select_n3A_19 : i32
    %select_n3A_28 = arith.select %and3A_27, %add3A, %rem3A_20 : i32
    %mul3A = arith.constant 2 : i32
    %mul3A_29 = arith.muli %arg0, %mul3A : i32
    %add3A_30 = arith.addi %mul3A_29, %select_n3A : i32
    %mul3A_31 = arith.constant 80000 : i32
    %mul3A_32 = arith.muli %add3A_30, %mul3A_31 : i32
    %mul3A_33 = arith.constant 8 : i32
    %mul3A_34 = arith.muli %select_n3A_28, %mul3A_33 : i32
    %mul3A_35 = arith.constant 10000 : i32
    %mul3A_36 = arith.muli %mul3A_34, %mul3A_35 : i32
    %multiple_of3A = tpu.assume_multiple %mul3A_36, 8 : i32
    "tpu.region"() ({
      %run_scoped3A = tpu.sem_alloc : memref<!tpu.dma_semaphore, #tpu.memory_space<semaphore_mem>>
      %dma_start3A_443 = tpu.memref_slice %arg2[%multiple_of3A] : memref<640000xi32, #tpu.memory_space<hbm>> -> memref<80000xi32, #tpu.memory_space<hbm>>
      %dma_start3A_444 = tpu.memref_slice %arg2[%multiple_of3A] : memref<640000xi32, #tpu.memory_space<hbm>> -> memref<80000xi32, #tpu.memory_space<hbm>>
      tpu.enqueue_dma source(%dma_start3A_444 : memref<80000xi32, #tpu.memory_space<hbm>>) target(%arg6 : memref<80000xi32, #tpu.memory_space<vmem>>) target_semaphore(%run_scoped3A : memref<!tpu.dma_semaphore, #tpu.memory_space<semaphore_mem>>)
      %dma_wait3A_445 = tpu.memref_slice %arg2[%multiple_of3A] : memref<640000xi32, #tpu.memory_space<hbm>> -> memref<80000xi32, #tpu.memory_space<hbm>>
      %dma_wait3A_446 = tpu.memref_slice %arg2[%multiple_of3A] : memref<640000xi32, #tpu.memory_space<hbm>> -> memref<80000xi32, #tpu.memory_space<hbm>>
      tpu.wait_dma2 semaphore(%run_scoped3A : memref<!tpu.dma_semaphore, #tpu.memory_space<semaphore_mem>>) src(%dma_wait3A_446 : memref<80000xi32, #tpu.memory_space<hbm>>) dst(%arg6 : memref<80000xi32, #tpu.memory_space<vmem>>)
      tpu.yield
    }) : () -> ()
    %iota3A = tpu.iota {dimensions = array<i32: 0>} : vector<16xi32>
    %mul3A_37 = arith.constant 2 : i32
    %mul3A_38 = vector.broadcast %mul3A_37 : i32 to vector<16xi32>
    %mul3A_39 = arith.muli %iota3A, %mul3A_38 : vector<16xi32>
    %add3A_40 = arith.constant 0 : i32
    %add3A_41 = arith.addi %mul3A_32, %add3A_40 : i32
    %multiple_of3A_42 = tpu.assume_multiple %add3A_41, 8 : i32
    %dma_start3A = arith.constant 0 : i32
    %dma_start3A_43 = tpu.memref_slice %arg3[%dma_start3A, %multiple_of3A_42] : memref<2x320000xi32, #tpu.memory_space<hbm>> -> memref<1x1600xi32, #tpu.memory_space<hbm>>
    %dma_start3A_44 = tpu.memref_squeeze %dma_start3A_43 : memref<1x1600xi32, #tpu.memory_space<hbm>> -> memref<1600xi32, #tpu.memory_space<hbm>>
    %dma_start3A_45 = tpu.memref_slice %arg3[%dma_start3A, %multiple_of3A_42] : memref<2x320000xi32, #tpu.memory_space<hbm>> -> memref<1x1600xi32, #tpu.memory_space<hbm>>
    %dma_start3A_46 = tpu.memref_squeeze %dma_start3A_45 : memref<1x1600xi32, #tpu.memory_space<hbm>> -> memref<1600xi32, #tpu.memory_space<hbm>>
    tpu.enqueue_dma source(%dma_start3A_46 : memref<1600xi32, #tpu.memory_space<hbm>>) target(%arg7 : memref<1600xi32, #tpu.memory_space<vmem>>) target_semaphore(%arg15 : memref<!tpu.dma_semaphore, #tpu.memory_space<semaphore_mem>>)
    %dma_start3A_47 = arith.constant 1 : i32
    %dma_start3A_48 = tpu.memref_slice %arg3[%dma_start3A_47, %multiple_of3A_42] : memref<2x320000xi32, #tpu.memory_space<hbm>> -> memref<1x1600xi32, #tpu.memory_space<hbm>>
    %dma_start3A_49 = tpu.memref_squeeze %dma_start3A_48 : memref<1x1600xi32, #tpu.memory_space<hbm>> -> memref<1600xi32, #tpu.memory_space<hbm>>
    %dma_start3A_50 = tpu.memref_slice %arg3[%dma_start3A_47, %multiple_of3A_42] : memref<2x320000xi32, #tpu.memory_space<hbm>> -> memref<1x1600xi32, #tpu.memory_space<hbm>>
    %dma_start3A_51 = tpu.memref_squeeze %dma_start3A_50 : memref<1x1600xi32, #tpu.memory_space<hbm>> -> memref<1600xi32, #tpu.memory_space<hbm>>
    tpu.enqueue_dma source(%dma_start3A_51 : memref<1600xi32, #tpu.memory_space<hbm>>) target(%arg9 : memref<1600xi32, #tpu.memory_space<vmem>>) target_semaphore(%arg15 : memref<!tpu.dma_semaphore, #tpu.memory_space<semaphore_mem>>)
    %scan3A = arith.constant 0 : i32
    %scan3A_52 = arith.constant 0 : i32
    %scan3A_53 = arith.constant 14 : i32
    %scan3A_54 = arith.addi %scan3A_52, %scan3A_53 : i32
    %scan3A_55 = arith.constant 1 : i32
    scf.for %scan3A_443 = %scan3A_52 to %scan3A_54 step %scan3A_55  : i32 {
      %mul3A_444 = arith.constant 2 : i32
      %mul3A_445 = arith.muli %scan3A_443, %mul3A_444 : i32
      %add3A_446 = arith.constant 0 : i32
      %add3A_447 = arith.addi %mul3A_445, %add3A_446 : i32
      %add3A_448 = arith.constant 0 : i32
      %add3A_449 = arith.addi %add3A_448, %add3A_447 : i32
      %add3A_450 = arith.constant 1 : i32
      %add3A_451 = arith.addi %add3A_449, %add3A_450 : i32
      %mul3A_452 = arith.constant 1600 : i32
      %mul3A_453 = arith.muli %add3A_451, %mul3A_452 : i32
      %add3A_454 = arith.addi %mul3A_32, %mul3A_453 : i32
      %multiple_of3A_455 = tpu.assume_multiple %add3A_454, 8 : i32
      %dma_start3A_456 = arith.constant 0 : i32
      %dma_start3A_457 = tpu.memref_slice %arg3[%dma_start3A_456, %multiple_of3A_455] : memref<2x320000xi32, #tpu.memory_space<hbm>> -> memref<1x1600xi32, #tpu.memory_space<hbm>>
      %dma_start3A_458 = tpu.memref_squeeze %dma_start3A_457 : memref<1x1600xi32, #tpu.memory_space<hbm>> -> memref<1600xi32, #tpu.memory_space<hbm>>
      %dma_start3A_459 = tpu.memref_slice %arg3[%dma_start3A_456, %multiple_of3A_455] : memref<2x320000xi32, #tpu.memory_space<hbm>> -> memref<1x1600xi32, #tpu.memory_space<hbm>>
      %dma_start3A_460 = tpu.memref_squeeze %dma_start3A_459 : memref<1x1600xi32, #tpu.memory_space<hbm>> -> memref<1600xi32, #tpu.memory_space<hbm>>
      tpu.enqueue_dma source(%dma_start3A_460 : memref<1600xi32, #tpu.memory_space<hbm>>) target(%arg8 : memref<1600xi32, #tpu.memory_space<vmem>>) target_semaphore(%arg16 : memref<!tpu.dma_semaphore, #tpu.memory_space<semaphore_mem>>)
      %dma_start3A_461 = arith.constant 1 : i32
      %dma_start3A_462 = tpu.memref_slice %arg3[%dma_start3A_461, %multiple_of3A_455] : memref<2x320000xi32, #tpu.memory_space<hbm>> -> memref<1x1600xi32, #tpu.memory_space<hbm>>
      %dma_start3A_463 = tpu.memref_squeeze %dma_start3A_462 : memref<1x1600xi32, #tpu.memory_space<hbm>> -> memref<1600xi32, #tpu.memory_space<hbm>>
      %dma_start3A_464 = tpu.memref_slice %arg3[%dma_start3A_461, %multiple_of3A_455] : memref<2x320000xi32, #tpu.memory_space<hbm>> -> memref<1x1600xi32, #tpu.memory_space<hbm>>
      %dma_start3A_465 = tpu.memref_squeeze %dma_start3A_464 : memref<1x1600xi32, #tpu.memory_space<hbm>> -> memref<1600xi32, #tpu.memory_space<hbm>>
      tpu.enqueue_dma source(%dma_start3A_465 : memref<1600xi32, #tpu.memory_space<hbm>>) target(%arg10 : memref<1600xi32, #tpu.memory_space<vmem>>) target_semaphore(%arg16 : memref<!tpu.dma_semaphore, #tpu.memory_space<semaphore_mem>>)
      %add3A_466 = arith.constant 0 : i32
      %add3A_467 = arith.addi %add3A_466, %add3A_447 : i32
      %mul3A_468 = arith.constant 1600 : i32
      %mul3A_469 = arith.muli %add3A_467, %mul3A_468 : i32
      %add3A_470 = arith.addi %mul3A_32, %mul3A_469 : i32
      %multiple_of3A_471 = tpu.assume_multiple %add3A_470, 8 : i32
      %dma_wait3A_472 = arith.constant 0 : i32
      %dma_wait3A_473 = tpu.memref_slice %arg3[%dma_wait3A_472, %multiple_of3A_471] : memref<2x320000xi32, #tpu.memory_space<hbm>> -> memref<1x1600xi32, #tpu.memory_space<hbm>>
      %dma_wait3A_474 = tpu.memref_squeeze %dma_wait3A_473 : memref<1x1600xi32, #tpu.memory_space<hbm>> -> memref<1600xi32, #tpu.memory_space<hbm>>
      %dma_wait3A_475 = tpu.memref_slice %arg3[%dma_wait3A_472, %multiple_of3A_471] : memref<2x320000xi32, #tpu.memory_space<hbm>> -> memref<1x1600xi32, #tpu.memory_space<hbm>>
      %dma_wait3A_476 = tpu.memref_squeeze %dma_wait3A_475 : memref<1x1600xi32, #tpu.memory_space<hbm>> -> memref<1600xi32, #tpu.memory_space<hbm>>
      tpu.wait_dma2 semaphore(%arg15 : memref<!tpu.dma_semaphore, #tpu.memory_space<semaphore_mem>>) src(%dma_wait3A_476 : memref<1600xi32, #tpu.memory_space<hbm>>) dst(%arg7 : memref<1600xi32, #tpu.memory_space<vmem>>)
      %dma_wait3A_477 = arith.constant 1 : i32
      %dma_wait3A_478 = tpu.memref_slice %arg3[%dma_wait3A_477, %multiple_of3A_471] : memref<2x320000xi32, #tpu.memory_space<hbm>> -> memref<1x1600xi32, #tpu.memory_space<hbm>>
      %dma_wait3A_479 = tpu.memref_squeeze %dma_wait3A_478 : memref<1x1600xi32, #tpu.memory_space<hbm>> -> memref<1600xi32, #tpu.memory_space<hbm>>
      %dma_wait3A_480 = tpu.memref_slice %arg3[%dma_wait3A_477, %multiple_of3A_471] : memref<2x320000xi32, #tpu.memory_space<hbm>> -> memref<1x1600xi32, #tpu.memory_space<hbm>>
      %dma_wait3A_481 = tpu.memref_squeeze %dma_wait3A_480 : memref<1x1600xi32, #tpu.memory_space<hbm>> -> memref<1600xi32, #tpu.memory_space<hbm>>
      tpu.wait_dma2 semaphore(%arg15 : memref<!tpu.dma_semaphore, #tpu.memory_space<semaphore_mem>>) src(%dma_wait3A_481 : memref<1600xi32, #tpu.memory_space<hbm>>) dst(%arg9 : memref<1600xi32, #tpu.memory_space<vmem>>)
      %ge3A = arith.constant 2 : i32
      %ge3A_482 = arith.cmpi sge, %add3A_447, %ge3A : i32
      %convert_element_type3A = arith.extui %ge3A_482 : i1 to i32
      %cond3A = arith.constant 0 : i32
      %cond3A_483 = arith.cmpi ne, %convert_element_type3A, %cond3A : i32
      scf.if %cond3A_483 {
        %sub3A_553 = arith.constant 2 : i32
        %sub3A_554 = arith.subi %add3A_447, %sub3A_553 : i32
        %mul3A_555 = arith.constant 800 : i32
        %mul3A_556 = arith.muli %sub3A_554, %mul3A_555 : i32
        %multiple_of3A_557 = tpu.assume_multiple %mul3A_556, 8 : i32
        %dma_wait3A_558 = tpu.memref_slice %arg5[%select_n3A, %select_n3A_28, %multiple_of3A_557] : memref<2x8x24000xi32, #tpu.memory_space<vmem_shared>> -> memref<1x1x800xi32, #tpu.memory_space<vmem_shared>>
        %dma_wait3A_559 = tpu.memref_squeeze %dma_wait3A_558 : memref<1x1x800xi32, #tpu.memory_space<vmem_shared>> -> memref<800xi32, #tpu.memory_space<vmem_shared>>
        %dma_wait3A_560 = tpu.memref_slice %arg5[%select_n3A, %select_n3A_28, %multiple_of3A_557] : memref<2x8x24000xi32, #tpu.memory_space<vmem_shared>> -> memref<1x1x800xi32, #tpu.memory_space<vmem_shared>>
        %dma_wait3A_561 = tpu.memref_squeeze %dma_wait3A_560 : memref<1x1x800xi32, #tpu.memory_space<vmem_shared>> -> memref<800xi32, #tpu.memory_space<vmem_shared>>
        tpu.wait_dma2 semaphore(%arg17 : memref<!tpu.dma_semaphore, #tpu.memory_space<semaphore_mem>>) src(%arg11 : memref<800xi32, #tpu.memory_space<vmem>>) dst(%dma_wait3A_561 : memref<800xi32, #tpu.memory_space<vmem_shared>>)
      } else {
      }
      %scan3A_484 = arith.constant 0 : i32
      %scan3A_485 = arith.constant 0 : i32
      %scan3A_486 = arith.constant 50 : i32
      %scan3A_487 = arith.addi %scan3A_485, %scan3A_486 : i32
      %scan3A_488 = arith.constant 1 : i32
      scf.for %scan3A_553 = %scan3A_485 to %scan3A_487 step %scan3A_488  : i32 {
        %mul3A_554 = arith.constant 32 : i32
        %mul3A_555 = arith.muli %scan3A_553, %mul3A_554 : i32
        %add3A_556 = vector.broadcast %mul3A_555 : i32 to vector<16xi32>
        %add3A_557 = arith.addi %mul3A_39, %add3A_556 : vector<16xi32>
        %gather3A = tpu.vector_load_idx %arg7[%add3A_557] : memref<1600xi32, #tpu.memory_space<vmem>>[vector<16xi32>], vector<16xi32>,
        %add3A_558 = arith.constant 1 : i32
        %add3A_559 = arith.addi %mul3A_555, %add3A_558 : i32
        %add3A_560 = vector.broadcast %add3A_559 : i32 to vector<16xi32>
        %add3A_561 = arith.addi %mul3A_39, %add3A_560 : vector<16xi32>
        %gather3A_562 = tpu.vector_load_idx %arg7[%add3A_561] : memref<1600xi32, #tpu.memory_space<vmem>>[vector<16xi32>], vector<16xi32>,
        %add3A_563 = vector.broadcast %mul3A_555 : i32 to vector<16xi32>
        %add3A_564 = arith.addi %mul3A_39, %add3A_563 : vector<16xi32>
        %gather3A_565 = tpu.vector_load_idx %arg9[%add3A_564] : memref<1600xi32, #tpu.memory_space<vmem>>[vector<16xi32>], vector<16xi32>,
        %add3A_566 = arith.constant 1 : i32
        %add3A_567 = arith.addi %mul3A_555, %add3A_566 : i32
        %add3A_568 = vector.broadcast %add3A_567 : i32 to vector<16xi32>
        %add3A_569 = arith.addi %mul3A_39, %add3A_568 : vector<16xi32>
        %gather3A_570 = tpu.vector_load_idx %arg9[%add3A_569] : memref<1600xi32, #tpu.memory_space<vmem>>[vector<16xi32>], vector<16xi32>,
        %broadcast_in_dim3A = arith.constant 0.000000e+00 : bf16
        %broadcast_in_dim3A_571 = vector.broadcast %broadcast_in_dim3A : bf16 to vector<32xbf16>
        %add3A_572 = arith.constant 0 : i32
        %add3A_573 = vector.broadcast %add3A_572 : i32 to vector<16xi32>
        %add3A_574 = arith.addi %gather3A, %add3A_573 : vector<16xi32>
        %gather3A_575 = tpu.vector_load_idx %arg6[%add3A_574] : memref<80000xi32, #tpu.memory_space<vmem>>[vector<16xi32>], vector<16xi32>,
        %add3A_576 = arith.constant 0 : i32
        %add3A_577 = vector.broadcast %add3A_576 : i32 to vector<16xi32>
        %add3A_578 = arith.addi %gather3A_565, %add3A_577 : vector<16xi32>
        %gather3A_579 = tpu.vector_load_idx %arg6[%add3A_578] : memref<80000xi32, #tpu.memory_space<vmem>>[vector<16xi32>], vector<16xi32>,
        %bitcast3A = vector.bitcast %gather3A_575 : vector<16xi32> to vector<32xbf16>
        %bitcast3A_580 = vector.bitcast %gather3A_579 : vector<16xi32> to vector<32xbf16>
        %mul3A_581 = arith.mulf %bitcast3A, %bitcast3A_580 : vector<32xbf16>
        %add3A_582 = arith.addf %broadcast_in_dim3A_571, %mul3A_581 : vector<32xbf16>
        %add3A_583 = arith.constant 10000 : i32
        %add3A_584 = vector.broadcast %add3A_583 : i32 to vector<16xi32>
        %add3A_585 = arith.addi %gather3A, %add3A_584 : vector<16xi32>
        %gather3A_586 = tpu.vector_load_idx %arg6[%add3A_585] : memref<80000xi32, #tpu.memory_space<vmem>>[vector<16xi32>], vector<16xi32>,
        %add3A_587 = arith.constant 10000 : i32
        %add3A_588 = vector.broadcast %add3A_587 : i32 to vector<16xi32>
        %add3A_589 = arith.addi %gather3A_565, %add3A_588 : vector<16xi32>
        %gather3A_590 = tpu.vector_load_idx %arg6[%add3A_589] : memref<80000xi32, #tpu.memory_space<vmem>>[vector<16xi32>], vector<16xi32>,
        %bitcast3A_591 = vector.bitcast %gather3A_586 : vector<16xi32> to vector<32xbf16>
        %bitcast3A_592 = vector.bitcast %gather3A_590 : vector<16xi32> to vector<32xbf16>
        %mul3A_593 = arith.mulf %bitcast3A_591, %bitcast3A_592 : vector<32xbf16>
        %add3A_594 = arith.addf %add3A_582, %mul3A_593 : vector<32xbf16>
        %add3A_595 = arith.constant 20000 : i32
        %add3A_596 = vector.broadcast %add3A_595 : i32 to vector<16xi32>
        %add3A_597 = arith.addi %gather3A, %add3A_596 : vector<16xi32>
        %gather3A_598 = tpu.vector_load_idx %arg6[%add3A_597] : memref<80000xi32, #tpu.memory_space<vmem>>[vector<16xi32>], vector<16xi32>,
        %add3A_599 = arith.constant 20000 : i32
        %add3A_600 = vector.broadcast %add3A_599 : i32 to vector<16xi32>
        %add3A_601 = arith.addi %gather3A_565, %add3A_600 : vector<16xi32>
        %gather3A_602 = tpu.vector_load_idx %arg6[%add3A_601] : memref<80000xi32, #tpu.memory_space<vmem>>[vector<16xi32>], vector<16xi32>,
        %bitcast3A_603 = vector.bitcast %gather3A_598 : vector<16xi32> to vector<32xbf16>
        %bitcast3A_604 = vector.bitcast %gather3A_602 : vector<16xi32> to vector<32xbf16>
        %mul3A_605 = arith.mulf %bitcast3A_603, %bitcast3A_604 : vector<32xbf16>
        %add3A_606 = arith.addf %add3A_594, %mul3A_605 : vector<32xbf16>
        %add3A_607 = arith.constant 30000 : i32
        %add3A_608 = vector.broadcast %add3A_607 : i32 to vector<16xi32>
        %add3A_609 = arith.addi %gather3A, %add3A_608 : vector<16xi32>
        %gather3A_610 = tpu.vector_load_idx %arg6[%add3A_609] : memref<80000xi32, #tpu.memory_space<vmem>>[vector<16xi32>], vector<16xi32>,
        %add3A_611 = arith.constant 30000 : i32
        %add3A_612 = vector.broadcast %add3A_611 : i32 to vector<16xi32>
        %add3A_613 = arith.addi %gather3A_565, %add3A_612 : vector<16xi32>
        %gather3A_614 = tpu.vector_load_idx %arg6[%add3A_613] : memref<80000xi32, #tpu.memory_space<vmem>>[vector<16xi32>], vector<16xi32>,
        %bitcast3A_615 = vector.bitcast %gather3A_610 : vector<16xi32> to vector<32xbf16>
        %bitcast3A_616 = vector.bitcast %gather3A_614 : vector<16xi32> to vector<32xbf16>
        %mul3A_617 = arith.mulf %bitcast3A_615, %bitcast3A_616 : vector<32xbf16>
        %add3A_618 = arith.addf %add3A_606, %mul3A_617 : vector<32xbf16>
        %add3A_619 = arith.constant 40000 : i32
        %add3A_620 = vector.broadcast %add3A_619 : i32 to vector<16xi32>
        %add3A_621 = arith.addi %gather3A, %add3A_620 : vector<16xi32>
        %gather3A_622 = tpu.vector_load_idx %arg6[%add3A_621] : memref<80000xi32, #tpu.memory_space<vmem>>[vector<16xi32>], vector<16xi32>,
        %add3A_623 = arith.constant 40000 : i32
        %add3A_624 = vector.broadcast %add3A_623 : i32 to vector<16xi32>
        %add3A_625 = arith.addi %gather3A_565, %add3A_624 : vector<16xi32>
        %gather3A_626 = tpu.vector_load_idx %arg6[%add3A_625] : memref<80000xi32, #tpu.memory_space<vmem>>[vector<16xi32>], vector<16xi32>,
        %bitcast3A_627 = vector.bitcast %gather3A_622 : vector<16xi32> to vector<32xbf16>
        %bitcast3A_628 = vector.bitcast %gather3A_626 : vector<16xi32> to vector<32xbf16>
        %mul3A_629 = arith.mulf %bitcast3A_627, %bitcast3A_628 : vector<32xbf16>
        %add3A_630 = arith.addf %add3A_618, %mul3A_629 : vector<32xbf16>
        %add3A_631 = arith.constant 50000 : i32
        %add3A_632 = vector.broadcast %add3A_631 : i32 to vector<16xi32>
        %add3A_633 = arith.addi %gather3A, %add3A_632 : vector<16xi32>
        %gather3A_634 = tpu.vector_load_idx %arg6[%add3A_633] : memref<80000xi32, #tpu.memory_space<vmem>>[vector<16xi32>], vector<16xi32>,
        %add3A_635 = arith.constant 50000 : i32
        %add3A_636 = vector.broadcast %add3A_635 : i32 to vector<16xi32>
        %add3A_637 = arith.addi %gather3A_565, %add3A_636 : vector<16xi32>
        %gather3A_638 = tpu.vector_load_idx %arg6[%add3A_637] : memref<80000xi32, #tpu.memory_space<vmem>>[vector<16xi32>], vector<16xi32>,
        %bitcast3A_639 = vector.bitcast %gather3A_634 : vector<16xi32> to vector<32xbf16>
        %bitcast3A_640 = vector.bitcast %gather3A_638 : vector<16xi32> to vector<32xbf16>
        %mul3A_641 = arith.mulf %bitcast3A_639, %bitcast3A_640 : vector<32xbf16>
        %add3A_642 = arith.addf %add3A_630, %mul3A_641 : vector<32xbf16>
        %add3A_643 = arith.constant 60000 : i32
        %add3A_644 = vector.broadcast %add3A_643 : i32 to vector<16xi32>
        %add3A_645 = arith.addi %gather3A, %add3A_644 : vector<16xi32>
        %gather3A_646 = tpu.vector_load_idx %arg6[%add3A_645] : memref<80000xi32, #tpu.memory_space<vmem>>[vector<16xi32>], vector<16xi32>,
        %add3A_647 = arith.constant 60000 : i32
        %add3A_648 = vector.broadcast %add3A_647 : i32 to vector<16xi32>
        %add3A_649 = arith.addi %gather3A_565, %add3A_648 : vector<16xi32>
        %gather3A_650 = tpu.vector_load_idx %arg6[%add3A_649] : memref<80000xi32, #tpu.memory_space<vmem>>[vector<16xi32>], vector<16xi32>,
        %bitcast3A_651 = vector.bitcast %gather3A_646 : vector<16xi32> to vector<32xbf16>
        %bitcast3A_652 = vector.bitcast %gather3A_650 : vector<16xi32> to vector<32xbf16>
        %mul3A_653 = arith.mulf %bitcast3A_651, %bitcast3A_652 : vector<32xbf16>
        %add3A_654 = arith.addf %add3A_642, %mul3A_653 : vector<32xbf16>
        %add3A_655 = arith.constant 70000 : i32
        %add3A_656 = vector.broadcast %add3A_655 : i32 to vector<16xi32>
        %add3A_657 = arith.addi %gather3A, %add3A_656 : vector<16xi32>
        %gather3A_658 = tpu.vector_load_idx %arg6[%add3A_657] : memref<80000xi32, #tpu.memory_space<vmem>>[vector<16xi32>], vector<16xi32>,
        %add3A_659 = arith.constant 70000 : i32
        %add3A_660 = vector.broadcast %add3A_659 : i32 to vector<16xi32>
        %add3A_661 = arith.addi %gather3A_565, %add3A_660 : vector<16xi32>
        %gather3A_662 = tpu.vector_load_idx %arg6[%add3A_661] : memref<80000xi32, #tpu.memory_space<vmem>>[vector<16xi32>], vector<16xi32>,
        %bitcast3A_663 = vector.bitcast %gather3A_658 : vector<16xi32> to vector<32xbf16>
        %bitcast3A_664 = vector.bitcast %gather3A_662 : vector<16xi32> to vector<32xbf16>
        %mul3A_665 = arith.mulf %bitcast3A_663, %bitcast3A_664 : vector<32xbf16>
        %add3A_666 = arith.addf %add3A_654, %mul3A_665 : vector<32xbf16>
        %unpack3A = tpu.unpack_subelements %add3A_666, 0 {pack_format = #tpu.pack_format<interleaved>} : vector<32xbf16> -> vector<16xf32>
        %unpack3A_667 = tpu.unpack_subelements %add3A_666, 1 {pack_format = #tpu.pack_format<interleaved>} : vector<32xbf16> -> vector<16xf32>
        %add3A_668 = arith.addf %unpack3A, %unpack3A_667 : vector<16xf32>
        %broadcast_in_dim3A_669 = arith.constant 0.000000e+00 : bf16
        %broadcast_in_dim3A_670 = vector.broadcast %broadcast_in_dim3A_669 : bf16 to vector<32xbf16>
        %add3A_671 = arith.constant 0 : i32
        %add3A_672 = vector.broadcast %add3A_671 : i32 to vector<16xi32>
        %add3A_673 = arith.addi %gather3A_562, %add3A_672 : vector<16xi32>
        %gather3A_674 = tpu.vector_load_idx %arg6[%add3A_673] : memref<80000xi32, #tpu.memory_space<vmem>>[vector<16xi32>], vector<16xi32>,
        %add3A_675 = arith.constant 0 : i32
        %add3A_676 = vector.broadcast %add3A_675 : i32 to vector<16xi32>
        %add3A_677 = arith.addi %gather3A_570, %add3A_676 : vector<16xi32>
        %gather3A_678 = tpu.vector_load_idx %arg6[%add3A_677] : memref<80000xi32, #tpu.memory_space<vmem>>[vector<16xi32>], vector<16xi32>,
        %bitcast3A_679 = vector.bitcast %gather3A_674 : vector<16xi32> to vector<32xbf16>
        %bitcast3A_680 = vector.bitcast %gather3A_678 : vector<16xi32> to vector<32xbf16>
        %mul3A_681 = arith.mulf %bitcast3A_679, %bitcast3A_680 : vector<32xbf16>
        %add3A_682 = arith.addf %broadcast_in_dim3A_670, %mul3A_681 : vector<32xbf16>
        %add3A_683 = arith.constant 10000 : i32
        %add3A_684 = vector.broadcast %add3A_683 : i32 to vector<16xi32>
        %add3A_685 = arith.addi %gather3A_562, %add3A_684 : vector<16xi32>
        %gather3A_686 = tpu.vector_load_idx %arg6[%add3A_685] : memref<80000xi32, #tpu.memory_space<vmem>>[vector<16xi32>], vector<16xi32>,
        %add3A_687 = arith.constant 10000 : i32
        %add3A_688 = vector.broadcast %add3A_687 : i32 to vector<16xi32>
        %add3A_689 = arith.addi %gather3A_570, %add3A_688 : vector<16xi32>
        %gather3A_690 = tpu.vector_load_idx %arg6[%add3A_689] : memref<80000xi32, #tpu.memory_space<vmem>>[vector<16xi32>], vector<16xi32>,
        %bitcast3A_691 = vector.bitcast %gather3A_686 : vector<16xi32> to vector<32xbf16>
        %bitcast3A_692 = vector.bitcast %gather3A_690 : vector<16xi32> to vector<32xbf16>
        %mul3A_693 = arith.mulf %bitcast3A_691, %bitcast3A_692 : vector<32xbf16>
        %add3A_694 = arith.addf %add3A_682, %mul3A_693 : vector<32xbf16>
        %add3A_695 = arith.constant 20000 : i32
        %add3A_696 = vector.broadcast %add3A_695 : i32 to vector<16xi32>
        %add3A_697 = arith.addi %gather3A_562, %add3A_696 : vector<16xi32>
        %gather3A_698 = tpu.vector_load_idx %arg6[%add3A_697] : memref<80000xi32, #tpu.memory_space<vmem>>[vector<16xi32>], vector<16xi32>,
        %add3A_699 = arith.constant 20000 : i32
        %add3A_700 = vector.broadcast %add3A_699 : i32 to vector<16xi32>
        %add3A_701 = arith.addi %gather3A_570, %add3A_700 : vector<16xi32>
        %gather3A_702 = tpu.vector_load_idx %arg6[%add3A_701] : memref<80000xi32, #tpu.memory_space<vmem>>[vector<16xi32>], vector<16xi32>,
        %bitcast3A_703 = vector.bitcast %gather3A_698 : vector<16xi32> to vector<32xbf16>
        %bitcast3A_704 = vector.bitcast %gather3A_702 : vector<16xi32> to vector<32xbf16>
        %mul3A_705 = arith.mulf %bitcast3A_703, %bitcast3A_704 : vector<32xbf16>
        %add3A_706 = arith.addf %add3A_694, %mul3A_705 : vector<32xbf16>
        %add3A_707 = arith.constant 30000 : i32
        %add3A_708 = vector.broadcast %add3A_707 : i32 to vector<16xi32>
        %add3A_709 = arith.addi %gather3A_562, %add3A_708 : vector<16xi32>
        %gather3A_710 = tpu.vector_load_idx %arg6[%add3A_709] : memref<80000xi32, #tpu.memory_space<vmem>>[vector<16xi32>], vector<16xi32>,
        %add3A_711 = arith.constant 30000 : i32
        %add3A_712 = vector.broadcast %add3A_711 : i32 to vector<16xi32>
        %add3A_713 = arith.addi %gather3A_570, %add3A_712 : vector<16xi32>
        %gather3A_714 = tpu.vector_load_idx %arg6[%add3A_713] : memref<80000xi32, #tpu.memory_space<vmem>>[vector<16xi32>], vector<16xi32>,
        %bitcast3A_715 = vector.bitcast %gather3A_710 : vector<16xi32> to vector<32xbf16>
        %bitcast3A_716 = vector.bitcast %gather3A_714 : vector<16xi32> to vector<32xbf16>
        %mul3A_717 = arith.mulf %bitcast3A_715, %bitcast3A_716 : vector<32xbf16>
        %add3A_718 = arith.addf %add3A_706, %mul3A_717 : vector<32xbf16>
        %add3A_719 = arith.constant 40000 : i32
        %add3A_720 = vector.broadcast %add3A_719 : i32 to vector<16xi32>
        %add3A_721 = arith.addi %gather3A_562, %add3A_720 : vector<16xi32>
        %gather3A_722 = tpu.vector_load_idx %arg6[%add3A_721] : memref<80000xi32, #tpu.memory_space<vmem>>[vector<16xi32>], vector<16xi32>,
        %add3A_723 = arith.constant 40000 : i32
        %add3A_724 = vector.broadcast %add3A_723 : i32 to vector<16xi32>
        %add3A_725 = arith.addi %gather3A_570, %add3A_724 : vector<16xi32>
        %gather3A_726 = tpu.vector_load_idx %arg6[%add3A_725] : memref<80000xi32, #tpu.memory_space<vmem>>[vector<16xi32>], vector<16xi32>,
        %bitcast3A_727 = vector.bitcast %gather3A_722 : vector<16xi32> to vector<32xbf16>
        %bitcast3A_728 = vector.bitcast %gather3A_726 : vector<16xi32> to vector<32xbf16>
        %mul3A_729 = arith.mulf %bitcast3A_727, %bitcast3A_728 : vector<32xbf16>
        %add3A_730 = arith.addf %add3A_718, %mul3A_729 : vector<32xbf16>
        %add3A_731 = arith.constant 50000 : i32
        %add3A_732 = vector.broadcast %add3A_731 : i32 to vector<16xi32>
        %add3A_733 = arith.addi %gather3A_562, %add3A_732 : vector<16xi32>
        %gather3A_734 = tpu.vector_load_idx %arg6[%add3A_733] : memref<80000xi32, #tpu.memory_space<vmem>>[vector<16xi32>], vector<16xi32>,
        %add3A_735 = arith.constant 50000 : i32
        %add3A_736 = vector.broadcast %add3A_735 : i32 to vector<16xi32>
        %add3A_737 = arith.addi %gather3A_570, %add3A_736 : vector<16xi32>
        %gather3A_738 = tpu.vector_load_idx %arg6[%add3A_737] : memref<80000xi32, #tpu.memory_space<vmem>>[vector<16xi32>], vector<16xi32>,
        %bitcast3A_739 = vector.bitcast %gather3A_734 : vector<16xi32> to vector<32xbf16>
        %bitcast3A_740 = vector.bitcast %gather3A_738 : vector<16xi32> to vector<32xbf16>
        %mul3A_741 = arith.mulf %bitcast3A_739, %bitcast3A_740 : vector<32xbf16>
        %add3A_742 = arith.addf %add3A_730, %mul3A_741 : vector<32xbf16>
        %add3A_743 = arith.constant 60000 : i32
        %add3A_744 = vector.broadcast %add3A_743 : i32 to vector<16xi32>
        %add3A_745 = arith.addi %gather3A_562, %add3A_744 : vector<16xi32>
        %gather3A_746 = tpu.vector_load_idx %arg6[%add3A_745] : memref<80000xi32, #tpu.memory_space<vmem>>[vector<16xi32>], vector<16xi32>,
        %add3A_747 = arith.constant 60000 : i32
        %add3A_748 = vector.broadcast %add3A_747 : i32 to vector<16xi32>
        %add3A_749 = arith.addi %gather3A_570, %add3A_748 : vector<16xi32>
        %gather3A_750 = tpu.vector_load_idx %arg6[%add3A_749] : memref<80000xi32, #tpu.memory_space<vmem>>[vector<16xi32>], vector<16xi32>,
        %bitcast3A_751 = vector.bitcast %gather3A_746 : vector<16xi32> to vector<32xbf16>
        %bitcast3A_752 = vector.bitcast %gather3A_750 : vector<16xi32> to vector<32xbf16>
        %mul3A_753 = arith.mulf %bitcast3A_751, %bitcast3A_752 : vector<32xbf16>
        %add3A_754 = arith.addf %add3A_742, %mul3A_753 : vector<32xbf16>
        %add3A_755 = arith.constant 70000 : i32
        %add3A_756 = vector.broadcast %add3A_755 : i32 to vector<16xi32>
        %add3A_757 = arith.addi %gather3A_562, %add3A_756 : vector<16xi32>
        %gather3A_758 = tpu.vector_load_idx %arg6[%add3A_757] : memref<80000xi32, #tpu.memory_space<vmem>>[vector<16xi32>], vector<16xi32>,
        %add3A_759 = arith.constant 70000 : i32
        %add3A_760 = vector.broadcast %add3A_759 : i32 to vector<16xi32>
        %add3A_761 = arith.addi %gather3A_570, %add3A_760 : vector<16xi32>
        %gather3A_762 = tpu.vector_load_idx %arg6[%add3A_761] : memref<80000xi32, #tpu.memory_space<vmem>>[vector<16xi32>], vector<16xi32>,
        %bitcast3A_763 = vector.bitcast %gather3A_758 : vector<16xi32> to vector<32xbf16>
        %bitcast3A_764 = vector.bitcast %gather3A_762 : vector<16xi32> to vector<32xbf16>
        %mul3A_765 = arith.mulf %bitcast3A_763, %bitcast3A_764 : vector<32xbf16>
        %add3A_766 = arith.addf %add3A_754, %mul3A_765 : vector<32xbf16>
        %unpack3A_767 = tpu.unpack_subelements %add3A_766, 0 {pack_format = #tpu.pack_format<interleaved>} : vector<32xbf16> -> vector<16xf32>
        %unpack3A_768 = tpu.unpack_subelements %add3A_766, 1 {pack_format = #tpu.pack_format<interleaved>} : vector<32xbf16> -> vector<16xf32>
        %add3A_769 = arith.addf %unpack3A_767, %unpack3A_768 : vector<16xf32>
        %pack3A = tpu.pack_subelements %add3A_668, %add3A_769 {pack_format = #tpu.pack_format<interleaved>, positions = array<i32: 0, 1>} : vector<16xf32>, vector<16xf32> -> vector<32xbf16>
        %bitcast3A_770 = vector.bitcast %pack3A : vector<32xbf16> to vector<16xi32>
        %mul3A_771 = arith.constant 16 : i32
        %mul3A_772 = arith.muli %scan3A_553, %mul3A_771 : i32
        %multiple_of3A_773 = tpu.assume_multiple %mul3A_772, 16 : i32
        %swap3A = arith.index_cast %multiple_of3A_773 : i32 to index
        %swap3A_774 = tpu.vector_load %arg11[%swap3A] {strides = array<i32>} : memref<800xi32, #tpu.memory_space<vmem>>, vector<16xi32>,
        tpu.vector_store %arg11[%swap3A], %bitcast3A_770 {strides = array<i32>} : memref<800xi32, #tpu.memory_space<vmem>>, vector<16xi32>,
      }
      %scan3A_489 = arith.constant 50 : i32
      %mul3A_490 = arith.constant 800 : i32
      %mul3A_491 = arith.muli %add3A_447, %mul3A_490 : i32
      %multiple_of3A_492 = tpu.assume_multiple %mul3A_491, 8 : i32
      %dma_start3A_493 = tpu.memref_slice %arg5[%select_n3A, %select_n3A_28, %multiple_of3A_492] : memref<2x8x24000xi32, #tpu.memory_space<vmem_shared>> -> memref<1x1x800xi32, #tpu.memory_space<vmem_shared>>
      %dma_start3A_494 = tpu.memref_squeeze %dma_start3A_493 : memref<1x1x800xi32, #tpu.memory_space<vmem_shared>> -> memref<800xi32, #tpu.memory_space<vmem_shared>>
      %dma_start3A_495 = tpu.memref_slice %arg5[%select_n3A, %select_n3A_28, %multiple_of3A_492] : memref<2x8x24000xi32, #tpu.memory_space<vmem_shared>> -> memref<1x1x800xi32, #tpu.memory_space<vmem_shared>>
      %dma_start3A_496 = tpu.memref_squeeze %dma_start3A_495 : memref<1x1x800xi32, #tpu.memory_space<vmem_shared>> -> memref<800xi32, #tpu.memory_space<vmem_shared>>
      tpu.enqueue_dma source(%arg11 : memref<800xi32, #tpu.memory_space<vmem>>) target(%dma_start3A_496 : memref<800xi32, #tpu.memory_space<vmem_shared>>) target_semaphore(%arg17 : memref<!tpu.dma_semaphore, #tpu.memory_space<semaphore_mem>>)
      %mul3A_497 = arith.constant 2 : i32
      %mul3A_498 = arith.muli %scan3A_443, %mul3A_497 : i32
      %add3A_499 = arith.constant 1 : i32
      %add3A_500 = arith.addi %mul3A_498, %add3A_499 : i32
      %add3A_501 = arith.constant 0 : i32
      %add3A_502 = arith.addi %add3A_501, %add3A_500 : i32
      %add3A_503 = arith.constant 1 : i32
      %add3A_504 = arith.addi %add3A_502, %add3A_503 : i32
      %mul3A_505 = arith.constant 1600 : i32
      %mul3A_506 = arith.muli %add3A_504, %mul3A_505 : i32
      %add3A_507 = arith.addi %mul3A_32, %mul3A_506 : i32
      %multiple_of3A_508 = tpu.assume_multiple %add3A_507, 8 : i32
      %dma_start3A_509 = arith.constant 0 : i32
      %dma_start3A_510 = tpu.memref_slice %arg3[%dma_start3A_509, %multiple_of3A_508] : memref<2x320000xi32, #tpu.memory_space<hbm>> -> memref<1x1600xi32, #tpu.memory_space<hbm>>
      %dma_start3A_511 = tpu.memref_squeeze %dma_start3A_510 : memref<1x1600xi32, #tpu.memory_space<hbm>> -> memref<1600xi32, #tpu.memory_space<hbm>>
      %dma_start3A_512 = tpu.memref_slice %arg3[%dma_start3A_509, %multiple_of3A_508] : memref<2x320000xi32, #tpu.memory_space<hbm>> -> memref<1x1600xi32, #tpu.memory_space<hbm>>
      %dma_start3A_513 = tpu.memref_squeeze %dma_start3A_512 : memref<1x1600xi32, #tpu.memory_space<hbm>> -> memref<1600xi32, #tpu.memory_space<hbm>>
      tpu.enqueue_dma source(%dma_start3A_513 : memref<1600xi32, #tpu.memory_space<hbm>>) target(%arg7 : memref<1600xi32, #tpu.memory_space<vmem>>) target_semaphore(%arg15 : memref<!tpu.dma_semaphore, #tpu.memory_space<semaphore_mem>>)
      %dma_start3A_514 = arith.constant 1 : i32
      %dma_start3A_515 = tpu.memref_slice %arg3[%dma_start3A_514, %multiple_of3A_508] : memref<2x320000xi32, #tpu.memory_space<hbm>> -> memref<1x1600xi32, #tpu.memory_space<hbm>>
      %dma_start3A_516 = tpu.memref_squeeze %dma_start3A_515 : memref<1x1600xi32, #tpu.memory_space<hbm>> -> memref<1600xi32, #tpu.memory_space<hbm>>
      %dma_start3A_517 = tpu.memref_slice %arg3[%dma_start3A_514, %multiple_of3A_508] : memref<2x320000xi32, #tpu.memory_space<hbm>> -> memref<1x1600xi32, #tpu.memory_space<hbm>>
      %dma_start3A_518 = tpu.memref_squeeze %dma_start3A_517 : memref<1x1600xi32, #tpu.memory_space<hbm>> -> memref<1600xi32, #tpu.memory_space<hbm>>
      tpu.enqueue_dma source(%dma_start3A_518 : memref<1600xi32, #tpu.memory_space<hbm>>) target(%arg9 : memref<1600xi32, #tpu.memory_space<vmem>>) target_semaphore(%arg15 : memref<!tpu.dma_semaphore, #tpu.memory_space<semaphore_mem>>)
      %add3A_519 = arith.constant 0 : i32
      %add3A_520 = arith.addi %add3A_519, %add3A_500 : i32
      %mul3A_521 = arith.constant 1600 : i32
      %mul3A_522 = arith.muli %add3A_520, %mul3A_521 : i32
      %add3A_523 = arith.addi %mul3A_32, %mul3A_522 : i32
      %multiple_of3A_524 = tpu.assume_multiple %add3A_523, 8 : i32
      %dma_wait3A_525 = arith.constant 0 : i32
      %dma_wait3A_526 = tpu.memref_slice %arg3[%dma_wait3A_525, %multiple_of3A_524] : memref<2x320000xi32, #tpu.memory_space<hbm>> -> memref<1x1600xi32, #tpu.memory_space<hbm>>
      %dma_wait3A_527 = tpu.memref_squeeze %dma_wait3A_526 : memref<1x1600xi32, #tpu.memory_space<hbm>> -> memref<1600xi32, #tpu.memory_space<hbm>>
      %dma_wait3A_528 = tpu.memref_slice %arg3[%dma_wait3A_525, %multiple_of3A_524] : memref<2x320000xi32, #tpu.memory_space<hbm>> -> memref<1x1600xi32, #tpu.memory_space<hbm>>
      %dma_wait3A_529 = tpu.memref_squeeze %dma_wait3A_528 : memref<1x1600xi32, #tpu.memory_space<hbm>> -> memref<1600xi32, #tpu.memory_space<hbm>>
      tpu.wait_dma2 semaphore(%arg16 : memref<!tpu.dma_semaphore, #tpu.memory_space<semaphore_mem>>) src(%dma_wait3A_529 : memref<1600xi32, #tpu.memory_space<hbm>>) dst(%arg8 : memref<1600xi32, #tpu.memory_space<vmem>>)
      %dma_wait3A_530 = arith.constant 1 : i32
      %dma_wait3A_531 = tpu.memref_slice %arg3[%dma_wait3A_530, %multiple_of3A_524] : memref<2x320000xi32, #tpu.memory_space<hbm>> -> memref<1x1600xi32, #tpu.memory_space<hbm>>
      %dma_wait3A_532 = tpu.memref_squeeze %dma_wait3A_531 : memref<1x1600xi32, #tpu.memory_space<hbm>> -> memref<1600xi32, #tpu.memory_space<hbm>>
      %dma_wait3A_533 = tpu.memref_slice %arg3[%dma_wait3A_530, %multiple_of3A_524] : memref<2x320000xi32, #tpu.memory_space<hbm>> -> memref<1x1600xi32, #tpu.memory_space<hbm>>
      %dma_wait3A_534 = tpu.memref_squeeze %dma_wait3A_533 : memref<1x1600xi32, #tpu.memory_space<hbm>> -> memref<1600xi32, #tpu.memory_space<hbm>>
      tpu.wait_dma2 semaphore(%arg16 : memref<!tpu.dma_semaphore, #tpu.memory_space<semaphore_mem>>) src(%dma_wait3A_534 : memref<1600xi32, #tpu.memory_space<hbm>>) dst(%arg10 : memref<1600xi32, #tpu.memory_space<vmem>>)
      %ge3A_535 = arith.constant 2 : i32
      %ge3A_536 = arith.cmpi sge, %add3A_500, %ge3A_535 : i32
      %convert_element_type3A_537 = arith.extui %ge3A_536 : i1 to i32
      %cond3A_538 = arith.constant 0 : i32
      %cond3A_539 = arith.cmpi ne, %convert_element_type3A_537, %cond3A_538 : i32
      scf.if %cond3A_539 {
        %sub3A_553 = arith.constant 2 : i32
        %sub3A_554 = arith.subi %add3A_500, %sub3A_553 : i32
        %mul3A_555 = arith.constant 800 : i32
        %mul3A_556 = arith.muli %sub3A_554, %mul3A_555 : i32
        %multiple_of3A_557 = tpu.assume_multiple %mul3A_556, 8 : i32
        %dma_wait3A_558 = tpu.memref_slice %arg5[%select_n3A, %select_n3A_28, %multiple_of3A_557] : memref<2x8x24000xi32, #tpu.memory_space<vmem_shared>> -> memref<1x1x800xi32, #tpu.memory_space<vmem_shared>>
        %dma_wait3A_559 = tpu.memref_squeeze %dma_wait3A_558 : memref<1x1x800xi32, #tpu.memory_space<vmem_shared>> -> memref<800xi32, #tpu.memory_space<vmem_shared>>
        %dma_wait3A_560 = tpu.memref_slice %arg5[%select_n3A, %select_n3A_28, %multiple_of3A_557] : memref<2x8x24000xi32, #tpu.memory_space<vmem_shared>> -> memref<1x1x800xi32, #tpu.memory_space<vmem_shared>>
        %dma_wait3A_561 = tpu.memref_squeeze %dma_wait3A_560 : memref<1x1x800xi32, #tpu.memory_space<vmem_shared>> -> memref<800xi32, #tpu.memory_space<vmem_shared>>
        tpu.wait_dma2 semaphore(%arg18 : memref<!tpu.dma_semaphore, #tpu.memory_space<semaphore_mem>>) src(%arg12 : memref<800xi32, #tpu.memory_space<vmem>>) dst(%dma_wait3A_561 : memref<800xi32, #tpu.memory_space<vmem_shared>>)
      } else {
      }
      %scan3A_540 = arith.constant 0 : i32
      %scan3A_541 = arith.constant 0 : i32
      %scan3A_542 = arith.constant 50 : i32
      %scan3A_543 = arith.addi %scan3A_541, %scan3A_542 : i32
      %scan3A_544 = arith.constant 1 : i32
      scf.for %scan3A_553 = %scan3A_541 to %scan3A_543 step %scan3A_544  : i32 {
        %mul3A_554 = arith.constant 32 : i32
        %mul3A_555 = arith.muli %scan3A_553, %mul3A_554 : i32
        %add3A_556 = vector.broadcast %mul3A_555 : i32 to vector<16xi32>
        %add3A_557 = arith.addi %mul3A_39, %add3A_556 : vector<16xi32>
        %gather3A = tpu.vector_load_idx %arg8[%add3A_557] : memref<1600xi32, #tpu.memory_space<vmem>>[vector<16xi32>], vector<16xi32>,
        %add3A_558 = arith.constant 1 : i32
        %add3A_559 = arith.addi %mul3A_555, %add3A_558 : i32
        %add3A_560 = vector.broadcast %add3A_559 : i32 to vector<16xi32>
        %add3A_561 = arith.addi %mul3A_39, %add3A_560 : vector<16xi32>
        %gather3A_562 = tpu.vector_load_idx %arg8[%add3A_561] : memref<1600xi32, #tpu.memory_space<vmem>>[vector<16xi32>], vector<16xi32>,
        %add3A_563 = vector.broadcast %mul3A_555 : i32 to vector<16xi32>
        %add3A_564 = arith.addi %mul3A_39, %add3A_563 : vector<16xi32>
        %gather3A_565 = tpu.vector_load_idx %arg10[%add3A_564] : memref<1600xi32, #tpu.memory_space<vmem>>[vector<16xi32>], vector<16xi32>,
        %add3A_566 = arith.constant 1 : i32
        %add3A_567 = arith.addi %mul3A_555, %add3A_566 : i32
        %add3A_568 = vector.broadcast %add3A_567 : i32 to vector<16xi32>
        %add3A_569 = arith.addi %mul3A_39, %add3A_568 : vector<16xi32>
        %gather3A_570 = tpu.vector_load_idx %arg10[%add3A_569] : memref<1600xi32, #tpu.memory_space<vmem>>[vector<16xi32>], vector<16xi32>,
        %broadcast_in_dim3A = arith.constant 0.000000e+00 : bf16
        %broadcast_in_dim3A_571 = vector.broadcast %broadcast_in_dim3A : bf16 to vector<32xbf16>
        %add3A_572 = arith.constant 0 : i32
        %add3A_573 = vector.broadcast %add3A_572 : i32 to vector<16xi32>
        %add3A_574 = arith.addi %gather3A, %add3A_573 : vector<16xi32>
        %gather3A_575 = tpu.vector_load_idx %arg6[%add3A_574] : memref<80000xi32, #tpu.memory_space<vmem>>[vector<16xi32>], vector<16xi32>,
        %add3A_576 = arith.constant 0 : i32
        %add3A_577 = vector.broadcast %add3A_576 : i32 to vector<16xi32>
        %add3A_578 = arith.addi %gather3A_565, %add3A_577 : vector<16xi32>
        %gather3A_579 = tpu.vector_load_idx %arg6[%add3A_578] : memref<80000xi32, #tpu.memory_space<vmem>>[vector<16xi32>], vector<16xi32>,
        %bitcast3A = vector.bitcast %gather3A_575 : vector<16xi32> to vector<32xbf16>
        %bitcast3A_580 = vector.bitcast %gather3A_579 : vector<16xi32> to vector<32xbf16>
        %mul3A_581 = arith.mulf %bitcast3A, %bitcast3A_580 : vector<32xbf16>
        %add3A_582 = arith.addf %broadcast_in_dim3A_571, %mul3A_581 : vector<32xbf16>
        %add3A_583 = arith.constant 10000 : i32
        %add3A_584 = vector.broadcast %add3A_583 : i32 to vector<16xi32>
        %add3A_585 = arith.addi %gather3A, %add3A_584 : vector<16xi32>
        %gather3A_586 = tpu.vector_load_idx %arg6[%add3A_585] : memref<80000xi32, #tpu.memory_space<vmem>>[vector<16xi32>], vector<16xi32>,
        %add3A_587 = arith.constant 10000 : i32
        %add3A_588 = vector.broadcast %add3A_587 : i32 to vector<16xi32>
        %add3A_589 = arith.addi %gather3A_565, %add3A_588 : vector<16xi32>
        %gather3A_590 = tpu.vector_load_idx %arg6[%add3A_589] : memref<80000xi32, #tpu.memory_space<vmem>>[vector<16xi32>], vector<16xi32>,
        %bitcast3A_591 = vector.bitcast %gather3A_586 : vector<16xi32> to vector<32xbf16>
        %bitcast3A_592 = vector.bitcast %gather3A_590 : vector<16xi32> to vector<32xbf16>
        %mul3A_593 = arith.mulf %bitcast3A_591, %bitcast3A_592 : vector<32xbf16>
        %add3A_594 = arith.addf %add3A_582, %mul3A_593 : vector<32xbf16>
        %add3A_595 = arith.constant 20000 : i32
        %add3A_596 = vector.broadcast %add3A_595 : i32 to vector<16xi32>
        %add3A_597 = arith.addi %gather3A, %add3A_596 : vector<16xi32>
        %gather3A_598 = tpu.vector_load_idx %arg6[%add3A_597] : memref<80000xi32, #tpu.memory_space<vmem>>[vector<16xi32>], vector<16xi32>,
        %add3A_599 = arith.constant 20000 : i32
        %add3A_600 = vector.broadcast %add3A_599 : i32 to vector<16xi32>
        %add3A_601 = arith.addi %gather3A_565, %add3A_600 : vector<16xi32>
        %gather3A_602 = tpu.vector_load_idx %arg6[%add3A_601] : memref<80000xi32, #tpu.memory_space<vmem>>[vector<16xi32>], vector<16xi32>,
        %bitcast3A_603 = vector.bitcast %gather3A_598 : vector<16xi32> to vector<32xbf16>
        %bitcast3A_604 = vector.bitcast %gather3A_602 : vector<16xi32> to vector<32xbf16>
        %mul3A_605 = arith.mulf %bitcast3A_603, %bitcast3A_604 : vector<32xbf16>
        %add3A_606 = arith.addf %add3A_594, %mul3A_605 : vector<32xbf16>
        %add3A_607 = arith.constant 30000 : i32
        %add3A_608 = vector.broadcast %add3A_607 : i32 to vector<16xi32>
        %add3A_609 = arith.addi %gather3A, %add3A_608 : vector<16xi32>
        %gather3A_610 = tpu.vector_load_idx %arg6[%add3A_609] : memref<80000xi32, #tpu.memory_space<vmem>>[vector<16xi32>], vector<16xi32>,
        %add3A_611 = arith.constant 30000 : i32
        %add3A_612 = vector.broadcast %add3A_611 : i32 to vector<16xi32>
        %add3A_613 = arith.addi %gather3A_565, %add3A_612 : vector<16xi32>
        %gather3A_614 = tpu.vector_load_idx %arg6[%add3A_613] : memref<80000xi32, #tpu.memory_space<vmem>>[vector<16xi32>], vector<16xi32>,
        %bitcast3A_615 = vector.bitcast %gather3A_610 : vector<16xi32> to vector<32xbf16>
        %bitcast3A_616 = vector.bitcast %gather3A_614 : vector<16xi32> to vector<32xbf16>
        %mul3A_617 = arith.mulf %bitcast3A_615, %bitcast3A_616 : vector<32xbf16>
        %add3A_618 = arith.addf %add3A_606, %mul3A_617 : vector<32xbf16>
        %add3A_619 = arith.constant 40000 : i32
        %add3A_620 = vector.broadcast %add3A_619 : i32 to vector<16xi32>
        %add3A_621 = arith.addi %gather3A, %add3A_620 : vector<16xi32>
        %gather3A_622 = tpu.vector_load_idx %arg6[%add3A_621] : memref<80000xi32, #tpu.memory_space<vmem>>[vector<16xi32>], vector<16xi32>,
        %add3A_623 = arith.constant 40000 : i32
        %add3A_624 = vector.broadcast %add3A_623 : i32 to vector<16xi32>
        %add3A_625 = arith.addi %gather3A_565, %add3A_624 : vector<16xi32>
        %gather3A_626 = tpu.vector_load_idx %arg6[%add3A_625] : memref<80000xi32, #tpu.memory_space<vmem>>[vector<16xi32>], vector<16xi32>,
        %bitcast3A_627 = vector.bitcast %gather3A_622 : vector<16xi32> to vector<32xbf16>
        %bitcast3A_628 = vector.bitcast %gather3A_626 : vector<16xi32> to vector<32xbf16>
        %mul3A_629 = arith.mulf %bitcast3A_627, %bitcast3A_628 : vector<32xbf16>
        %add3A_630 = arith.addf %add3A_618, %mul3A_629 : vector<32xbf16>
        %add3A_631 = arith.constant 50000 : i32
        %add3A_632 = vector.broadcast %add3A_631 : i32 to vector<16xi32>
        %add3A_633 = arith.addi %gather3A, %add3A_632 : vector<16xi32>
        %gather3A_634 = tpu.vector_load_idx %arg6[%add3A_633] : memref<80000xi32, #tpu.memory_space<vmem>>[vector<16xi32>], vector<16xi32>,
        %add3A_635 = arith.constant 50000 : i32
        %add3A_636 = vector.broadcast %add3A_635 : i32 to vector<16xi32>
        %add3A_637 = arith.addi %gather3A_565, %add3A_636 : vector<16xi32>
        %gather3A_638 = tpu.vector_load_idx %arg6[%add3A_637] : memref<80000xi32, #tpu.memory_space<vmem>>[vector<16xi32>], vector<16xi32>,
        %bitcast3A_639 = vector.bitcast %gather3A_634 : vector<16xi32> to vector<32xbf16>
        %bitcast3A_640 = vector.bitcast %gather3A_638 : vector<16xi32> to vector<32xbf16>
        %mul3A_641 = arith.mulf %bitcast3A_639, %bitcast3A_640 : vector<32xbf16>
        %add3A_642 = arith.addf %add3A_630, %mul3A_641 : vector<32xbf16>
        %add3A_643 = arith.constant 60000 : i32
        %add3A_644 = vector.broadcast %add3A_643 : i32 to vector<16xi32>
        %add3A_645 = arith.addi %gather3A, %add3A_644 : vector<16xi32>
        %gather3A_646 = tpu.vector_load_idx %arg6[%add3A_645] : memref<80000xi32, #tpu.memory_space<vmem>>[vector<16xi32>], vector<16xi32>,
        %add3A_647 = arith.constant 60000 : i32
        %add3A_648 = vector.broadcast %add3A_647 : i32 to vector<16xi32>
        %add3A_649 = arith.addi %gather3A_565, %add3A_648 : vector<16xi32>
        %gather3A_650 = tpu.vector_load_idx %arg6[%add3A_649] : memref<80000xi32, #tpu.memory_space<vmem>>[vector<16xi32>], vector<16xi32>,
        %bitcast3A_651 = vector.bitcast %gather3A_646 : vector<16xi32> to vector<32xbf16>
        %bitcast3A_652 = vector.bitcast %gather3A_650 : vector<16xi32> to vector<32xbf16>
        %mul3A_653 = arith.mulf %bitcast3A_651, %bitcast3A_652 : vector<32xbf16>
        %add3A_654 = arith.addf %add3A_642, %mul3A_653 : vector<32xbf16>
        %add3A_655 = arith.constant 70000 : i32
        %add3A_656 = vector.broadcast %add3A_655 : i32 to vector<16xi32>
        %add3A_657 = arith.addi %gather3A, %add3A_656 : vector<16xi32>
        %gather3A_658 = tpu.vector_load_idx %arg6[%add3A_657] : memref<80000xi32, #tpu.memory_space<vmem>>[vector<16xi32>], vector<16xi32>,
        %add3A_659 = arith.constant 70000 : i32
        %add3A_660 = vector.broadcast %add3A_659 : i32 to vector<16xi32>
        %add3A_661 = arith.addi %gather3A_565, %add3A_660 : vector<16xi32>
        %gather3A_662 = tpu.vector_load_idx %arg6[%add3A_661] : memref<80000xi32, #tpu.memory_space<vmem>>[vector<16xi32>], vector<16xi32>,
        %bitcast3A_663 = vector.bitcast %gather3A_658 : vector<16xi32> to vector<32xbf16>
        %bitcast3A_664 = vector.bitcast %gather3A_662 : vector<16xi32> to vector<32xbf16>
        %mul3A_665 = arith.mulf %bitcast3A_663, %bitcast3A_664 : vector<32xbf16>
        %add3A_666 = arith.addf %add3A_654, %mul3A_665 : vector<32xbf16>
        %unpack3A = tpu.unpack_subelements %add3A_666, 0 {pack_format = #tpu.pack_format<interleaved>} : vector<32xbf16> -> vector<16xf32>
        %unpack3A_667 = tpu.unpack_subelements %add3A_666, 1 {pack_format = #tpu.pack_format<interleaved>} : vector<32xbf16> -> vector<16xf32>
        %add3A_668 = arith.addf %unpack3A, %unpack3A_667 : vector<16xf32>
        %broadcast_in_dim3A_669 = arith.constant 0.000000e+00 : bf16
        %broadcast_in_dim3A_670 = vector.broadcast %broadcast_in_dim3A_669 : bf16 to vector<32xbf16>
        %add3A_671 = arith.constant 0 : i32
        %add3A_672 = vector.broadcast %add3A_671 : i32 to vector<16xi32>
        %add3A_673 = arith.addi %gather3A_562, %add3A_672 : vector<16xi32>
        %gather3A_674 = tpu.vector_load_idx %arg6[%add3A_673] : memref<80000xi32, #tpu.memory_space<vmem>>[vector<16xi32>], vector<16xi32>,
        %add3A_675 = arith.constant 0 : i32
        %add3A_676 = vector.broadcast %add3A_675 : i32 to vector<16xi32>
        %add3A_677 = arith.addi %gather3A_570, %add3A_676 : vector<16xi32>
        %gather3A_678 = tpu.vector_load_idx %arg6[%add3A_677] : memref<80000xi32, #tpu.memory_space<vmem>>[vector<16xi32>], vector<16xi32>,
        %bitcast3A_679 = vector.bitcast %gather3A_674 : vector<16xi32> to vector<32xbf16>
        %bitcast3A_680 = vector.bitcast %gather3A_678 : vector<16xi32> to vector<32xbf16>
        %mul3A_681 = arith.mulf %bitcast3A_679, %bitcast3A_680 : vector<32xbf16>
        %add3A_682 = arith.addf %broadcast_in_dim3A_670, %mul3A_681 : vector<32xbf16>
        %add3A_683 = arith.constant 10000 : i32
        %add3A_684 = vector.broadcast %add3A_683 : i32 to vector<16xi32>
        %add3A_685 = arith.addi %gather3A_562, %add3A_684 : vector<16xi32>
        %gather3A_686 = tpu.vector_load_idx %arg6[%add3A_685] : memref<80000xi32, #tpu.memory_space<vmem>>[vector<16xi32>], vector<16xi32>,
        %add3A_687 = arith.constant 10000 : i32
        %add3A_688 = vector.broadcast %add3A_687 : i32 to vector<16xi32>
        %add3A_689 = arith.addi %gather3A_570, %add3A_688 : vector<16xi32>
        %gather3A_690 = tpu.vector_load_idx %arg6[%add3A_689] : memref<80000xi32, #tpu.memory_space<vmem>>[vector<16xi32>], vector<16xi32>,
        %bitcast3A_691 = vector.bitcast %gather3A_686 : vector<16xi32> to vector<32xbf16>
        %bitcast3A_692 = vector.bitcast %gather3A_690 : vector<16xi32> to vector<32xbf16>
        %mul3A_693 = arith.mulf %bitcast3A_691, %bitcast3A_692 : vector<32xbf16>
        %add3A_694 = arith.addf %add3A_682, %mul3A_693 : vector<32xbf16>
        %add3A_695 = arith.constant 20000 : i32
        %add3A_696 = vector.broadcast %add3A_695 : i32 to vector<16xi32>
        %add3A_697 = arith.addi %gather3A_562, %add3A_696 : vector<16xi32>
        %gather3A_698 = tpu.vector_load_idx %arg6[%add3A_697] : memref<80000xi32, #tpu.memory_space<vmem>>[vector<16xi32>], vector<16xi32>,
        %add3A_699 = arith.constant 20000 : i32
        %add3A_700 = vector.broadcast %add3A_699 : i32 to vector<16xi32>
        %add3A_701 = arith.addi %gather3A_570, %add3A_700 : vector<16xi32>
        %gather3A_702 = tpu.vector_load_idx %arg6[%add3A_701] : memref<80000xi32, #tpu.memory_space<vmem>>[vector<16xi32>], vector<16xi32>,
        %bitcast3A_703 = vector.bitcast %gather3A_698 : vector<16xi32> to vector<32xbf16>
        %bitcast3A_704 = vector.bitcast %gather3A_702 : vector<16xi32> to vector<32xbf16>
        %mul3A_705 = arith.mulf %bitcast3A_703, %bitcast3A_704 : vector<32xbf16>
        %add3A_706 = arith.addf %add3A_694, %mul3A_705 : vector<32xbf16>
        %add3A_707 = arith.constant 30000 : i32
        %add3A_708 = vector.broadcast %add3A_707 : i32 to vector<16xi32>
        %add3A_709 = arith.addi %gather3A_562, %add3A_708 : vector<16xi32>
        %gather3A_710 = tpu.vector_load_idx %arg6[%add3A_709] : memref<80000xi32, #tpu.memory_space<vmem>>[vector<16xi32>], vector<16xi32>,
        %add3A_711 = arith.constant 30000 : i32
        %add3A_712 = vector.broadcast %add3A_711 : i32 to vector<16xi32>
        %add3A_713 = arith.addi %gather3A_570, %add3A_712 : vector<16xi32>
        %gather3A_714 = tpu.vector_load_idx %arg6[%add3A_713] : memref<80000xi32, #tpu.memory_space<vmem>>[vector<16xi32>], vector<16xi32>,
        %bitcast3A_715 = vector.bitcast %gather3A_710 : vector<16xi32> to vector<32xbf16>
        %bitcast3A_716 = vector.bitcast %gather3A_714 : vector<16xi32> to vector<32xbf16>
        %mul3A_717 = arith.mulf %bitcast3A_715, %bitcast3A_716 : vector<32xbf16>
        %add3A_718 = arith.addf %add3A_706, %mul3A_717 : vector<32xbf16>
        %add3A_719 = arith.constant 40000 : i32
        %add3A_720 = vector.broadcast %add3A_719 : i32 to vector<16xi32>
        %add3A_721 = arith.addi %gather3A_562, %add3A_720 : vector<16xi32>
        %gather3A_722 = tpu.vector_load_idx %arg6[%add3A_721] : memref<80000xi32, #tpu.memory_space<vmem>>[vector<16xi32>], vector<16xi32>,
        %add3A_723 = arith.constant 40000 : i32
        %add3A_724 = vector.broadcast %add3A_723 : i32 to vector<16xi32>
        %add3A_725 = arith.addi %gather3A_570, %add3A_724 : vector<16xi32>
        %gather3A_726 = tpu.vector_load_idx %arg6[%add3A_725] : memref<80000xi32, #tpu.memory_space<vmem>>[vector<16xi32>], vector<16xi32>,
        %bitcast3A_727 = vector.bitcast %gather3A_722 : vector<16xi32> to vector<32xbf16>
        %bitcast3A_728 = vector.bitcast %gather3A_726 : vector<16xi32> to vector<32xbf16>
        %mul3A_729 = arith.mulf %bitcast3A_727, %bitcast3A_728 : vector<32xbf16>
        %add3A_730 = arith.addf %add3A_718, %mul3A_729 : vector<32xbf16>
        %add3A_731 = arith.constant 50000 : i32
        %add3A_732 = vector.broadcast %add3A_731 : i32 to vector<16xi32>
        %add3A_733 = arith.addi %gather3A_562, %add3A_732 : vector<16xi32>
        %gather3A_734 = tpu.vector_load_idx %arg6[%add3A_733] : memref<80000xi32, #tpu.memory_space<vmem>>[vector<16xi32>], vector<16xi32>,
        %add3A_735 = arith.constant 50000 : i32
        %add3A_736 = vector.broadcast %add3A_735 : i32 to vector<16xi32>
        %add3A_737 = arith.addi %gather3A_570, %add3A_736 : vector<16xi32>
        %gather3A_738 = tpu.vector_load_idx %arg6[%add3A_737] : memref<80000xi32, #tpu.memory_space<vmem>>[vector<16xi32>], vector<16xi32>,
        %bitcast3A_739 = vector.bitcast %gather3A_734 : vector<16xi32> to vector<32xbf16>
        %bitcast3A_740 = vector.bitcast %gather3A_738 : vector<16xi32> to vector<32xbf16>
        %mul3A_741 = arith.mulf %bitcast3A_739, %bitcast3A_740 : vector<32xbf16>
        %add3A_742 = arith.addf %add3A_730, %mul3A_741 : vector<32xbf16>
        %add3A_743 = arith.constant 60000 : i32
        %add3A_744 = vector.broadcast %add3A_743 : i32 to vector<16xi32>
        %add3A_745 = arith.addi %gather3A_562, %add3A_744 : vector<16xi32>
        %gather3A_746 = tpu.vector_load_idx %arg6[%add3A_745] : memref<80000xi32, #tpu.memory_space<vmem>>[vector<16xi32>], vector<16xi32>,
        %add3A_747 = arith.constant 60000 : i32
        %add3A_748 = vector.broadcast %add3A_747 : i32 to vector<16xi32>
        %add3A_749 = arith.addi %gather3A_570, %add3A_748 : vector<16xi32>
        %gather3A_750 = tpu.vector_load_idx %arg6[%add3A_749] : memref<80000xi32, #tpu.memory_space<vmem>>[vector<16xi32>], vector<16xi32>,
        %bitcast3A_751 = vector.bitcast %gather3A_746 : vector<16xi32> to vector<32xbf16>
        %bitcast3A_752 = vector.bitcast %gather3A_750 : vector<16xi32> to vector<32xbf16>
        %mul3A_753 = arith.mulf %bitcast3A_751, %bitcast3A_752 : vector<32xbf16>
        %add3A_754 = arith.addf %add3A_742, %mul3A_753 : vector<32xbf16>
        %add3A_755 = arith.constant 70000 : i32
        %add3A_756 = vector.broadcast %add3A_755 : i32 to vector<16xi32>
        %add3A_757 = arith.addi %gather3A_562, %add3A_756 : vector<16xi32>
        %gather3A_758 = tpu.vector_load_idx %arg6[%add3A_757] : memref<80000xi32, #tpu.memory_space<vmem>>[vector<16xi32>], vector<16xi32>,
        %add3A_759 = arith.constant 70000 : i32
        %add3A_760 = vector.broadcast %add3A_759 : i32 to vector<16xi32>
        %add3A_761 = arith.addi %gather3A_570, %add3A_760 : vector<16xi32>
        %gather3A_762 = tpu.vector_load_idx %arg6[%add3A_761] : memref<80000xi32, #tpu.memory_space<vmem>>[vector<16xi32>], vector<16xi32>,
        %bitcast3A_763 = vector.bitcast %gather3A_758 : vector<16xi32> to vector<32xbf16>
        %bitcast3A_764 = vector.bitcast %gather3A_762 : vector<16xi32> to vector<32xbf16>
        %mul3A_765 = arith.mulf %bitcast3A_763, %bitcast3A_764 : vector<32xbf16>
        %add3A_766 = arith.addf %add3A_754, %mul3A_765 : vector<32xbf16>
        %unpack3A_767 = tpu.unpack_subelements %add3A_766, 0 {pack_format = #tpu.pack_format<interleaved>} : vector<32xbf16> -> vector<16xf32>
        %unpack3A_768 = tpu.unpack_subelements %add3A_766, 1 {pack_format = #tpu.pack_format<interleaved>} : vector<32xbf16> -> vector<16xf32>
        %add3A_769 = arith.addf %unpack3A_767, %unpack3A_768 : vector<16xf32>
        %pack3A = tpu.pack_subelements %add3A_668, %add3A_769 {pack_format = #tpu.pack_format<interleaved>, positions = array<i32: 0, 1>} : vector<16xf32>, vector<16xf32> -> vector<32xbf16>
        %bitcast3A_770 = vector.bitcast %pack3A : vector<32xbf16> to vector<16xi32>
        %mul3A_771 = arith.constant 16 : i32
        %mul3A_772 = arith.muli %scan3A_553, %mul3A_771 : i32
        %multiple_of3A_773 = tpu.assume_multiple %mul3A_772, 16 : i32
        %swap3A = arith.index_cast %multiple_of3A_773 : i32 to index
        %swap3A_774 = tpu.vector_load %arg12[%swap3A] {strides = array<i32>} : memref<800xi32, #tpu.memory_space<vmem>>, vector<16xi32>,
        tpu.vector_store %arg12[%swap3A], %bitcast3A_770 {strides = array<i32>} : memref<800xi32, #tpu.memory_space<vmem>>, vector<16xi32>,
      }
      %scan3A_545 = arith.constant 50 : i32
      %mul3A_546 = arith.constant 800 : i32
      %mul3A_547 = arith.muli %add3A_500, %mul3A_546 : i32
      %multiple_of3A_548 = tpu.assume_multiple %mul3A_547, 8 : i32
      %dma_start3A_549 = tpu.memref_slice %arg5[%select_n3A, %select_n3A_28, %multiple_of3A_548] : memref<2x8x24000xi32, #tpu.memory_space<vmem_shared>> -> memref<1x1x800xi32, #tpu.memory_space<vmem_shared>>
      %dma_start3A_550 = tpu.memref_squeeze %dma_start3A_549 : memref<1x1x800xi32, #tpu.memory_space<vmem_shared>> -> memref<800xi32, #tpu.memory_space<vmem_shared>>
      %dma_start3A_551 = tpu.memref_slice %arg5[%select_n3A, %select_n3A_28, %multiple_of3A_548] : memref<2x8x24000xi32, #tpu.memory_space<vmem_shared>> -> memref<1x1x800xi32, #tpu.memory_space<vmem_shared>>
      %dma_start3A_552 = tpu.memref_squeeze %dma_start3A_551 : memref<1x1x800xi32, #tpu.memory_space<vmem_shared>> -> memref<800xi32, #tpu.memory_space<vmem_shared>>
      tpu.enqueue_dma source(%arg12 : memref<800xi32, #tpu.memory_space<vmem>>) target(%dma_start3A_552 : memref<800xi32, #tpu.memory_space<vmem_shared>>) target_semaphore(%arg18 : memref<!tpu.dma_semaphore, #tpu.memory_space<semaphore_mem>>)
    }
    %scan3A_56 = arith.constant 14 : i32
    %add3A_57 = arith.constant 46400 : i32
    %add3A_58 = arith.addi %mul3A_32, %add3A_57 : i32
    %multiple_of3A_59 = tpu.assume_multiple %add3A_58, 8 : i32
    %dma_start3A_60 = arith.constant 0 : i32
    %dma_start3A_61 = tpu.memref_slice %arg3[%dma_start3A_60, %multiple_of3A_59] : memref<2x320000xi32, #tpu.memory_space<hbm>> -> memref<1x1600xi32, #tpu.memory_space<hbm>>
    %dma_start3A_62 = tpu.memref_squeeze %dma_start3A_61 : memref<1x1600xi32, #tpu.memory_space<hbm>> -> memref<1600xi32, #tpu.memory_space<hbm>>
    %dma_start3A_63 = tpu.memref_slice %arg3[%dma_start3A_60, %multiple_of3A_59] : memref<2x320000xi32, #tpu.memory_space<hbm>> -> memref<1x1600xi32, #tpu.memory_space<hbm>>
    %dma_start3A_64 = tpu.memref_squeeze %dma_start3A_63 : memref<1x1600xi32, #tpu.memory_space<hbm>> -> memref<1600xi32, #tpu.memory_space<hbm>>
    tpu.enqueue_dma source(%dma_start3A_64 : memref<1600xi32, #tpu.memory_space<hbm>>) target(%arg8 : memref<1600xi32, #tpu.memory_space<vmem>>) target_semaphore(%arg16 : memref<!tpu.dma_semaphore, #tpu.memory_space<semaphore_mem>>)
    %dma_start3A_65 = arith.constant 1 : i32
    %dma_start3A_66 = tpu.memref_slice %arg3[%dma_start3A_65, %multiple_of3A_59] : memref<2x320000xi32, #tpu.memory_space<hbm>> -> memref<1x1600xi32, #tpu.memory_space<hbm>>
    %dma_start3A_67 = tpu.memref_squeeze %dma_start3A_66 : memref<1x1600xi32, #tpu.memory_space<hbm>> -> memref<1600xi32, #tpu.memory_space<hbm>>
    %dma_start3A_68 = tpu.memref_slice %arg3[%dma_start3A_65, %multiple_of3A_59] : memref<2x320000xi32, #tpu.memory_space<hbm>> -> memref<1x1600xi32, #tpu.memory_space<hbm>>
    %dma_start3A_69 = tpu.memref_squeeze %dma_start3A_68 : memref<1x1600xi32, #tpu.memory_space<hbm>> -> memref<1600xi32, #tpu.memory_space<hbm>>
    tpu.enqueue_dma source(%dma_start3A_69 : memref<1600xi32, #tpu.memory_space<hbm>>) target(%arg10 : memref<1600xi32, #tpu.memory_space<vmem>>) target_semaphore(%arg16 : memref<!tpu.dma_semaphore, #tpu.memory_space<semaphore_mem>>)
    %add3A_70 = arith.constant 44800 : i32
    %add3A_71 = arith.addi %mul3A_32, %add3A_70 : i32
    %multiple_of3A_72 = tpu.assume_multiple %add3A_71, 8 : i32
    %dma_wait3A = arith.constant 0 : i32
    %dma_wait3A_73 = tpu.memref_slice %arg3[%dma_wait3A, %multiple_of3A_72] : memref<2x320000xi32, #tpu.memory_space<hbm>> -> memref<1x1600xi32, #tpu.memory_space<hbm>>
    %dma_wait3A_74 = tpu.memref_squeeze %dma_wait3A_73 : memref<1x1600xi32, #tpu.memory_space<hbm>> -> memref<1600xi32, #tpu.memory_space<hbm>>
    %dma_wait3A_75 = tpu.memref_slice %arg3[%dma_wait3A, %multiple_of3A_72] : memref<2x320000xi32, #tpu.memory_space<hbm>> -> memref<1x1600xi32, #tpu.memory_space<hbm>>
    %dma_wait3A_76 = tpu.memref_squeeze %dma_wait3A_75 : memref<1x1600xi32, #tpu.memory_space<hbm>> -> memref<1600xi32, #tpu.memory_space<hbm>>
    tpu.wait_dma2 semaphore(%arg15 : memref<!tpu.dma_semaphore, #tpu.memory_space<semaphore_mem>>) src(%dma_wait3A_76 : memref<1600xi32, #tpu.memory_space<hbm>>) dst(%arg7 : memref<1600xi32, #tpu.memory_space<vmem>>)
    %dma_wait3A_77 = arith.constant 1 : i32
    %dma_wait3A_78 = tpu.memref_slice %arg3[%dma_wait3A_77, %multiple_of3A_72] : memref<2x320000xi32, #tpu.memory_space<hbm>> -> memref<1x1600xi32, #tpu.memory_space<hbm>>
    %dma_wait3A_79 = tpu.memref_squeeze %dma_wait3A_78 : memref<1x1600xi32, #tpu.memory_space<hbm>> -> memref<1600xi32, #tpu.memory_space<hbm>>
    %dma_wait3A_80 = tpu.memref_slice %arg3[%dma_wait3A_77, %multiple_of3A_72] : memref<2x320000xi32, #tpu.memory_space<hbm>> -> memref<1x1600xi32, #tpu.memory_space<hbm>>
    %dma_wait3A_81 = tpu.memref_squeeze %dma_wait3A_80 : memref<1x1600xi32, #tpu.memory_space<hbm>> -> memref<1600xi32, #tpu.memory_space<hbm>>
    tpu.wait_dma2 semaphore(%arg15 : memref<!tpu.dma_semaphore, #tpu.memory_space<semaphore_mem>>) src(%dma_wait3A_81 : memref<1600xi32, #tpu.memory_space<hbm>>) dst(%arg9 : memref<1600xi32, #tpu.memory_space<vmem>>)
    %multiple_of3A_82 = arith.constant 20800 : i32
    %multiple_of3A_83 = tpu.assume_multiple %multiple_of3A_82, 8 : i32
    %dma_wait3A_84 = tpu.memref_slice %arg5[%select_n3A, %select_n3A_28, %multiple_of3A_83] : memref<2x8x24000xi32, #tpu.memory_space<vmem_shared>> -> memref<1x1x800xi32, #tpu.memory_space<vmem_shared>>
    %dma_wait3A_85 = tpu.memref_squeeze %dma_wait3A_84 : memref<1x1x800xi32, #tpu.memory_space<vmem_shared>> -> memref<800xi32, #tpu.memory_space<vmem_shared>>
    %dma_wait3A_86 = tpu.memref_slice %arg5[%select_n3A, %select_n3A_28, %multiple_of3A_83] : memref<2x8x24000xi32, #tpu.memory_space<vmem_shared>> -> memref<1x1x800xi32, #tpu.memory_space<vmem_shared>>
    %dma_wait3A_87 = tpu.memref_squeeze %dma_wait3A_86 : memref<1x1x800xi32, #tpu.memory_space<vmem_shared>> -> memref<800xi32, #tpu.memory_space<vmem_shared>>
    tpu.wait_dma2 semaphore(%arg17 : memref<!tpu.dma_semaphore, #tpu.memory_space<semaphore_mem>>) src(%arg11 : memref<800xi32, #tpu.memory_space<vmem>>) dst(%dma_wait3A_87 : memref<800xi32, #tpu.memory_space<vmem_shared>>)
    %scan3A_88 = arith.constant 0 : i32
    %scan3A_89 = arith.constant 0 : i32
    %scan3A_90 = arith.constant 50 : i32
    %scan3A_91 = arith.addi %scan3A_89, %scan3A_90 : i32
    %scan3A_92 = arith.constant 1 : i32
    scf.for %scan3A_443 = %scan3A_89 to %scan3A_91 step %scan3A_92  : i32 {
      %mul3A_444 = arith.constant 32 : i32
      %mul3A_445 = arith.muli %scan3A_443, %mul3A_444 : i32
      %add3A_446 = vector.broadcast %mul3A_445 : i32 to vector<16xi32>
      %add3A_447 = arith.addi %mul3A_39, %add3A_446 : vector<16xi32>
      %gather3A = tpu.vector_load_idx %arg7[%add3A_447] : memref<1600xi32, #tpu.memory_space<vmem>>[vector<16xi32>], vector<16xi32>,
      %add3A_448 = arith.constant 1 : i32
      %add3A_449 = arith.addi %mul3A_445, %add3A_448 : i32
      %add3A_450 = vector.broadcast %add3A_449 : i32 to vector<16xi32>
      %add3A_451 = arith.addi %mul3A_39, %add3A_450 : vector<16xi32>
      %gather3A_452 = tpu.vector_load_idx %arg7[%add3A_451] : memref<1600xi32, #tpu.memory_space<vmem>>[vector<16xi32>], vector<16xi32>,
      %add3A_453 = vector.broadcast %mul3A_445 : i32 to vector<16xi32>
      %add3A_454 = arith.addi %mul3A_39, %add3A_453 : vector<16xi32>
      %gather3A_455 = tpu.vector_load_idx %arg9[%add3A_454] : memref<1600xi32, #tpu.memory_space<vmem>>[vector<16xi32>], vector<16xi32>,
      %add3A_456 = arith.constant 1 : i32
      %add3A_457 = arith.addi %mul3A_445, %add3A_456 : i32
      %add3A_458 = vector.broadcast %add3A_457 : i32 to vector<16xi32>
      %add3A_459 = arith.addi %mul3A_39, %add3A_458 : vector<16xi32>
      %gather3A_460 = tpu.vector_load_idx %arg9[%add3A_459] : memref<1600xi32, #tpu.memory_space<vmem>>[vector<16xi32>], vector<16xi32>,
      %broadcast_in_dim3A = arith.constant 0.000000e+00 : bf16
      %broadcast_in_dim3A_461 = vector.broadcast %broadcast_in_dim3A : bf16 to vector<32xbf16>
      %add3A_462 = arith.constant 0 : i32
      %add3A_463 = vector.broadcast %add3A_462 : i32 to vector<16xi32>
      %add3A_464 = arith.addi %gather3A, %add3A_463 : vector<16xi32>
      %gather3A_465 = tpu.vector_load_idx %arg6[%add3A_464] : memref<80000xi32, #tpu.memory_space<vmem>>[vector<16xi32>], vector<16xi32>,
      %add3A_466 = arith.constant 0 : i32
      %add3A_467 = vector.broadcast %add3A_466 : i32 to vector<16xi32>
      %add3A_468 = arith.addi %gather3A_455, %add3A_467 : vector<16xi32>
      %gather3A_469 = tpu.vector_load_idx %arg6[%add3A_468] : memref<80000xi32, #tpu.memory_space<vmem>>[vector<16xi32>], vector<16xi32>,
      %bitcast3A = vector.bitcast %gather3A_465 : vector<16xi32> to vector<32xbf16>
      %bitcast3A_470 = vector.bitcast %gather3A_469 : vector<16xi32> to vector<32xbf16>
      %mul3A_471 = arith.mulf %bitcast3A, %bitcast3A_470 : vector<32xbf16>
      %add3A_472 = arith.addf %broadcast_in_dim3A_461, %mul3A_471 : vector<32xbf16>
      %add3A_473 = arith.constant 10000 : i32
      %add3A_474 = vector.broadcast %add3A_473 : i32 to vector<16xi32>
      %add3A_475 = arith.addi %gather3A, %add3A_474 : vector<16xi32>
      %gather3A_476 = tpu.vector_load_idx %arg6[%add3A_475] : memref<80000xi32, #tpu.memory_space<vmem>>[vector<16xi32>], vector<16xi32>,
      %add3A_477 = arith.constant 10000 : i32
      %add3A_478 = vector.broadcast %add3A_477 : i32 to vector<16xi32>
      %add3A_479 = arith.addi %gather3A_455, %add3A_478 : vector<16xi32>
      %gather3A_480 = tpu.vector_load_idx %arg6[%add3A_479] : memref<80000xi32, #tpu.memory_space<vmem>>[vector<16xi32>], vector<16xi32>,
      %bitcast3A_481 = vector.bitcast %gather3A_476 : vector<16xi32> to vector<32xbf16>
      %bitcast3A_482 = vector.bitcast %gather3A_480 : vector<16xi32> to vector<32xbf16>
      %mul3A_483 = arith.mulf %bitcast3A_481, %bitcast3A_482 : vector<32xbf16>
      %add3A_484 = arith.addf %add3A_472, %mul3A_483 : vector<32xbf16>
      %add3A_485 = arith.constant 20000 : i32
      %add3A_486 = vector.broadcast %add3A_485 : i32 to vector<16xi32>
      %add3A_487 = arith.addi %gather3A, %add3A_486 : vector<16xi32>
      %gather3A_488 = tpu.vector_load_idx %arg6[%add3A_487] : memref<80000xi32, #tpu.memory_space<vmem>>[vector<16xi32>], vector<16xi32>,
      %add3A_489 = arith.constant 20000 : i32
      %add3A_490 = vector.broadcast %add3A_489 : i32 to vector<16xi32>
      %add3A_491 = arith.addi %gather3A_455, %add3A_490 : vector<16xi32>
      %gather3A_492 = tpu.vector_load_idx %arg6[%add3A_491] : memref<80000xi32, #tpu.memory_space<vmem>>[vector<16xi32>], vector<16xi32>,
      %bitcast3A_493 = vector.bitcast %gather3A_488 : vector<16xi32> to vector<32xbf16>
      %bitcast3A_494 = vector.bitcast %gather3A_492 : vector<16xi32> to vector<32xbf16>
      %mul3A_495 = arith.mulf %bitcast3A_493, %bitcast3A_494 : vector<32xbf16>
      %add3A_496 = arith.addf %add3A_484, %mul3A_495 : vector<32xbf16>
      %add3A_497 = arith.constant 30000 : i32
      %add3A_498 = vector.broadcast %add3A_497 : i32 to vector<16xi32>
      %add3A_499 = arith.addi %gather3A, %add3A_498 : vector<16xi32>
      %gather3A_500 = tpu.vector_load_idx %arg6[%add3A_499] : memref<80000xi32, #tpu.memory_space<vmem>>[vector<16xi32>], vector<16xi32>,
      %add3A_501 = arith.constant 30000 : i32
      %add3A_502 = vector.broadcast %add3A_501 : i32 to vector<16xi32>
      %add3A_503 = arith.addi %gather3A_455, %add3A_502 : vector<16xi32>
      %gather3A_504 = tpu.vector_load_idx %arg6[%add3A_503] : memref<80000xi32, #tpu.memory_space<vmem>>[vector<16xi32>], vector<16xi32>,
      %bitcast3A_505 = vector.bitcast %gather3A_500 : vector<16xi32> to vector<32xbf16>
      %bitcast3A_506 = vector.bitcast %gather3A_504 : vector<16xi32> to vector<32xbf16>
      %mul3A_507 = arith.mulf %bitcast3A_505, %bitcast3A_506 : vector<32xbf16>
      %add3A_508 = arith.addf %add3A_496, %mul3A_507 : vector<32xbf16>
      %add3A_509 = arith.constant 40000 : i32
      %add3A_510 = vector.broadcast %add3A_509 : i32 to vector<16xi32>
      %add3A_511 = arith.addi %gather3A, %add3A_510 : vector<16xi32>
      %gather3A_512 = tpu.vector_load_idx %arg6[%add3A_511] : memref<80000xi32, #tpu.memory_space<vmem>>[vector<16xi32>], vector<16xi32>,
      %add3A_513 = arith.constant 40000 : i32
      %add3A_514 = vector.broadcast %add3A_513 : i32 to vector<16xi32>
      %add3A_515 = arith.addi %gather3A_455, %add3A_514 : vector<16xi32>
      %gather3A_516 = tpu.vector_load_idx %arg6[%add3A_515] : memref<80000xi32, #tpu.memory_space<vmem>>[vector<16xi32>], vector<16xi32>,
      %bitcast3A_517 = vector.bitcast %gather3A_512 : vector<16xi32> to vector<32xbf16>
      %bitcast3A_518 = vector.bitcast %gather3A_516 : vector<16xi32> to vector<32xbf16>
      %mul3A_519 = arith.mulf %bitcast3A_517, %bitcast3A_518 : vector<32xbf16>
      %add3A_520 = arith.addf %add3A_508, %mul3A_519 : vector<32xbf16>
      %add3A_521 = arith.constant 50000 : i32
      %add3A_522 = vector.broadcast %add3A_521 : i32 to vector<16xi32>
      %add3A_523 = arith.addi %gather3A, %add3A_522 : vector<16xi32>
      %gather3A_524 = tpu.vector_load_idx %arg6[%add3A_523] : memref<80000xi32, #tpu.memory_space<vmem>>[vector<16xi32>], vector<16xi32>,
      %add3A_525 = arith.constant 50000 : i32
      %add3A_526 = vector.broadcast %add3A_525 : i32 to vector<16xi32>
      %add3A_527 = arith.addi %gather3A_455, %add3A_526 : vector<16xi32>
      %gather3A_528 = tpu.vector_load_idx %arg6[%add3A_527] : memref<80000xi32, #tpu.memory_space<vmem>>[vector<16xi32>], vector<16xi32>,
      %bitcast3A_529 = vector.bitcast %gather3A_524 : vector<16xi32> to vector<32xbf16>
      %bitcast3A_530 = vector.bitcast %gather3A_528 : vector<16xi32> to vector<32xbf16>
      %mul3A_531 = arith.mulf %bitcast3A_529, %bitcast3A_530 : vector<32xbf16>
      %add3A_532 = arith.addf %add3A_520, %mul3A_531 : vector<32xbf16>
      %add3A_533 = arith.constant 60000 : i32
      %add3A_534 = vector.broadcast %add3A_533 : i32 to vector<16xi32>
      %add3A_535 = arith.addi %gather3A, %add3A_534 : vector<16xi32>
      %gather3A_536 = tpu.vector_load_idx %arg6[%add3A_535] : memref<80000xi32, #tpu.memory_space<vmem>>[vector<16xi32>], vector<16xi32>,
      %add3A_537 = arith.constant 60000 : i32
      %add3A_538 = vector.broadcast %add3A_537 : i32 to vector<16xi32>
      %add3A_539 = arith.addi %gather3A_455, %add3A_538 : vector<16xi32>
      %gather3A_540 = tpu.vector_load_idx %arg6[%add3A_539] : memref<80000xi32, #tpu.memory_space<vmem>>[vector<16xi32>], vector<16xi32>,
      %bitcast3A_541 = vector.bitcast %gather3A_536 : vector<16xi32> to vector<32xbf16>
      %bitcast3A_542 = vector.bitcast %gather3A_540 : vector<16xi32> to vector<32xbf16>
      %mul3A_543 = arith.mulf %bitcast3A_541, %bitcast3A_542 : vector<32xbf16>
      %add3A_544 = arith.addf %add3A_532, %mul3A_543 : vector<32xbf16>
      %add3A_545 = arith.constant 70000 : i32
      %add3A_546 = vector.broadcast %add3A_545 : i32 to vector<16xi32>
      %add3A_547 = arith.addi %gather3A, %add3A_546 : vector<16xi32>
      %gather3A_548 = tpu.vector_load_idx %arg6[%add3A_547] : memref<80000xi32, #tpu.memory_space<vmem>>[vector<16xi32>], vector<16xi32>,
      %add3A_549 = arith.constant 70000 : i32
      %add3A_550 = vector.broadcast %add3A_549 : i32 to vector<16xi32>
      %add3A_551 = arith.addi %gather3A_455, %add3A_550 : vector<16xi32>
      %gather3A_552 = tpu.vector_load_idx %arg6[%add3A_551] : memref<80000xi32, #tpu.memory_space<vmem>>[vector<16xi32>], vector<16xi32>,
      %bitcast3A_553 = vector.bitcast %gather3A_548 : vector<16xi32> to vector<32xbf16>
      %bitcast3A_554 = vector.bitcast %gather3A_552 : vector<16xi32> to vector<32xbf16>
      %mul3A_555 = arith.mulf %bitcast3A_553, %bitcast3A_554 : vector<32xbf16>
      %add3A_556 = arith.addf %add3A_544, %mul3A_555 : vector<32xbf16>
      %unpack3A = tpu.unpack_subelements %add3A_556, 0 {pack_format = #tpu.pack_format<interleaved>} : vector<32xbf16> -> vector<16xf32>
      %unpack3A_557 = tpu.unpack_subelements %add3A_556, 1 {pack_format = #tpu.pack_format<interleaved>} : vector<32xbf16> -> vector<16xf32>
      %add3A_558 = arith.addf %unpack3A, %unpack3A_557 : vector<16xf32>
      %broadcast_in_dim3A_559 = arith.constant 0.000000e+00 : bf16
      %broadcast_in_dim3A_560 = vector.broadcast %broadcast_in_dim3A_559 : bf16 to vector<32xbf16>
      %add3A_561 = arith.constant 0 : i32
      %add3A_562 = vector.broadcast %add3A_561 : i32 to vector<16xi32>
      %add3A_563 = arith.addi %gather3A_452, %add3A_562 : vector<16xi32>
      %gather3A_564 = tpu.vector_load_idx %arg6[%add3A_563] : memref<80000xi32, #tpu.memory_space<vmem>>[vector<16xi32>], vector<16xi32>,
      %add3A_565 = arith.constant 0 : i32
      %add3A_566 = vector.broadcast %add3A_565 : i32 to vector<16xi32>
      %add3A_567 = arith.addi %gather3A_460, %add3A_566 : vector<16xi32>
      %gather3A_568 = tpu.vector_load_idx %arg6[%add3A_567] : memref<80000xi32, #tpu.memory_space<vmem>>[vector<16xi32>], vector<16xi32>,
      %bitcast3A_569 = vector.bitcast %gather3A_564 : vector<16xi32> to vector<32xbf16>
      %bitcast3A_570 = vector.bitcast %gather3A_568 : vector<16xi32> to vector<32xbf16>
      %mul3A_571 = arith.mulf %bitcast3A_569, %bitcast3A_570 : vector<32xbf16>
      %add3A_572 = arith.addf %broadcast_in_dim3A_560, %mul3A_571 : vector<32xbf16>
      %add3A_573 = arith.constant 10000 : i32
      %add3A_574 = vector.broadcast %add3A_573 : i32 to vector<16xi32>
      %add3A_575 = arith.addi %gather3A_452, %add3A_574 : vector<16xi32>
      %gather3A_576 = tpu.vector_load_idx %arg6[%add3A_575] : memref<80000xi32, #tpu.memory_space<vmem>>[vector<16xi32>], vector<16xi32>,
      %add3A_577 = arith.constant 10000 : i32
      %add3A_578 = vector.broadcast %add3A_577 : i32 to vector<16xi32>
      %add3A_579 = arith.addi %gather3A_460, %add3A_578 : vector<16xi32>
      %gather3A_580 = tpu.vector_load_idx %arg6[%add3A_579] : memref<80000xi32, #tpu.memory_space<vmem>>[vector<16xi32>], vector<16xi32>,
      %bitcast3A_581 = vector.bitcast %gather3A_576 : vector<16xi32> to vector<32xbf16>
      %bitcast3A_582 = vector.bitcast %gather3A_580 : vector<16xi32> to vector<32xbf16>
      %mul3A_583 = arith.mulf %bitcast3A_581, %bitcast3A_582 : vector<32xbf16>
      %add3A_584 = arith.addf %add3A_572, %mul3A_583 : vector<32xbf16>
      %add3A_585 = arith.constant 20000 : i32
      %add3A_586 = vector.broadcast %add3A_585 : i32 to vector<16xi32>
      %add3A_587 = arith.addi %gather3A_452, %add3A_586 : vector<16xi32>
      %gather3A_588 = tpu.vector_load_idx %arg6[%add3A_587] : memref<80000xi32, #tpu.memory_space<vmem>>[vector<16xi32>], vector<16xi32>,
      %add3A_589 = arith.constant 20000 : i32
      %add3A_590 = vector.broadcast %add3A_589 : i32 to vector<16xi32>
      %add3A_591 = arith.addi %gather3A_460, %add3A_590 : vector<16xi32>
      %gather3A_592 = tpu.vector_load_idx %arg6[%add3A_591] : memref<80000xi32, #tpu.memory_space<vmem>>[vector<16xi32>], vector<16xi32>,
      %bitcast3A_593 = vector.bitcast %gather3A_588 : vector<16xi32> to vector<32xbf16>
      %bitcast3A_594 = vector.bitcast %gather3A_592 : vector<16xi32> to vector<32xbf16>
      %mul3A_595 = arith.mulf %bitcast3A_593, %bitcast3A_594 : vector<32xbf16>
      %add3A_596 = arith.addf %add3A_584, %mul3A_595 : vector<32xbf16>
      %add3A_597 = arith.constant 30000 : i32
      %add3A_598 = vector.broadcast %add3A_597 : i32 to vector<16xi32>
      %add3A_599 = arith.addi %gather3A_452, %add3A_598 : vector<16xi32>
      %gather3A_600 = tpu.vector_load_idx %arg6[%add3A_599] : memref<80000xi32, #tpu.memory_space<vmem>>[vector<16xi32>], vector<16xi32>,
      %add3A_601 = arith.constant 30000 : i32
      %add3A_602 = vector.broadcast %add3A_601 : i32 to vector<16xi32>
      %add3A_603 = arith.addi %gather3A_460, %add3A_602 : vector<16xi32>
      %gather3A_604 = tpu.vector_load_idx %arg6[%add3A_603] : memref<80000xi32, #tpu.memory_space<vmem>>[vector<16xi32>], vector<16xi32>,
      %bitcast3A_605 = vector.bitcast %gather3A_600 : vector<16xi32> to vector<32xbf16>
      %bitcast3A_606 = vector.bitcast %gather3A_604 : vector<16xi32> to vector<32xbf16>
      %mul3A_607 = arith.mulf %bitcast3A_605, %bitcast3A_606 : vector<32xbf16>
      %add3A_608 = arith.addf %add3A_596, %mul3A_607 : vector<32xbf16>
      %add3A_609 = arith.constant 40000 : i32
      %add3A_610 = vector.broadcast %add3A_609 : i32 to vector<16xi32>
      %add3A_611 = arith.addi %gather3A_452, %add3A_610 : vector<16xi32>
      %gather3A_612 = tpu.vector_load_idx %arg6[%add3A_611] : memref<80000xi32, #tpu.memory_space<vmem>>[vector<16xi32>], vector<16xi32>,
      %add3A_613 = arith.constant 40000 : i32
      %add3A_614 = vector.broadcast %add3A_613 : i32 to vector<16xi32>
      %add3A_615 = arith.addi %gather3A_460, %add3A_614 : vector<16xi32>
      %gather3A_616 = tpu.vector_load_idx %arg6[%add3A_615] : memref<80000xi32, #tpu.memory_space<vmem>>[vector<16xi32>], vector<16xi32>,
      %bitcast3A_617 = vector.bitcast %gather3A_612 : vector<16xi32> to vector<32xbf16>
      %bitcast3A_618 = vector.bitcast %gather3A_616 : vector<16xi32> to vector<32xbf16>
      %mul3A_619 = arith.mulf %bitcast3A_617, %bitcast3A_618 : vector<32xbf16>
      %add3A_620 = arith.addf %add3A_608, %mul3A_619 : vector<32xbf16>
      %add3A_621 = arith.constant 50000 : i32
      %add3A_622 = vector.broadcast %add3A_621 : i32 to vector<16xi32>
      %add3A_623 = arith.addi %gather3A_452, %add3A_622 : vector<16xi32>
      %gather3A_624 = tpu.vector_load_idx %arg6[%add3A_623] : memref<80000xi32, #tpu.memory_space<vmem>>[vector<16xi32>], vector<16xi32>,
      %add3A_625 = arith.constant 50000 : i32
      %add3A_626 = vector.broadcast %add3A_625 : i32 to vector<16xi32>
      %add3A_627 = arith.addi %gather3A_460, %add3A_626 : vector<16xi32>
      %gather3A_628 = tpu.vector_load_idx %arg6[%add3A_627] : memref<80000xi32, #tpu.memory_space<vmem>>[vector<16xi32>], vector<16xi32>,
      %bitcast3A_629 = vector.bitcast %gather3A_624 : vector<16xi32> to vector<32xbf16>
      %bitcast3A_630 = vector.bitcast %gather3A_628 : vector<16xi32> to vector<32xbf16>
      %mul3A_631 = arith.mulf %bitcast3A_629, %bitcast3A_630 : vector<32xbf16>
      %add3A_632 = arith.addf %add3A_620, %mul3A_631 : vector<32xbf16>
      %add3A_633 = arith.constant 60000 : i32
      %add3A_634 = vector.broadcast %add3A_633 : i32 to vector<16xi32>
      %add3A_635 = arith.addi %gather3A_452, %add3A_634 : vector<16xi32>
      %gather3A_636 = tpu.vector_load_idx %arg6[%add3A_635] : memref<80000xi32, #tpu.memory_space<vmem>>[vector<16xi32>], vector<16xi32>,
      %add3A_637 = arith.constant 60000 : i32
      %add3A_638 = vector.broadcast %add3A_637 : i32 to vector<16xi32>
      %add3A_639 = arith.addi %gather3A_460, %add3A_638 : vector<16xi32>
      %gather3A_640 = tpu.vector_load_idx %arg6[%add3A_639] : memref<80000xi32, #tpu.memory_space<vmem>>[vector<16xi32>], vector<16xi32>,
      %bitcast3A_641 = vector.bitcast %gather3A_636 : vector<16xi32> to vector<32xbf16>
      %bitcast3A_642 = vector.bitcast %gather3A_640 : vector<16xi32> to vector<32xbf16>
      %mul3A_643 = arith.mulf %bitcast3A_641, %bitcast3A_642 : vector<32xbf16>
      %add3A_644 = arith.addf %add3A_632, %mul3A_643 : vector<32xbf16>
      %add3A_645 = arith.constant 70000 : i32
      %add3A_646 = vector.broadcast %add3A_645 : i32 to vector<16xi32>
      %add3A_647 = arith.addi %gather3A_452, %add3A_646 : vector<16xi32>
      %gather3A_648 = tpu.vector_load_idx %arg6[%add3A_647] : memref<80000xi32, #tpu.memory_space<vmem>>[vector<16xi32>], vector<16xi32>,
      %add3A_649 = arith.constant 70000 : i32
      %add3A_650 = vector.broadcast %add3A_649 : i32 to vector<16xi32>
      %add3A_651 = arith.addi %gather3A_460, %add3A_650 : vector<16xi32>
      %gather3A_652 = tpu.vector_load_idx %arg6[%add3A_651] : memref<80000xi32, #tpu.memory_space<vmem>>[vector<16xi32>], vector<16xi32>,
      %bitcast3A_653 = vector.bitcast %gather3A_648 : vector<16xi32> to vector<32xbf16>
      %bitcast3A_654 = vector.bitcast %gather3A_652 : vector<16xi32> to vector<32xbf16>
      %mul3A_655 = arith.mulf %bitcast3A_653, %bitcast3A_654 : vector<32xbf16>
      %add3A_656 = arith.addf %add3A_644, %mul3A_655 : vector<32xbf16>
      %unpack3A_657 = tpu.unpack_subelements %add3A_656, 0 {pack_format = #tpu.pack_format<interleaved>} : vector<32xbf16> -> vector<16xf32>
      %unpack3A_658 = tpu.unpack_subelements %add3A_656, 1 {pack_format = #tpu.pack_format<interleaved>} : vector<32xbf16> -> vector<16xf32>
      %add3A_659 = arith.addf %unpack3A_657, %unpack3A_658 : vector<16xf32>
      %pack3A = tpu.pack_subelements %add3A_558, %add3A_659 {pack_format = #tpu.pack_format<interleaved>, positions = array<i32: 0, 1>} : vector<16xf32>, vector<16xf32> -> vector<32xbf16>
      %bitcast3A_660 = vector.bitcast %pack3A : vector<32xbf16> to vector<16xi32>
      %mul3A_661 = arith.constant 16 : i32
      %mul3A_662 = arith.muli %scan3A_443, %mul3A_661 : i32
      %multiple_of3A_663 = tpu.assume_multiple %mul3A_662, 16 : i32
      %swap3A = arith.index_cast %multiple_of3A_663 : i32 to index
      %swap3A_664 = tpu.vector_load %arg11[%swap3A] {strides = array<i32>} : memref<800xi32, #tpu.memory_space<vmem>>, vector<16xi32>,
      tpu.vector_store %arg11[%swap3A], %bitcast3A_660 {strides = array<i32>} : memref<800xi32, #tpu.memory_space<vmem>>, vector<16xi32>,
    }
    %scan3A_93 = arith.constant 50 : i32
    %multiple_of3A_94 = arith.constant 22400 : i32
    %multiple_of3A_95 = tpu.assume_multiple %multiple_of3A_94, 8 : i32
    %dma_start3A_96 = tpu.memref_slice %arg5[%select_n3A, %select_n3A_28, %multiple_of3A_95] : memref<2x8x24000xi32, #tpu.memory_space<vmem_shared>> -> memref<1x1x800xi32, #tpu.memory_space<vmem_shared>>
    %dma_start3A_97 = tpu.memref_squeeze %dma_start3A_96 : memref<1x1x800xi32, #tpu.memory_space<vmem_shared>> -> memref<800xi32, #tpu.memory_space<vmem_shared>>
    %dma_start3A_98 = tpu.memref_slice %arg5[%select_n3A, %select_n3A_28, %multiple_of3A_95] : memref<2x8x24000xi32, #tpu.memory_space<vmem_shared>> -> memref<1x1x800xi32, #tpu.memory_space<vmem_shared>>
    %dma_start3A_99 = tpu.memref_squeeze %dma_start3A_98 : memref<1x1x800xi32, #tpu.memory_space<vmem_shared>> -> memref<800xi32, #tpu.memory_space<vmem_shared>>
    tpu.enqueue_dma source(%arg11 : memref<800xi32, #tpu.memory_space<vmem>>) target(%dma_start3A_99 : memref<800xi32, #tpu.memory_space<vmem_shared>>) target_semaphore(%arg17 : memref<!tpu.dma_semaphore, #tpu.memory_space<semaphore_mem>>)
    %add3A_100 = arith.constant 46400 : i32
    %add3A_101 = arith.addi %mul3A_32, %add3A_100 : i32
    %multiple_of3A_102 = tpu.assume_multiple %add3A_101, 8 : i32
    %dma_wait3A_103 = arith.constant 0 : i32
    %dma_wait3A_104 = tpu.memref_slice %arg3[%dma_wait3A_103, %multiple_of3A_102] : memref<2x320000xi32, #tpu.memory_space<hbm>> -> memref<1x1600xi32, #tpu.memory_space<hbm>>
    %dma_wait3A_105 = tpu.memref_squeeze %dma_wait3A_104 : memref<1x1600xi32, #tpu.memory_space<hbm>> -> memref<1600xi32, #tpu.memory_space<hbm>>
    %dma_wait3A_106 = tpu.memref_slice %arg3[%dma_wait3A_103, %multiple_of3A_102] : memref<2x320000xi32, #tpu.memory_space<hbm>> -> memref<1x1600xi32, #tpu.memory_space<hbm>>
    %dma_wait3A_107 = tpu.memref_squeeze %dma_wait3A_106 : memref<1x1600xi32, #tpu.memory_space<hbm>> -> memref<1600xi32, #tpu.memory_space<hbm>>
    tpu.wait_dma2 semaphore(%arg16 : memref<!tpu.dma_semaphore, #tpu.memory_space<semaphore_mem>>) src(%dma_wait3A_107 : memref<1600xi32, #tpu.memory_space<hbm>>) dst(%arg8 : memref<1600xi32, #tpu.memory_space<vmem>>)
    %dma_wait3A_108 = arith.constant 1 : i32
    %dma_wait3A_109 = tpu.memref_slice %arg3[%dma_wait3A_108, %multiple_of3A_102] : memref<2x320000xi32, #tpu.memory_space<hbm>> -> memref<1x1600xi32, #tpu.memory_space<hbm>>
    %dma_wait3A_110 = tpu.memref_squeeze %dma_wait3A_109 : memref<1x1600xi32, #tpu.memory_space<hbm>> -> memref<1600xi32, #tpu.memory_space<hbm>>
    %dma_wait3A_111 = tpu.memref_slice %arg3[%dma_wait3A_108, %multiple_of3A_102] : memref<2x320000xi32, #tpu.memory_space<hbm>> -> memref<1x1600xi32, #tpu.memory_space<hbm>>
    %dma_wait3A_112 = tpu.memref_squeeze %dma_wait3A_111 : memref<1x1600xi32, #tpu.memory_space<hbm>> -> memref<1600xi32, #tpu.memory_space<hbm>>
    tpu.wait_dma2 semaphore(%arg16 : memref<!tpu.dma_semaphore, #tpu.memory_space<semaphore_mem>>) src(%dma_wait3A_112 : memref<1600xi32, #tpu.memory_space<hbm>>) dst(%arg10 : memref<1600xi32, #tpu.memory_space<vmem>>)
    %multiple_of3A_113 = arith.constant 21600 : i32
    %multiple_of3A_114 = tpu.assume_multiple %multiple_of3A_113, 8 : i32
    %dma_wait3A_115 = tpu.memref_slice %arg5[%select_n3A, %select_n3A_28, %multiple_of3A_114] : memref<2x8x24000xi32, #tpu.memory_space<vmem_shared>> -> memref<1x1x800xi32, #tpu.memory_space<vmem_shared>>
    %dma_wait3A_116 = tpu.memref_squeeze %dma_wait3A_115 : memref<1x1x800xi32, #tpu.memory_space<vmem_shared>> -> memref<800xi32, #tpu.memory_space<vmem_shared>>
    %dma_wait3A_117 = tpu.memref_slice %arg5[%select_n3A, %select_n3A_28, %multiple_of3A_114] : memref<2x8x24000xi32, #tpu.memory_space<vmem_shared>> -> memref<1x1x800xi32, #tpu.memory_space<vmem_shared>>
    %dma_wait3A_118 = tpu.memref_squeeze %dma_wait3A_117 : memref<1x1x800xi32, #tpu.memory_space<vmem_shared>> -> memref<800xi32, #tpu.memory_space<vmem_shared>>
    tpu.wait_dma2 semaphore(%arg18 : memref<!tpu.dma_semaphore, #tpu.memory_space<semaphore_mem>>) src(%arg12 : memref<800xi32, #tpu.memory_space<vmem>>) dst(%dma_wait3A_118 : memref<800xi32, #tpu.memory_space<vmem_shared>>)
    %scan3A_119 = arith.constant 0 : i32
    %scan3A_120 = arith.constant 0 : i32
    %scan3A_121 = arith.constant 50 : i32
    %scan3A_122 = arith.addi %scan3A_120, %scan3A_121 : i32
    %scan3A_123 = arith.constant 1 : i32
    scf.for %scan3A_443 = %scan3A_120 to %scan3A_122 step %scan3A_123  : i32 {
      %mul3A_444 = arith.constant 32 : i32
      %mul3A_445 = arith.muli %scan3A_443, %mul3A_444 : i32
      %add3A_446 = vector.broadcast %mul3A_445 : i32 to vector<16xi32>
      %add3A_447 = arith.addi %mul3A_39, %add3A_446 : vector<16xi32>
      %gather3A = tpu.vector_load_idx %arg8[%add3A_447] : memref<1600xi32, #tpu.memory_space<vmem>>[vector<16xi32>], vector<16xi32>,
      %add3A_448 = arith.constant 1 : i32
      %add3A_449 = arith.addi %mul3A_445, %add3A_448 : i32
      %add3A_450 = vector.broadcast %add3A_449 : i32 to vector<16xi32>
      %add3A_451 = arith.addi %mul3A_39, %add3A_450 : vector<16xi32>
      %gather3A_452 = tpu.vector_load_idx %arg8[%add3A_451] : memref<1600xi32, #tpu.memory_space<vmem>>[vector<16xi32>], vector<16xi32>,
      %add3A_453 = vector.broadcast %mul3A_445 : i32 to vector<16xi32>
      %add3A_454 = arith.addi %mul3A_39, %add3A_453 : vector<16xi32>
      %gather3A_455 = tpu.vector_load_idx %arg10[%add3A_454] : memref<1600xi32, #tpu.memory_space<vmem>>[vector<16xi32>], vector<16xi32>,
      %add3A_456 = arith.constant 1 : i32
      %add3A_457 = arith.addi %mul3A_445, %add3A_456 : i32
      %add3A_458 = vector.broadcast %add3A_457 : i32 to vector<16xi32>
      %add3A_459 = arith.addi %mul3A_39, %add3A_458 : vector<16xi32>
      %gather3A_460 = tpu.vector_load_idx %arg10[%add3A_459] : memref<1600xi32, #tpu.memory_space<vmem>>[vector<16xi32>], vector<16xi32>,
      %broadcast_in_dim3A = arith.constant 0.000000e+00 : bf16
      %broadcast_in_dim3A_461 = vector.broadcast %broadcast_in_dim3A : bf16 to vector<32xbf16>
      %add3A_462 = arith.constant 0 : i32
      %add3A_463 = vector.broadcast %add3A_462 : i32 to vector<16xi32>
      %add3A_464 = arith.addi %gather3A, %add3A_463 : vector<16xi32>
      %gather3A_465 = tpu.vector_load_idx %arg6[%add3A_464] : memref<80000xi32, #tpu.memory_space<vmem>>[vector<16xi32>], vector<16xi32>,
      %add3A_466 = arith.constant 0 : i32
      %add3A_467 = vector.broadcast %add3A_466 : i32 to vector<16xi32>
      %add3A_468 = arith.addi %gather3A_455, %add3A_467 : vector<16xi32>
      %gather3A_469 = tpu.vector_load_idx %arg6[%add3A_468] : memref<80000xi32, #tpu.memory_space<vmem>>[vector<16xi32>], vector<16xi32>,
      %bitcast3A = vector.bitcast %gather3A_465 : vector<16xi32> to vector<32xbf16>
      %bitcast3A_470 = vector.bitcast %gather3A_469 : vector<16xi32> to vector<32xbf16>
      %mul3A_471 = arith.mulf %bitcast3A, %bitcast3A_470 : vector<32xbf16>
      %add3A_472 = arith.addf %broadcast_in_dim3A_461, %mul3A_471 : vector<32xbf16>
      %add3A_473 = arith.constant 10000 : i32
      %add3A_474 = vector.broadcast %add3A_473 : i32 to vector<16xi32>
      %add3A_475 = arith.addi %gather3A, %add3A_474 : vector<16xi32>
      %gather3A_476 = tpu.vector_load_idx %arg6[%add3A_475] : memref<80000xi32, #tpu.memory_space<vmem>>[vector<16xi32>], vector<16xi32>,
      %add3A_477 = arith.constant 10000 : i32
      %add3A_478 = vector.broadcast %add3A_477 : i32 to vector<16xi32>
      %add3A_479 = arith.addi %gather3A_455, %add3A_478 : vector<16xi32>
      %gather3A_480 = tpu.vector_load_idx %arg6[%add3A_479] : memref<80000xi32, #tpu.memory_space<vmem>>[vector<16xi32>], vector<16xi32>,
      %bitcast3A_481 = vector.bitcast %gather3A_476 : vector<16xi32> to vector<32xbf16>
      %bitcast3A_482 = vector.bitcast %gather3A_480 : vector<16xi32> to vector<32xbf16>
      %mul3A_483 = arith.mulf %bitcast3A_481, %bitcast3A_482 : vector<32xbf16>
      %add3A_484 = arith.addf %add3A_472, %mul3A_483 : vector<32xbf16>
      %add3A_485 = arith.constant 20000 : i32
      %add3A_486 = vector.broadcast %add3A_485 : i32 to vector<16xi32>
      %add3A_487 = arith.addi %gather3A, %add3A_486 : vector<16xi32>
      %gather3A_488 = tpu.vector_load_idx %arg6[%add3A_487] : memref<80000xi32, #tpu.memory_space<vmem>>[vector<16xi32>], vector<16xi32>,
      %add3A_489 = arith.constant 20000 : i32
      %add3A_490 = vector.broadcast %add3A_489 : i32 to vector<16xi32>
      %add3A_491 = arith.addi %gather3A_455, %add3A_490 : vector<16xi32>
      %gather3A_492 = tpu.vector_load_idx %arg6[%add3A_491] : memref<80000xi32, #tpu.memory_space<vmem>>[vector<16xi32>], vector<16xi32>,
      %bitcast3A_493 = vector.bitcast %gather3A_488 : vector<16xi32> to vector<32xbf16>
      %bitcast3A_494 = vector.bitcast %gather3A_492 : vector<16xi32> to vector<32xbf16>
      %mul3A_495 = arith.mulf %bitcast3A_493, %bitcast3A_494 : vector<32xbf16>
      %add3A_496 = arith.addf %add3A_484, %mul3A_495 : vector<32xbf16>
      %add3A_497 = arith.constant 30000 : i32
      %add3A_498 = vector.broadcast %add3A_497 : i32 to vector<16xi32>
      %add3A_499 = arith.addi %gather3A, %add3A_498 : vector<16xi32>
      %gather3A_500 = tpu.vector_load_idx %arg6[%add3A_499] : memref<80000xi32, #tpu.memory_space<vmem>>[vector<16xi32>], vector<16xi32>,
      %add3A_501 = arith.constant 30000 : i32
      %add3A_502 = vector.broadcast %add3A_501 : i32 to vector<16xi32>
      %add3A_503 = arith.addi %gather3A_455, %add3A_502 : vector<16xi32>
      %gather3A_504 = tpu.vector_load_idx %arg6[%add3A_503] : memref<80000xi32, #tpu.memory_space<vmem>>[vector<16xi32>], vector<16xi32>,
      %bitcast3A_505 = vector.bitcast %gather3A_500 : vector<16xi32> to vector<32xbf16>
      %bitcast3A_506 = vector.bitcast %gather3A_504 : vector<16xi32> to vector<32xbf16>
      %mul3A_507 = arith.mulf %bitcast3A_505, %bitcast3A_506 : vector<32xbf16>
      %add3A_508 = arith.addf %add3A_496, %mul3A_507 : vector<32xbf16>
      %add3A_509 = arith.constant 40000 : i32
      %add3A_510 = vector.broadcast %add3A_509 : i32 to vector<16xi32>
      %add3A_511 = arith.addi %gather3A, %add3A_510 : vector<16xi32>
      %gather3A_512 = tpu.vector_load_idx %arg6[%add3A_511] : memref<80000xi32, #tpu.memory_space<vmem>>[vector<16xi32>], vector<16xi32>,
      %add3A_513 = arith.constant 40000 : i32
      %add3A_514 = vector.broadcast %add3A_513 : i32 to vector<16xi32>
      %add3A_515 = arith.addi %gather3A_455, %add3A_514 : vector<16xi32>
      %gather3A_516 = tpu.vector_load_idx %arg6[%add3A_515] : memref<80000xi32, #tpu.memory_space<vmem>>[vector<16xi32>], vector<16xi32>,
      %bitcast3A_517 = vector.bitcast %gather3A_512 : vector<16xi32> to vector<32xbf16>
      %bitcast3A_518 = vector.bitcast %gather3A_516 : vector<16xi32> to vector<32xbf16>
      %mul3A_519 = arith.mulf %bitcast3A_517, %bitcast3A_518 : vector<32xbf16>
      %add3A_520 = arith.addf %add3A_508, %mul3A_519 : vector<32xbf16>
      %add3A_521 = arith.constant 50000 : i32
      %add3A_522 = vector.broadcast %add3A_521 : i32 to vector<16xi32>
      %add3A_523 = arith.addi %gather3A, %add3A_522 : vector<16xi32>
      %gather3A_524 = tpu.vector_load_idx %arg6[%add3A_523] : memref<80000xi32, #tpu.memory_space<vmem>>[vector<16xi32>], vector<16xi32>,
      %add3A_525 = arith.constant 50000 : i32
      %add3A_526 = vector.broadcast %add3A_525 : i32 to vector<16xi32>
      %add3A_527 = arith.addi %gather3A_455, %add3A_526 : vector<16xi32>
      %gather3A_528 = tpu.vector_load_idx %arg6[%add3A_527] : memref<80000xi32, #tpu.memory_space<vmem>>[vector<16xi32>], vector<16xi32>,
      %bitcast3A_529 = vector.bitcast %gather3A_524 : vector<16xi32> to vector<32xbf16>
      %bitcast3A_530 = vector.bitcast %gather3A_528 : vector<16xi32> to vector<32xbf16>
      %mul3A_531 = arith.mulf %bitcast3A_529, %bitcast3A_530 : vector<32xbf16>
      %add3A_532 = arith.addf %add3A_520, %mul3A_531 : vector<32xbf16>
      %add3A_533 = arith.constant 60000 : i32
      %add3A_534 = vector.broadcast %add3A_533 : i32 to vector<16xi32>
      %add3A_535 = arith.addi %gather3A, %add3A_534 : vector<16xi32>
      %gather3A_536 = tpu.vector_load_idx %arg6[%add3A_535] : memref<80000xi32, #tpu.memory_space<vmem>>[vector<16xi32>], vector<16xi32>,
      %add3A_537 = arith.constant 60000 : i32
      %add3A_538 = vector.broadcast %add3A_537 : i32 to vector<16xi32>
      %add3A_539 = arith.addi %gather3A_455, %add3A_538 : vector<16xi32>
      %gather3A_540 = tpu.vector_load_idx %arg6[%add3A_539] : memref<80000xi32, #tpu.memory_space<vmem>>[vector<16xi32>], vector<16xi32>,
      %bitcast3A_541 = vector.bitcast %gather3A_536 : vector<16xi32> to vector<32xbf16>
      %bitcast3A_542 = vector.bitcast %gather3A_540 : vector<16xi32> to vector<32xbf16>
      %mul3A_543 = arith.mulf %bitcast3A_541, %bitcast3A_542 : vector<32xbf16>
      %add3A_544 = arith.addf %add3A_532, %mul3A_543 : vector<32xbf16>
      %add3A_545 = arith.constant 70000 : i32
      %add3A_546 = vector.broadcast %add3A_545 : i32 to vector<16xi32>
      %add3A_547 = arith.addi %gather3A, %add3A_546 : vector<16xi32>
      %gather3A_548 = tpu.vector_load_idx %arg6[%add3A_547] : memref<80000xi32, #tpu.memory_space<vmem>>[vector<16xi32>], vector<16xi32>,
      %add3A_549 = arith.constant 70000 : i32
      %add3A_550 = vector.broadcast %add3A_549 : i32 to vector<16xi32>
      %add3A_551 = arith.addi %gather3A_455, %add3A_550 : vector<16xi32>
      %gather3A_552 = tpu.vector_load_idx %arg6[%add3A_551] : memref<80000xi32, #tpu.memory_space<vmem>>[vector<16xi32>], vector<16xi32>,
      %bitcast3A_553 = vector.bitcast %gather3A_548 : vector<16xi32> to vector<32xbf16>
      %bitcast3A_554 = vector.bitcast %gather3A_552 : vector<16xi32> to vector<32xbf16>
      %mul3A_555 = arith.mulf %bitcast3A_553, %bitcast3A_554 : vector<32xbf16>
      %add3A_556 = arith.addf %add3A_544, %mul3A_555 : vector<32xbf16>
      %unpack3A = tpu.unpack_subelements %add3A_556, 0 {pack_format = #tpu.pack_format<interleaved>} : vector<32xbf16> -> vector<16xf32>
      %unpack3A_557 = tpu.unpack_subelements %add3A_556, 1 {pack_format = #tpu.pack_format<interleaved>} : vector<32xbf16> -> vector<16xf32>
      %add3A_558 = arith.addf %unpack3A, %unpack3A_557 : vector<16xf32>
      %broadcast_in_dim3A_559 = arith.constant 0.000000e+00 : bf16
      %broadcast_in_dim3A_560 = vector.broadcast %broadcast_in_dim3A_559 : bf16 to vector<32xbf16>
      %add3A_561 = arith.constant 0 : i32
      %add3A_562 = vector.broadcast %add3A_561 : i32 to vector<16xi32>
      %add3A_563 = arith.addi %gather3A_452, %add3A_562 : vector<16xi32>
      %gather3A_564 = tpu.vector_load_idx %arg6[%add3A_563] : memref<80000xi32, #tpu.memory_space<vmem>>[vector<16xi32>], vector<16xi32>,
      %add3A_565 = arith.constant 0 : i32
      %add3A_566 = vector.broadcast %add3A_565 : i32 to vector<16xi32>
      %add3A_567 = arith.addi %gather3A_460, %add3A_566 : vector<16xi32>
      %gather3A_568 = tpu.vector_load_idx %arg6[%add3A_567] : memref<80000xi32, #tpu.memory_space<vmem>>[vector<16xi32>], vector<16xi32>,
      %bitcast3A_569 = vector.bitcast %gather3A_564 : vector<16xi32> to vector<32xbf16>
      %bitcast3A_570 = vector.bitcast %gather3A_568 : vector<16xi32> to vector<32xbf16>
      %mul3A_571 = arith.mulf %bitcast3A_569, %bitcast3A_570 : vector<32xbf16>
      %add3A_572 = arith.addf %broadcast_in_dim3A_560, %mul3A_571 : vector<32xbf16>
      %add3A_573 = arith.constant 10000 : i32
      %add3A_574 = vector.broadcast %add3A_573 : i32 to vector<16xi32>
      %add3A_575 = arith.addi %gather3A_452, %add3A_574 : vector<16xi32>
      %gather3A_576 = tpu.vector_load_idx %arg6[%add3A_575] : memref<80000xi32, #tpu.memory_space<vmem>>[vector<16xi32>], vector<16xi32>,
      %add3A_577 = arith.constant 10000 : i32
      %add3A_578 = vector.broadcast %add3A_577 : i32 to vector<16xi32>
      %add3A_579 = arith.addi %gather3A_460, %add3A_578 : vector<16xi32>
      %gather3A_580 = tpu.vector_load_idx %arg6[%add3A_579] : memref<80000xi32, #tpu.memory_space<vmem>>[vector<16xi32>], vector<16xi32>,
      %bitcast3A_581 = vector.bitcast %gather3A_576 : vector<16xi32> to vector<32xbf16>
      %bitcast3A_582 = vector.bitcast %gather3A_580 : vector<16xi32> to vector<32xbf16>
      %mul3A_583 = arith.mulf %bitcast3A_581, %bitcast3A_582 : vector<32xbf16>
      %add3A_584 = arith.addf %add3A_572, %mul3A_583 : vector<32xbf16>
      %add3A_585 = arith.constant 20000 : i32
      %add3A_586 = vector.broadcast %add3A_585 : i32 to vector<16xi32>
      %add3A_587 = arith.addi %gather3A_452, %add3A_586 : vector<16xi32>
      %gather3A_588 = tpu.vector_load_idx %arg6[%add3A_587] : memref<80000xi32, #tpu.memory_space<vmem>>[vector<16xi32>], vector<16xi32>,
      %add3A_589 = arith.constant 20000 : i32
      %add3A_590 = vector.broadcast %add3A_589 : i32 to vector<16xi32>
      %add3A_591 = arith.addi %gather3A_460, %add3A_590 : vector<16xi32>
      %gather3A_592 = tpu.vector_load_idx %arg6[%add3A_591] : memref<80000xi32, #tpu.memory_space<vmem>>[vector<16xi32>], vector<16xi32>,
      %bitcast3A_593 = vector.bitcast %gather3A_588 : vector<16xi32> to vector<32xbf16>
      %bitcast3A_594 = vector.bitcast %gather3A_592 : vector<16xi32> to vector<32xbf16>
      %mul3A_595 = arith.mulf %bitcast3A_593, %bitcast3A_594 : vector<32xbf16>
      %add3A_596 = arith.addf %add3A_584, %mul3A_595 : vector<32xbf16>
      %add3A_597 = arith.constant 30000 : i32
      %add3A_598 = vector.broadcast %add3A_597 : i32 to vector<16xi32>
      %add3A_599 = arith.addi %gather3A_452, %add3A_598 : vector<16xi32>
      %gather3A_600 = tpu.vector_load_idx %arg6[%add3A_599] : memref<80000xi32, #tpu.memory_space<vmem>>[vector<16xi32>], vector<16xi32>,
      %add3A_601 = arith.constant 30000 : i32
      %add3A_602 = vector.broadcast %add3A_601 : i32 to vector<16xi32>
      %add3A_603 = arith.addi %gather3A_460, %add3A_602 : vector<16xi32>
      %gather3A_604 = tpu.vector_load_idx %arg6[%add3A_603] : memref<80000xi32, #tpu.memory_space<vmem>>[vector<16xi32>], vector<16xi32>,
      %bitcast3A_605 = vector.bitcast %gather3A_600 : vector<16xi32> to vector<32xbf16>
      %bitcast3A_606 = vector.bitcast %gather3A_604 : vector<16xi32> to vector<32xbf16>
      %mul3A_607 = arith.mulf %bitcast3A_605, %bitcast3A_606 : vector<32xbf16>
      %add3A_608 = arith.addf %add3A_596, %mul3A_607 : vector<32xbf16>
      %add3A_609 = arith.constant 40000 : i32
      %add3A_610 = vector.broadcast %add3A_609 : i32 to vector<16xi32>
      %add3A_611 = arith.addi %gather3A_452, %add3A_610 : vector<16xi32>
      %gather3A_612 = tpu.vector_load_idx %arg6[%add3A_611] : memref<80000xi32, #tpu.memory_space<vmem>>[vector<16xi32>], vector<16xi32>,
      %add3A_613 = arith.constant 40000 : i32
      %add3A_614 = vector.broadcast %add3A_613 : i32 to vector<16xi32>
      %add3A_615 = arith.addi %gather3A_460, %add3A_614 : vector<16xi32>
      %gather3A_616 = tpu.vector_load_idx %arg6[%add3A_615] : memref<80000xi32, #tpu.memory_space<vmem>>[vector<16xi32>], vector<16xi32>,
      %bitcast3A_617 = vector.bitcast %gather3A_612 : vector<16xi32> to vector<32xbf16>
      %bitcast3A_618 = vector.bitcast %gather3A_616 : vector<16xi32> to vector<32xbf16>
      %mul3A_619 = arith.mulf %bitcast3A_617, %bitcast3A_618 : vector<32xbf16>
      %add3A_620 = arith.addf %add3A_608, %mul3A_619 : vector<32xbf16>
      %add3A_621 = arith.constant 50000 : i32
      %add3A_622 = vector.broadcast %add3A_621 : i32 to vector<16xi32>
      %add3A_623 = arith.addi %gather3A_452, %add3A_622 : vector<16xi32>
      %gather3A_624 = tpu.vector_load_idx %arg6[%add3A_623] : memref<80000xi32, #tpu.memory_space<vmem>>[vector<16xi32>], vector<16xi32>,
      %add3A_625 = arith.constant 50000 : i32
      %add3A_626 = vector.broadcast %add3A_625 : i32 to vector<16xi32>
      %add3A_627 = arith.addi %gather3A_460, %add3A_626 : vector<16xi32>
      %gather3A_628 = tpu.vector_load_idx %arg6[%add3A_627] : memref<80000xi32, #tpu.memory_space<vmem>>[vector<16xi32>], vector<16xi32>,
      %bitcast3A_629 = vector.bitcast %gather3A_624 : vector<16xi32> to vector<32xbf16>
      %bitcast3A_630 = vector.bitcast %gather3A_628 : vector<16xi32> to vector<32xbf16>
      %mul3A_631 = arith.mulf %bitcast3A_629, %bitcast3A_630 : vector<32xbf16>
      %add3A_632 = arith.addf %add3A_620, %mul3A_631 : vector<32xbf16>
      %add3A_633 = arith.constant 60000 : i32
      %add3A_634 = vector.broadcast %add3A_633 : i32 to vector<16xi32>
      %add3A_635 = arith.addi %gather3A_452, %add3A_634 : vector<16xi32>
      %gather3A_636 = tpu.vector_load_idx %arg6[%add3A_635] : memref<80000xi32, #tpu.memory_space<vmem>>[vector<16xi32>], vector<16xi32>,
      %add3A_637 = arith.constant 60000 : i32
      %add3A_638 = vector.broadcast %add3A_637 : i32 to vector<16xi32>
      %add3A_639 = arith.addi %gather3A_460, %add3A_638 : vector<16xi32>
      %gather3A_640 = tpu.vector_load_idx %arg6[%add3A_639] : memref<80000xi32, #tpu.memory_space<vmem>>[vector<16xi32>], vector<16xi32>,
      %bitcast3A_641 = vector.bitcast %gather3A_636 : vector<16xi32> to vector<32xbf16>
      %bitcast3A_642 = vector.bitcast %gather3A_640 : vector<16xi32> to vector<32xbf16>
      %mul3A_643 = arith.mulf %bitcast3A_641, %bitcast3A_642 : vector<32xbf16>
      %add3A_644 = arith.addf %add3A_632, %mul3A_643 : vector<32xbf16>
      %add3A_645 = arith.constant 70000 : i32
      %add3A_646 = vector.broadcast %add3A_645 : i32 to vector<16xi32>
      %add3A_647 = arith.addi %gather3A_452, %add3A_646 : vector<16xi32>
      %gather3A_648 = tpu.vector_load_idx %arg6[%add3A_647] : memref<80000xi32, #tpu.memory_space<vmem>>[vector<16xi32>], vector<16xi32>,
      %add3A_649 = arith.constant 70000 : i32
      %add3A_650 = vector.broadcast %add3A_649 : i32 to vector<16xi32>
      %add3A_651 = arith.addi %gather3A_460, %add3A_650 : vector<16xi32>
      %gather3A_652 = tpu.vector_load_idx %arg6[%add3A_651] : memref<80000xi32, #tpu.memory_space<vmem>>[vector<16xi32>], vector<16xi32>,
      %bitcast3A_653 = vector.bitcast %gather3A_648 : vector<16xi32> to vector<32xbf16>
      %bitcast3A_654 = vector.bitcast %gather3A_652 : vector<16xi32> to vector<32xbf16>
      %mul3A_655 = arith.mulf %bitcast3A_653, %bitcast3A_654 : vector<32xbf16>
      %add3A_656 = arith.addf %add3A_644, %mul3A_655 : vector<32xbf16>
      %unpack3A_657 = tpu.unpack_subelements %add3A_656, 0 {pack_format = #tpu.pack_format<interleaved>} : vector<32xbf16> -> vector<16xf32>
      %unpack3A_658 = tpu.unpack_subelements %add3A_656, 1 {pack_format = #tpu.pack_format<interleaved>} : vector<32xbf16> -> vector<16xf32>
      %add3A_659 = arith.addf %unpack3A_657, %unpack3A_658 : vector<16xf32>
      %pack3A = tpu.pack_subelements %add3A_558, %add3A_659 {pack_format = #tpu.pack_format<interleaved>, positions = array<i32: 0, 1>} : vector<16xf32>, vector<16xf32> -> vector<32xbf16>
      %bitcast3A_660 = vector.bitcast %pack3A : vector<32xbf16> to vector<16xi32>
      %mul3A_661 = arith.constant 16 : i32
      %mul3A_662 = arith.muli %scan3A_443, %mul3A_661 : i32
      %multiple_of3A_663 = tpu.assume_multiple %mul3A_662, 16 : i32
      %swap3A = arith.index_cast %multiple_of3A_663 : i32 to index
      %swap3A_664 = tpu.vector_load %arg12[%swap3A] {strides = array<i32>} : memref<800xi32, #tpu.memory_space<vmem>>, vector<16xi32>,
      tpu.vector_store %arg12[%swap3A], %bitcast3A_660 {strides = array<i32>} : memref<800xi32, #tpu.memory_space<vmem>>, vector<16xi32>,
    }
    %scan3A_124 = arith.constant 50 : i32
    %multiple_of3A_125 = arith.constant 23200 : i32
    %multiple_of3A_126 = tpu.assume_multiple %multiple_of3A_125, 8 : i32
    %dma_start3A_127 = tpu.memref_slice %arg5[%select_n3A, %select_n3A_28, %multiple_of3A_126] : memref<2x8x24000xi32, #tpu.memory_space<vmem_shared>> -> memref<1x1x800xi32, #tpu.memory_space<vmem_shared>>
    %dma_start3A_128 = tpu.memref_squeeze %dma_start3A_127 : memref<1x1x800xi32, #tpu.memory_space<vmem_shared>> -> memref<800xi32, #tpu.memory_space<vmem_shared>>
    %dma_start3A_129 = tpu.memref_slice %arg5[%select_n3A, %select_n3A_28, %multiple_of3A_126] : memref<2x8x24000xi32, #tpu.memory_space<vmem_shared>> -> memref<1x1x800xi32, #tpu.memory_space<vmem_shared>>
    %dma_start3A_130 = tpu.memref_squeeze %dma_start3A_129 : memref<1x1x800xi32, #tpu.memory_space<vmem_shared>> -> memref<800xi32, #tpu.memory_space<vmem_shared>>
    tpu.enqueue_dma source(%arg12 : memref<800xi32, #tpu.memory_space<vmem>>) target(%dma_start3A_130 : memref<800xi32, #tpu.memory_space<vmem_shared>>) target_semaphore(%arg18 : memref<!tpu.dma_semaphore, #tpu.memory_space<semaphore_mem>>)
    %multiple_of3A_131 = arith.constant 22400 : i32
    %multiple_of3A_132 = tpu.assume_multiple %multiple_of3A_131, 8 : i32
    %dma_wait3A_133 = tpu.memref_slice %arg5[%select_n3A, %select_n3A_28, %multiple_of3A_132] : memref<2x8x24000xi32, #tpu.memory_space<vmem_shared>> -> memref<1x1x800xi32, #tpu.memory_space<vmem_shared>>
    %dma_wait3A_134 = tpu.memref_squeeze %dma_wait3A_133 : memref<1x1x800xi32, #tpu.memory_space<vmem_shared>> -> memref<800xi32, #tpu.memory_space<vmem_shared>>
    %dma_wait3A_135 = tpu.memref_slice %arg5[%select_n3A, %select_n3A_28, %multiple_of3A_132] : memref<2x8x24000xi32, #tpu.memory_space<vmem_shared>> -> memref<1x1x800xi32, #tpu.memory_space<vmem_shared>>
    %dma_wait3A_136 = tpu.memref_squeeze %dma_wait3A_135 : memref<1x1x800xi32, #tpu.memory_space<vmem_shared>> -> memref<800xi32, #tpu.memory_space<vmem_shared>>
    tpu.wait_dma2 semaphore(%arg17 : memref<!tpu.dma_semaphore, #tpu.memory_space<semaphore_mem>>) src(%arg11 : memref<800xi32, #tpu.memory_space<vmem>>) dst(%dma_wait3A_136 : memref<800xi32, #tpu.memory_space<vmem_shared>>)
    %multiple_of3A_137 = arith.constant 23200 : i32
    %multiple_of3A_138 = tpu.assume_multiple %multiple_of3A_137, 8 : i32
    %dma_wait3A_139 = tpu.memref_slice %arg5[%select_n3A, %select_n3A_28, %multiple_of3A_138] : memref<2x8x24000xi32, #tpu.memory_space<vmem_shared>> -> memref<1x1x800xi32, #tpu.memory_space<vmem_shared>>
    %dma_wait3A_140 = tpu.memref_squeeze %dma_wait3A_139 : memref<1x1x800xi32, #tpu.memory_space<vmem_shared>> -> memref<800xi32, #tpu.memory_space<vmem_shared>>
    %dma_wait3A_141 = tpu.memref_slice %arg5[%select_n3A, %select_n3A_28, %multiple_of3A_138] : memref<2x8x24000xi32, #tpu.memory_space<vmem_shared>> -> memref<1x1x800xi32, #tpu.memory_space<vmem_shared>>
    %dma_wait3A_142 = tpu.memref_squeeze %dma_wait3A_141 : memref<1x1x800xi32, #tpu.memory_space<vmem_shared>> -> memref<800xi32, #tpu.memory_space<vmem_shared>>
    tpu.wait_dma2 semaphore(%arg18 : memref<!tpu.dma_semaphore, #tpu.memory_space<semaphore_mem>>) src(%arg12 : memref<800xi32, #tpu.memory_space<vmem>>) dst(%dma_wait3A_142 : memref<800xi32, #tpu.memory_space<vmem_shared>>)
    %barrier3A = arith.constant 0 : index
    tpu.barrier barrier_id(%barrier3A)
    %mul3A_143 = arith.constant 6000 : i32
    %mul3A_144 = arith.muli %select_n3A_28, %mul3A_143 : i32
    %add3A_145 = arith.constant 0 : i32
    %add3A_146 = arith.addi %mul3A_144, %add3A_145 : i32
    %jit3A_147 = arith.constant 2 : i32
    %div3A_148 = arith.divsi %add3A_146, %jit3A_147 : i32
    %sign3A_149 = arith.constant 0 : i32
    %sign3A_150 = arith.cmpi sgt, %add3A_146, %sign3A_149 : i32
    %sign3A_151 = arith.extui %sign3A_150 : i1 to i32
    %sign3A_152 = arith.constant 0 : i32
    %sign3A_153 = arith.cmpi slt, %add3A_146, %sign3A_152 : i32
    %sign3A_154 = arith.extui %sign3A_153 : i1 to i32
    %sign3A_155 = arith.subi %sign3A_151, %sign3A_154 : i32
    %sign3A_156 = arith.constant 0 : i32
    %sign3A_157 = arith.cmpi sgt, %jit3A_147, %sign3A_156 : i32
    %sign3A_158 = arith.extui %sign3A_157 : i1 to i32
    %sign3A_159 = arith.constant 0 : i32
    %sign3A_160 = arith.cmpi slt, %jit3A_147, %sign3A_159 : i32
    %sign3A_161 = arith.extui %sign3A_160 : i1 to i32
    %sign3A_162 = arith.subi %sign3A_158, %sign3A_161 : i32
    %ne3A_163 = arith.cmpi ne, %sign3A_155, %sign3A_162 : i32
    %rem3A_164 = arith.remsi %add3A_146, %jit3A_147 : i32
    %ne3A_165 = arith.constant 0 : i32
    %ne3A_166 = arith.cmpi ne, %rem3A_164, %ne3A_165 : i32
    %and3A_167 = arith.andi %ne3A_163, %ne3A_166 : i1
    %sub3A_168 = arith.constant 1 : i32
    %sub3A_169 = arith.subi %div3A_148, %sub3A_168 : i32
    %select_n3A_170 = arith.select %and3A_167, %sub3A_169, %div3A_148 : i32
    %multiple_of3A_171 = tpu.assume_multiple %select_n3A_170, 8 : i32
    "tpu.region"() ({
      %run_scoped3A = tpu.sem_alloc : memref<!tpu.dma_semaphore, #tpu.memory_space<semaphore_mem>>
      %dma_start3A_443 = arith.constant 0 : i32
      %dma_start3A_444 = tpu.memref_slice %arg5[%select_n3A, %dma_start3A_443, %multiple_of3A_171] : memref<2x8x24000xi32, #tpu.memory_space<vmem_shared>> -> memref<1x8x1000xi32, #tpu.memory_space<vmem_shared>>
      %dma_start3A_445 = tpu.memref_squeeze %dma_start3A_444 : memref<1x8x1000xi32, #tpu.memory_space<vmem_shared>> -> memref<8x1000xi32, #tpu.memory_space<vmem_shared>>
      %dma_start3A_446 = arith.constant 0 : i32
      %dma_start3A_447 = tpu.memref_slice %arg5[%select_n3A, %dma_start3A_446, %multiple_of3A_171] : memref<2x8x24000xi32, #tpu.memory_space<vmem_shared>> -> memref<1x8x1000xi32, #tpu.memory_space<vmem_shared>>
      %dma_start3A_448 = tpu.memref_squeeze %dma_start3A_447 : memref<1x8x1000xi32, #tpu.memory_space<vmem_shared>> -> memref<8x1000xi32, #tpu.memory_space<vmem_shared>>
      tpu.enqueue_dma source(%dma_start3A_448 : memref<8x1000xi32, #tpu.memory_space<vmem_shared>>) target(%arg13 : memref<8x1000xi32, #tpu.memory_space<vmem>>) target_semaphore(%run_scoped3A : memref<!tpu.dma_semaphore, #tpu.memory_space<semaphore_mem>>)
      %dma_wait3A_449 = arith.constant 0 : i32
      %dma_wait3A_450 = tpu.memref_slice %arg5[%select_n3A, %dma_wait3A_449, %multiple_of3A_171] : memref<2x8x24000xi32, #tpu.memory_space<vmem_shared>> -> memref<1x8x1000xi32, #tpu.memory_space<vmem_shared>>
      %dma_wait3A_451 = tpu.memref_squeeze %dma_wait3A_450 : memref<1x8x1000xi32, #tpu.memory_space<vmem_shared>> -> memref<8x1000xi32, #tpu.memory_space<vmem_shared>>
      %dma_wait3A_452 = arith.constant 0 : i32
      %dma_wait3A_453 = tpu.memref_slice %arg5[%select_n3A, %dma_wait3A_452, %multiple_of3A_171] : memref<2x8x24000xi32, #tpu.memory_space<vmem_shared>> -> memref<1x8x1000xi32, #tpu.memory_space<vmem_shared>>
      %dma_wait3A_454 = tpu.memref_squeeze %dma_wait3A_453 : memref<1x8x1000xi32, #tpu.memory_space<vmem_shared>> -> memref<8x1000xi32, #tpu.memory_space<vmem_shared>>
      tpu.wait_dma2 semaphore(%run_scoped3A : memref<!tpu.dma_semaphore, #tpu.memory_space<semaphore_mem>>) src(%dma_wait3A_454 : memref<8x1000xi32, #tpu.memory_space<vmem_shared>>) dst(%arg13 : memref<8x1000xi32, #tpu.memory_space<vmem>>)
      tpu.yield
    }) : () -> ()
    %scan3A_172 = arith.constant 0 : i32
    %scan3A_173 = arith.constant 0 : i32
    %scan3A_174 = arith.constant 63 : i32
    %scan3A_175 = arith.addi %scan3A_173, %scan3A_174 : i32
    %scan3A_176 = arith.constant 1 : i32
    scf.for %scan3A_443 = %scan3A_173 to %scan3A_175 step %scan3A_176  : i32 {
      %mul3A_444 = arith.constant 16 : i32
      %mul3A_445 = arith.muli %scan3A_443, %mul3A_444 : i32
      %min3A = arith.constant 984 : i32
      %min3A_446 = arith.minsi %mul3A_445, %min3A : i32
      %broadcast_in_dim3A = arith.constant 0.000000e+00 : f32
      %broadcast_in_dim3A_447 = vector.broadcast %broadcast_in_dim3A : f32 to vector<16xf32>
      %broadcast_in_dim3A_448 = arith.constant 0.000000e+00 : f32
      %broadcast_in_dim3A_449 = vector.broadcast %broadcast_in_dim3A_448 : f32 to vector<16xf32>
      %get3A = arith.constant 0 : i32
      %get3A_450 = arith.index_cast %get3A : i32 to index
      %get3A_451 = arith.index_cast %min3A_446 : i32 to index
      %get3A_452 = tpu.vector_load %arg13[%get3A_450, %get3A_451] {strides = array<i32>} : memref<8x1000xi32, #tpu.memory_space<vmem>>, vector<16xi32>,
      %bitcast3A = vector.bitcast %get3A_452 : vector<16xi32> to vector<32xbf16>
      %unpack3A = tpu.unpack_subelements %bitcast3A, 0 {pack_format = #tpu.pack_format<interleaved>} : vector<32xbf16> -> vector<16xf32>
      %unpack3A_453 = tpu.unpack_subelements %bitcast3A, 1 {pack_format = #tpu.pack_format<interleaved>} : vector<32xbf16> -> vector<16xf32>
      %add3A_454 = arith.addf %broadcast_in_dim3A_447, %unpack3A : vector<16xf32>
      %add3A_455 = arith.addf %broadcast_in_dim3A_449, %unpack3A_453 : vector<16xf32>
      %get3A_456 = arith.constant 1 : i32
      %get3A_457 = arith.index_cast %get3A_456 : i32 to index
      %get3A_458 = arith.index_cast %min3A_446 : i32 to index
      %get3A_459 = tpu.vector_load %arg13[%get3A_457, %get3A_458] {strides = array<i32>} : memref<8x1000xi32, #tpu.memory_space<vmem>>, vector<16xi32>,
      %bitcast3A_460 = vector.bitcast %get3A_459 : vector<16xi32> to vector<32xbf16>
      %unpack3A_461 = tpu.unpack_subelements %bitcast3A_460, 0 {pack_format = #tpu.pack_format<interleaved>} : vector<32xbf16> -> vector<16xf32>
      %unpack3A_462 = tpu.unpack_subelements %bitcast3A_460, 1 {pack_format = #tpu.pack_format<interleaved>} : vector<32xbf16> -> vector<16xf32>
      %add3A_463 = arith.addf %add3A_454, %unpack3A_461 : vector<16xf32>
      %add3A_464 = arith.addf %add3A_455, %unpack3A_462 : vector<16xf32>
      %get3A_465 = arith.constant 2 : i32
      %get3A_466 = arith.index_cast %get3A_465 : i32 to index
      %get3A_467 = arith.index_cast %min3A_446 : i32 to index
      %get3A_468 = tpu.vector_load %arg13[%get3A_466, %get3A_467] {strides = array<i32>} : memref<8x1000xi32, #tpu.memory_space<vmem>>, vector<16xi32>,
      %bitcast3A_469 = vector.bitcast %get3A_468 : vector<16xi32> to vector<32xbf16>
      %unpack3A_470 = tpu.unpack_subelements %bitcast3A_469, 0 {pack_format = #tpu.pack_format<interleaved>} : vector<32xbf16> -> vector<16xf32>
      %unpack3A_471 = tpu.unpack_subelements %bitcast3A_469, 1 {pack_format = #tpu.pack_format<interleaved>} : vector<32xbf16> -> vector<16xf32>
      %add3A_472 = arith.addf %add3A_463, %unpack3A_470 : vector<16xf32>
      %add3A_473 = arith.addf %add3A_464, %unpack3A_471 : vector<16xf32>
      %get3A_474 = arith.constant 3 : i32
      %get3A_475 = arith.index_cast %get3A_474 : i32 to index
      %get3A_476 = arith.index_cast %min3A_446 : i32 to index
      %get3A_477 = tpu.vector_load %arg13[%get3A_475, %get3A_476] {strides = array<i32>} : memref<8x1000xi32, #tpu.memory_space<vmem>>, vector<16xi32>,
      %bitcast3A_478 = vector.bitcast %get3A_477 : vector<16xi32> to vector<32xbf16>
      %unpack3A_479 = tpu.unpack_subelements %bitcast3A_478, 0 {pack_format = #tpu.pack_format<interleaved>} : vector<32xbf16> -> vector<16xf32>
      %unpack3A_480 = tpu.unpack_subelements %bitcast3A_478, 1 {pack_format = #tpu.pack_format<interleaved>} : vector<32xbf16> -> vector<16xf32>
      %add3A_481 = arith.addf %add3A_472, %unpack3A_479 : vector<16xf32>
      %add3A_482 = arith.addf %add3A_473, %unpack3A_480 : vector<16xf32>
      %get3A_483 = arith.constant 4 : i32
      %get3A_484 = arith.index_cast %get3A_483 : i32 to index
      %get3A_485 = arith.index_cast %min3A_446 : i32 to index
      %get3A_486 = tpu.vector_load %arg13[%get3A_484, %get3A_485] {strides = array<i32>} : memref<8x1000xi32, #tpu.memory_space<vmem>>, vector<16xi32>,
      %bitcast3A_487 = vector.bitcast %get3A_486 : vector<16xi32> to vector<32xbf16>
      %unpack3A_488 = tpu.unpack_subelements %bitcast3A_487, 0 {pack_format = #tpu.pack_format<interleaved>} : vector<32xbf16> -> vector<16xf32>
      %unpack3A_489 = tpu.unpack_subelements %bitcast3A_487, 1 {pack_format = #tpu.pack_format<interleaved>} : vector<32xbf16> -> vector<16xf32>
      %add3A_490 = arith.addf %add3A_481, %unpack3A_488 : vector<16xf32>
      %add3A_491 = arith.addf %add3A_482, %unpack3A_489 : vector<16xf32>
      %get3A_492 = arith.constant 5 : i32
      %get3A_493 = arith.index_cast %get3A_492 : i32 to index
      %get3A_494 = arith.index_cast %min3A_446 : i32 to index
      %get3A_495 = tpu.vector_load %arg13[%get3A_493, %get3A_494] {strides = array<i32>} : memref<8x1000xi32, #tpu.memory_space<vmem>>, vector<16xi32>,
      %bitcast3A_496 = vector.bitcast %get3A_495 : vector<16xi32> to vector<32xbf16>
      %unpack3A_497 = tpu.unpack_subelements %bitcast3A_496, 0 {pack_format = #tpu.pack_format<interleaved>} : vector<32xbf16> -> vector<16xf32>
      %unpack3A_498 = tpu.unpack_subelements %bitcast3A_496, 1 {pack_format = #tpu.pack_format<interleaved>} : vector<32xbf16> -> vector<16xf32>
      %add3A_499 = arith.addf %add3A_490, %unpack3A_497 : vector<16xf32>
      %add3A_500 = arith.addf %add3A_491, %unpack3A_498 : vector<16xf32>
      %get3A_501 = arith.constant 6 : i32
      %get3A_502 = arith.index_cast %get3A_501 : i32 to index
      %get3A_503 = arith.index_cast %min3A_446 : i32 to index
      %get3A_504 = tpu.vector_load %arg13[%get3A_502, %get3A_503] {strides = array<i32>} : memref<8x1000xi32, #tpu.memory_space<vmem>>, vector<16xi32>,
      %bitcast3A_505 = vector.bitcast %get3A_504 : vector<16xi32> to vector<32xbf16>
      %unpack3A_506 = tpu.unpack_subelements %bitcast3A_505, 0 {pack_format = #tpu.pack_format<interleaved>} : vector<32xbf16> -> vector<16xf32>
      %unpack3A_507 = tpu.unpack_subelements %bitcast3A_505, 1 {pack_format = #tpu.pack_format<interleaved>} : vector<32xbf16> -> vector<16xf32>
      %add3A_508 = arith.addf %add3A_499, %unpack3A_506 : vector<16xf32>
      %add3A_509 = arith.addf %add3A_500, %unpack3A_507 : vector<16xf32>
      %get3A_510 = arith.constant 7 : i32
      %get3A_511 = arith.index_cast %get3A_510 : i32 to index
      %get3A_512 = arith.index_cast %min3A_446 : i32 to index
      %get3A_513 = tpu.vector_load %arg13[%get3A_511, %get3A_512] {strides = array<i32>} : memref<8x1000xi32, #tpu.memory_space<vmem>>, vector<16xi32>,
      %bitcast3A_514 = vector.bitcast %get3A_513 : vector<16xi32> to vector<32xbf16>
      %unpack3A_515 = tpu.unpack_subelements %bitcast3A_514, 0 {pack_format = #tpu.pack_format<interleaved>} : vector<32xbf16> -> vector<16xf32>
      %unpack3A_516 = tpu.unpack_subelements %bitcast3A_514, 1 {pack_format = #tpu.pack_format<interleaved>} : vector<32xbf16> -> vector<16xf32>
      %add3A_517 = arith.addf %add3A_508, %unpack3A_515 : vector<16xf32>
      %add3A_518 = arith.addf %add3A_509, %unpack3A_516 : vector<16xf32>
      %mul3A_519 = arith.constant 2 : i32
      %mul3A_520 = arith.muli %min3A_446, %mul3A_519 : i32
      %add3A_521 = arith.constant 0 : i32
      %add3A_522 = arith.addi %add3A_521, %mul3A_520 : i32
      %add3A_523 = vector.broadcast %add3A_522 : i32 to vector<16xi32>
      %add3A_524 = arith.addi %mul3A_39, %add3A_523 : vector<16xi32>
      tpu.vector_store_idx %arg14[%add3A_524], %add3A_517 : memref<6000xf32, #tpu.memory_space<vmem>>[vector<16xi32>], vector<16xf32>,
      %add3A_525 = arith.constant 1 : i32
      %add3A_526 = arith.addi %add3A_522, %add3A_525 : i32
      %add3A_527 = vector.broadcast %add3A_526 : i32 to vector<16xi32>
      %add3A_528 = arith.addi %mul3A_39, %add3A_527 : vector<16xi32>
      tpu.vector_store_idx %arg14[%add3A_528], %add3A_518 : memref<6000xf32, #tpu.memory_space<vmem>>[vector<16xi32>], vector<16xf32>,
    }
    %scan3A_177 = arith.constant 63 : i32
    %mul3A_178 = arith.constant 6000 : i32
    %mul3A_179 = arith.muli %select_n3A_28, %mul3A_178 : i32
    %add3A_180 = arith.constant 2000 : i32
    %add3A_181 = arith.addi %mul3A_179, %add3A_180 : i32
    %jit3A_182 = arith.constant 2 : i32
    %div3A_183 = arith.divsi %add3A_181, %jit3A_182 : i32
    %sign3A_184 = arith.constant 0 : i32
    %sign3A_185 = arith.cmpi sgt, %add3A_181, %sign3A_184 : i32
    %sign3A_186 = arith.extui %sign3A_185 : i1 to i32
    %sign3A_187 = arith.constant 0 : i32
    %sign3A_188 = arith.cmpi slt, %add3A_181, %sign3A_187 : i32
    %sign3A_189 = arith.extui %sign3A_188 : i1 to i32
    %sign3A_190 = arith.subi %sign3A_186, %sign3A_189 : i32
    %sign3A_191 = arith.constant 0 : i32
    %sign3A_192 = arith.cmpi sgt, %jit3A_182, %sign3A_191 : i32
    %sign3A_193 = arith.extui %sign3A_192 : i1 to i32
    %sign3A_194 = arith.constant 0 : i32
    %sign3A_195 = arith.cmpi slt, %jit3A_182, %sign3A_194 : i32
    %sign3A_196 = arith.extui %sign3A_195 : i1 to i32
    %sign3A_197 = arith.subi %sign3A_193, %sign3A_196 : i32
    %ne3A_198 = arith.cmpi ne, %sign3A_190, %sign3A_197 : i32
    %rem3A_199 = arith.remsi %add3A_181, %jit3A_182 : i32
    %ne3A_200 = arith.constant 0 : i32
    %ne3A_201 = arith.cmpi ne, %rem3A_199, %ne3A_200 : i32
    %and3A_202 = arith.andi %ne3A_198, %ne3A_201 : i1
    %sub3A_203 = arith.constant 1 : i32
    %sub3A_204 = arith.subi %div3A_183, %sub3A_203 : i32
    %select_n3A_205 = arith.select %and3A_202, %sub3A_204, %div3A_183 : i32
    %multiple_of3A_206 = tpu.assume_multiple %select_n3A_205, 8 : i32
    "tpu.region"() ({
      %run_scoped3A = tpu.sem_alloc : memref<!tpu.dma_semaphore, #tpu.memory_space<semaphore_mem>>
      %dma_start3A_443 = arith.constant 0 : i32
      %dma_start3A_444 = tpu.memref_slice %arg5[%select_n3A, %dma_start3A_443, %multiple_of3A_206] : memref<2x8x24000xi32, #tpu.memory_space<vmem_shared>> -> memref<1x8x1000xi32, #tpu.memory_space<vmem_shared>>
      %dma_start3A_445 = tpu.memref_squeeze %dma_start3A_444 : memref<1x8x1000xi32, #tpu.memory_space<vmem_shared>> -> memref<8x1000xi32, #tpu.memory_space<vmem_shared>>
      %dma_start3A_446 = arith.constant 0 : i32
      %dma_start3A_447 = tpu.memref_slice %arg5[%select_n3A, %dma_start3A_446, %multiple_of3A_206] : memref<2x8x24000xi32, #tpu.memory_space<vmem_shared>> -> memref<1x8x1000xi32, #tpu.memory_space<vmem_shared>>
      %dma_start3A_448 = tpu.memref_squeeze %dma_start3A_447 : memref<1x8x1000xi32, #tpu.memory_space<vmem_shared>> -> memref<8x1000xi32, #tpu.memory_space<vmem_shared>>
      tpu.enqueue_dma source(%dma_start3A_448 : memref<8x1000xi32, #tpu.memory_space<vmem_shared>>) target(%arg13 : memref<8x1000xi32, #tpu.memory_space<vmem>>) target_semaphore(%run_scoped3A : memref<!tpu.dma_semaphore, #tpu.memory_space<semaphore_mem>>)
      %dma_wait3A_449 = arith.constant 0 : i32
      %dma_wait3A_450 = tpu.memref_slice %arg5[%select_n3A, %dma_wait3A_449, %multiple_of3A_206] : memref<2x8x24000xi32, #tpu.memory_space<vmem_shared>> -> memref<1x8x1000xi32, #tpu.memory_space<vmem_shared>>
      %dma_wait3A_451 = tpu.memref_squeeze %dma_wait3A_450 : memref<1x8x1000xi32, #tpu.memory_space<vmem_shared>> -> memref<8x1000xi32, #tpu.memory_space<vmem_shared>>
      %dma_wait3A_452 = arith.constant 0 : i32
      %dma_wait3A_453 = tpu.memref_slice %arg5[%select_n3A, %dma_wait3A_452, %multiple_of3A_206] : memref<2x8x24000xi32, #tpu.memory_space<vmem_shared>> -> memref<1x8x1000xi32, #tpu.memory_space<vmem_shared>>
      %dma_wait3A_454 = tpu.memref_squeeze %dma_wait3A_453 : memref<1x8x1000xi32, #tpu.memory_space<vmem_shared>> -> memref<8x1000xi32, #tpu.memory_space<vmem_shared>>
      tpu.wait_dma2 semaphore(%run_scoped3A : memref<!tpu.dma_semaphore, #tpu.memory_space<semaphore_mem>>) src(%dma_wait3A_454 : memref<8x1000xi32, #tpu.memory_space<vmem_shared>>) dst(%arg13 : memref<8x1000xi32, #tpu.memory_space<vmem>>)
      tpu.yield
    }) : () -> ()
    %scan3A_207 = arith.constant 0 : i32
    %scan3A_208 = arith.constant 0 : i32
    %scan3A_209 = arith.constant 63 : i32
    %scan3A_210 = arith.addi %scan3A_208, %scan3A_209 : i32
    %scan3A_211 = arith.constant 1 : i32
    scf.for %scan3A_443 = %scan3A_208 to %scan3A_210 step %scan3A_211  : i32 {
      %mul3A_444 = arith.constant 16 : i32
      %mul3A_445 = arith.muli %scan3A_443, %mul3A_444 : i32
      %min3A = arith.constant 984 : i32
      %min3A_446 = arith.minsi %mul3A_445, %min3A : i32
      %broadcast_in_dim3A = arith.constant 0.000000e+00 : f32
      %broadcast_in_dim3A_447 = vector.broadcast %broadcast_in_dim3A : f32 to vector<16xf32>
      %broadcast_in_dim3A_448 = arith.constant 0.000000e+00 : f32
      %broadcast_in_dim3A_449 = vector.broadcast %broadcast_in_dim3A_448 : f32 to vector<16xf32>
      %get3A = arith.constant 0 : i32
      %get3A_450 = arith.index_cast %get3A : i32 to index
      %get3A_451 = arith.index_cast %min3A_446 : i32 to index
      %get3A_452 = tpu.vector_load %arg13[%get3A_450, %get3A_451] {strides = array<i32>} : memref<8x1000xi32, #tpu.memory_space<vmem>>, vector<16xi32>,
      %bitcast3A = vector.bitcast %get3A_452 : vector<16xi32> to vector<32xbf16>
      %unpack3A = tpu.unpack_subelements %bitcast3A, 0 {pack_format = #tpu.pack_format<interleaved>} : vector<32xbf16> -> vector<16xf32>
      %unpack3A_453 = tpu.unpack_subelements %bitcast3A, 1 {pack_format = #tpu.pack_format<interleaved>} : vector<32xbf16> -> vector<16xf32>
      %add3A_454 = arith.addf %broadcast_in_dim3A_447, %unpack3A : vector<16xf32>
      %add3A_455 = arith.addf %broadcast_in_dim3A_449, %unpack3A_453 : vector<16xf32>
      %get3A_456 = arith.constant 1 : i32
      %get3A_457 = arith.index_cast %get3A_456 : i32 to index
      %get3A_458 = arith.index_cast %min3A_446 : i32 to index
      %get3A_459 = tpu.vector_load %arg13[%get3A_457, %get3A_458] {strides = array<i32>} : memref<8x1000xi32, #tpu.memory_space<vmem>>, vector<16xi32>,
      %bitcast3A_460 = vector.bitcast %get3A_459 : vector<16xi32> to vector<32xbf16>
      %unpack3A_461 = tpu.unpack_subelements %bitcast3A_460, 0 {pack_format = #tpu.pack_format<interleaved>} : vector<32xbf16> -> vector<16xf32>
      %unpack3A_462 = tpu.unpack_subelements %bitcast3A_460, 1 {pack_format = #tpu.pack_format<interleaved>} : vector<32xbf16> -> vector<16xf32>
      %add3A_463 = arith.addf %add3A_454, %unpack3A_461 : vector<16xf32>
      %add3A_464 = arith.addf %add3A_455, %unpack3A_462 : vector<16xf32>
      %get3A_465 = arith.constant 2 : i32
      %get3A_466 = arith.index_cast %get3A_465 : i32 to index
      %get3A_467 = arith.index_cast %min3A_446 : i32 to index
      %get3A_468 = tpu.vector_load %arg13[%get3A_466, %get3A_467] {strides = array<i32>} : memref<8x1000xi32, #tpu.memory_space<vmem>>, vector<16xi32>,
      %bitcast3A_469 = vector.bitcast %get3A_468 : vector<16xi32> to vector<32xbf16>
      %unpack3A_470 = tpu.unpack_subelements %bitcast3A_469, 0 {pack_format = #tpu.pack_format<interleaved>} : vector<32xbf16> -> vector<16xf32>
      %unpack3A_471 = tpu.unpack_subelements %bitcast3A_469, 1 {pack_format = #tpu.pack_format<interleaved>} : vector<32xbf16> -> vector<16xf32>
      %add3A_472 = arith.addf %add3A_463, %unpack3A_470 : vector<16xf32>
      %add3A_473 = arith.addf %add3A_464, %unpack3A_471 : vector<16xf32>
      %get3A_474 = arith.constant 3 : i32
      %get3A_475 = arith.index_cast %get3A_474 : i32 to index
      %get3A_476 = arith.index_cast %min3A_446 : i32 to index
      %get3A_477 = tpu.vector_load %arg13[%get3A_475, %get3A_476] {strides = array<i32>} : memref<8x1000xi32, #tpu.memory_space<vmem>>, vector<16xi32>,
      %bitcast3A_478 = vector.bitcast %get3A_477 : vector<16xi32> to vector<32xbf16>
      %unpack3A_479 = tpu.unpack_subelements %bitcast3A_478, 0 {pack_format = #tpu.pack_format<interleaved>} : vector<32xbf16> -> vector<16xf32>
      %unpack3A_480 = tpu.unpack_subelements %bitcast3A_478, 1 {pack_format = #tpu.pack_format<interleaved>} : vector<32xbf16> -> vector<16xf32>
      %add3A_481 = arith.addf %add3A_472, %unpack3A_479 : vector<16xf32>
      %add3A_482 = arith.addf %add3A_473, %unpack3A_480 : vector<16xf32>
      %get3A_483 = arith.constant 4 : i32
      %get3A_484 = arith.index_cast %get3A_483 : i32 to index
      %get3A_485 = arith.index_cast %min3A_446 : i32 to index
      %get3A_486 = tpu.vector_load %arg13[%get3A_484, %get3A_485] {strides = array<i32>} : memref<8x1000xi32, #tpu.memory_space<vmem>>, vector<16xi32>,
      %bitcast3A_487 = vector.bitcast %get3A_486 : vector<16xi32> to vector<32xbf16>
      %unpack3A_488 = tpu.unpack_subelements %bitcast3A_487, 0 {pack_format = #tpu.pack_format<interleaved>} : vector<32xbf16> -> vector<16xf32>
      %unpack3A_489 = tpu.unpack_subelements %bitcast3A_487, 1 {pack_format = #tpu.pack_format<interleaved>} : vector<32xbf16> -> vector<16xf32>
      %add3A_490 = arith.addf %add3A_481, %unpack3A_488 : vector<16xf32>
      %add3A_491 = arith.addf %add3A_482, %unpack3A_489 : vector<16xf32>
      %get3A_492 = arith.constant 5 : i32
      %get3A_493 = arith.index_cast %get3A_492 : i32 to index
      %get3A_494 = arith.index_cast %min3A_446 : i32 to index
      %get3A_495 = tpu.vector_load %arg13[%get3A_493, %get3A_494] {strides = array<i32>} : memref<8x1000xi32, #tpu.memory_space<vmem>>, vector<16xi32>,
      %bitcast3A_496 = vector.bitcast %get3A_495 : vector<16xi32> to vector<32xbf16>
      %unpack3A_497 = tpu.unpack_subelements %bitcast3A_496, 0 {pack_format = #tpu.pack_format<interleaved>} : vector<32xbf16> -> vector<16xf32>
      %unpack3A_498 = tpu.unpack_subelements %bitcast3A_496, 1 {pack_format = #tpu.pack_format<interleaved>} : vector<32xbf16> -> vector<16xf32>
      %add3A_499 = arith.addf %add3A_490, %unpack3A_497 : vector<16xf32>
      %add3A_500 = arith.addf %add3A_491, %unpack3A_498 : vector<16xf32>
      %get3A_501 = arith.constant 6 : i32
      %get3A_502 = arith.index_cast %get3A_501 : i32 to index
      %get3A_503 = arith.index_cast %min3A_446 : i32 to index
      %get3A_504 = tpu.vector_load %arg13[%get3A_502, %get3A_503] {strides = array<i32>} : memref<8x1000xi32, #tpu.memory_space<vmem>>, vector<16xi32>,
      %bitcast3A_505 = vector.bitcast %get3A_504 : vector<16xi32> to vector<32xbf16>
      %unpack3A_506 = tpu.unpack_subelements %bitcast3A_505, 0 {pack_format = #tpu.pack_format<interleaved>} : vector<32xbf16> -> vector<16xf32>
      %unpack3A_507 = tpu.unpack_subelements %bitcast3A_505, 1 {pack_format = #tpu.pack_format<interleaved>} : vector<32xbf16> -> vector<16xf32>
      %add3A_508 = arith.addf %add3A_499, %unpack3A_506 : vector<16xf32>
      %add3A_509 = arith.addf %add3A_500, %unpack3A_507 : vector<16xf32>
      %get3A_510 = arith.constant 7 : i32
      %get3A_511 = arith.index_cast %get3A_510 : i32 to index
      %get3A_512 = arith.index_cast %min3A_446 : i32 to index
      %get3A_513 = tpu.vector_load %arg13[%get3A_511, %get3A_512] {strides = array<i32>} : memref<8x1000xi32, #tpu.memory_space<vmem>>, vector<16xi32>,
      %bitcast3A_514 = vector.bitcast %get3A_513 : vector<16xi32> to vector<32xbf16>
      %unpack3A_515 = tpu.unpack_subelements %bitcast3A_514, 0 {pack_format = #tpu.pack_format<interleaved>} : vector<32xbf16> -> vector<16xf32>
      %unpack3A_516 = tpu.unpack_subelements %bitcast3A_514, 1 {pack_format = #tpu.pack_format<interleaved>} : vector<32xbf16> -> vector<16xf32>
      %add3A_517 = arith.addf %add3A_508, %unpack3A_515 : vector<16xf32>
      %add3A_518 = arith.addf %add3A_509, %unpack3A_516 : vector<16xf32>
      %mul3A_519 = arith.constant 2 : i32
      %mul3A_520 = arith.muli %min3A_446, %mul3A_519 : i32
      %add3A_521 = arith.constant 2000 : i32
      %add3A_522 = arith.addi %add3A_521, %mul3A_520 : i32
      %add3A_523 = vector.broadcast %add3A_522 : i32 to vector<16xi32>
      %add3A_524 = arith.addi %mul3A_39, %add3A_523 : vector<16xi32>
      tpu.vector_store_idx %arg14[%add3A_524], %add3A_517 : memref<6000xf32, #tpu.memory_space<vmem>>[vector<16xi32>], vector<16xf32>,
      %add3A_525 = arith.constant 1 : i32
      %add3A_526 = arith.addi %add3A_522, %add3A_525 : i32
      %add3A_527 = vector.broadcast %add3A_526 : i32 to vector<16xi32>
      %add3A_528 = arith.addi %mul3A_39, %add3A_527 : vector<16xi32>
      tpu.vector_store_idx %arg14[%add3A_528], %add3A_518 : memref<6000xf32, #tpu.memory_space<vmem>>[vector<16xi32>], vector<16xf32>,
    }
    %scan3A_212 = arith.constant 63 : i32
    %mul3A_213 = arith.constant 6000 : i32
    %mul3A_214 = arith.muli %select_n3A_28, %mul3A_213 : i32
    %add3A_215 = arith.constant 4000 : i32
    %add3A_216 = arith.addi %mul3A_214, %add3A_215 : i32
    %jit3A_217 = arith.constant 2 : i32
    %div3A_218 = arith.divsi %add3A_216, %jit3A_217 : i32
    %sign3A_219 = arith.constant 0 : i32
    %sign3A_220 = arith.cmpi sgt, %add3A_216, %sign3A_219 : i32
    %sign3A_221 = arith.extui %sign3A_220 : i1 to i32
    %sign3A_222 = arith.constant 0 : i32
    %sign3A_223 = arith.cmpi slt, %add3A_216, %sign3A_222 : i32
    %sign3A_224 = arith.extui %sign3A_223 : i1 to i32
    %sign3A_225 = arith.subi %sign3A_221, %sign3A_224 : i32
    %sign3A_226 = arith.constant 0 : i32
    %sign3A_227 = arith.cmpi sgt, %jit3A_217, %sign3A_226 : i32
    %sign3A_228 = arith.extui %sign3A_227 : i1 to i32
    %sign3A_229 = arith.constant 0 : i32
    %sign3A_230 = arith.cmpi slt, %jit3A_217, %sign3A_229 : i32
    %sign3A_231 = arith.extui %sign3A_230 : i1 to i32
    %sign3A_232 = arith.subi %sign3A_228, %sign3A_231 : i32
    %ne3A_233 = arith.cmpi ne, %sign3A_225, %sign3A_232 : i32
    %rem3A_234 = arith.remsi %add3A_216, %jit3A_217 : i32
    %ne3A_235 = arith.constant 0 : i32
    %ne3A_236 = arith.cmpi ne, %rem3A_234, %ne3A_235 : i32
    %and3A_237 = arith.andi %ne3A_233, %ne3A_236 : i1
    %sub3A_238 = arith.constant 1 : i32
    %sub3A_239 = arith.subi %div3A_218, %sub3A_238 : i32
    %select_n3A_240 = arith.select %and3A_237, %sub3A_239, %div3A_218 : i32
    %multiple_of3A_241 = tpu.assume_multiple %select_n3A_240, 8 : i32
    "tpu.region"() ({
      %run_scoped3A = tpu.sem_alloc : memref<!tpu.dma_semaphore, #tpu.memory_space<semaphore_mem>>
      %dma_start3A_443 = arith.constant 0 : i32
      %dma_start3A_444 = tpu.memref_slice %arg5[%select_n3A, %dma_start3A_443, %multiple_of3A_241] : memref<2x8x24000xi32, #tpu.memory_space<vmem_shared>> -> memref<1x8x1000xi32, #tpu.memory_space<vmem_shared>>
      %dma_start3A_445 = tpu.memref_squeeze %dma_start3A_444 : memref<1x8x1000xi32, #tpu.memory_space<vmem_shared>> -> memref<8x1000xi32, #tpu.memory_space<vmem_shared>>
      %dma_start3A_446 = arith.constant 0 : i32
      %dma_start3A_447 = tpu.memref_slice %arg5[%select_n3A, %dma_start3A_446, %multiple_of3A_241] : memref<2x8x24000xi32, #tpu.memory_space<vmem_shared>> -> memref<1x8x1000xi32, #tpu.memory_space<vmem_shared>>
      %dma_start3A_448 = tpu.memref_squeeze %dma_start3A_447 : memref<1x8x1000xi32, #tpu.memory_space<vmem_shared>> -> memref<8x1000xi32, #tpu.memory_space<vmem_shared>>
      tpu.enqueue_dma source(%dma_start3A_448 : memref<8x1000xi32, #tpu.memory_space<vmem_shared>>) target(%arg13 : memref<8x1000xi32, #tpu.memory_space<vmem>>) target_semaphore(%run_scoped3A : memref<!tpu.dma_semaphore, #tpu.memory_space<semaphore_mem>>)
      %dma_wait3A_449 = arith.constant 0 : i32
      %dma_wait3A_450 = tpu.memref_slice %arg5[%select_n3A, %dma_wait3A_449, %multiple_of3A_241] : memref<2x8x24000xi32, #tpu.memory_space<vmem_shared>> -> memref<1x8x1000xi32, #tpu.memory_space<vmem_shared>>
      %dma_wait3A_451 = tpu.memref_squeeze %dma_wait3A_450 : memref<1x8x1000xi32, #tpu.memory_space<vmem_shared>> -> memref<8x1000xi32, #tpu.memory_space<vmem_shared>>
      %dma_wait3A_452 = arith.constant 0 : i32
      %dma_wait3A_453 = tpu.memref_slice %arg5[%select_n3A, %dma_wait3A_452, %multiple_of3A_241] : memref<2x8x24000xi32, #tpu.memory_space<vmem_shared>> -> memref<1x8x1000xi32, #tpu.memory_space<vmem_shared>>
      %dma_wait3A_454 = tpu.memref_squeeze %dma_wait3A_453 : memref<1x8x1000xi32, #tpu.memory_space<vmem_shared>> -> memref<8x1000xi32, #tpu.memory_space<vmem_shared>>
      tpu.wait_dma2 semaphore(%run_scoped3A : memref<!tpu.dma_semaphore, #tpu.memory_space<semaphore_mem>>) src(%dma_wait3A_454 : memref<8x1000xi32, #tpu.memory_space<vmem_shared>>) dst(%arg13 : memref<8x1000xi32, #tpu.memory_space<vmem>>)
      tpu.yield
    }) : () -> ()
    %scan3A_242 = arith.constant 0 : i32
    %scan3A_243 = arith.constant 0 : i32
    %scan3A_244 = arith.constant 63 : i32
    %scan3A_245 = arith.addi %scan3A_243, %scan3A_244 : i32
    %scan3A_246 = arith.constant 1 : i32
    scf.for %scan3A_443 = %scan3A_243 to %scan3A_245 step %scan3A_246  : i32 {
      %mul3A_444 = arith.constant 16 : i32
      %mul3A_445 = arith.muli %scan3A_443, %mul3A_444 : i32
      %min3A = arith.constant 984 : i32
      %min3A_446 = arith.minsi %mul3A_445, %min3A : i32
      %broadcast_in_dim3A = arith.constant 0.000000e+00 : f32
      %broadcast_in_dim3A_447 = vector.broadcast %broadcast_in_dim3A : f32 to vector<16xf32>
      %broadcast_in_dim3A_448 = arith.constant 0.000000e+00 : f32
      %broadcast_in_dim3A_449 = vector.broadcast %broadcast_in_dim3A_448 : f32 to vector<16xf32>
      %get3A = arith.constant 0 : i32
      %get3A_450 = arith.index_cast %get3A : i32 to index
      %get3A_451 = arith.index_cast %min3A_446 : i32 to index
      %get3A_452 = tpu.vector_load %arg13[%get3A_450, %get3A_451] {strides = array<i32>} : memref<8x1000xi32, #tpu.memory_space<vmem>>, vector<16xi32>,
      %bitcast3A = vector.bitcast %get3A_452 : vector<16xi32> to vector<32xbf16>
      %unpack3A = tpu.unpack_subelements %bitcast3A, 0 {pack_format = #tpu.pack_format<interleaved>} : vector<32xbf16> -> vector<16xf32>
      %unpack3A_453 = tpu.unpack_subelements %bitcast3A, 1 {pack_format = #tpu.pack_format<interleaved>} : vector<32xbf16> -> vector<16xf32>
      %add3A_454 = arith.addf %broadcast_in_dim3A_447, %unpack3A : vector<16xf32>
      %add3A_455 = arith.addf %broadcast_in_dim3A_449, %unpack3A_453 : vector<16xf32>
      %get3A_456 = arith.constant 1 : i32
      %get3A_457 = arith.index_cast %get3A_456 : i32 to index
      %get3A_458 = arith.index_cast %min3A_446 : i32 to index
      %get3A_459 = tpu.vector_load %arg13[%get3A_457, %get3A_458] {strides = array<i32>} : memref<8x1000xi32, #tpu.memory_space<vmem>>, vector<16xi32>,
      %bitcast3A_460 = vector.bitcast %get3A_459 : vector<16xi32> to vector<32xbf16>
      %unpack3A_461 = tpu.unpack_subelements %bitcast3A_460, 0 {pack_format = #tpu.pack_format<interleaved>} : vector<32xbf16> -> vector<16xf32>
      %unpack3A_462 = tpu.unpack_subelements %bitcast3A_460, 1 {pack_format = #tpu.pack_format<interleaved>} : vector<32xbf16> -> vector<16xf32>
      %add3A_463 = arith.addf %add3A_454, %unpack3A_461 : vector<16xf32>
      %add3A_464 = arith.addf %add3A_455, %unpack3A_462 : vector<16xf32>
      %get3A_465 = arith.constant 2 : i32
      %get3A_466 = arith.index_cast %get3A_465 : i32 to index
      %get3A_467 = arith.index_cast %min3A_446 : i32 to index
      %get3A_468 = tpu.vector_load %arg13[%get3A_466, %get3A_467] {strides = array<i32>} : memref<8x1000xi32, #tpu.memory_space<vmem>>, vector<16xi32>,
      %bitcast3A_469 = vector.bitcast %get3A_468 : vector<16xi32> to vector<32xbf16>
      %unpack3A_470 = tpu.unpack_subelements %bitcast3A_469, 0 {pack_format = #tpu.pack_format<interleaved>} : vector<32xbf16> -> vector<16xf32>
      %unpack3A_471 = tpu.unpack_subelements %bitcast3A_469, 1 {pack_format = #tpu.pack_format<interleaved>} : vector<32xbf16> -> vector<16xf32>
      %add3A_472 = arith.addf %add3A_463, %unpack3A_470 : vector<16xf32>
      %add3A_473 = arith.addf %add3A_464, %unpack3A_471 : vector<16xf32>
      %get3A_474 = arith.constant 3 : i32
      %get3A_475 = arith.index_cast %get3A_474 : i32 to index
      %get3A_476 = arith.index_cast %min3A_446 : i32 to index
      %get3A_477 = tpu.vector_load %arg13[%get3A_475, %get3A_476] {strides = array<i32>} : memref<8x1000xi32, #tpu.memory_space<vmem>>, vector<16xi32>,
      %bitcast3A_478 = vector.bitcast %get3A_477 : vector<16xi32> to vector<32xbf16>
      %unpack3A_479 = tpu.unpack_subelements %bitcast3A_478, 0 {pack_format = #tpu.pack_format<interleaved>} : vector<32xbf16> -> vector<16xf32>
      %unpack3A_480 = tpu.unpack_subelements %bitcast3A_478, 1 {pack_format = #tpu.pack_format<interleaved>} : vector<32xbf16> -> vector<16xf32>
      %add3A_481 = arith.addf %add3A_472, %unpack3A_479 : vector<16xf32>
      %add3A_482 = arith.addf %add3A_473, %unpack3A_480 : vector<16xf32>
      %get3A_483 = arith.constant 4 : i32
      %get3A_484 = arith.index_cast %get3A_483 : i32 to index
      %get3A_485 = arith.index_cast %min3A_446 : i32 to index
      %get3A_486 = tpu.vector_load %arg13[%get3A_484, %get3A_485] {strides = array<i32>} : memref<8x1000xi32, #tpu.memory_space<vmem>>, vector<16xi32>,
      %bitcast3A_487 = vector.bitcast %get3A_486 : vector<16xi32> to vector<32xbf16>
      %unpack3A_488 = tpu.unpack_subelements %bitcast3A_487, 0 {pack_format = #tpu.pack_format<interleaved>} : vector<32xbf16> -> vector<16xf32>
      %unpack3A_489 = tpu.unpack_subelements %bitcast3A_487, 1 {pack_format = #tpu.pack_format<interleaved>} : vector<32xbf16> -> vector<16xf32>
      %add3A_490 = arith.addf %add3A_481, %unpack3A_488 : vector<16xf32>
      %add3A_491 = arith.addf %add3A_482, %unpack3A_489 : vector<16xf32>
      %get3A_492 = arith.constant 5 : i32
      %get3A_493 = arith.index_cast %get3A_492 : i32 to index
      %get3A_494 = arith.index_cast %min3A_446 : i32 to index
      %get3A_495 = tpu.vector_load %arg13[%get3A_493, %get3A_494] {strides = array<i32>} : memref<8x1000xi32, #tpu.memory_space<vmem>>, vector<16xi32>,
      %bitcast3A_496 = vector.bitcast %get3A_495 : vector<16xi32> to vector<32xbf16>
      %unpack3A_497 = tpu.unpack_subelements %bitcast3A_496, 0 {pack_format = #tpu.pack_format<interleaved>} : vector<32xbf16> -> vector<16xf32>
      %unpack3A_498 = tpu.unpack_subelements %bitcast3A_496, 1 {pack_format = #tpu.pack_format<interleaved>} : vector<32xbf16> -> vector<16xf32>
      %add3A_499 = arith.addf %add3A_490, %unpack3A_497 : vector<16xf32>
      %add3A_500 = arith.addf %add3A_491, %unpack3A_498 : vector<16xf32>
      %get3A_501 = arith.constant 6 : i32
      %get3A_502 = arith.index_cast %get3A_501 : i32 to index
      %get3A_503 = arith.index_cast %min3A_446 : i32 to index
      %get3A_504 = tpu.vector_load %arg13[%get3A_502, %get3A_503] {strides = array<i32>} : memref<8x1000xi32, #tpu.memory_space<vmem>>, vector<16xi32>,
      %bitcast3A_505 = vector.bitcast %get3A_504 : vector<16xi32> to vector<32xbf16>
      %unpack3A_506 = tpu.unpack_subelements %bitcast3A_505, 0 {pack_format = #tpu.pack_format<interleaved>} : vector<32xbf16> -> vector<16xf32>
      %unpack3A_507 = tpu.unpack_subelements %bitcast3A_505, 1 {pack_format = #tpu.pack_format<interleaved>} : vector<32xbf16> -> vector<16xf32>
      %add3A_508 = arith.addf %add3A_499, %unpack3A_506 : vector<16xf32>
      %add3A_509 = arith.addf %add3A_500, %unpack3A_507 : vector<16xf32>
      %get3A_510 = arith.constant 7 : i32
      %get3A_511 = arith.index_cast %get3A_510 : i32 to index
      %get3A_512 = arith.index_cast %min3A_446 : i32 to index
      %get3A_513 = tpu.vector_load %arg13[%get3A_511, %get3A_512] {strides = array<i32>} : memref<8x1000xi32, #tpu.memory_space<vmem>>, vector<16xi32>,
      %bitcast3A_514 = vector.bitcast %get3A_513 : vector<16xi32> to vector<32xbf16>
      %unpack3A_515 = tpu.unpack_subelements %bitcast3A_514, 0 {pack_format = #tpu.pack_format<interleaved>} : vector<32xbf16> -> vector<16xf32>
      %unpack3A_516 = tpu.unpack_subelements %bitcast3A_514, 1 {pack_format = #tpu.pack_format<interleaved>} : vector<32xbf16> -> vector<16xf32>
      %add3A_517 = arith.addf %add3A_508, %unpack3A_515 : vector<16xf32>
      %add3A_518 = arith.addf %add3A_509, %unpack3A_516 : vector<16xf32>
      %mul3A_519 = arith.constant 2 : i32
      %mul3A_520 = arith.muli %min3A_446, %mul3A_519 : i32
      %add3A_521 = arith.constant 4000 : i32
      %add3A_522 = arith.addi %add3A_521, %mul3A_520 : i32
      %add3A_523 = vector.broadcast %add3A_522 : i32 to vector<16xi32>
      %add3A_524 = arith.addi %mul3A_39, %add3A_523 : vector<16xi32>
      tpu.vector_store_idx %arg14[%add3A_524], %add3A_517 : memref<6000xf32, #tpu.memory_space<vmem>>[vector<16xi32>], vector<16xf32>,
      %add3A_525 = arith.constant 1 : i32
      %add3A_526 = arith.addi %add3A_522, %add3A_525 : i32
      %add3A_527 = vector.broadcast %add3A_526 : i32 to vector<16xi32>
      %add3A_528 = arith.addi %mul3A_39, %add3A_527 : vector<16xi32>
      tpu.vector_store_idx %arg14[%add3A_528], %add3A_518 : memref<6000xf32, #tpu.memory_space<vmem>>[vector<16xi32>], vector<16xf32>,
    }
    %scan3A_247 = arith.constant 63 : i32
    %mul3A_248 = arith.constant 80000 : i32
    %mul3A_249 = arith.muli %add3A_30, %mul3A_248 : i32
    %add3A_250 = arith.constant 0 : i32
    %add3A_251 = arith.addi %mul3A_249, %add3A_250 : i32
    %mul3A_252 = arith.constant 6000 : i32
    %mul3A_253 = arith.muli %select_n3A_28, %mul3A_252 : i32
    %add3A_254 = arith.addi %add3A_251, %mul3A_253 : i32
    %multiple_of3A_255 = tpu.assume_multiple %add3A_254, 8 : i32
    "tpu.region"() ({
      %run_scoped3A = tpu.sem_alloc : memref<!tpu.dma_semaphore, #tpu.memory_space<semaphore_mem>>
      %dma_start3A_443 = arith.constant 0 : i32
      %dma_start3A_444 = tpu.memref_slice %arg14[%dma_start3A_443] : memref<6000xf32, #tpu.memory_space<vmem>> -> memref<6000xf32, #tpu.memory_space<vmem>>
      %dma_start3A_445 = tpu.memref_slice %arg4[%multiple_of3A_255] : memref<320000xf32, #tpu.memory_space<hbm>> -> memref<6000xf32, #tpu.memory_space<hbm>>
      %dma_start3A_446 = tpu.memref_slice %arg4[%multiple_of3A_255] : memref<320000xf32, #tpu.memory_space<hbm>> -> memref<6000xf32, #tpu.memory_space<hbm>>
      %dma_start3A_447 = arith.constant 0 : i32
      %dma_start3A_448 = tpu.memref_slice %arg14[%dma_start3A_447] : memref<6000xf32, #tpu.memory_space<vmem>> -> memref<6000xf32, #tpu.memory_space<vmem>>
      tpu.enqueue_dma source(%dma_start3A_448 : memref<6000xf32, #tpu.memory_space<vmem>>) target(%dma_start3A_446 : memref<6000xf32, #tpu.memory_space<hbm>>) target_semaphore(%run_scoped3A : memref<!tpu.dma_semaphore, #tpu.memory_space<semaphore_mem>>)
      %dma_wait3A_449 = arith.constant 0 : i32
      %dma_wait3A_450 = tpu.memref_slice %arg14[%dma_wait3A_449] : memref<6000xf32, #tpu.memory_space<vmem>> -> memref<6000xf32, #tpu.memory_space<vmem>>
      %dma_wait3A_451 = tpu.memref_slice %arg4[%multiple_of3A_255] : memref<320000xf32, #tpu.memory_space<hbm>> -> memref<6000xf32, #tpu.memory_space<hbm>>
      %dma_wait3A_452 = tpu.memref_slice %arg4[%multiple_of3A_255] : memref<320000xf32, #tpu.memory_space<hbm>> -> memref<6000xf32, #tpu.memory_space<hbm>>
      %dma_wait3A_453 = arith.constant 0 : i32
      %dma_wait3A_454 = tpu.memref_slice %arg14[%dma_wait3A_453] : memref<6000xf32, #tpu.memory_space<vmem>> -> memref<6000xf32, #tpu.memory_space<vmem>>
      tpu.wait_dma2 semaphore(%run_scoped3A : memref<!tpu.dma_semaphore, #tpu.memory_space<semaphore_mem>>) src(%dma_wait3A_454 : memref<6000xf32, #tpu.memory_space<vmem>>) dst(%dma_wait3A_452 : memref<6000xf32, #tpu.memory_space<hbm>>)
      tpu.yield
    }) : () -> ()
    %barrier3A_256 = arith.constant 0 : index
    tpu.barrier barrier_id(%barrier3A_256)
    %add3A_257 = arith.constant 48000 : i32
    %add3A_258 = arith.addi %mul3A_32, %add3A_257 : i32
    %multiple_of3A_259 = tpu.assume_multiple %add3A_258, 8 : i32
    %dma_start3A_260 = arith.constant 0 : i32
    %dma_start3A_261 = tpu.memref_slice %arg3[%dma_start3A_260, %multiple_of3A_259] : memref<2x320000xi32, #tpu.memory_space<hbm>> -> memref<1x1600xi32, #tpu.memory_space<hbm>>
    %dma_start3A_262 = tpu.memref_squeeze %dma_start3A_261 : memref<1x1600xi32, #tpu.memory_space<hbm>> -> memref<1600xi32, #tpu.memory_space<hbm>>
    %dma_start3A_263 = tpu.memref_slice %arg3[%dma_start3A_260, %multiple_of3A_259] : memref<2x320000xi32, #tpu.memory_space<hbm>> -> memref<1x1600xi32, #tpu.memory_space<hbm>>
    %dma_start3A_264 = tpu.memref_squeeze %dma_start3A_263 : memref<1x1600xi32, #tpu.memory_space<hbm>> -> memref<1600xi32, #tpu.memory_space<hbm>>
    tpu.enqueue_dma source(%dma_start3A_264 : memref<1600xi32, #tpu.memory_space<hbm>>) target(%arg7 : memref<1600xi32, #tpu.memory_space<vmem>>) target_semaphore(%arg15 : memref<!tpu.dma_semaphore, #tpu.memory_space<semaphore_mem>>)
    %dma_start3A_265 = arith.constant 1 : i32
    %dma_start3A_266 = tpu.memref_slice %arg3[%dma_start3A_265, %multiple_of3A_259] : memref<2x320000xi32, #tpu.memory_space<hbm>> -> memref<1x1600xi32, #tpu.memory_space<hbm>>
    %dma_start3A_267 = tpu.memref_squeeze %dma_start3A_266 : memref<1x1600xi32, #tpu.memory_space<hbm>> -> memref<1600xi32, #tpu.memory_space<hbm>>
    %dma_start3A_268 = tpu.memref_slice %arg3[%dma_start3A_265, %multiple_of3A_259] : memref<2x320000xi32, #tpu.memory_space<hbm>> -> memref<1x1600xi32, #tpu.memory_space<hbm>>
    %dma_start3A_269 = tpu.memref_squeeze %dma_start3A_268 : memref<1x1600xi32, #tpu.memory_space<hbm>> -> memref<1600xi32, #tpu.memory_space<hbm>>
    tpu.enqueue_dma source(%dma_start3A_269 : memref<1600xi32, #tpu.memory_space<hbm>>) target(%arg9 : memref<1600xi32, #tpu.memory_space<vmem>>) target_semaphore(%arg15 : memref<!tpu.dma_semaphore, #tpu.memory_space<semaphore_mem>>)
    %scan3A_270 = arith.constant 0 : i32
    %scan3A_271 = arith.constant 0 : i32
    %scan3A_272 = arith.constant 9 : i32
    %scan3A_273 = arith.addi %scan3A_271, %scan3A_272 : i32
    %scan3A_274 = arith.constant 1 : i32
    scf.for %scan3A_443 = %scan3A_271 to %scan3A_273 step %scan3A_274  : i32 {
      %mul3A_444 = arith.constant 2 : i32
      %mul3A_445 = arith.muli %scan3A_443, %mul3A_444 : i32
      %add3A_446 = arith.constant 0 : i32
      %add3A_447 = arith.addi %mul3A_445, %add3A_446 : i32
      %add3A_448 = arith.constant 30 : i32
      %add3A_449 = arith.addi %add3A_448, %add3A_447 : i32
      %add3A_450 = arith.constant 1 : i32
      %add3A_451 = arith.addi %add3A_449, %add3A_450 : i32
      %mul3A_452 = arith.constant 1600 : i32
      %mul3A_453 = arith.muli %add3A_451, %mul3A_452 : i32
      %add3A_454 = arith.addi %mul3A_32, %mul3A_453 : i32
      %multiple_of3A_455 = tpu.assume_multiple %add3A_454, 8 : i32
      %dma_start3A_456 = arith.constant 0 : i32
      %dma_start3A_457 = tpu.memref_slice %arg3[%dma_start3A_456, %multiple_of3A_455] : memref<2x320000xi32, #tpu.memory_space<hbm>> -> memref<1x1600xi32, #tpu.memory_space<hbm>>
      %dma_start3A_458 = tpu.memref_squeeze %dma_start3A_457 : memref<1x1600xi32, #tpu.memory_space<hbm>> -> memref<1600xi32, #tpu.memory_space<hbm>>
      %dma_start3A_459 = tpu.memref_slice %arg3[%dma_start3A_456, %multiple_of3A_455] : memref<2x320000xi32, #tpu.memory_space<hbm>> -> memref<1x1600xi32, #tpu.memory_space<hbm>>
      %dma_start3A_460 = tpu.memref_squeeze %dma_start3A_459 : memref<1x1600xi32, #tpu.memory_space<hbm>> -> memref<1600xi32, #tpu.memory_space<hbm>>
      tpu.enqueue_dma source(%dma_start3A_460 : memref<1600xi32, #tpu.memory_space<hbm>>) target(%arg8 : memref<1600xi32, #tpu.memory_space<vmem>>) target_semaphore(%arg16 : memref<!tpu.dma_semaphore, #tpu.memory_space<semaphore_mem>>)
      %dma_start3A_461 = arith.constant 1 : i32
      %dma_start3A_462 = tpu.memref_slice %arg3[%dma_start3A_461, %multiple_of3A_455] : memref<2x320000xi32, #tpu.memory_space<hbm>> -> memref<1x1600xi32, #tpu.memory_space<hbm>>
      %dma_start3A_463 = tpu.memref_squeeze %dma_start3A_462 : memref<1x1600xi32, #tpu.memory_space<hbm>> -> memref<1600xi32, #tpu.memory_space<hbm>>
      %dma_start3A_464 = tpu.memref_slice %arg3[%dma_start3A_461, %multiple_of3A_455] : memref<2x320000xi32, #tpu.memory_space<hbm>> -> memref<1x1600xi32, #tpu.memory_space<hbm>>
      %dma_start3A_465 = tpu.memref_squeeze %dma_start3A_464 : memref<1x1600xi32, #tpu.memory_space<hbm>> -> memref<1600xi32, #tpu.memory_space<hbm>>
      tpu.enqueue_dma source(%dma_start3A_465 : memref<1600xi32, #tpu.memory_space<hbm>>) target(%arg10 : memref<1600xi32, #tpu.memory_space<vmem>>) target_semaphore(%arg16 : memref<!tpu.dma_semaphore, #tpu.memory_space<semaphore_mem>>)
      %add3A_466 = arith.constant 30 : i32
      %add3A_467 = arith.addi %add3A_466, %add3A_447 : i32
      %mul3A_468 = arith.constant 1600 : i32
      %mul3A_469 = arith.muli %add3A_467, %mul3A_468 : i32
      %add3A_470 = arith.addi %mul3A_32, %mul3A_469 : i32
      %multiple_of3A_471 = tpu.assume_multiple %add3A_470, 8 : i32
      %dma_wait3A_472 = arith.constant 0 : i32
      %dma_wait3A_473 = tpu.memref_slice %arg3[%dma_wait3A_472, %multiple_of3A_471] : memref<2x320000xi32, #tpu.memory_space<hbm>> -> memref<1x1600xi32, #tpu.memory_space<hbm>>
      %dma_wait3A_474 = tpu.memref_squeeze %dma_wait3A_473 : memref<1x1600xi32, #tpu.memory_space<hbm>> -> memref<1600xi32, #tpu.memory_space<hbm>>
      %dma_wait3A_475 = tpu.memref_slice %arg3[%dma_wait3A_472, %multiple_of3A_471] : memref<2x320000xi32, #tpu.memory_space<hbm>> -> memref<1x1600xi32, #tpu.memory_space<hbm>>
      %dma_wait3A_476 = tpu.memref_squeeze %dma_wait3A_475 : memref<1x1600xi32, #tpu.memory_space<hbm>> -> memref<1600xi32, #tpu.memory_space<hbm>>
      tpu.wait_dma2 semaphore(%arg15 : memref<!tpu.dma_semaphore, #tpu.memory_space<semaphore_mem>>) src(%dma_wait3A_476 : memref<1600xi32, #tpu.memory_space<hbm>>) dst(%arg7 : memref<1600xi32, #tpu.memory_space<vmem>>)
      %dma_wait3A_477 = arith.constant 1 : i32
      %dma_wait3A_478 = tpu.memref_slice %arg3[%dma_wait3A_477, %multiple_of3A_471] : memref<2x320000xi32, #tpu.memory_space<hbm>> -> memref<1x1600xi32, #tpu.memory_space<hbm>>
      %dma_wait3A_479 = tpu.memref_squeeze %dma_wait3A_478 : memref<1x1600xi32, #tpu.memory_space<hbm>> -> memref<1600xi32, #tpu.memory_space<hbm>>
      %dma_wait3A_480 = tpu.memref_slice %arg3[%dma_wait3A_477, %multiple_of3A_471] : memref<2x320000xi32, #tpu.memory_space<hbm>> -> memref<1x1600xi32, #tpu.memory_space<hbm>>
      %dma_wait3A_481 = tpu.memref_squeeze %dma_wait3A_480 : memref<1x1600xi32, #tpu.memory_space<hbm>> -> memref<1600xi32, #tpu.memory_space<hbm>>
      tpu.wait_dma2 semaphore(%arg15 : memref<!tpu.dma_semaphore, #tpu.memory_space<semaphore_mem>>) src(%dma_wait3A_481 : memref<1600xi32, #tpu.memory_space<hbm>>) dst(%arg9 : memref<1600xi32, #tpu.memory_space<vmem>>)
      %ge3A = arith.constant 2 : i32
      %ge3A_482 = arith.cmpi sge, %add3A_447, %ge3A : i32
      %convert_element_type3A = arith.extui %ge3A_482 : i1 to i32
      %cond3A = arith.constant 0 : i32
      %cond3A_483 = arith.cmpi ne, %convert_element_type3A, %cond3A : i32
      scf.if %cond3A_483 {
        %sub3A_553 = arith.constant 2 : i32
        %sub3A_554 = arith.subi %add3A_447, %sub3A_553 : i32
        %mul3A_555 = arith.constant 800 : i32
        %mul3A_556 = arith.muli %sub3A_554, %mul3A_555 : i32
        %multiple_of3A_557 = tpu.assume_multiple %mul3A_556, 8 : i32
        %dma_wait3A_558 = tpu.memref_slice %arg5[%select_n3A, %select_n3A_28, %multiple_of3A_557] : memref<2x8x24000xi32, #tpu.memory_space<vmem_shared>> -> memref<1x1x800xi32, #tpu.memory_space<vmem_shared>>
        %dma_wait3A_559 = tpu.memref_squeeze %dma_wait3A_558 : memref<1x1x800xi32, #tpu.memory_space<vmem_shared>> -> memref<800xi32, #tpu.memory_space<vmem_shared>>
        %dma_wait3A_560 = tpu.memref_slice %arg5[%select_n3A, %select_n3A_28, %multiple_of3A_557] : memref<2x8x24000xi32, #tpu.memory_space<vmem_shared>> -> memref<1x1x800xi32, #tpu.memory_space<vmem_shared>>
        %dma_wait3A_561 = tpu.memref_squeeze %dma_wait3A_560 : memref<1x1x800xi32, #tpu.memory_space<vmem_shared>> -> memref<800xi32, #tpu.memory_space<vmem_shared>>
        tpu.wait_dma2 semaphore(%arg17 : memref<!tpu.dma_semaphore, #tpu.memory_space<semaphore_mem>>) src(%arg11 : memref<800xi32, #tpu.memory_space<vmem>>) dst(%dma_wait3A_561 : memref<800xi32, #tpu.memory_space<vmem_shared>>)
      } else {
      }
      %scan3A_484 = arith.constant 0 : i32
      %scan3A_485 = arith.constant 0 : i32
      %scan3A_486 = arith.constant 50 : i32
      %scan3A_487 = arith.addi %scan3A_485, %scan3A_486 : i32
      %scan3A_488 = arith.constant 1 : i32
      scf.for %scan3A_553 = %scan3A_485 to %scan3A_487 step %scan3A_488  : i32 {
        %mul3A_554 = arith.constant 32 : i32
        %mul3A_555 = arith.muli %scan3A_553, %mul3A_554 : i32
        %add3A_556 = vector.broadcast %mul3A_555 : i32 to vector<16xi32>
        %add3A_557 = arith.addi %mul3A_39, %add3A_556 : vector<16xi32>
        %gather3A = tpu.vector_load_idx %arg7[%add3A_557] : memref<1600xi32, #tpu.memory_space<vmem>>[vector<16xi32>], vector<16xi32>,
        %add3A_558 = arith.constant 1 : i32
        %add3A_559 = arith.addi %mul3A_555, %add3A_558 : i32
        %add3A_560 = vector.broadcast %add3A_559 : i32 to vector<16xi32>
        %add3A_561 = arith.addi %mul3A_39, %add3A_560 : vector<16xi32>
        %gather3A_562 = tpu.vector_load_idx %arg7[%add3A_561] : memref<1600xi32, #tpu.memory_space<vmem>>[vector<16xi32>], vector<16xi32>,
        %add3A_563 = vector.broadcast %mul3A_555 : i32 to vector<16xi32>
        %add3A_564 = arith.addi %mul3A_39, %add3A_563 : vector<16xi32>
        %gather3A_565 = tpu.vector_load_idx %arg9[%add3A_564] : memref<1600xi32, #tpu.memory_space<vmem>>[vector<16xi32>], vector<16xi32>,
        %add3A_566 = arith.constant 1 : i32
        %add3A_567 = arith.addi %mul3A_555, %add3A_566 : i32
        %add3A_568 = vector.broadcast %add3A_567 : i32 to vector<16xi32>
        %add3A_569 = arith.addi %mul3A_39, %add3A_568 : vector<16xi32>
        %gather3A_570 = tpu.vector_load_idx %arg9[%add3A_569] : memref<1600xi32, #tpu.memory_space<vmem>>[vector<16xi32>], vector<16xi32>,
        %broadcast_in_dim3A = arith.constant 0.000000e+00 : bf16
        %broadcast_in_dim3A_571 = vector.broadcast %broadcast_in_dim3A : bf16 to vector<32xbf16>
        %add3A_572 = arith.constant 0 : i32
        %add3A_573 = vector.broadcast %add3A_572 : i32 to vector<16xi32>
        %add3A_574 = arith.addi %gather3A, %add3A_573 : vector<16xi32>
        %gather3A_575 = tpu.vector_load_idx %arg6[%add3A_574] : memref<80000xi32, #tpu.memory_space<vmem>>[vector<16xi32>], vector<16xi32>,
        %add3A_576 = arith.constant 0 : i32
        %add3A_577 = vector.broadcast %add3A_576 : i32 to vector<16xi32>
        %add3A_578 = arith.addi %gather3A_565, %add3A_577 : vector<16xi32>
        %gather3A_579 = tpu.vector_load_idx %arg6[%add3A_578] : memref<80000xi32, #tpu.memory_space<vmem>>[vector<16xi32>], vector<16xi32>,
        %bitcast3A = vector.bitcast %gather3A_575 : vector<16xi32> to vector<32xbf16>
        %bitcast3A_580 = vector.bitcast %gather3A_579 : vector<16xi32> to vector<32xbf16>
        %mul3A_581 = arith.mulf %bitcast3A, %bitcast3A_580 : vector<32xbf16>
        %add3A_582 = arith.addf %broadcast_in_dim3A_571, %mul3A_581 : vector<32xbf16>
        %add3A_583 = arith.constant 10000 : i32
        %add3A_584 = vector.broadcast %add3A_583 : i32 to vector<16xi32>
        %add3A_585 = arith.addi %gather3A, %add3A_584 : vector<16xi32>
        %gather3A_586 = tpu.vector_load_idx %arg6[%add3A_585] : memref<80000xi32, #tpu.memory_space<vmem>>[vector<16xi32>], vector<16xi32>,
        %add3A_587 = arith.constant 10000 : i32
        %add3A_588 = vector.broadcast %add3A_587 : i32 to vector<16xi32>
        %add3A_589 = arith.addi %gather3A_565, %add3A_588 : vector<16xi32>
        %gather3A_590 = tpu.vector_load_idx %arg6[%add3A_589] : memref<80000xi32, #tpu.memory_space<vmem>>[vector<16xi32>], vector<16xi32>,
        %bitcast3A_591 = vector.bitcast %gather3A_586 : vector<16xi32> to vector<32xbf16>
        %bitcast3A_592 = vector.bitcast %gather3A_590 : vector<16xi32> to vector<32xbf16>
        %mul3A_593 = arith.mulf %bitcast3A_591, %bitcast3A_592 : vector<32xbf16>
        %add3A_594 = arith.addf %add3A_582, %mul3A_593 : vector<32xbf16>
        %add3A_595 = arith.constant 20000 : i32
        %add3A_596 = vector.broadcast %add3A_595 : i32 to vector<16xi32>
        %add3A_597 = arith.addi %gather3A, %add3A_596 : vector<16xi32>
        %gather3A_598 = tpu.vector_load_idx %arg6[%add3A_597] : memref<80000xi32, #tpu.memory_space<vmem>>[vector<16xi32>], vector<16xi32>,
        %add3A_599 = arith.constant 20000 : i32
        %add3A_600 = vector.broadcast %add3A_599 : i32 to vector<16xi32>
        %add3A_601 = arith.addi %gather3A_565, %add3A_600 : vector<16xi32>
        %gather3A_602 = tpu.vector_load_idx %arg6[%add3A_601] : memref<80000xi32, #tpu.memory_space<vmem>>[vector<16xi32>], vector<16xi32>,
        %bitcast3A_603 = vector.bitcast %gather3A_598 : vector<16xi32> to vector<32xbf16>
        %bitcast3A_604 = vector.bitcast %gather3A_602 : vector<16xi32> to vector<32xbf16>
        %mul3A_605 = arith.mulf %bitcast3A_603, %bitcast3A_604 : vector<32xbf16>
        %add3A_606 = arith.addf %add3A_594, %mul3A_605 : vector<32xbf16>
        %add3A_607 = arith.constant 30000 : i32
        %add3A_608 = vector.broadcast %add3A_607 : i32 to vector<16xi32>
        %add3A_609 = arith.addi %gather3A, %add3A_608 : vector<16xi32>
        %gather3A_610 = tpu.vector_load_idx %arg6[%add3A_609] : memref<80000xi32, #tpu.memory_space<vmem>>[vector<16xi32>], vector<16xi32>,
        %add3A_611 = arith.constant 30000 : i32
        %add3A_612 = vector.broadcast %add3A_611 : i32 to vector<16xi32>
        %add3A_613 = arith.addi %gather3A_565, %add3A_612 : vector<16xi32>
        %gather3A_614 = tpu.vector_load_idx %arg6[%add3A_613] : memref<80000xi32, #tpu.memory_space<vmem>>[vector<16xi32>], vector<16xi32>,
        %bitcast3A_615 = vector.bitcast %gather3A_610 : vector<16xi32> to vector<32xbf16>
        %bitcast3A_616 = vector.bitcast %gather3A_614 : vector<16xi32> to vector<32xbf16>
        %mul3A_617 = arith.mulf %bitcast3A_615, %bitcast3A_616 : vector<32xbf16>
        %add3A_618 = arith.addf %add3A_606, %mul3A_617 : vector<32xbf16>
        %add3A_619 = arith.constant 40000 : i32
        %add3A_620 = vector.broadcast %add3A_619 : i32 to vector<16xi32>
        %add3A_621 = arith.addi %gather3A, %add3A_620 : vector<16xi32>
        %gather3A_622 = tpu.vector_load_idx %arg6[%add3A_621] : memref<80000xi32, #tpu.memory_space<vmem>>[vector<16xi32>], vector<16xi32>,
        %add3A_623 = arith.constant 40000 : i32
        %add3A_624 = vector.broadcast %add3A_623 : i32 to vector<16xi32>
        %add3A_625 = arith.addi %gather3A_565, %add3A_624 : vector<16xi32>
        %gather3A_626 = tpu.vector_load_idx %arg6[%add3A_625] : memref<80000xi32, #tpu.memory_space<vmem>>[vector<16xi32>], vector<16xi32>,
        %bitcast3A_627 = vector.bitcast %gather3A_622 : vector<16xi32> to vector<32xbf16>
        %bitcast3A_628 = vector.bitcast %gather3A_626 : vector<16xi32> to vector<32xbf16>
        %mul3A_629 = arith.mulf %bitcast3A_627, %bitcast3A_628 : vector<32xbf16>
        %add3A_630 = arith.addf %add3A_618, %mul3A_629 : vector<32xbf16>
        %add3A_631 = arith.constant 50000 : i32
        %add3A_632 = vector.broadcast %add3A_631 : i32 to vector<16xi32>
        %add3A_633 = arith.addi %gather3A, %add3A_632 : vector<16xi32>
        %gather3A_634 = tpu.vector_load_idx %arg6[%add3A_633] : memref<80000xi32, #tpu.memory_space<vmem>>[vector<16xi32>], vector<16xi32>,
        %add3A_635 = arith.constant 50000 : i32
        %add3A_636 = vector.broadcast %add3A_635 : i32 to vector<16xi32>
        %add3A_637 = arith.addi %gather3A_565, %add3A_636 : vector<16xi32>
        %gather3A_638 = tpu.vector_load_idx %arg6[%add3A_637] : memref<80000xi32, #tpu.memory_space<vmem>>[vector<16xi32>], vector<16xi32>,
        %bitcast3A_639 = vector.bitcast %gather3A_634 : vector<16xi32> to vector<32xbf16>
        %bitcast3A_640 = vector.bitcast %gather3A_638 : vector<16xi32> to vector<32xbf16>
        %mul3A_641 = arith.mulf %bitcast3A_639, %bitcast3A_640 : vector<32xbf16>
        %add3A_642 = arith.addf %add3A_630, %mul3A_641 : vector<32xbf16>
        %add3A_643 = arith.constant 60000 : i32
        %add3A_644 = vector.broadcast %add3A_643 : i32 to vector<16xi32>
        %add3A_645 = arith.addi %gather3A, %add3A_644 : vector<16xi32>
        %gather3A_646 = tpu.vector_load_idx %arg6[%add3A_645] : memref<80000xi32, #tpu.memory_space<vmem>>[vector<16xi32>], vector<16xi32>,
        %add3A_647 = arith.constant 60000 : i32
        %add3A_648 = vector.broadcast %add3A_647 : i32 to vector<16xi32>
        %add3A_649 = arith.addi %gather3A_565, %add3A_648 : vector<16xi32>
        %gather3A_650 = tpu.vector_load_idx %arg6[%add3A_649] : memref<80000xi32, #tpu.memory_space<vmem>>[vector<16xi32>], vector<16xi32>,
        %bitcast3A_651 = vector.bitcast %gather3A_646 : vector<16xi32> to vector<32xbf16>
        %bitcast3A_652 = vector.bitcast %gather3A_650 : vector<16xi32> to vector<32xbf16>
        %mul3A_653 = arith.mulf %bitcast3A_651, %bitcast3A_652 : vector<32xbf16>
        %add3A_654 = arith.addf %add3A_642, %mul3A_653 : vector<32xbf16>
        %add3A_655 = arith.constant 70000 : i32
        %add3A_656 = vector.broadcast %add3A_655 : i32 to vector<16xi32>
        %add3A_657 = arith.addi %gather3A, %add3A_656 : vector<16xi32>
        %gather3A_658 = tpu.vector_load_idx %arg6[%add3A_657] : memref<80000xi32, #tpu.memory_space<vmem>>[vector<16xi32>], vector<16xi32>,
        %add3A_659 = arith.constant 70000 : i32
        %add3A_660 = vector.broadcast %add3A_659 : i32 to vector<16xi32>
        %add3A_661 = arith.addi %gather3A_565, %add3A_660 : vector<16xi32>
        %gather3A_662 = tpu.vector_load_idx %arg6[%add3A_661] : memref<80000xi32, #tpu.memory_space<vmem>>[vector<16xi32>], vector<16xi32>,
        %bitcast3A_663 = vector.bitcast %gather3A_658 : vector<16xi32> to vector<32xbf16>
        %bitcast3A_664 = vector.bitcast %gather3A_662 : vector<16xi32> to vector<32xbf16>
        %mul3A_665 = arith.mulf %bitcast3A_663, %bitcast3A_664 : vector<32xbf16>
        %add3A_666 = arith.addf %add3A_654, %mul3A_665 : vector<32xbf16>
        %unpack3A = tpu.unpack_subelements %add3A_666, 0 {pack_format = #tpu.pack_format<interleaved>} : vector<32xbf16> -> vector<16xf32>
        %unpack3A_667 = tpu.unpack_subelements %add3A_666, 1 {pack_format = #tpu.pack_format<interleaved>} : vector<32xbf16> -> vector<16xf32>
        %add3A_668 = arith.addf %unpack3A, %unpack3A_667 : vector<16xf32>
        %broadcast_in_dim3A_669 = arith.constant 0.000000e+00 : bf16
        %broadcast_in_dim3A_670 = vector.broadcast %broadcast_in_dim3A_669 : bf16 to vector<32xbf16>
        %add3A_671 = arith.constant 0 : i32
        %add3A_672 = vector.broadcast %add3A_671 : i32 to vector<16xi32>
        %add3A_673 = arith.addi %gather3A_562, %add3A_672 : vector<16xi32>
        %gather3A_674 = tpu.vector_load_idx %arg6[%add3A_673] : memref<80000xi32, #tpu.memory_space<vmem>>[vector<16xi32>], vector<16xi32>,
        %add3A_675 = arith.constant 0 : i32
        %add3A_676 = vector.broadcast %add3A_675 : i32 to vector<16xi32>
        %add3A_677 = arith.addi %gather3A_570, %add3A_676 : vector<16xi32>
        %gather3A_678 = tpu.vector_load_idx %arg6[%add3A_677] : memref<80000xi32, #tpu.memory_space<vmem>>[vector<16xi32>], vector<16xi32>,
        %bitcast3A_679 = vector.bitcast %gather3A_674 : vector<16xi32> to vector<32xbf16>
        %bitcast3A_680 = vector.bitcast %gather3A_678 : vector<16xi32> to vector<32xbf16>
        %mul3A_681 = arith.mulf %bitcast3A_679, %bitcast3A_680 : vector<32xbf16>
        %add3A_682 = arith.addf %broadcast_in_dim3A_670, %mul3A_681 : vector<32xbf16>
        %add3A_683 = arith.constant 10000 : i32
        %add3A_684 = vector.broadcast %add3A_683 : i32 to vector<16xi32>
        %add3A_685 = arith.addi %gather3A_562, %add3A_684 : vector<16xi32>
        %gather3A_686 = tpu.vector_load_idx %arg6[%add3A_685] : memref<80000xi32, #tpu.memory_space<vmem>>[vector<16xi32>], vector<16xi32>,
        %add3A_687 = arith.constant 10000 : i32
        %add3A_688 = vector.broadcast %add3A_687 : i32 to vector<16xi32>
        %add3A_689 = arith.addi %gather3A_570, %add3A_688 : vector<16xi32>
        %gather3A_690 = tpu.vector_load_idx %arg6[%add3A_689] : memref<80000xi32, #tpu.memory_space<vmem>>[vector<16xi32>], vector<16xi32>,
        %bitcast3A_691 = vector.bitcast %gather3A_686 : vector<16xi32> to vector<32xbf16>
        %bitcast3A_692 = vector.bitcast %gather3A_690 : vector<16xi32> to vector<32xbf16>
        %mul3A_693 = arith.mulf %bitcast3A_691, %bitcast3A_692 : vector<32xbf16>
        %add3A_694 = arith.addf %add3A_682, %mul3A_693 : vector<32xbf16>
        %add3A_695 = arith.constant 20000 : i32
        %add3A_696 = vector.broadcast %add3A_695 : i32 to vector<16xi32>
        %add3A_697 = arith.addi %gather3A_562, %add3A_696 : vector<16xi32>
        %gather3A_698 = tpu.vector_load_idx %arg6[%add3A_697] : memref<80000xi32, #tpu.memory_space<vmem>>[vector<16xi32>], vector<16xi32>,
        %add3A_699 = arith.constant 20000 : i32
        %add3A_700 = vector.broadcast %add3A_699 : i32 to vector<16xi32>
        %add3A_701 = arith.addi %gather3A_570, %add3A_700 : vector<16xi32>
        %gather3A_702 = tpu.vector_load_idx %arg6[%add3A_701] : memref<80000xi32, #tpu.memory_space<vmem>>[vector<16xi32>], vector<16xi32>,
        %bitcast3A_703 = vector.bitcast %gather3A_698 : vector<16xi32> to vector<32xbf16>
        %bitcast3A_704 = vector.bitcast %gather3A_702 : vector<16xi32> to vector<32xbf16>
        %mul3A_705 = arith.mulf %bitcast3A_703, %bitcast3A_704 : vector<32xbf16>
        %add3A_706 = arith.addf %add3A_694, %mul3A_705 : vector<32xbf16>
        %add3A_707 = arith.constant 30000 : i32
        %add3A_708 = vector.broadcast %add3A_707 : i32 to vector<16xi32>
        %add3A_709 = arith.addi %gather3A_562, %add3A_708 : vector<16xi32>
        %gather3A_710 = tpu.vector_load_idx %arg6[%add3A_709] : memref<80000xi32, #tpu.memory_space<vmem>>[vector<16xi32>], vector<16xi32>,
        %add3A_711 = arith.constant 30000 : i32
        %add3A_712 = vector.broadcast %add3A_711 : i32 to vector<16xi32>
        %add3A_713 = arith.addi %gather3A_570, %add3A_712 : vector<16xi32>
        %gather3A_714 = tpu.vector_load_idx %arg6[%add3A_713] : memref<80000xi32, #tpu.memory_space<vmem>>[vector<16xi32>], vector<16xi32>,
        %bitcast3A_715 = vector.bitcast %gather3A_710 : vector<16xi32> to vector<32xbf16>
        %bitcast3A_716 = vector.bitcast %gather3A_714 : vector<16xi32> to vector<32xbf16>
        %mul3A_717 = arith.mulf %bitcast3A_715, %bitcast3A_716 : vector<32xbf16>
        %add3A_718 = arith.addf %add3A_706, %mul3A_717 : vector<32xbf16>
        %add3A_719 = arith.constant 40000 : i32
        %add3A_720 = vector.broadcast %add3A_719 : i32 to vector<16xi32>
        %add3A_721 = arith.addi %gather3A_562, %add3A_720 : vector<16xi32>
        %gather3A_722 = tpu.vector_load_idx %arg6[%add3A_721] : memref<80000xi32, #tpu.memory_space<vmem>>[vector<16xi32>], vector<16xi32>,
        %add3A_723 = arith.constant 40000 : i32
        %add3A_724 = vector.broadcast %add3A_723 : i32 to vector<16xi32>
        %add3A_725 = arith.addi %gather3A_570, %add3A_724 : vector<16xi32>
        %gather3A_726 = tpu.vector_load_idx %arg6[%add3A_725] : memref<80000xi32, #tpu.memory_space<vmem>>[vector<16xi32>], vector<16xi32>,
        %bitcast3A_727 = vector.bitcast %gather3A_722 : vector<16xi32> to vector<32xbf16>
        %bitcast3A_728 = vector.bitcast %gather3A_726 : vector<16xi32> to vector<32xbf16>
        %mul3A_729 = arith.mulf %bitcast3A_727, %bitcast3A_728 : vector<32xbf16>
        %add3A_730 = arith.addf %add3A_718, %mul3A_729 : vector<32xbf16>
        %add3A_731 = arith.constant 50000 : i32
        %add3A_732 = vector.broadcast %add3A_731 : i32 to vector<16xi32>
        %add3A_733 = arith.addi %gather3A_562, %add3A_732 : vector<16xi32>
        %gather3A_734 = tpu.vector_load_idx %arg6[%add3A_733] : memref<80000xi32, #tpu.memory_space<vmem>>[vector<16xi32>], vector<16xi32>,
        %add3A_735 = arith.constant 50000 : i32
        %add3A_736 = vector.broadcast %add3A_735 : i32 to vector<16xi32>
        %add3A_737 = arith.addi %gather3A_570, %add3A_736 : vector<16xi32>
        %gather3A_738 = tpu.vector_load_idx %arg6[%add3A_737] : memref<80000xi32, #tpu.memory_space<vmem>>[vector<16xi32>], vector<16xi32>,
        %bitcast3A_739 = vector.bitcast %gather3A_734 : vector<16xi32> to vector<32xbf16>
        %bitcast3A_740 = vector.bitcast %gather3A_738 : vector<16xi32> to vector<32xbf16>
        %mul3A_741 = arith.mulf %bitcast3A_739, %bitcast3A_740 : vector<32xbf16>
        %add3A_742 = arith.addf %add3A_730, %mul3A_741 : vector<32xbf16>
        %add3A_743 = arith.constant 60000 : i32
        %add3A_744 = vector.broadcast %add3A_743 : i32 to vector<16xi32>
        %add3A_745 = arith.addi %gather3A_562, %add3A_744 : vector<16xi32>
        %gather3A_746 = tpu.vector_load_idx %arg6[%add3A_745] : memref<80000xi32, #tpu.memory_space<vmem>>[vector<16xi32>], vector<16xi32>,
        %add3A_747 = arith.constant 60000 : i32
        %add3A_748 = vector.broadcast %add3A_747 : i32 to vector<16xi32>
        %add3A_749 = arith.addi %gather3A_570, %add3A_748 : vector<16xi32>
        %gather3A_750 = tpu.vector_load_idx %arg6[%add3A_749] : memref<80000xi32, #tpu.memory_space<vmem>>[vector<16xi32>], vector<16xi32>,
        %bitcast3A_751 = vector.bitcast %gather3A_746 : vector<16xi32> to vector<32xbf16>
        %bitcast3A_752 = vector.bitcast %gather3A_750 : vector<16xi32> to vector<32xbf16>
        %mul3A_753 = arith.mulf %bitcast3A_751, %bitcast3A_752 : vector<32xbf16>
        %add3A_754 = arith.addf %add3A_742, %mul3A_753 : vector<32xbf16>
        %add3A_755 = arith.constant 70000 : i32
        %add3A_756 = vector.broadcast %add3A_755 : i32 to vector<16xi32>
        %add3A_757 = arith.addi %gather3A_562, %add3A_756 : vector<16xi32>
        %gather3A_758 = tpu.vector_load_idx %arg6[%add3A_757] : memref<80000xi32, #tpu.memory_space<vmem>>[vector<16xi32>], vector<16xi32>,
        %add3A_759 = arith.constant 70000 : i32
        %add3A_760 = vector.broadcast %add3A_759 : i32 to vector<16xi32>
        %add3A_761 = arith.addi %gather3A_570, %add3A_760 : vector<16xi32>
        %gather3A_762 = tpu.vector_load_idx %arg6[%add3A_761] : memref<80000xi32, #tpu.memory_space<vmem>>[vector<16xi32>], vector<16xi32>,
        %bitcast3A_763 = vector.bitcast %gather3A_758 : vector<16xi32> to vector<32xbf16>
        %bitcast3A_764 = vector.bitcast %gather3A_762 : vector<16xi32> to vector<32xbf16>
        %mul3A_765 = arith.mulf %bitcast3A_763, %bitcast3A_764 : vector<32xbf16>
        %add3A_766 = arith.addf %add3A_754, %mul3A_765 : vector<32xbf16>
        %unpack3A_767 = tpu.unpack_subelements %add3A_766, 0 {pack_format = #tpu.pack_format<interleaved>} : vector<32xbf16> -> vector<16xf32>
        %unpack3A_768 = tpu.unpack_subelements %add3A_766, 1 {pack_format = #tpu.pack_format<interleaved>} : vector<32xbf16> -> vector<16xf32>
        %add3A_769 = arith.addf %unpack3A_767, %unpack3A_768 : vector<16xf32>
        %pack3A = tpu.pack_subelements %add3A_668, %add3A_769 {pack_format = #tpu.pack_format<interleaved>, positions = array<i32: 0, 1>} : vector<16xf32>, vector<16xf32> -> vector<32xbf16>
        %bitcast3A_770 = vector.bitcast %pack3A : vector<32xbf16> to vector<16xi32>
        %mul3A_771 = arith.constant 16 : i32
        %mul3A_772 = arith.muli %scan3A_553, %mul3A_771 : i32
        %multiple_of3A_773 = tpu.assume_multiple %mul3A_772, 16 : i32
        %swap3A = arith.index_cast %multiple_of3A_773 : i32 to index
        %swap3A_774 = tpu.vector_load %arg11[%swap3A] {strides = array<i32>} : memref<800xi32, #tpu.memory_space<vmem>>, vector<16xi32>,
        tpu.vector_store %arg11[%swap3A], %bitcast3A_770 {strides = array<i32>} : memref<800xi32, #tpu.memory_space<vmem>>, vector<16xi32>,
      }
      %scan3A_489 = arith.constant 50 : i32
      %mul3A_490 = arith.constant 800 : i32
      %mul3A_491 = arith.muli %add3A_447, %mul3A_490 : i32
      %multiple_of3A_492 = tpu.assume_multiple %mul3A_491, 8 : i32
      %dma_start3A_493 = tpu.memref_slice %arg5[%select_n3A, %select_n3A_28, %multiple_of3A_492] : memref<2x8x24000xi32, #tpu.memory_space<vmem_shared>> -> memref<1x1x800xi32, #tpu.memory_space<vmem_shared>>
      %dma_start3A_494 = tpu.memref_squeeze %dma_start3A_493 : memref<1x1x800xi32, #tpu.memory_space<vmem_shared>> -> memref<800xi32, #tpu.memory_space<vmem_shared>>
      %dma_start3A_495 = tpu.memref_slice %arg5[%select_n3A, %select_n3A_28, %multiple_of3A_492] : memref<2x8x24000xi32, #tpu.memory_space<vmem_shared>> -> memref<1x1x800xi32, #tpu.memory_space<vmem_shared>>
      %dma_start3A_496 = tpu.memref_squeeze %dma_start3A_495 : memref<1x1x800xi32, #tpu.memory_space<vmem_shared>> -> memref<800xi32, #tpu.memory_space<vmem_shared>>
      tpu.enqueue_dma source(%arg11 : memref<800xi32, #tpu.memory_space<vmem>>) target(%dma_start3A_496 : memref<800xi32, #tpu.memory_space<vmem_shared>>) target_semaphore(%arg17 : memref<!tpu.dma_semaphore, #tpu.memory_space<semaphore_mem>>)
      %mul3A_497 = arith.constant 2 : i32
      %mul3A_498 = arith.muli %scan3A_443, %mul3A_497 : i32
      %add3A_499 = arith.constant 1 : i32
      %add3A_500 = arith.addi %mul3A_498, %add3A_499 : i32
      %add3A_501 = arith.constant 30 : i32
      %add3A_502 = arith.addi %add3A_501, %add3A_500 : i32
      %add3A_503 = arith.constant 1 : i32
      %add3A_504 = arith.addi %add3A_502, %add3A_503 : i32
      %mul3A_505 = arith.constant 1600 : i32
      %mul3A_506 = arith.muli %add3A_504, %mul3A_505 : i32
      %add3A_507 = arith.addi %mul3A_32, %mul3A_506 : i32
      %multiple_of3A_508 = tpu.assume_multiple %add3A_507, 8 : i32
      %dma_start3A_509 = arith.constant 0 : i32
      %dma_start3A_510 = tpu.memref_slice %arg3[%dma_start3A_509, %multiple_of3A_508] : memref<2x320000xi32, #tpu.memory_space<hbm>> -> memref<1x1600xi32, #tpu.memory_space<hbm>>
      %dma_start3A_511 = tpu.memref_squeeze %dma_start3A_510 : memref<1x1600xi32, #tpu.memory_space<hbm>> -> memref<1600xi32, #tpu.memory_space<hbm>>
      %dma_start3A_512 = tpu.memref_slice %arg3[%dma_start3A_509, %multiple_of3A_508] : memref<2x320000xi32, #tpu.memory_space<hbm>> -> memref<1x1600xi32, #tpu.memory_space<hbm>>
      %dma_start3A_513 = tpu.memref_squeeze %dma_start3A_512 : memref<1x1600xi32, #tpu.memory_space<hbm>> -> memref<1600xi32, #tpu.memory_space<hbm>>
      tpu.enqueue_dma source(%dma_start3A_513 : memref<1600xi32, #tpu.memory_space<hbm>>) target(%arg7 : memref<1600xi32, #tpu.memory_space<vmem>>) target_semaphore(%arg15 : memref<!tpu.dma_semaphore, #tpu.memory_space<semaphore_mem>>)
      %dma_start3A_514 = arith.constant 1 : i32
      %dma_start3A_515 = tpu.memref_slice %arg3[%dma_start3A_514, %multiple_of3A_508] : memref<2x320000xi32, #tpu.memory_space<hbm>> -> memref<1x1600xi32, #tpu.memory_space<hbm>>
      %dma_start3A_516 = tpu.memref_squeeze %dma_start3A_515 : memref<1x1600xi32, #tpu.memory_space<hbm>> -> memref<1600xi32, #tpu.memory_space<hbm>>
      %dma_start3A_517 = tpu.memref_slice %arg3[%dma_start3A_514, %multiple_of3A_508] : memref<2x320000xi32, #tpu.memory_space<hbm>> -> memref<1x1600xi32, #tpu.memory_space<hbm>>
      %dma_start3A_518 = tpu.memref_squeeze %dma_start3A_517 : memref<1x1600xi32, #tpu.memory_space<hbm>> -> memref<1600xi32, #tpu.memory_space<hbm>>
      tpu.enqueue_dma source(%dma_start3A_518 : memref<1600xi32, #tpu.memory_space<hbm>>) target(%arg9 : memref<1600xi32, #tpu.memory_space<vmem>>) target_semaphore(%arg15 : memref<!tpu.dma_semaphore, #tpu.memory_space<semaphore_mem>>)
      %add3A_519 = arith.constant 30 : i32
      %add3A_520 = arith.addi %add3A_519, %add3A_500 : i32
      %mul3A_521 = arith.constant 1600 : i32
      %mul3A_522 = arith.muli %add3A_520, %mul3A_521 : i32
      %add3A_523 = arith.addi %mul3A_32, %mul3A_522 : i32
      %multiple_of3A_524 = tpu.assume_multiple %add3A_523, 8 : i32
      %dma_wait3A_525 = arith.constant 0 : i32
      %dma_wait3A_526 = tpu.memref_slice %arg3[%dma_wait3A_525, %multiple_of3A_524] : memref<2x320000xi32, #tpu.memory_space<hbm>> -> memref<1x1600xi32, #tpu.memory_space<hbm>>
      %dma_wait3A_527 = tpu.memref_squeeze %dma_wait3A_526 : memref<1x1600xi32, #tpu.memory_space<hbm>> -> memref<1600xi32, #tpu.memory_space<hbm>>
      %dma_wait3A_528 = tpu.memref_slice %arg3[%dma_wait3A_525, %multiple_of3A_524] : memref<2x320000xi32, #tpu.memory_space<hbm>> -> memref<1x1600xi32, #tpu.memory_space<hbm>>
      %dma_wait3A_529 = tpu.memref_squeeze %dma_wait3A_528 : memref<1x1600xi32, #tpu.memory_space<hbm>> -> memref<1600xi32, #tpu.memory_space<hbm>>
      tpu.wait_dma2 semaphore(%arg16 : memref<!tpu.dma_semaphore, #tpu.memory_space<semaphore_mem>>) src(%dma_wait3A_529 : memref<1600xi32, #tpu.memory_space<hbm>>) dst(%arg8 : memref<1600xi32, #tpu.memory_space<vmem>>)
      %dma_wait3A_530 = arith.constant 1 : i32
      %dma_wait3A_531 = tpu.memref_slice %arg3[%dma_wait3A_530, %multiple_of3A_524] : memref<2x320000xi32, #tpu.memory_space<hbm>> -> memref<1x1600xi32, #tpu.memory_space<hbm>>
      %dma_wait3A_532 = tpu.memref_squeeze %dma_wait3A_531 : memref<1x1600xi32, #tpu.memory_space<hbm>> -> memref<1600xi32, #tpu.memory_space<hbm>>
      %dma_wait3A_533 = tpu.memref_slice %arg3[%dma_wait3A_530, %multiple_of3A_524] : memref<2x320000xi32, #tpu.memory_space<hbm>> -> memref<1x1600xi32, #tpu.memory_space<hbm>>
      %dma_wait3A_534 = tpu.memref_squeeze %dma_wait3A_533 : memref<1x1600xi32, #tpu.memory_space<hbm>> -> memref<1600xi32, #tpu.memory_space<hbm>>
      tpu.wait_dma2 semaphore(%arg16 : memref<!tpu.dma_semaphore, #tpu.memory_space<semaphore_mem>>) src(%dma_wait3A_534 : memref<1600xi32, #tpu.memory_space<hbm>>) dst(%arg10 : memref<1600xi32, #tpu.memory_space<vmem>>)
      %ge3A_535 = arith.constant 2 : i32
      %ge3A_536 = arith.cmpi sge, %add3A_500, %ge3A_535 : i32
      %convert_element_type3A_537 = arith.extui %ge3A_536 : i1 to i32
      %cond3A_538 = arith.constant 0 : i32
      %cond3A_539 = arith.cmpi ne, %convert_element_type3A_537, %cond3A_538 : i32
      scf.if %cond3A_539 {
        %sub3A_553 = arith.constant 2 : i32
        %sub3A_554 = arith.subi %add3A_500, %sub3A_553 : i32
        %mul3A_555 = arith.constant 800 : i32
        %mul3A_556 = arith.muli %sub3A_554, %mul3A_555 : i32
        %multiple_of3A_557 = tpu.assume_multiple %mul3A_556, 8 : i32
        %dma_wait3A_558 = tpu.memref_slice %arg5[%select_n3A, %select_n3A_28, %multiple_of3A_557] : memref<2x8x24000xi32, #tpu.memory_space<vmem_shared>> -> memref<1x1x800xi32, #tpu.memory_space<vmem_shared>>
        %dma_wait3A_559 = tpu.memref_squeeze %dma_wait3A_558 : memref<1x1x800xi32, #tpu.memory_space<vmem_shared>> -> memref<800xi32, #tpu.memory_space<vmem_shared>>
        %dma_wait3A_560 = tpu.memref_slice %arg5[%select_n3A, %select_n3A_28, %multiple_of3A_557] : memref<2x8x24000xi32, #tpu.memory_space<vmem_shared>> -> memref<1x1x800xi32, #tpu.memory_space<vmem_shared>>
        %dma_wait3A_561 = tpu.memref_squeeze %dma_wait3A_560 : memref<1x1x800xi32, #tpu.memory_space<vmem_shared>> -> memref<800xi32, #tpu.memory_space<vmem_shared>>
        tpu.wait_dma2 semaphore(%arg18 : memref<!tpu.dma_semaphore, #tpu.memory_space<semaphore_mem>>) src(%arg12 : memref<800xi32, #tpu.memory_space<vmem>>) dst(%dma_wait3A_561 : memref<800xi32, #tpu.memory_space<vmem_shared>>)
      } else {
      }
      %scan3A_540 = arith.constant 0 : i32
      %scan3A_541 = arith.constant 0 : i32
      %scan3A_542 = arith.constant 50 : i32
      %scan3A_543 = arith.addi %scan3A_541, %scan3A_542 : i32
      %scan3A_544 = arith.constant 1 : i32
      scf.for %scan3A_553 = %scan3A_541 to %scan3A_543 step %scan3A_544  : i32 {
        %mul3A_554 = arith.constant 32 : i32
        %mul3A_555 = arith.muli %scan3A_553, %mul3A_554 : i32
        %add3A_556 = vector.broadcast %mul3A_555 : i32 to vector<16xi32>
        %add3A_557 = arith.addi %mul3A_39, %add3A_556 : vector<16xi32>
        %gather3A = tpu.vector_load_idx %arg8[%add3A_557] : memref<1600xi32, #tpu.memory_space<vmem>>[vector<16xi32>], vector<16xi32>,
        %add3A_558 = arith.constant 1 : i32
        %add3A_559 = arith.addi %mul3A_555, %add3A_558 : i32
        %add3A_560 = vector.broadcast %add3A_559 : i32 to vector<16xi32>
        %add3A_561 = arith.addi %mul3A_39, %add3A_560 : vector<16xi32>
        %gather3A_562 = tpu.vector_load_idx %arg8[%add3A_561] : memref<1600xi32, #tpu.memory_space<vmem>>[vector<16xi32>], vector<16xi32>,
        %add3A_563 = vector.broadcast %mul3A_555 : i32 to vector<16xi32>
        %add3A_564 = arith.addi %mul3A_39, %add3A_563 : vector<16xi32>
        %gather3A_565 = tpu.vector_load_idx %arg10[%add3A_564] : memref<1600xi32, #tpu.memory_space<vmem>>[vector<16xi32>], vector<16xi32>,
        %add3A_566 = arith.constant 1 : i32
        %add3A_567 = arith.addi %mul3A_555, %add3A_566 : i32
        %add3A_568 = vector.broadcast %add3A_567 : i32 to vector<16xi32>
        %add3A_569 = arith.addi %mul3A_39, %add3A_568 : vector<16xi32>
        %gather3A_570 = tpu.vector_load_idx %arg10[%add3A_569] : memref<1600xi32, #tpu.memory_space<vmem>>[vector<16xi32>], vector<16xi32>,
        %broadcast_in_dim3A = arith.constant 0.000000e+00 : bf16
        %broadcast_in_dim3A_571 = vector.broadcast %broadcast_in_dim3A : bf16 to vector<32xbf16>
        %add3A_572 = arith.constant 0 : i32
        %add3A_573 = vector.broadcast %add3A_572 : i32 to vector<16xi32>
        %add3A_574 = arith.addi %gather3A, %add3A_573 : vector<16xi32>
        %gather3A_575 = tpu.vector_load_idx %arg6[%add3A_574] : memref<80000xi32, #tpu.memory_space<vmem>>[vector<16xi32>], vector<16xi32>,
        %add3A_576 = arith.constant 0 : i32
        %add3A_577 = vector.broadcast %add3A_576 : i32 to vector<16xi32>
        %add3A_578 = arith.addi %gather3A_565, %add3A_577 : vector<16xi32>
        %gather3A_579 = tpu.vector_load_idx %arg6[%add3A_578] : memref<80000xi32, #tpu.memory_space<vmem>>[vector<16xi32>], vector<16xi32>,
        %bitcast3A = vector.bitcast %gather3A_575 : vector<16xi32> to vector<32xbf16>
        %bitcast3A_580 = vector.bitcast %gather3A_579 : vector<16xi32> to vector<32xbf16>
        %mul3A_581 = arith.mulf %bitcast3A, %bitcast3A_580 : vector<32xbf16>
        %add3A_582 = arith.addf %broadcast_in_dim3A_571, %mul3A_581 : vector<32xbf16>
        %add3A_583 = arith.constant 10000 : i32
        %add3A_584 = vector.broadcast %add3A_583 : i32 to vector<16xi32>
        %add3A_585 = arith.addi %gather3A, %add3A_584 : vector<16xi32>
        %gather3A_586 = tpu.vector_load_idx %arg6[%add3A_585] : memref<80000xi32, #tpu.memory_space<vmem>>[vector<16xi32>], vector<16xi32>,
        %add3A_587 = arith.constant 10000 : i32
        %add3A_588 = vector.broadcast %add3A_587 : i32 to vector<16xi32>
        %add3A_589 = arith.addi %gather3A_565, %add3A_588 : vector<16xi32>
        %gather3A_590 = tpu.vector_load_idx %arg6[%add3A_589] : memref<80000xi32, #tpu.memory_space<vmem>>[vector<16xi32>], vector<16xi32>,
        %bitcast3A_591 = vector.bitcast %gather3A_586 : vector<16xi32> to vector<32xbf16>
        %bitcast3A_592 = vector.bitcast %gather3A_590 : vector<16xi32> to vector<32xbf16>
        %mul3A_593 = arith.mulf %bitcast3A_591, %bitcast3A_592 : vector<32xbf16>
        %add3A_594 = arith.addf %add3A_582, %mul3A_593 : vector<32xbf16>
        %add3A_595 = arith.constant 20000 : i32
        %add3A_596 = vector.broadcast %add3A_595 : i32 to vector<16xi32>
        %add3A_597 = arith.addi %gather3A, %add3A_596 : vector<16xi32>
        %gather3A_598 = tpu.vector_load_idx %arg6[%add3A_597] : memref<80000xi32, #tpu.memory_space<vmem>>[vector<16xi32>], vector<16xi32>,
        %add3A_599 = arith.constant 20000 : i32
        %add3A_600 = vector.broadcast %add3A_599 : i32 to vector<16xi32>
        %add3A_601 = arith.addi %gather3A_565, %add3A_600 : vector<16xi32>
        %gather3A_602 = tpu.vector_load_idx %arg6[%add3A_601] : memref<80000xi32, #tpu.memory_space<vmem>>[vector<16xi32>], vector<16xi32>,
        %bitcast3A_603 = vector.bitcast %gather3A_598 : vector<16xi32> to vector<32xbf16>
        %bitcast3A_604 = vector.bitcast %gather3A_602 : vector<16xi32> to vector<32xbf16>
        %mul3A_605 = arith.mulf %bitcast3A_603, %bitcast3A_604 : vector<32xbf16>
        %add3A_606 = arith.addf %add3A_594, %mul3A_605 : vector<32xbf16>
        %add3A_607 = arith.constant 30000 : i32
        %add3A_608 = vector.broadcast %add3A_607 : i32 to vector<16xi32>
        %add3A_609 = arith.addi %gather3A, %add3A_608 : vector<16xi32>
        %gather3A_610 = tpu.vector_load_idx %arg6[%add3A_609] : memref<80000xi32, #tpu.memory_space<vmem>>[vector<16xi32>], vector<16xi32>,
        %add3A_611 = arith.constant 30000 : i32
        %add3A_612 = vector.broadcast %add3A_611 : i32 to vector<16xi32>
        %add3A_613 = arith.addi %gather3A_565, %add3A_612 : vector<16xi32>
        %gather3A_614 = tpu.vector_load_idx %arg6[%add3A_613] : memref<80000xi32, #tpu.memory_space<vmem>>[vector<16xi32>], vector<16xi32>,
        %bitcast3A_615 = vector.bitcast %gather3A_610 : vector<16xi32> to vector<32xbf16>
        %bitcast3A_616 = vector.bitcast %gather3A_614 : vector<16xi32> to vector<32xbf16>
        %mul3A_617 = arith.mulf %bitcast3A_615, %bitcast3A_616 : vector<32xbf16>
        %add3A_618 = arith.addf %add3A_606, %mul3A_617 : vector<32xbf16>
        %add3A_619 = arith.constant 40000 : i32
        %add3A_620 = vector.broadcast %add3A_619 : i32 to vector<16xi32>
        %add3A_621 = arith.addi %gather3A, %add3A_620 : vector<16xi32>
        %gather3A_622 = tpu.vector_load_idx %arg6[%add3A_621] : memref<80000xi32, #tpu.memory_space<vmem>>[vector<16xi32>], vector<16xi32>,
        %add3A_623 = arith.constant 40000 : i32
        %add3A_624 = vector.broadcast %add3A_623 : i32 to vector<16xi32>
        %add3A_625 = arith.addi %gather3A_565, %add3A_624 : vector<16xi32>
        %gather3A_626 = tpu.vector_load_idx %arg6[%add3A_625] : memref<80000xi32, #tpu.memory_space<vmem>>[vector<16xi32>], vector<16xi32>,
        %bitcast3A_627 = vector.bitcast %gather3A_622 : vector<16xi32> to vector<32xbf16>
        %bitcast3A_628 = vector.bitcast %gather3A_626 : vector<16xi32> to vector<32xbf16>
        %mul3A_629 = arith.mulf %bitcast3A_627, %bitcast3A_628 : vector<32xbf16>
        %add3A_630 = arith.addf %add3A_618, %mul3A_629 : vector<32xbf16>
        %add3A_631 = arith.constant 50000 : i32
        %add3A_632 = vector.broadcast %add3A_631 : i32 to vector<16xi32>
        %add3A_633 = arith.addi %gather3A, %add3A_632 : vector<16xi32>
        %gather3A_634 = tpu.vector_load_idx %arg6[%add3A_633] : memref<80000xi32, #tpu.memory_space<vmem>>[vector<16xi32>], vector<16xi32>,
        %add3A_635 = arith.constant 50000 : i32
        %add3A_636 = vector.broadcast %add3A_635 : i32 to vector<16xi32>
        %add3A_637 = arith.addi %gather3A_565, %add3A_636 : vector<16xi32>
        %gather3A_638 = tpu.vector_load_idx %arg6[%add3A_637] : memref<80000xi32, #tpu.memory_space<vmem>>[vector<16xi32>], vector<16xi32>,
        %bitcast3A_639 = vector.bitcast %gather3A_634 : vector<16xi32> to vector<32xbf16>
        %bitcast3A_640 = vector.bitcast %gather3A_638 : vector<16xi32> to vector<32xbf16>
        %mul3A_641 = arith.mulf %bitcast3A_639, %bitcast3A_640 : vector<32xbf16>
        %add3A_642 = arith.addf %add3A_630, %mul3A_641 : vector<32xbf16>
        %add3A_643 = arith.constant 60000 : i32
        %add3A_644 = vector.broadcast %add3A_643 : i32 to vector<16xi32>
        %add3A_645 = arith.addi %gather3A, %add3A_644 : vector<16xi32>
        %gather3A_646 = tpu.vector_load_idx %arg6[%add3A_645] : memref<80000xi32, #tpu.memory_space<vmem>>[vector<16xi32>], vector<16xi32>,
        %add3A_647 = arith.constant 60000 : i32
        %add3A_648 = vector.broadcast %add3A_647 : i32 to vector<16xi32>
        %add3A_649 = arith.addi %gather3A_565, %add3A_648 : vector<16xi32>
        %gather3A_650 = tpu.vector_load_idx %arg6[%add3A_649] : memref<80000xi32, #tpu.memory_space<vmem>>[vector<16xi32>], vector<16xi32>,
        %bitcast3A_651 = vector.bitcast %gather3A_646 : vector<16xi32> to vector<32xbf16>
        %bitcast3A_652 = vector.bitcast %gather3A_650 : vector<16xi32> to vector<32xbf16>
        %mul3A_653 = arith.mulf %bitcast3A_651, %bitcast3A_652 : vector<32xbf16>
        %add3A_654 = arith.addf %add3A_642, %mul3A_653 : vector<32xbf16>
        %add3A_655 = arith.constant 70000 : i32
        %add3A_656 = vector.broadcast %add3A_655 : i32 to vector<16xi32>
        %add3A_657 = arith.addi %gather3A, %add3A_656 : vector<16xi32>
        %gather3A_658 = tpu.vector_load_idx %arg6[%add3A_657] : memref<80000xi32, #tpu.memory_space<vmem>>[vector<16xi32>], vector<16xi32>,
        %add3A_659 = arith.constant 70000 : i32
        %add3A_660 = vector.broadcast %add3A_659 : i32 to vector<16xi32>
        %add3A_661 = arith.addi %gather3A_565, %add3A_660 : vector<16xi32>
        %gather3A_662 = tpu.vector_load_idx %arg6[%add3A_661] : memref<80000xi32, #tpu.memory_space<vmem>>[vector<16xi32>], vector<16xi32>,
        %bitcast3A_663 = vector.bitcast %gather3A_658 : vector<16xi32> to vector<32xbf16>
        %bitcast3A_664 = vector.bitcast %gather3A_662 : vector<16xi32> to vector<32xbf16>
        %mul3A_665 = arith.mulf %bitcast3A_663, %bitcast3A_664 : vector<32xbf16>
        %add3A_666 = arith.addf %add3A_654, %mul3A_665 : vector<32xbf16>
        %unpack3A = tpu.unpack_subelements %add3A_666, 0 {pack_format = #tpu.pack_format<interleaved>} : vector<32xbf16> -> vector<16xf32>
        %unpack3A_667 = tpu.unpack_subelements %add3A_666, 1 {pack_format = #tpu.pack_format<interleaved>} : vector<32xbf16> -> vector<16xf32>
        %add3A_668 = arith.addf %unpack3A, %unpack3A_667 : vector<16xf32>
        %broadcast_in_dim3A_669 = arith.constant 0.000000e+00 : bf16
        %broadcast_in_dim3A_670 = vector.broadcast %broadcast_in_dim3A_669 : bf16 to vector<32xbf16>
        %add3A_671 = arith.constant 0 : i32
        %add3A_672 = vector.broadcast %add3A_671 : i32 to vector<16xi32>
        %add3A_673 = arith.addi %gather3A_562, %add3A_672 : vector<16xi32>
        %gather3A_674 = tpu.vector_load_idx %arg6[%add3A_673] : memref<80000xi32, #tpu.memory_space<vmem>>[vector<16xi32>], vector<16xi32>,
        %add3A_675 = arith.constant 0 : i32
        %add3A_676 = vector.broadcast %add3A_675 : i32 to vector<16xi32>
        %add3A_677 = arith.addi %gather3A_570, %add3A_676 : vector<16xi32>
        %gather3A_678 = tpu.vector_load_idx %arg6[%add3A_677] : memref<80000xi32, #tpu.memory_space<vmem>>[vector<16xi32>], vector<16xi32>,
        %bitcast3A_679 = vector.bitcast %gather3A_674 : vector<16xi32> to vector<32xbf16>
        %bitcast3A_680 = vector.bitcast %gather3A_678 : vector<16xi32> to vector<32xbf16>
        %mul3A_681 = arith.mulf %bitcast3A_679, %bitcast3A_680 : vector<32xbf16>
        %add3A_682 = arith.addf %broadcast_in_dim3A_670, %mul3A_681 : vector<32xbf16>
        %add3A_683 = arith.constant 10000 : i32
        %add3A_684 = vector.broadcast %add3A_683 : i32 to vector<16xi32>
        %add3A_685 = arith.addi %gather3A_562, %add3A_684 : vector<16xi32>
        %gather3A_686 = tpu.vector_load_idx %arg6[%add3A_685] : memref<80000xi32, #tpu.memory_space<vmem>>[vector<16xi32>], vector<16xi32>,
        %add3A_687 = arith.constant 10000 : i32
        %add3A_688 = vector.broadcast %add3A_687 : i32 to vector<16xi32>
        %add3A_689 = arith.addi %gather3A_570, %add3A_688 : vector<16xi32>
        %gather3A_690 = tpu.vector_load_idx %arg6[%add3A_689] : memref<80000xi32, #tpu.memory_space<vmem>>[vector<16xi32>], vector<16xi32>,
        %bitcast3A_691 = vector.bitcast %gather3A_686 : vector<16xi32> to vector<32xbf16>
        %bitcast3A_692 = vector.bitcast %gather3A_690 : vector<16xi32> to vector<32xbf16>
        %mul3A_693 = arith.mulf %bitcast3A_691, %bitcast3A_692 : vector<32xbf16>
        %add3A_694 = arith.addf %add3A_682, %mul3A_693 : vector<32xbf16>
        %add3A_695 = arith.constant 20000 : i32
        %add3A_696 = vector.broadcast %add3A_695 : i32 to vector<16xi32>
        %add3A_697 = arith.addi %gather3A_562, %add3A_696 : vector<16xi32>
        %gather3A_698 = tpu.vector_load_idx %arg6[%add3A_697] : memref<80000xi32, #tpu.memory_space<vmem>>[vector<16xi32>], vector<16xi32>,
        %add3A_699 = arith.constant 20000 : i32
        %add3A_700 = vector.broadcast %add3A_699 : i32 to vector<16xi32>
        %add3A_701 = arith.addi %gather3A_570, %add3A_700 : vector<16xi32>
        %gather3A_702 = tpu.vector_load_idx %arg6[%add3A_701] : memref<80000xi32, #tpu.memory_space<vmem>>[vector<16xi32>], vector<16xi32>,
        %bitcast3A_703 = vector.bitcast %gather3A_698 : vector<16xi32> to vector<32xbf16>
        %bitcast3A_704 = vector.bitcast %gather3A_702 : vector<16xi32> to vector<32xbf16>
        %mul3A_705 = arith.mulf %bitcast3A_703, %bitcast3A_704 : vector<32xbf16>
        %add3A_706 = arith.addf %add3A_694, %mul3A_705 : vector<32xbf16>
        %add3A_707 = arith.constant 30000 : i32
        %add3A_708 = vector.broadcast %add3A_707 : i32 to vector<16xi32>
        %add3A_709 = arith.addi %gather3A_562, %add3A_708 : vector<16xi32>
        %gather3A_710 = tpu.vector_load_idx %arg6[%add3A_709] : memref<80000xi32, #tpu.memory_space<vmem>>[vector<16xi32>], vector<16xi32>,
        %add3A_711 = arith.constant 30000 : i32
        %add3A_712 = vector.broadcast %add3A_711 : i32 to vector<16xi32>
        %add3A_713 = arith.addi %gather3A_570, %add3A_712 : vector<16xi32>
        %gather3A_714 = tpu.vector_load_idx %arg6[%add3A_713] : memref<80000xi32, #tpu.memory_space<vmem>>[vector<16xi32>], vector<16xi32>,
        %bitcast3A_715 = vector.bitcast %gather3A_710 : vector<16xi32> to vector<32xbf16>
        %bitcast3A_716 = vector.bitcast %gather3A_714 : vector<16xi32> to vector<32xbf16>
        %mul3A_717 = arith.mulf %bitcast3A_715, %bitcast3A_716 : vector<32xbf16>
        %add3A_718 = arith.addf %add3A_706, %mul3A_717 : vector<32xbf16>
        %add3A_719 = arith.constant 40000 : i32
        %add3A_720 = vector.broadcast %add3A_719 : i32 to vector<16xi32>
        %add3A_721 = arith.addi %gather3A_562, %add3A_720 : vector<16xi32>
        %gather3A_722 = tpu.vector_load_idx %arg6[%add3A_721] : memref<80000xi32, #tpu.memory_space<vmem>>[vector<16xi32>], vector<16xi32>,
        %add3A_723 = arith.constant 40000 : i32
        %add3A_724 = vector.broadcast %add3A_723 : i32 to vector<16xi32>
        %add3A_725 = arith.addi %gather3A_570, %add3A_724 : vector<16xi32>
        %gather3A_726 = tpu.vector_load_idx %arg6[%add3A_725] : memref<80000xi32, #tpu.memory_space<vmem>>[vector<16xi32>], vector<16xi32>,
        %bitcast3A_727 = vector.bitcast %gather3A_722 : vector<16xi32> to vector<32xbf16>
        %bitcast3A_728 = vector.bitcast %gather3A_726 : vector<16xi32> to vector<32xbf16>
        %mul3A_729 = arith.mulf %bitcast3A_727, %bitcast3A_728 : vector<32xbf16>
        %add3A_730 = arith.addf %add3A_718, %mul3A_729 : vector<32xbf16>
        %add3A_731 = arith.constant 50000 : i32
        %add3A_732 = vector.broadcast %add3A_731 : i32 to vector<16xi32>
        %add3A_733 = arith.addi %gather3A_562, %add3A_732 : vector<16xi32>
        %gather3A_734 = tpu.vector_load_idx %arg6[%add3A_733] : memref<80000xi32, #tpu.memory_space<vmem>>[vector<16xi32>], vector<16xi32>,
        %add3A_735 = arith.constant 50000 : i32
        %add3A_736 = vector.broadcast %add3A_735 : i32 to vector<16xi32>
        %add3A_737 = arith.addi %gather3A_570, %add3A_736 : vector<16xi32>
        %gather3A_738 = tpu.vector_load_idx %arg6[%add3A_737] : memref<80000xi32, #tpu.memory_space<vmem>>[vector<16xi32>], vector<16xi32>,
        %bitcast3A_739 = vector.bitcast %gather3A_734 : vector<16xi32> to vector<32xbf16>
        %bitcast3A_740 = vector.bitcast %gather3A_738 : vector<16xi32> to vector<32xbf16>
        %mul3A_741 = arith.mulf %bitcast3A_739, %bitcast3A_740 : vector<32xbf16>
        %add3A_742 = arith.addf %add3A_730, %mul3A_741 : vector<32xbf16>
        %add3A_743 = arith.constant 60000 : i32
        %add3A_744 = vector.broadcast %add3A_743 : i32 to vector<16xi32>
        %add3A_745 = arith.addi %gather3A_562, %add3A_744 : vector<16xi32>
        %gather3A_746 = tpu.vector_load_idx %arg6[%add3A_745] : memref<80000xi32, #tpu.memory_space<vmem>>[vector<16xi32>], vector<16xi32>,
        %add3A_747 = arith.constant 60000 : i32
        %add3A_748 = vector.broadcast %add3A_747 : i32 to vector<16xi32>
        %add3A_749 = arith.addi %gather3A_570, %add3A_748 : vector<16xi32>
        %gather3A_750 = tpu.vector_load_idx %arg6[%add3A_749] : memref<80000xi32, #tpu.memory_space<vmem>>[vector<16xi32>], vector<16xi32>,
        %bitcast3A_751 = vector.bitcast %gather3A_746 : vector<16xi32> to vector<32xbf16>
        %bitcast3A_752 = vector.bitcast %gather3A_750 : vector<16xi32> to vector<32xbf16>
        %mul3A_753 = arith.mulf %bitcast3A_751, %bitcast3A_752 : vector<32xbf16>
        %add3A_754 = arith.addf %add3A_742, %mul3A_753 : vector<32xbf16>
        %add3A_755 = arith.constant 70000 : i32
        %add3A_756 = vector.broadcast %add3A_755 : i32 to vector<16xi32>
        %add3A_757 = arith.addi %gather3A_562, %add3A_756 : vector<16xi32>
        %gather3A_758 = tpu.vector_load_idx %arg6[%add3A_757] : memref<80000xi32, #tpu.memory_space<vmem>>[vector<16xi32>], vector<16xi32>,
        %add3A_759 = arith.constant 70000 : i32
        %add3A_760 = vector.broadcast %add3A_759 : i32 to vector<16xi32>
        %add3A_761 = arith.addi %gather3A_570, %add3A_760 : vector<16xi32>
        %gather3A_762 = tpu.vector_load_idx %arg6[%add3A_761] : memref<80000xi32, #tpu.memory_space<vmem>>[vector<16xi32>], vector<16xi32>,
        %bitcast3A_763 = vector.bitcast %gather3A_758 : vector<16xi32> to vector<32xbf16>
        %bitcast3A_764 = vector.bitcast %gather3A_762 : vector<16xi32> to vector<32xbf16>
        %mul3A_765 = arith.mulf %bitcast3A_763, %bitcast3A_764 : vector<32xbf16>
        %add3A_766 = arith.addf %add3A_754, %mul3A_765 : vector<32xbf16>
        %unpack3A_767 = tpu.unpack_subelements %add3A_766, 0 {pack_format = #tpu.pack_format<interleaved>} : vector<32xbf16> -> vector<16xf32>
        %unpack3A_768 = tpu.unpack_subelements %add3A_766, 1 {pack_format = #tpu.pack_format<interleaved>} : vector<32xbf16> -> vector<16xf32>
        %add3A_769 = arith.addf %unpack3A_767, %unpack3A_768 : vector<16xf32>
        %pack3A = tpu.pack_subelements %add3A_668, %add3A_769 {pack_format = #tpu.pack_format<interleaved>, positions = array<i32: 0, 1>} : vector<16xf32>, vector<16xf32> -> vector<32xbf16>
        %bitcast3A_770 = vector.bitcast %pack3A : vector<32xbf16> to vector<16xi32>
        %mul3A_771 = arith.constant 16 : i32
        %mul3A_772 = arith.muli %scan3A_553, %mul3A_771 : i32
        %multiple_of3A_773 = tpu.assume_multiple %mul3A_772, 16 : i32
        %swap3A = arith.index_cast %multiple_of3A_773 : i32 to index
        %swap3A_774 = tpu.vector_load %arg12[%swap3A] {strides = array<i32>} : memref<800xi32, #tpu.memory_space<vmem>>, vector<16xi32>,
        tpu.vector_store %arg12[%swap3A], %bitcast3A_770 {strides = array<i32>} : memref<800xi32, #tpu.memory_space<vmem>>, vector<16xi32>,
      }
      %scan3A_545 = arith.constant 50 : i32
      %mul3A_546 = arith.constant 800 : i32
      %mul3A_547 = arith.muli %add3A_500, %mul3A_546 : i32
      %multiple_of3A_548 = tpu.assume_multiple %mul3A_547, 8 : i32
      %dma_start3A_549 = tpu.memref_slice %arg5[%select_n3A, %select_n3A_28, %multiple_of3A_548] : memref<2x8x24000xi32, #tpu.memory_space<vmem_shared>> -> memref<1x1x800xi32, #tpu.memory_space<vmem_shared>>
      %dma_start3A_550 = tpu.memref_squeeze %dma_start3A_549 : memref<1x1x800xi32, #tpu.memory_space<vmem_shared>> -> memref<800xi32, #tpu.memory_space<vmem_shared>>
      %dma_start3A_551 = tpu.memref_slice %arg5[%select_n3A, %select_n3A_28, %multiple_of3A_548] : memref<2x8x24000xi32, #tpu.memory_space<vmem_shared>> -> memref<1x1x800xi32, #tpu.memory_space<vmem_shared>>
      %dma_start3A_552 = tpu.memref_squeeze %dma_start3A_551 : memref<1x1x800xi32, #tpu.memory_space<vmem_shared>> -> memref<800xi32, #tpu.memory_space<vmem_shared>>
      tpu.enqueue_dma source(%arg12 : memref<800xi32, #tpu.memory_space<vmem>>) target(%dma_start3A_552 : memref<800xi32, #tpu.memory_space<vmem_shared>>) target_semaphore(%arg18 : memref<!tpu.dma_semaphore, #tpu.memory_space<semaphore_mem>>)
    }
    %scan3A_275 = arith.constant 9 : i32
    %add3A_276 = arith.constant 78400 : i32
    %add3A_277 = arith.addi %mul3A_32, %add3A_276 : i32
    %multiple_of3A_278 = tpu.assume_multiple %add3A_277, 8 : i32
    %dma_start3A_279 = arith.constant 0 : i32
    %dma_start3A_280 = tpu.memref_slice %arg3[%dma_start3A_279, %multiple_of3A_278] : memref<2x320000xi32, #tpu.memory_space<hbm>> -> memref<1x1600xi32, #tpu.memory_space<hbm>>
    %dma_start3A_281 = tpu.memref_squeeze %dma_start3A_280 : memref<1x1600xi32, #tpu.memory_space<hbm>> -> memref<1600xi32, #tpu.memory_space<hbm>>
    %dma_start3A_282 = tpu.memref_slice %arg3[%dma_start3A_279, %multiple_of3A_278] : memref<2x320000xi32, #tpu.memory_space<hbm>> -> memref<1x1600xi32, #tpu.memory_space<hbm>>
    %dma_start3A_283 = tpu.memref_squeeze %dma_start3A_282 : memref<1x1600xi32, #tpu.memory_space<hbm>> -> memref<1600xi32, #tpu.memory_space<hbm>>
    tpu.enqueue_dma source(%dma_start3A_283 : memref<1600xi32, #tpu.memory_space<hbm>>) target(%arg8 : memref<1600xi32, #tpu.memory_space<vmem>>) target_semaphore(%arg16 : memref<!tpu.dma_semaphore, #tpu.memory_space<semaphore_mem>>)
    %dma_start3A_284 = arith.constant 1 : i32
    %dma_start3A_285 = tpu.memref_slice %arg3[%dma_start3A_284, %multiple_of3A_278] : memref<2x320000xi32, #tpu.memory_space<hbm>> -> memref<1x1600xi32, #tpu.memory_space<hbm>>
    %dma_start3A_286 = tpu.memref_squeeze %dma_start3A_285 : memref<1x1600xi32, #tpu.memory_space<hbm>> -> memref<1600xi32, #tpu.memory_space<hbm>>
    %dma_start3A_287 = tpu.memref_slice %arg3[%dma_start3A_284, %multiple_of3A_278] : memref<2x320000xi32, #tpu.memory_space<hbm>> -> memref<1x1600xi32, #tpu.memory_space<hbm>>
    %dma_start3A_288 = tpu.memref_squeeze %dma_start3A_287 : memref<1x1600xi32, #tpu.memory_space<hbm>> -> memref<1600xi32, #tpu.memory_space<hbm>>
    tpu.enqueue_dma source(%dma_start3A_288 : memref<1600xi32, #tpu.memory_space<hbm>>) target(%arg10 : memref<1600xi32, #tpu.memory_space<vmem>>) target_semaphore(%arg16 : memref<!tpu.dma_semaphore, #tpu.memory_space<semaphore_mem>>)
    %add3A_289 = arith.constant 76800 : i32
    %add3A_290 = arith.addi %mul3A_32, %add3A_289 : i32
    %multiple_of3A_291 = tpu.assume_multiple %add3A_290, 8 : i32
    %dma_wait3A_292 = arith.constant 0 : i32
    %dma_wait3A_293 = tpu.memref_slice %arg3[%dma_wait3A_292, %multiple_of3A_291] : memref<2x320000xi32, #tpu.memory_space<hbm>> -> memref<1x1600xi32, #tpu.memory_space<hbm>>
    %dma_wait3A_294 = tpu.memref_squeeze %dma_wait3A_293 : memref<1x1600xi32, #tpu.memory_space<hbm>> -> memref<1600xi32, #tpu.memory_space<hbm>>
    %dma_wait3A_295 = tpu.memref_slice %arg3[%dma_wait3A_292, %multiple_of3A_291] : memref<2x320000xi32, #tpu.memory_space<hbm>> -> memref<1x1600xi32, #tpu.memory_space<hbm>>
    %dma_wait3A_296 = tpu.memref_squeeze %dma_wait3A_295 : memref<1x1600xi32, #tpu.memory_space<hbm>> -> memref<1600xi32, #tpu.memory_space<hbm>>
    tpu.wait_dma2 semaphore(%arg15 : memref<!tpu.dma_semaphore, #tpu.memory_space<semaphore_mem>>) src(%dma_wait3A_296 : memref<1600xi32, #tpu.memory_space<hbm>>) dst(%arg7 : memref<1600xi32, #tpu.memory_space<vmem>>)
    %dma_wait3A_297 = arith.constant 1 : i32
    %dma_wait3A_298 = tpu.memref_slice %arg3[%dma_wait3A_297, %multiple_of3A_291] : memref<2x320000xi32, #tpu.memory_space<hbm>> -> memref<1x1600xi32, #tpu.memory_space<hbm>>
    %dma_wait3A_299 = tpu.memref_squeeze %dma_wait3A_298 : memref<1x1600xi32, #tpu.memory_space<hbm>> -> memref<1600xi32, #tpu.memory_space<hbm>>
    %dma_wait3A_300 = tpu.memref_slice %arg3[%dma_wait3A_297, %multiple_of3A_291] : memref<2x320000xi32, #tpu.memory_space<hbm>> -> memref<1x1600xi32, #tpu.memory_space<hbm>>
    %dma_wait3A_301 = tpu.memref_squeeze %dma_wait3A_300 : memref<1x1600xi32, #tpu.memory_space<hbm>> -> memref<1600xi32, #tpu.memory_space<hbm>>
    tpu.wait_dma2 semaphore(%arg15 : memref<!tpu.dma_semaphore, #tpu.memory_space<semaphore_mem>>) src(%dma_wait3A_301 : memref<1600xi32, #tpu.memory_space<hbm>>) dst(%arg9 : memref<1600xi32, #tpu.memory_space<vmem>>)
    %multiple_of3A_302 = arith.constant 12800 : i32
    %multiple_of3A_303 = tpu.assume_multiple %multiple_of3A_302, 8 : i32
    %dma_wait3A_304 = tpu.memref_slice %arg5[%select_n3A, %select_n3A_28, %multiple_of3A_303] : memref<2x8x24000xi32, #tpu.memory_space<vmem_shared>> -> memref<1x1x800xi32, #tpu.memory_space<vmem_shared>>
    %dma_wait3A_305 = tpu.memref_squeeze %dma_wait3A_304 : memref<1x1x800xi32, #tpu.memory_space<vmem_shared>> -> memref<800xi32, #tpu.memory_space<vmem_shared>>
    %dma_wait3A_306 = tpu.memref_slice %arg5[%select_n3A, %select_n3A_28, %multiple_of3A_303] : memref<2x8x24000xi32, #tpu.memory_space<vmem_shared>> -> memref<1x1x800xi32, #tpu.memory_space<vmem_shared>>
    %dma_wait3A_307 = tpu.memref_squeeze %dma_wait3A_306 : memref<1x1x800xi32, #tpu.memory_space<vmem_shared>> -> memref<800xi32, #tpu.memory_space<vmem_shared>>
    tpu.wait_dma2 semaphore(%arg17 : memref<!tpu.dma_semaphore, #tpu.memory_space<semaphore_mem>>) src(%arg11 : memref<800xi32, #tpu.memory_space<vmem>>) dst(%dma_wait3A_307 : memref<800xi32, #tpu.memory_space<vmem_shared>>)
    %scan3A_308 = arith.constant 0 : i32
    %scan3A_309 = arith.constant 0 : i32
    %scan3A_310 = arith.constant 50 : i32
    %scan3A_311 = arith.addi %scan3A_309, %scan3A_310 : i32
    %scan3A_312 = arith.constant 1 : i32
    scf.for %scan3A_443 = %scan3A_309 to %scan3A_311 step %scan3A_312  : i32 {
      %mul3A_444 = arith.constant 32 : i32
      %mul3A_445 = arith.muli %scan3A_443, %mul3A_444 : i32
      %add3A_446 = vector.broadcast %mul3A_445 : i32 to vector<16xi32>
      %add3A_447 = arith.addi %mul3A_39, %add3A_446 : vector<16xi32>
      %gather3A = tpu.vector_load_idx %arg7[%add3A_447] : memref<1600xi32, #tpu.memory_space<vmem>>[vector<16xi32>], vector<16xi32>,
      %add3A_448 = arith.constant 1 : i32
      %add3A_449 = arith.addi %mul3A_445, %add3A_448 : i32
      %add3A_450 = vector.broadcast %add3A_449 : i32 to vector<16xi32>
      %add3A_451 = arith.addi %mul3A_39, %add3A_450 : vector<16xi32>
      %gather3A_452 = tpu.vector_load_idx %arg7[%add3A_451] : memref<1600xi32, #tpu.memory_space<vmem>>[vector<16xi32>], vector<16xi32>,
      %add3A_453 = vector.broadcast %mul3A_445 : i32 to vector<16xi32>
      %add3A_454 = arith.addi %mul3A_39, %add3A_453 : vector<16xi32>
      %gather3A_455 = tpu.vector_load_idx %arg9[%add3A_454] : memref<1600xi32, #tpu.memory_space<vmem>>[vector<16xi32>], vector<16xi32>,
      %add3A_456 = arith.constant 1 : i32
      %add3A_457 = arith.addi %mul3A_445, %add3A_456 : i32
      %add3A_458 = vector.broadcast %add3A_457 : i32 to vector<16xi32>
      %add3A_459 = arith.addi %mul3A_39, %add3A_458 : vector<16xi32>
      %gather3A_460 = tpu.vector_load_idx %arg9[%add3A_459] : memref<1600xi32, #tpu.memory_space<vmem>>[vector<16xi32>], vector<16xi32>,
      %broadcast_in_dim3A = arith.constant 0.000000e+00 : bf16
      %broadcast_in_dim3A_461 = vector.broadcast %broadcast_in_dim3A : bf16 to vector<32xbf16>
      %add3A_462 = arith.constant 0 : i32
      %add3A_463 = vector.broadcast %add3A_462 : i32 to vector<16xi32>
      %add3A_464 = arith.addi %gather3A, %add3A_463 : vector<16xi32>
      %gather3A_465 = tpu.vector_load_idx %arg6[%add3A_464] : memref<80000xi32, #tpu.memory_space<vmem>>[vector<16xi32>], vector<16xi32>,
      %add3A_466 = arith.constant 0 : i32
      %add3A_467 = vector.broadcast %add3A_466 : i32 to vector<16xi32>
      %add3A_468 = arith.addi %gather3A_455, %add3A_467 : vector<16xi32>
      %gather3A_469 = tpu.vector_load_idx %arg6[%add3A_468] : memref<80000xi32, #tpu.memory_space<vmem>>[vector<16xi32>], vector<16xi32>,
      %bitcast3A = vector.bitcast %gather3A_465 : vector<16xi32> to vector<32xbf16>
      %bitcast3A_470 = vector.bitcast %gather3A_469 : vector<16xi32> to vector<32xbf16>
      %mul3A_471 = arith.mulf %bitcast3A, %bitcast3A_470 : vector<32xbf16>
      %add3A_472 = arith.addf %broadcast_in_dim3A_461, %mul3A_471 : vector<32xbf16>
      %add3A_473 = arith.constant 10000 : i32
      %add3A_474 = vector.broadcast %add3A_473 : i32 to vector<16xi32>
      %add3A_475 = arith.addi %gather3A, %add3A_474 : vector<16xi32>
      %gather3A_476 = tpu.vector_load_idx %arg6[%add3A_475] : memref<80000xi32, #tpu.memory_space<vmem>>[vector<16xi32>], vector<16xi32>,
      %add3A_477 = arith.constant 10000 : i32
      %add3A_478 = vector.broadcast %add3A_477 : i32 to vector<16xi32>
      %add3A_479 = arith.addi %gather3A_455, %add3A_478 : vector<16xi32>
      %gather3A_480 = tpu.vector_load_idx %arg6[%add3A_479] : memref<80000xi32, #tpu.memory_space<vmem>>[vector<16xi32>], vector<16xi32>,
      %bitcast3A_481 = vector.bitcast %gather3A_476 : vector<16xi32> to vector<32xbf16>
      %bitcast3A_482 = vector.bitcast %gather3A_480 : vector<16xi32> to vector<32xbf16>
      %mul3A_483 = arith.mulf %bitcast3A_481, %bitcast3A_482 : vector<32xbf16>
      %add3A_484 = arith.addf %add3A_472, %mul3A_483 : vector<32xbf16>
      %add3A_485 = arith.constant 20000 : i32
      %add3A_486 = vector.broadcast %add3A_485 : i32 to vector<16xi32>
      %add3A_487 = arith.addi %gather3A, %add3A_486 : vector<16xi32>
      %gather3A_488 = tpu.vector_load_idx %arg6[%add3A_487] : memref<80000xi32, #tpu.memory_space<vmem>>[vector<16xi32>], vector<16xi32>,
      %add3A_489 = arith.constant 20000 : i32
      %add3A_490 = vector.broadcast %add3A_489 : i32 to vector<16xi32>
      %add3A_491 = arith.addi %gather3A_455, %add3A_490 : vector<16xi32>
      %gather3A_492 = tpu.vector_load_idx %arg6[%add3A_491] : memref<80000xi32, #tpu.memory_space<vmem>>[vector<16xi32>], vector<16xi32>,
      %bitcast3A_493 = vector.bitcast %gather3A_488 : vector<16xi32> to vector<32xbf16>
      %bitcast3A_494 = vector.bitcast %gather3A_492 : vector<16xi32> to vector<32xbf16>
      %mul3A_495 = arith.mulf %bitcast3A_493, %bitcast3A_494 : vector<32xbf16>
      %add3A_496 = arith.addf %add3A_484, %mul3A_495 : vector<32xbf16>
      %add3A_497 = arith.constant 30000 : i32
      %add3A_498 = vector.broadcast %add3A_497 : i32 to vector<16xi32>
      %add3A_499 = arith.addi %gather3A, %add3A_498 : vector<16xi32>
      %gather3A_500 = tpu.vector_load_idx %arg6[%add3A_499] : memref<80000xi32, #tpu.memory_space<vmem>>[vector<16xi32>], vector<16xi32>,
      %add3A_501 = arith.constant 30000 : i32
      %add3A_502 = vector.broadcast %add3A_501 : i32 to vector<16xi32>
      %add3A_503 = arith.addi %gather3A_455, %add3A_502 : vector<16xi32>
      %gather3A_504 = tpu.vector_load_idx %arg6[%add3A_503] : memref<80000xi32, #tpu.memory_space<vmem>>[vector<16xi32>], vector<16xi32>,
      %bitcast3A_505 = vector.bitcast %gather3A_500 : vector<16xi32> to vector<32xbf16>
      %bitcast3A_506 = vector.bitcast %gather3A_504 : vector<16xi32> to vector<32xbf16>
      %mul3A_507 = arith.mulf %bitcast3A_505, %bitcast3A_506 : vector<32xbf16>
      %add3A_508 = arith.addf %add3A_496, %mul3A_507 : vector<32xbf16>
      %add3A_509 = arith.constant 40000 : i32
      %add3A_510 = vector.broadcast %add3A_509 : i32 to vector<16xi32>
      %add3A_511 = arith.addi %gather3A, %add3A_510 : vector<16xi32>
      %gather3A_512 = tpu.vector_load_idx %arg6[%add3A_511] : memref<80000xi32, #tpu.memory_space<vmem>>[vector<16xi32>], vector<16xi32>,
      %add3A_513 = arith.constant 40000 : i32
      %add3A_514 = vector.broadcast %add3A_513 : i32 to vector<16xi32>
      %add3A_515 = arith.addi %gather3A_455, %add3A_514 : vector<16xi32>
      %gather3A_516 = tpu.vector_load_idx %arg6[%add3A_515] : memref<80000xi32, #tpu.memory_space<vmem>>[vector<16xi32>], vector<16xi32>,
      %bitcast3A_517 = vector.bitcast %gather3A_512 : vector<16xi32> to vector<32xbf16>
      %bitcast3A_518 = vector.bitcast %gather3A_516 : vector<16xi32> to vector<32xbf16>
      %mul3A_519 = arith.mulf %bitcast3A_517, %bitcast3A_518 : vector<32xbf16>
      %add3A_520 = arith.addf %add3A_508, %mul3A_519 : vector<32xbf16>
      %add3A_521 = arith.constant 50000 : i32
      %add3A_522 = vector.broadcast %add3A_521 : i32 to vector<16xi32>
      %add3A_523 = arith.addi %gather3A, %add3A_522 : vector<16xi32>
      %gather3A_524 = tpu.vector_load_idx %arg6[%add3A_523] : memref<80000xi32, #tpu.memory_space<vmem>>[vector<16xi32>], vector<16xi32>,
      %add3A_525 = arith.constant 50000 : i32
      %add3A_526 = vector.broadcast %add3A_525 : i32 to vector<16xi32>
      %add3A_527 = arith.addi %gather3A_455, %add3A_526 : vector<16xi32>
      %gather3A_528 = tpu.vector_load_idx %arg6[%add3A_527] : memref<80000xi32, #tpu.memory_space<vmem>>[vector<16xi32>], vector<16xi32>,
      %bitcast3A_529 = vector.bitcast %gather3A_524 : vector<16xi32> to vector<32xbf16>
      %bitcast3A_530 = vector.bitcast %gather3A_528 : vector<16xi32> to vector<32xbf16>
      %mul3A_531 = arith.mulf %bitcast3A_529, %bitcast3A_530 : vector<32xbf16>
      %add3A_532 = arith.addf %add3A_520, %mul3A_531 : vector<32xbf16>
      %add3A_533 = arith.constant 60000 : i32
      %add3A_534 = vector.broadcast %add3A_533 : i32 to vector<16xi32>
      %add3A_535 = arith.addi %gather3A, %add3A_534 : vector<16xi32>
      %gather3A_536 = tpu.vector_load_idx %arg6[%add3A_535] : memref<80000xi32, #tpu.memory_space<vmem>>[vector<16xi32>], vector<16xi32>,
      %add3A_537 = arith.constant 60000 : i32
      %add3A_538 = vector.broadcast %add3A_537 : i32 to vector<16xi32>
      %add3A_539 = arith.addi %gather3A_455, %add3A_538 : vector<16xi32>
      %gather3A_540 = tpu.vector_load_idx %arg6[%add3A_539] : memref<80000xi32, #tpu.memory_space<vmem>>[vector<16xi32>], vector<16xi32>,
      %bitcast3A_541 = vector.bitcast %gather3A_536 : vector<16xi32> to vector<32xbf16>
      %bitcast3A_542 = vector.bitcast %gather3A_540 : vector<16xi32> to vector<32xbf16>
      %mul3A_543 = arith.mulf %bitcast3A_541, %bitcast3A_542 : vector<32xbf16>
      %add3A_544 = arith.addf %add3A_532, %mul3A_543 : vector<32xbf16>
      %add3A_545 = arith.constant 70000 : i32
      %add3A_546 = vector.broadcast %add3A_545 : i32 to vector<16xi32>
      %add3A_547 = arith.addi %gather3A, %add3A_546 : vector<16xi32>
      %gather3A_548 = tpu.vector_load_idx %arg6[%add3A_547] : memref<80000xi32, #tpu.memory_space<vmem>>[vector<16xi32>], vector<16xi32>,
      %add3A_549 = arith.constant 70000 : i32
      %add3A_550 = vector.broadcast %add3A_549 : i32 to vector<16xi32>
      %add3A_551 = arith.addi %gather3A_455, %add3A_550 : vector<16xi32>
      %gather3A_552 = tpu.vector_load_idx %arg6[%add3A_551] : memref<80000xi32, #tpu.memory_space<vmem>>[vector<16xi32>], vector<16xi32>,
      %bitcast3A_553 = vector.bitcast %gather3A_548 : vector<16xi32> to vector<32xbf16>
      %bitcast3A_554 = vector.bitcast %gather3A_552 : vector<16xi32> to vector<32xbf16>
      %mul3A_555 = arith.mulf %bitcast3A_553, %bitcast3A_554 : vector<32xbf16>
      %add3A_556 = arith.addf %add3A_544, %mul3A_555 : vector<32xbf16>
      %unpack3A = tpu.unpack_subelements %add3A_556, 0 {pack_format = #tpu.pack_format<interleaved>} : vector<32xbf16> -> vector<16xf32>
      %unpack3A_557 = tpu.unpack_subelements %add3A_556, 1 {pack_format = #tpu.pack_format<interleaved>} : vector<32xbf16> -> vector<16xf32>
      %add3A_558 = arith.addf %unpack3A, %unpack3A_557 : vector<16xf32>
      %broadcast_in_dim3A_559 = arith.constant 0.000000e+00 : bf16
      %broadcast_in_dim3A_560 = vector.broadcast %broadcast_in_dim3A_559 : bf16 to vector<32xbf16>
      %add3A_561 = arith.constant 0 : i32
      %add3A_562 = vector.broadcast %add3A_561 : i32 to vector<16xi32>
      %add3A_563 = arith.addi %gather3A_452, %add3A_562 : vector<16xi32>
      %gather3A_564 = tpu.vector_load_idx %arg6[%add3A_563] : memref<80000xi32, #tpu.memory_space<vmem>>[vector<16xi32>], vector<16xi32>,
      %add3A_565 = arith.constant 0 : i32
      %add3A_566 = vector.broadcast %add3A_565 : i32 to vector<16xi32>
      %add3A_567 = arith.addi %gather3A_460, %add3A_566 : vector<16xi32>
      %gather3A_568 = tpu.vector_load_idx %arg6[%add3A_567] : memref<80000xi32, #tpu.memory_space<vmem>>[vector<16xi32>], vector<16xi32>,
      %bitcast3A_569 = vector.bitcast %gather3A_564 : vector<16xi32> to vector<32xbf16>
      %bitcast3A_570 = vector.bitcast %gather3A_568 : vector<16xi32> to vector<32xbf16>
      %mul3A_571 = arith.mulf %bitcast3A_569, %bitcast3A_570 : vector<32xbf16>
      %add3A_572 = arith.addf %broadcast_in_dim3A_560, %mul3A_571 : vector<32xbf16>
      %add3A_573 = arith.constant 10000 : i32
      %add3A_574 = vector.broadcast %add3A_573 : i32 to vector<16xi32>
      %add3A_575 = arith.addi %gather3A_452, %add3A_574 : vector<16xi32>
      %gather3A_576 = tpu.vector_load_idx %arg6[%add3A_575] : memref<80000xi32, #tpu.memory_space<vmem>>[vector<16xi32>], vector<16xi32>,
      %add3A_577 = arith.constant 10000 : i32
      %add3A_578 = vector.broadcast %add3A_577 : i32 to vector<16xi32>
      %add3A_579 = arith.addi %gather3A_460, %add3A_578 : vector<16xi32>
      %gather3A_580 = tpu.vector_load_idx %arg6[%add3A_579] : memref<80000xi32, #tpu.memory_space<vmem>>[vector<16xi32>], vector<16xi32>,
      %bitcast3A_581 = vector.bitcast %gather3A_576 : vector<16xi32> to vector<32xbf16>
      %bitcast3A_582 = vector.bitcast %gather3A_580 : vector<16xi32> to vector<32xbf16>
      %mul3A_583 = arith.mulf %bitcast3A_581, %bitcast3A_582 : vector<32xbf16>
      %add3A_584 = arith.addf %add3A_572, %mul3A_583 : vector<32xbf16>
      %add3A_585 = arith.constant 20000 : i32
      %add3A_586 = vector.broadcast %add3A_585 : i32 to vector<16xi32>
      %add3A_587 = arith.addi %gather3A_452, %add3A_586 : vector<16xi32>
      %gather3A_588 = tpu.vector_load_idx %arg6[%add3A_587] : memref<80000xi32, #tpu.memory_space<vmem>>[vector<16xi32>], vector<16xi32>,
      %add3A_589 = arith.constant 20000 : i32
      %add3A_590 = vector.broadcast %add3A_589 : i32 to vector<16xi32>
      %add3A_591 = arith.addi %gather3A_460, %add3A_590 : vector<16xi32>
      %gather3A_592 = tpu.vector_load_idx %arg6[%add3A_591] : memref<80000xi32, #tpu.memory_space<vmem>>[vector<16xi32>], vector<16xi32>,
      %bitcast3A_593 = vector.bitcast %gather3A_588 : vector<16xi32> to vector<32xbf16>
      %bitcast3A_594 = vector.bitcast %gather3A_592 : vector<16xi32> to vector<32xbf16>
      %mul3A_595 = arith.mulf %bitcast3A_593, %bitcast3A_594 : vector<32xbf16>
      %add3A_596 = arith.addf %add3A_584, %mul3A_595 : vector<32xbf16>
      %add3A_597 = arith.constant 30000 : i32
      %add3A_598 = vector.broadcast %add3A_597 : i32 to vector<16xi32>
      %add3A_599 = arith.addi %gather3A_452, %add3A_598 : vector<16xi32>
      %gather3A_600 = tpu.vector_load_idx %arg6[%add3A_599] : memref<80000xi32, #tpu.memory_space<vmem>>[vector<16xi32>], vector<16xi32>,
      %add3A_601 = arith.constant 30000 : i32
      %add3A_602 = vector.broadcast %add3A_601 : i32 to vector<16xi32>
      %add3A_603 = arith.addi %gather3A_460, %add3A_602 : vector<16xi32>
      %gather3A_604 = tpu.vector_load_idx %arg6[%add3A_603] : memref<80000xi32, #tpu.memory_space<vmem>>[vector<16xi32>], vector<16xi32>,
      %bitcast3A_605 = vector.bitcast %gather3A_600 : vector<16xi32> to vector<32xbf16>
      %bitcast3A_606 = vector.bitcast %gather3A_604 : vector<16xi32> to vector<32xbf16>
      %mul3A_607 = arith.mulf %bitcast3A_605, %bitcast3A_606 : vector<32xbf16>
      %add3A_608 = arith.addf %add3A_596, %mul3A_607 : vector<32xbf16>
      %add3A_609 = arith.constant 40000 : i32
      %add3A_610 = vector.broadcast %add3A_609 : i32 to vector<16xi32>
      %add3A_611 = arith.addi %gather3A_452, %add3A_610 : vector<16xi32>
      %gather3A_612 = tpu.vector_load_idx %arg6[%add3A_611] : memref<80000xi32, #tpu.memory_space<vmem>>[vector<16xi32>], vector<16xi32>,
      %add3A_613 = arith.constant 40000 : i32
      %add3A_614 = vector.broadcast %add3A_613 : i32 to vector<16xi32>
      %add3A_615 = arith.addi %gather3A_460, %add3A_614 : vector<16xi32>
      %gather3A_616 = tpu.vector_load_idx %arg6[%add3A_615] : memref<80000xi32, #tpu.memory_space<vmem>>[vector<16xi32>], vector<16xi32>,
      %bitcast3A_617 = vector.bitcast %gather3A_612 : vector<16xi32> to vector<32xbf16>
      %bitcast3A_618 = vector.bitcast %gather3A_616 : vector<16xi32> to vector<32xbf16>
      %mul3A_619 = arith.mulf %bitcast3A_617, %bitcast3A_618 : vector<32xbf16>
      %add3A_620 = arith.addf %add3A_608, %mul3A_619 : vector<32xbf16>
      %add3A_621 = arith.constant 50000 : i32
      %add3A_622 = vector.broadcast %add3A_621 : i32 to vector<16xi32>
      %add3A_623 = arith.addi %gather3A_452, %add3A_622 : vector<16xi32>
      %gather3A_624 = tpu.vector_load_idx %arg6[%add3A_623] : memref<80000xi32, #tpu.memory_space<vmem>>[vector<16xi32>], vector<16xi32>,
      %add3A_625 = arith.constant 50000 : i32
      %add3A_626 = vector.broadcast %add3A_625 : i32 to vector<16xi32>
      %add3A_627 = arith.addi %gather3A_460, %add3A_626 : vector<16xi32>
      %gather3A_628 = tpu.vector_load_idx %arg6[%add3A_627] : memref<80000xi32, #tpu.memory_space<vmem>>[vector<16xi32>], vector<16xi32>,
      %bitcast3A_629 = vector.bitcast %gather3A_624 : vector<16xi32> to vector<32xbf16>
      %bitcast3A_630 = vector.bitcast %gather3A_628 : vector<16xi32> to vector<32xbf16>
      %mul3A_631 = arith.mulf %bitcast3A_629, %bitcast3A_630 : vector<32xbf16>
      %add3A_632 = arith.addf %add3A_620, %mul3A_631 : vector<32xbf16>
      %add3A_633 = arith.constant 60000 : i32
      %add3A_634 = vector.broadcast %add3A_633 : i32 to vector<16xi32>
      %add3A_635 = arith.addi %gather3A_452, %add3A_634 : vector<16xi32>
      %gather3A_636 = tpu.vector_load_idx %arg6[%add3A_635] : memref<80000xi32, #tpu.memory_space<vmem>>[vector<16xi32>], vector<16xi32>,
      %add3A_637 = arith.constant 60000 : i32
      %add3A_638 = vector.broadcast %add3A_637 : i32 to vector<16xi32>
      %add3A_639 = arith.addi %gather3A_460, %add3A_638 : vector<16xi32>
      %gather3A_640 = tpu.vector_load_idx %arg6[%add3A_639] : memref<80000xi32, #tpu.memory_space<vmem>>[vector<16xi32>], vector<16xi32>,
      %bitcast3A_641 = vector.bitcast %gather3A_636 : vector<16xi32> to vector<32xbf16>
      %bitcast3A_642 = vector.bitcast %gather3A_640 : vector<16xi32> to vector<32xbf16>
      %mul3A_643 = arith.mulf %bitcast3A_641, %bitcast3A_642 : vector<32xbf16>
      %add3A_644 = arith.addf %add3A_632, %mul3A_643 : vector<32xbf16>
      %add3A_645 = arith.constant 70000 : i32
      %add3A_646 = vector.broadcast %add3A_645 : i32 to vector<16xi32>
      %add3A_647 = arith.addi %gather3A_452, %add3A_646 : vector<16xi32>
      %gather3A_648 = tpu.vector_load_idx %arg6[%add3A_647] : memref<80000xi32, #tpu.memory_space<vmem>>[vector<16xi32>], vector<16xi32>,
      %add3A_649 = arith.constant 70000 : i32
      %add3A_650 = vector.broadcast %add3A_649 : i32 to vector<16xi32>
      %add3A_651 = arith.addi %gather3A_460, %add3A_650 : vector<16xi32>
      %gather3A_652 = tpu.vector_load_idx %arg6[%add3A_651] : memref<80000xi32, #tpu.memory_space<vmem>>[vector<16xi32>], vector<16xi32>,
      %bitcast3A_653 = vector.bitcast %gather3A_648 : vector<16xi32> to vector<32xbf16>
      %bitcast3A_654 = vector.bitcast %gather3A_652 : vector<16xi32> to vector<32xbf16>
      %mul3A_655 = arith.mulf %bitcast3A_653, %bitcast3A_654 : vector<32xbf16>
      %add3A_656 = arith.addf %add3A_644, %mul3A_655 : vector<32xbf16>
      %unpack3A_657 = tpu.unpack_subelements %add3A_656, 0 {pack_format = #tpu.pack_format<interleaved>} : vector<32xbf16> -> vector<16xf32>
      %unpack3A_658 = tpu.unpack_subelements %add3A_656, 1 {pack_format = #tpu.pack_format<interleaved>} : vector<32xbf16> -> vector<16xf32>
      %add3A_659 = arith.addf %unpack3A_657, %unpack3A_658 : vector<16xf32>
      %pack3A = tpu.pack_subelements %add3A_558, %add3A_659 {pack_format = #tpu.pack_format<interleaved>, positions = array<i32: 0, 1>} : vector<16xf32>, vector<16xf32> -> vector<32xbf16>
      %bitcast3A_660 = vector.bitcast %pack3A : vector<32xbf16> to vector<16xi32>
      %mul3A_661 = arith.constant 16 : i32
      %mul3A_662 = arith.muli %scan3A_443, %mul3A_661 : i32
      %multiple_of3A_663 = tpu.assume_multiple %mul3A_662, 16 : i32
      %swap3A = arith.index_cast %multiple_of3A_663 : i32 to index
      %swap3A_664 = tpu.vector_load %arg11[%swap3A] {strides = array<i32>} : memref<800xi32, #tpu.memory_space<vmem>>, vector<16xi32>,
      tpu.vector_store %arg11[%swap3A], %bitcast3A_660 {strides = array<i32>} : memref<800xi32, #tpu.memory_space<vmem>>, vector<16xi32>,
    }
    %scan3A_313 = arith.constant 50 : i32
    %multiple_of3A_314 = arith.constant 14400 : i32
    %multiple_of3A_315 = tpu.assume_multiple %multiple_of3A_314, 8 : i32
    %dma_start3A_316 = tpu.memref_slice %arg5[%select_n3A, %select_n3A_28, %multiple_of3A_315] : memref<2x8x24000xi32, #tpu.memory_space<vmem_shared>> -> memref<1x1x800xi32, #tpu.memory_space<vmem_shared>>
    %dma_start3A_317 = tpu.memref_squeeze %dma_start3A_316 : memref<1x1x800xi32, #tpu.memory_space<vmem_shared>> -> memref<800xi32, #tpu.memory_space<vmem_shared>>
    %dma_start3A_318 = tpu.memref_slice %arg5[%select_n3A, %select_n3A_28, %multiple_of3A_315] : memref<2x8x24000xi32, #tpu.memory_space<vmem_shared>> -> memref<1x1x800xi32, #tpu.memory_space<vmem_shared>>
    %dma_start3A_319 = tpu.memref_squeeze %dma_start3A_318 : memref<1x1x800xi32, #tpu.memory_space<vmem_shared>> -> memref<800xi32, #tpu.memory_space<vmem_shared>>
    tpu.enqueue_dma source(%arg11 : memref<800xi32, #tpu.memory_space<vmem>>) target(%dma_start3A_319 : memref<800xi32, #tpu.memory_space<vmem_shared>>) target_semaphore(%arg17 : memref<!tpu.dma_semaphore, #tpu.memory_space<semaphore_mem>>)
    %add3A_320 = arith.constant 78400 : i32
    %add3A_321 = arith.addi %mul3A_32, %add3A_320 : i32
    %multiple_of3A_322 = tpu.assume_multiple %add3A_321, 8 : i32
    %dma_wait3A_323 = arith.constant 0 : i32
    %dma_wait3A_324 = tpu.memref_slice %arg3[%dma_wait3A_323, %multiple_of3A_322] : memref<2x320000xi32, #tpu.memory_space<hbm>> -> memref<1x1600xi32, #tpu.memory_space<hbm>>
    %dma_wait3A_325 = tpu.memref_squeeze %dma_wait3A_324 : memref<1x1600xi32, #tpu.memory_space<hbm>> -> memref<1600xi32, #tpu.memory_space<hbm>>
    %dma_wait3A_326 = tpu.memref_slice %arg3[%dma_wait3A_323, %multiple_of3A_322] : memref<2x320000xi32, #tpu.memory_space<hbm>> -> memref<1x1600xi32, #tpu.memory_space<hbm>>
    %dma_wait3A_327 = tpu.memref_squeeze %dma_wait3A_326 : memref<1x1600xi32, #tpu.memory_space<hbm>> -> memref<1600xi32, #tpu.memory_space<hbm>>
    tpu.wait_dma2 semaphore(%arg16 : memref<!tpu.dma_semaphore, #tpu.memory_space<semaphore_mem>>) src(%dma_wait3A_327 : memref<1600xi32, #tpu.memory_space<hbm>>) dst(%arg8 : memref<1600xi32, #tpu.memory_space<vmem>>)
    %dma_wait3A_328 = arith.constant 1 : i32
    %dma_wait3A_329 = tpu.memref_slice %arg3[%dma_wait3A_328, %multiple_of3A_322] : memref<2x320000xi32, #tpu.memory_space<hbm>> -> memref<1x1600xi32, #tpu.memory_space<hbm>>
    %dma_wait3A_330 = tpu.memref_squeeze %dma_wait3A_329 : memref<1x1600xi32, #tpu.memory_space<hbm>> -> memref<1600xi32, #tpu.memory_space<hbm>>
    %dma_wait3A_331 = tpu.memref_slice %arg3[%dma_wait3A_328, %multiple_of3A_322] : memref<2x320000xi32, #tpu.memory_space<hbm>> -> memref<1x1600xi32, #tpu.memory_space<hbm>>
    %dma_wait3A_332 = tpu.memref_squeeze %dma_wait3A_331 : memref<1x1600xi32, #tpu.memory_space<hbm>> -> memref<1600xi32, #tpu.memory_space<hbm>>
    tpu.wait_dma2 semaphore(%arg16 : memref<!tpu.dma_semaphore, #tpu.memory_space<semaphore_mem>>) src(%dma_wait3A_332 : memref<1600xi32, #tpu.memory_space<hbm>>) dst(%arg10 : memref<1600xi32, #tpu.memory_space<vmem>>)
    %multiple_of3A_333 = arith.constant 13600 : i32
    %multiple_of3A_334 = tpu.assume_multiple %multiple_of3A_333, 8 : i32
    %dma_wait3A_335 = tpu.memref_slice %arg5[%select_n3A, %select_n3A_28, %multiple_of3A_334] : memref<2x8x24000xi32, #tpu.memory_space<vmem_shared>> -> memref<1x1x800xi32, #tpu.memory_space<vmem_shared>>
    %dma_wait3A_336 = tpu.memref_squeeze %dma_wait3A_335 : memref<1x1x800xi32, #tpu.memory_space<vmem_shared>> -> memref<800xi32, #tpu.memory_space<vmem_shared>>
    %dma_wait3A_337 = tpu.memref_slice %arg5[%select_n3A, %select_n3A_28, %multiple_of3A_334] : memref<2x8x24000xi32, #tpu.memory_space<vmem_shared>> -> memref<1x1x800xi32, #tpu.memory_space<vmem_shared>>
    %dma_wait3A_338 = tpu.memref_squeeze %dma_wait3A_337 : memref<1x1x800xi32, #tpu.memory_space<vmem_shared>> -> memref<800xi32, #tpu.memory_space<vmem_shared>>
    tpu.wait_dma2 semaphore(%arg18 : memref<!tpu.dma_semaphore, #tpu.memory_space<semaphore_mem>>) src(%arg12 : memref<800xi32, #tpu.memory_space<vmem>>) dst(%dma_wait3A_338 : memref<800xi32, #tpu.memory_space<vmem_shared>>)
    %scan3A_339 = arith.constant 0 : i32
    %scan3A_340 = arith.constant 0 : i32
    %scan3A_341 = arith.constant 50 : i32
    %scan3A_342 = arith.addi %scan3A_340, %scan3A_341 : i32
    %scan3A_343 = arith.constant 1 : i32
    scf.for %scan3A_443 = %scan3A_340 to %scan3A_342 step %scan3A_343  : i32 {
      %mul3A_444 = arith.constant 32 : i32
      %mul3A_445 = arith.muli %scan3A_443, %mul3A_444 : i32
      %add3A_446 = vector.broadcast %mul3A_445 : i32 to vector<16xi32>
      %add3A_447 = arith.addi %mul3A_39, %add3A_446 : vector<16xi32>
      %gather3A = tpu.vector_load_idx %arg8[%add3A_447] : memref<1600xi32, #tpu.memory_space<vmem>>[vector<16xi32>], vector<16xi32>,
      %add3A_448 = arith.constant 1 : i32
      %add3A_449 = arith.addi %mul3A_445, %add3A_448 : i32
      %add3A_450 = vector.broadcast %add3A_449 : i32 to vector<16xi32>
      %add3A_451 = arith.addi %mul3A_39, %add3A_450 : vector<16xi32>
      %gather3A_452 = tpu.vector_load_idx %arg8[%add3A_451] : memref<1600xi32, #tpu.memory_space<vmem>>[vector<16xi32>], vector<16xi32>,
      %add3A_453 = vector.broadcast %mul3A_445 : i32 to vector<16xi32>
      %add3A_454 = arith.addi %mul3A_39, %add3A_453 : vector<16xi32>
      %gather3A_455 = tpu.vector_load_idx %arg10[%add3A_454] : memref<1600xi32, #tpu.memory_space<vmem>>[vector<16xi32>], vector<16xi32>,
      %add3A_456 = arith.constant 1 : i32
      %add3A_457 = arith.addi %mul3A_445, %add3A_456 : i32
      %add3A_458 = vector.broadcast %add3A_457 : i32 to vector<16xi32>
      %add3A_459 = arith.addi %mul3A_39, %add3A_458 : vector<16xi32>
      %gather3A_460 = tpu.vector_load_idx %arg10[%add3A_459] : memref<1600xi32, #tpu.memory_space<vmem>>[vector<16xi32>], vector<16xi32>,
      %broadcast_in_dim3A = arith.constant 0.000000e+00 : bf16
      %broadcast_in_dim3A_461 = vector.broadcast %broadcast_in_dim3A : bf16 to vector<32xbf16>
      %add3A_462 = arith.constant 0 : i32
      %add3A_463 = vector.broadcast %add3A_462 : i32 to vector<16xi32>
      %add3A_464 = arith.addi %gather3A, %add3A_463 : vector<16xi32>
      %gather3A_465 = tpu.vector_load_idx %arg6[%add3A_464] : memref<80000xi32, #tpu.memory_space<vmem>>[vector<16xi32>], vector<16xi32>,
      %add3A_466 = arith.constant 0 : i32
      %add3A_467 = vector.broadcast %add3A_466 : i32 to vector<16xi32>
      %add3A_468 = arith.addi %gather3A_455, %add3A_467 : vector<16xi32>
      %gather3A_469 = tpu.vector_load_idx %arg6[%add3A_468] : memref<80000xi32, #tpu.memory_space<vmem>>[vector<16xi32>], vector<16xi32>,
      %bitcast3A = vector.bitcast %gather3A_465 : vector<16xi32> to vector<32xbf16>
      %bitcast3A_470 = vector.bitcast %gather3A_469 : vector<16xi32> to vector<32xbf16>
      %mul3A_471 = arith.mulf %bitcast3A, %bitcast3A_470 : vector<32xbf16>
      %add3A_472 = arith.addf %broadcast_in_dim3A_461, %mul3A_471 : vector<32xbf16>
      %add3A_473 = arith.constant 10000 : i32
      %add3A_474 = vector.broadcast %add3A_473 : i32 to vector<16xi32>
      %add3A_475 = arith.addi %gather3A, %add3A_474 : vector<16xi32>
      %gather3A_476 = tpu.vector_load_idx %arg6[%add3A_475] : memref<80000xi32, #tpu.memory_space<vmem>>[vector<16xi32>], vector<16xi32>,
      %add3A_477 = arith.constant 10000 : i32
      %add3A_478 = vector.broadcast %add3A_477 : i32 to vector<16xi32>
      %add3A_479 = arith.addi %gather3A_455, %add3A_478 : vector<16xi32>
      %gather3A_480 = tpu.vector_load_idx %arg6[%add3A_479] : memref<80000xi32, #tpu.memory_space<vmem>>[vector<16xi32>], vector<16xi32>,
      %bitcast3A_481 = vector.bitcast %gather3A_476 : vector<16xi32> to vector<32xbf16>
      %bitcast3A_482 = vector.bitcast %gather3A_480 : vector<16xi32> to vector<32xbf16>
      %mul3A_483 = arith.mulf %bitcast3A_481, %bitcast3A_482 : vector<32xbf16>
      %add3A_484 = arith.addf %add3A_472, %mul3A_483 : vector<32xbf16>
      %add3A_485 = arith.constant 20000 : i32
      %add3A_486 = vector.broadcast %add3A_485 : i32 to vector<16xi32>
      %add3A_487 = arith.addi %gather3A, %add3A_486 : vector<16xi32>
      %gather3A_488 = tpu.vector_load_idx %arg6[%add3A_487] : memref<80000xi32, #tpu.memory_space<vmem>>[vector<16xi32>], vector<16xi32>,
      %add3A_489 = arith.constant 20000 : i32
      %add3A_490 = vector.broadcast %add3A_489 : i32 to vector<16xi32>
      %add3A_491 = arith.addi %gather3A_455, %add3A_490 : vector<16xi32>
      %gather3A_492 = tpu.vector_load_idx %arg6[%add3A_491] : memref<80000xi32, #tpu.memory_space<vmem>>[vector<16xi32>], vector<16xi32>,
      %bitcast3A_493 = vector.bitcast %gather3A_488 : vector<16xi32> to vector<32xbf16>
      %bitcast3A_494 = vector.bitcast %gather3A_492 : vector<16xi32> to vector<32xbf16>
      %mul3A_495 = arith.mulf %bitcast3A_493, %bitcast3A_494 : vector<32xbf16>
      %add3A_496 = arith.addf %add3A_484, %mul3A_495 : vector<32xbf16>
      %add3A_497 = arith.constant 30000 : i32
      %add3A_498 = vector.broadcast %add3A_497 : i32 to vector<16xi32>
      %add3A_499 = arith.addi %gather3A, %add3A_498 : vector<16xi32>
      %gather3A_500 = tpu.vector_load_idx %arg6[%add3A_499] : memref<80000xi32, #tpu.memory_space<vmem>>[vector<16xi32>], vector<16xi32>,
      %add3A_501 = arith.constant 30000 : i32
      %add3A_502 = vector.broadcast %add3A_501 : i32 to vector<16xi32>
      %add3A_503 = arith.addi %gather3A_455, %add3A_502 : vector<16xi32>
      %gather3A_504 = tpu.vector_load_idx %arg6[%add3A_503] : memref<80000xi32, #tpu.memory_space<vmem>>[vector<16xi32>], vector<16xi32>,
      %bitcast3A_505 = vector.bitcast %gather3A_500 : vector<16xi32> to vector<32xbf16>
      %bitcast3A_506 = vector.bitcast %gather3A_504 : vector<16xi32> to vector<32xbf16>
      %mul3A_507 = arith.mulf %bitcast3A_505, %bitcast3A_506 : vector<32xbf16>
      %add3A_508 = arith.addf %add3A_496, %mul3A_507 : vector<32xbf16>
      %add3A_509 = arith.constant 40000 : i32
      %add3A_510 = vector.broadcast %add3A_509 : i32 to vector<16xi32>
      %add3A_511 = arith.addi %gather3A, %add3A_510 : vector<16xi32>
      %gather3A_512 = tpu.vector_load_idx %arg6[%add3A_511] : memref<80000xi32, #tpu.memory_space<vmem>>[vector<16xi32>], vector<16xi32>,
      %add3A_513 = arith.constant 40000 : i32
      %add3A_514 = vector.broadcast %add3A_513 : i32 to vector<16xi32>
      %add3A_515 = arith.addi %gather3A_455, %add3A_514 : vector<16xi32>
      %gather3A_516 = tpu.vector_load_idx %arg6[%add3A_515] : memref<80000xi32, #tpu.memory_space<vmem>>[vector<16xi32>], vector<16xi32>,
      %bitcast3A_517 = vector.bitcast %gather3A_512 : vector<16xi32> to vector<32xbf16>
      %bitcast3A_518 = vector.bitcast %gather3A_516 : vector<16xi32> to vector<32xbf16>
      %mul3A_519 = arith.mulf %bitcast3A_517, %bitcast3A_518 : vector<32xbf16>
      %add3A_520 = arith.addf %add3A_508, %mul3A_519 : vector<32xbf16>
      %add3A_521 = arith.constant 50000 : i32
      %add3A_522 = vector.broadcast %add3A_521 : i32 to vector<16xi32>
      %add3A_523 = arith.addi %gather3A, %add3A_522 : vector<16xi32>
      %gather3A_524 = tpu.vector_load_idx %arg6[%add3A_523] : memref<80000xi32, #tpu.memory_space<vmem>>[vector<16xi32>], vector<16xi32>,
      %add3A_525 = arith.constant 50000 : i32
      %add3A_526 = vector.broadcast %add3A_525 : i32 to vector<16xi32>
      %add3A_527 = arith.addi %gather3A_455, %add3A_526 : vector<16xi32>
      %gather3A_528 = tpu.vector_load_idx %arg6[%add3A_527] : memref<80000xi32, #tpu.memory_space<vmem>>[vector<16xi32>], vector<16xi32>,
      %bitcast3A_529 = vector.bitcast %gather3A_524 : vector<16xi32> to vector<32xbf16>
      %bitcast3A_530 = vector.bitcast %gather3A_528 : vector<16xi32> to vector<32xbf16>
      %mul3A_531 = arith.mulf %bitcast3A_529, %bitcast3A_530 : vector<32xbf16>
      %add3A_532 = arith.addf %add3A_520, %mul3A_531 : vector<32xbf16>
      %add3A_533 = arith.constant 60000 : i32
      %add3A_534 = vector.broadcast %add3A_533 : i32 to vector<16xi32>
      %add3A_535 = arith.addi %gather3A, %add3A_534 : vector<16xi32>
      %gather3A_536 = tpu.vector_load_idx %arg6[%add3A_535] : memref<80000xi32, #tpu.memory_space<vmem>>[vector<16xi32>], vector<16xi32>,
      %add3A_537 = arith.constant 60000 : i32
      %add3A_538 = vector.broadcast %add3A_537 : i32 to vector<16xi32>
      %add3A_539 = arith.addi %gather3A_455, %add3A_538 : vector<16xi32>
      %gather3A_540 = tpu.vector_load_idx %arg6[%add3A_539] : memref<80000xi32, #tpu.memory_space<vmem>>[vector<16xi32>], vector<16xi32>,
      %bitcast3A_541 = vector.bitcast %gather3A_536 : vector<16xi32> to vector<32xbf16>
      %bitcast3A_542 = vector.bitcast %gather3A_540 : vector<16xi32> to vector<32xbf16>
      %mul3A_543 = arith.mulf %bitcast3A_541, %bitcast3A_542 : vector<32xbf16>
      %add3A_544 = arith.addf %add3A_532, %mul3A_543 : vector<32xbf16>
      %add3A_545 = arith.constant 70000 : i32
      %add3A_546 = vector.broadcast %add3A_545 : i32 to vector<16xi32>
      %add3A_547 = arith.addi %gather3A, %add3A_546 : vector<16xi32>
      %gather3A_548 = tpu.vector_load_idx %arg6[%add3A_547] : memref<80000xi32, #tpu.memory_space<vmem>>[vector<16xi32>], vector<16xi32>,
      %add3A_549 = arith.constant 70000 : i32
      %add3A_550 = vector.broadcast %add3A_549 : i32 to vector<16xi32>
      %add3A_551 = arith.addi %gather3A_455, %add3A_550 : vector<16xi32>
      %gather3A_552 = tpu.vector_load_idx %arg6[%add3A_551] : memref<80000xi32, #tpu.memory_space<vmem>>[vector<16xi32>], vector<16xi32>,
      %bitcast3A_553 = vector.bitcast %gather3A_548 : vector<16xi32> to vector<32xbf16>
      %bitcast3A_554 = vector.bitcast %gather3A_552 : vector<16xi32> to vector<32xbf16>
      %mul3A_555 = arith.mulf %bitcast3A_553, %bitcast3A_554 : vector<32xbf16>
      %add3A_556 = arith.addf %add3A_544, %mul3A_555 : vector<32xbf16>
      %unpack3A = tpu.unpack_subelements %add3A_556, 0 {pack_format = #tpu.pack_format<interleaved>} : vector<32xbf16> -> vector<16xf32>
      %unpack3A_557 = tpu.unpack_subelements %add3A_556, 1 {pack_format = #tpu.pack_format<interleaved>} : vector<32xbf16> -> vector<16xf32>
      %add3A_558 = arith.addf %unpack3A, %unpack3A_557 : vector<16xf32>
      %broadcast_in_dim3A_559 = arith.constant 0.000000e+00 : bf16
      %broadcast_in_dim3A_560 = vector.broadcast %broadcast_in_dim3A_559 : bf16 to vector<32xbf16>
      %add3A_561 = arith.constant 0 : i32
      %add3A_562 = vector.broadcast %add3A_561 : i32 to vector<16xi32>
      %add3A_563 = arith.addi %gather3A_452, %add3A_562 : vector<16xi32>
      %gather3A_564 = tpu.vector_load_idx %arg6[%add3A_563] : memref<80000xi32, #tpu.memory_space<vmem>>[vector<16xi32>], vector<16xi32>,
      %add3A_565 = arith.constant 0 : i32
      %add3A_566 = vector.broadcast %add3A_565 : i32 to vector<16xi32>
      %add3A_567 = arith.addi %gather3A_460, %add3A_566 : vector<16xi32>
      %gather3A_568 = tpu.vector_load_idx %arg6[%add3A_567] : memref<80000xi32, #tpu.memory_space<vmem>>[vector<16xi32>], vector<16xi32>,
      %bitcast3A_569 = vector.bitcast %gather3A_564 : vector<16xi32> to vector<32xbf16>
      %bitcast3A_570 = vector.bitcast %gather3A_568 : vector<16xi32> to vector<32xbf16>
      %mul3A_571 = arith.mulf %bitcast3A_569, %bitcast3A_570 : vector<32xbf16>
      %add3A_572 = arith.addf %broadcast_in_dim3A_560, %mul3A_571 : vector<32xbf16>
      %add3A_573 = arith.constant 10000 : i32
      %add3A_574 = vector.broadcast %add3A_573 : i32 to vector<16xi32>
      %add3A_575 = arith.addi %gather3A_452, %add3A_574 : vector<16xi32>
      %gather3A_576 = tpu.vector_load_idx %arg6[%add3A_575] : memref<80000xi32, #tpu.memory_space<vmem>>[vector<16xi32>], vector<16xi32>,
      %add3A_577 = arith.constant 10000 : i32
      %add3A_578 = vector.broadcast %add3A_577 : i32 to vector<16xi32>
      %add3A_579 = arith.addi %gather3A_460, %add3A_578 : vector<16xi32>
      %gather3A_580 = tpu.vector_load_idx %arg6[%add3A_579] : memref<80000xi32, #tpu.memory_space<vmem>>[vector<16xi32>], vector<16xi32>,
      %bitcast3A_581 = vector.bitcast %gather3A_576 : vector<16xi32> to vector<32xbf16>
      %bitcast3A_582 = vector.bitcast %gather3A_580 : vector<16xi32> to vector<32xbf16>
      %mul3A_583 = arith.mulf %bitcast3A_581, %bitcast3A_582 : vector<32xbf16>
      %add3A_584 = arith.addf %add3A_572, %mul3A_583 : vector<32xbf16>
      %add3A_585 = arith.constant 20000 : i32
      %add3A_586 = vector.broadcast %add3A_585 : i32 to vector<16xi32>
      %add3A_587 = arith.addi %gather3A_452, %add3A_586 : vector<16xi32>
      %gather3A_588 = tpu.vector_load_idx %arg6[%add3A_587] : memref<80000xi32, #tpu.memory_space<vmem>>[vector<16xi32>], vector<16xi32>,
      %add3A_589 = arith.constant 20000 : i32
      %add3A_590 = vector.broadcast %add3A_589 : i32 to vector<16xi32>
      %add3A_591 = arith.addi %gather3A_460, %add3A_590 : vector<16xi32>
      %gather3A_592 = tpu.vector_load_idx %arg6[%add3A_591] : memref<80000xi32, #tpu.memory_space<vmem>>[vector<16xi32>], vector<16xi32>,
      %bitcast3A_593 = vector.bitcast %gather3A_588 : vector<16xi32> to vector<32xbf16>
      %bitcast3A_594 = vector.bitcast %gather3A_592 : vector<16xi32> to vector<32xbf16>
      %mul3A_595 = arith.mulf %bitcast3A_593, %bitcast3A_594 : vector<32xbf16>
      %add3A_596 = arith.addf %add3A_584, %mul3A_595 : vector<32xbf16>
      %add3A_597 = arith.constant 30000 : i32
      %add3A_598 = vector.broadcast %add3A_597 : i32 to vector<16xi32>
      %add3A_599 = arith.addi %gather3A_452, %add3A_598 : vector<16xi32>
      %gather3A_600 = tpu.vector_load_idx %arg6[%add3A_599] : memref<80000xi32, #tpu.memory_space<vmem>>[vector<16xi32>], vector<16xi32>,
      %add3A_601 = arith.constant 30000 : i32
      %add3A_602 = vector.broadcast %add3A_601 : i32 to vector<16xi32>
      %add3A_603 = arith.addi %gather3A_460, %add3A_602 : vector<16xi32>
      %gather3A_604 = tpu.vector_load_idx %arg6[%add3A_603] : memref<80000xi32, #tpu.memory_space<vmem>>[vector<16xi32>], vector<16xi32>,
      %bitcast3A_605 = vector.bitcast %gather3A_600 : vector<16xi32> to vector<32xbf16>
      %bitcast3A_606 = vector.bitcast %gather3A_604 : vector<16xi32> to vector<32xbf16>
      %mul3A_607 = arith.mulf %bitcast3A_605, %bitcast3A_606 : vector<32xbf16>
      %add3A_608 = arith.addf %add3A_596, %mul3A_607 : vector<32xbf16>
      %add3A_609 = arith.constant 40000 : i32
      %add3A_610 = vector.broadcast %add3A_609 : i32 to vector<16xi32>
      %add3A_611 = arith.addi %gather3A_452, %add3A_610 : vector<16xi32>
      %gather3A_612 = tpu.vector_load_idx %arg6[%add3A_611] : memref<80000xi32, #tpu.memory_space<vmem>>[vector<16xi32>], vector<16xi32>,
      %add3A_613 = arith.constant 40000 : i32
      %add3A_614 = vector.broadcast %add3A_613 : i32 to vector<16xi32>
      %add3A_615 = arith.addi %gather3A_460, %add3A_614 : vector<16xi32>
      %gather3A_616 = tpu.vector_load_idx %arg6[%add3A_615] : memref<80000xi32, #tpu.memory_space<vmem>>[vector<16xi32>], vector<16xi32>,
      %bitcast3A_617 = vector.bitcast %gather3A_612 : vector<16xi32> to vector<32xbf16>
      %bitcast3A_618 = vector.bitcast %gather3A_616 : vector<16xi32> to vector<32xbf16>
      %mul3A_619 = arith.mulf %bitcast3A_617, %bitcast3A_618 : vector<32xbf16>
      %add3A_620 = arith.addf %add3A_608, %mul3A_619 : vector<32xbf16>
      %add3A_621 = arith.constant 50000 : i32
      %add3A_622 = vector.broadcast %add3A_621 : i32 to vector<16xi32>
      %add3A_623 = arith.addi %gather3A_452, %add3A_622 : vector<16xi32>
      %gather3A_624 = tpu.vector_load_idx %arg6[%add3A_623] : memref<80000xi32, #tpu.memory_space<vmem>>[vector<16xi32>], vector<16xi32>,
      %add3A_625 = arith.constant 50000 : i32
      %add3A_626 = vector.broadcast %add3A_625 : i32 to vector<16xi32>
      %add3A_627 = arith.addi %gather3A_460, %add3A_626 : vector<16xi32>
      %gather3A_628 = tpu.vector_load_idx %arg6[%add3A_627] : memref<80000xi32, #tpu.memory_space<vmem>>[vector<16xi32>], vector<16xi32>,
      %bitcast3A_629 = vector.bitcast %gather3A_624 : vector<16xi32> to vector<32xbf16>
      %bitcast3A_630 = vector.bitcast %gather3A_628 : vector<16xi32> to vector<32xbf16>
      %mul3A_631 = arith.mulf %bitcast3A_629, %bitcast3A_630 : vector<32xbf16>
      %add3A_632 = arith.addf %add3A_620, %mul3A_631 : vector<32xbf16>
      %add3A_633 = arith.constant 60000 : i32
      %add3A_634 = vector.broadcast %add3A_633 : i32 to vector<16xi32>
      %add3A_635 = arith.addi %gather3A_452, %add3A_634 : vector<16xi32>
      %gather3A_636 = tpu.vector_load_idx %arg6[%add3A_635] : memref<80000xi32, #tpu.memory_space<vmem>>[vector<16xi32>], vector<16xi32>,
      %add3A_637 = arith.constant 60000 : i32
      %add3A_638 = vector.broadcast %add3A_637 : i32 to vector<16xi32>
      %add3A_639 = arith.addi %gather3A_460, %add3A_638 : vector<16xi32>
      %gather3A_640 = tpu.vector_load_idx %arg6[%add3A_639] : memref<80000xi32, #tpu.memory_space<vmem>>[vector<16xi32>], vector<16xi32>,
      %bitcast3A_641 = vector.bitcast %gather3A_636 : vector<16xi32> to vector<32xbf16>
      %bitcast3A_642 = vector.bitcast %gather3A_640 : vector<16xi32> to vector<32xbf16>
      %mul3A_643 = arith.mulf %bitcast3A_641, %bitcast3A_642 : vector<32xbf16>
      %add3A_644 = arith.addf %add3A_632, %mul3A_643 : vector<32xbf16>
      %add3A_645 = arith.constant 70000 : i32
      %add3A_646 = vector.broadcast %add3A_645 : i32 to vector<16xi32>
      %add3A_647 = arith.addi %gather3A_452, %add3A_646 : vector<16xi32>
      %gather3A_648 = tpu.vector_load_idx %arg6[%add3A_647] : memref<80000xi32, #tpu.memory_space<vmem>>[vector<16xi32>], vector<16xi32>,
      %add3A_649 = arith.constant 70000 : i32
      %add3A_650 = vector.broadcast %add3A_649 : i32 to vector<16xi32>
      %add3A_651 = arith.addi %gather3A_460, %add3A_650 : vector<16xi32>
      %gather3A_652 = tpu.vector_load_idx %arg6[%add3A_651] : memref<80000xi32, #tpu.memory_space<vmem>>[vector<16xi32>], vector<16xi32>,
      %bitcast3A_653 = vector.bitcast %gather3A_648 : vector<16xi32> to vector<32xbf16>
      %bitcast3A_654 = vector.bitcast %gather3A_652 : vector<16xi32> to vector<32xbf16>
      %mul3A_655 = arith.mulf %bitcast3A_653, %bitcast3A_654 : vector<32xbf16>
      %add3A_656 = arith.addf %add3A_644, %mul3A_655 : vector<32xbf16>
      %unpack3A_657 = tpu.unpack_subelements %add3A_656, 0 {pack_format = #tpu.pack_format<interleaved>} : vector<32xbf16> -> vector<16xf32>
      %unpack3A_658 = tpu.unpack_subelements %add3A_656, 1 {pack_format = #tpu.pack_format<interleaved>} : vector<32xbf16> -> vector<16xf32>
      %add3A_659 = arith.addf %unpack3A_657, %unpack3A_658 : vector<16xf32>
      %pack3A = tpu.pack_subelements %add3A_558, %add3A_659 {pack_format = #tpu.pack_format<interleaved>, positions = array<i32: 0, 1>} : vector<16xf32>, vector<16xf32> -> vector<32xbf16>
      %bitcast3A_660 = vector.bitcast %pack3A : vector<32xbf16> to vector<16xi32>
      %mul3A_661 = arith.constant 16 : i32
      %mul3A_662 = arith.muli %scan3A_443, %mul3A_661 : i32
      %multiple_of3A_663 = tpu.assume_multiple %mul3A_662, 16 : i32
      %swap3A = arith.index_cast %multiple_of3A_663 : i32 to index
      %swap3A_664 = tpu.vector_load %arg12[%swap3A] {strides = array<i32>} : memref<800xi32, #tpu.memory_space<vmem>>, vector<16xi32>,
      tpu.vector_store %arg12[%swap3A], %bitcast3A_660 {strides = array<i32>} : memref<800xi32, #tpu.memory_space<vmem>>, vector<16xi32>,
    }
    %scan3A_344 = arith.constant 50 : i32
    %multiple_of3A_345 = arith.constant 15200 : i32
    %multiple_of3A_346 = tpu.assume_multiple %multiple_of3A_345, 8 : i32
    %dma_start3A_347 = tpu.memref_slice %arg5[%select_n3A, %select_n3A_28, %multiple_of3A_346] : memref<2x8x24000xi32, #tpu.memory_space<vmem_shared>> -> memref<1x1x800xi32, #tpu.memory_space<vmem_shared>>
    %dma_start3A_348 = tpu.memref_squeeze %dma_start3A_347 : memref<1x1x800xi32, #tpu.memory_space<vmem_shared>> -> memref<800xi32, #tpu.memory_space<vmem_shared>>
    %dma_start3A_349 = tpu.memref_slice %arg5[%select_n3A, %select_n3A_28, %multiple_of3A_346] : memref<2x8x24000xi32, #tpu.memory_space<vmem_shared>> -> memref<1x1x800xi32, #tpu.memory_space<vmem_shared>>
    %dma_start3A_350 = tpu.memref_squeeze %dma_start3A_349 : memref<1x1x800xi32, #tpu.memory_space<vmem_shared>> -> memref<800xi32, #tpu.memory_space<vmem_shared>>
    tpu.enqueue_dma source(%arg12 : memref<800xi32, #tpu.memory_space<vmem>>) target(%dma_start3A_350 : memref<800xi32, #tpu.memory_space<vmem_shared>>) target_semaphore(%arg18 : memref<!tpu.dma_semaphore, #tpu.memory_space<semaphore_mem>>)
    %multiple_of3A_351 = arith.constant 14400 : i32
    %multiple_of3A_352 = tpu.assume_multiple %multiple_of3A_351, 8 : i32
    %dma_wait3A_353 = tpu.memref_slice %arg5[%select_n3A, %select_n3A_28, %multiple_of3A_352] : memref<2x8x24000xi32, #tpu.memory_space<vmem_shared>> -> memref<1x1x800xi32, #tpu.memory_space<vmem_shared>>
    %dma_wait3A_354 = tpu.memref_squeeze %dma_wait3A_353 : memref<1x1x800xi32, #tpu.memory_space<vmem_shared>> -> memref<800xi32, #tpu.memory_space<vmem_shared>>
    %dma_wait3A_355 = tpu.memref_slice %arg5[%select_n3A, %select_n3A_28, %multiple_of3A_352] : memref<2x8x24000xi32, #tpu.memory_space<vmem_shared>> -> memref<1x1x800xi32, #tpu.memory_space<vmem_shared>>
    %dma_wait3A_356 = tpu.memref_squeeze %dma_wait3A_355 : memref<1x1x800xi32, #tpu.memory_space<vmem_shared>> -> memref<800xi32, #tpu.memory_space<vmem_shared>>
    tpu.wait_dma2 semaphore(%arg17 : memref<!tpu.dma_semaphore, #tpu.memory_space<semaphore_mem>>) src(%arg11 : memref<800xi32, #tpu.memory_space<vmem>>) dst(%dma_wait3A_356 : memref<800xi32, #tpu.memory_space<vmem_shared>>)
    %multiple_of3A_357 = arith.constant 15200 : i32
    %multiple_of3A_358 = tpu.assume_multiple %multiple_of3A_357, 8 : i32
    %dma_wait3A_359 = tpu.memref_slice %arg5[%select_n3A, %select_n3A_28, %multiple_of3A_358] : memref<2x8x24000xi32, #tpu.memory_space<vmem_shared>> -> memref<1x1x800xi32, #tpu.memory_space<vmem_shared>>
    %dma_wait3A_360 = tpu.memref_squeeze %dma_wait3A_359 : memref<1x1x800xi32, #tpu.memory_space<vmem_shared>> -> memref<800xi32, #tpu.memory_space<vmem_shared>>
    %dma_wait3A_361 = tpu.memref_slice %arg5[%select_n3A, %select_n3A_28, %multiple_of3A_358] : memref<2x8x24000xi32, #tpu.memory_space<vmem_shared>> -> memref<1x1x800xi32, #tpu.memory_space<vmem_shared>>
    %dma_wait3A_362 = tpu.memref_squeeze %dma_wait3A_361 : memref<1x1x800xi32, #tpu.memory_space<vmem_shared>> -> memref<800xi32, #tpu.memory_space<vmem_shared>>
    tpu.wait_dma2 semaphore(%arg18 : memref<!tpu.dma_semaphore, #tpu.memory_space<semaphore_mem>>) src(%arg12 : memref<800xi32, #tpu.memory_space<vmem>>) dst(%dma_wait3A_362 : memref<800xi32, #tpu.memory_space<vmem_shared>>)
    %barrier3A_363 = arith.constant 0 : index
    tpu.barrier barrier_id(%barrier3A_363)
    %mul3A_364 = arith.constant 4000 : i32
    %mul3A_365 = arith.muli %select_n3A_28, %mul3A_364 : i32
    %add3A_366 = arith.constant 0 : i32
    %add3A_367 = arith.addi %mul3A_365, %add3A_366 : i32
    %jit3A_368 = arith.constant 2 : i32
    %div3A_369 = arith.divsi %add3A_367, %jit3A_368 : i32
    %sign3A_370 = arith.constant 0 : i32
    %sign3A_371 = arith.cmpi sgt, %add3A_367, %sign3A_370 : i32
    %sign3A_372 = arith.extui %sign3A_371 : i1 to i32
    %sign3A_373 = arith.constant 0 : i32
    %sign3A_374 = arith.cmpi slt, %add3A_367, %sign3A_373 : i32
    %sign3A_375 = arith.extui %sign3A_374 : i1 to i32
    %sign3A_376 = arith.subi %sign3A_372, %sign3A_375 : i32
    %sign3A_377 = arith.constant 0 : i32
    %sign3A_378 = arith.cmpi sgt, %jit3A_368, %sign3A_377 : i32
    %sign3A_379 = arith.extui %sign3A_378 : i1 to i32
    %sign3A_380 = arith.constant 0 : i32
    %sign3A_381 = arith.cmpi slt, %jit3A_368, %sign3A_380 : i32
    %sign3A_382 = arith.extui %sign3A_381 : i1 to i32
    %sign3A_383 = arith.subi %sign3A_379, %sign3A_382 : i32
    %ne3A_384 = arith.cmpi ne, %sign3A_376, %sign3A_383 : i32
    %rem3A_385 = arith.remsi %add3A_367, %jit3A_368 : i32
    %ne3A_386 = arith.constant 0 : i32
    %ne3A_387 = arith.cmpi ne, %rem3A_385, %ne3A_386 : i32
    %and3A_388 = arith.andi %ne3A_384, %ne3A_387 : i1
    %sub3A_389 = arith.constant 1 : i32
    %sub3A_390 = arith.subi %div3A_369, %sub3A_389 : i32
    %select_n3A_391 = arith.select %and3A_388, %sub3A_390, %div3A_369 : i32
    %multiple_of3A_392 = tpu.assume_multiple %select_n3A_391, 8 : i32
    "tpu.region"() ({
      %run_scoped3A = tpu.sem_alloc : memref<!tpu.dma_semaphore, #tpu.memory_space<semaphore_mem>>
      %dma_start3A_443 = arith.constant 0 : i32
      %dma_start3A_444 = tpu.memref_slice %arg5[%select_n3A, %dma_start3A_443, %multiple_of3A_392] : memref<2x8x24000xi32, #tpu.memory_space<vmem_shared>> -> memref<1x8x1000xi32, #tpu.memory_space<vmem_shared>>
      %dma_start3A_445 = tpu.memref_squeeze %dma_start3A_444 : memref<1x8x1000xi32, #tpu.memory_space<vmem_shared>> -> memref<8x1000xi32, #tpu.memory_space<vmem_shared>>
      %dma_start3A_446 = arith.constant 0 : i32
      %dma_start3A_447 = tpu.memref_slice %arg5[%select_n3A, %dma_start3A_446, %multiple_of3A_392] : memref<2x8x24000xi32, #tpu.memory_space<vmem_shared>> -> memref<1x8x1000xi32, #tpu.memory_space<vmem_shared>>
      %dma_start3A_448 = tpu.memref_squeeze %dma_start3A_447 : memref<1x8x1000xi32, #tpu.memory_space<vmem_shared>> -> memref<8x1000xi32, #tpu.memory_space<vmem_shared>>
      tpu.enqueue_dma source(%dma_start3A_448 : memref<8x1000xi32, #tpu.memory_space<vmem_shared>>) target(%arg13 : memref<8x1000xi32, #tpu.memory_space<vmem>>) target_semaphore(%run_scoped3A : memref<!tpu.dma_semaphore, #tpu.memory_space<semaphore_mem>>)
      %dma_wait3A_449 = arith.constant 0 : i32
      %dma_wait3A_450 = tpu.memref_slice %arg5[%select_n3A, %dma_wait3A_449, %multiple_of3A_392] : memref<2x8x24000xi32, #tpu.memory_space<vmem_shared>> -> memref<1x8x1000xi32, #tpu.memory_space<vmem_shared>>
      %dma_wait3A_451 = tpu.memref_squeeze %dma_wait3A_450 : memref<1x8x1000xi32, #tpu.memory_space<vmem_shared>> -> memref<8x1000xi32, #tpu.memory_space<vmem_shared>>
      %dma_wait3A_452 = arith.constant 0 : i32
      %dma_wait3A_453 = tpu.memref_slice %arg5[%select_n3A, %dma_wait3A_452, %multiple_of3A_392] : memref<2x8x24000xi32, #tpu.memory_space<vmem_shared>> -> memref<1x8x1000xi32, #tpu.memory_space<vmem_shared>>
      %dma_wait3A_454 = tpu.memref_squeeze %dma_wait3A_453 : memref<1x8x1000xi32, #tpu.memory_space<vmem_shared>> -> memref<8x1000xi32, #tpu.memory_space<vmem_shared>>
      tpu.wait_dma2 semaphore(%run_scoped3A : memref<!tpu.dma_semaphore, #tpu.memory_space<semaphore_mem>>) src(%dma_wait3A_454 : memref<8x1000xi32, #tpu.memory_space<vmem_shared>>) dst(%arg13 : memref<8x1000xi32, #tpu.memory_space<vmem>>)
      tpu.yield
    }) : () -> ()
    %scan3A_393 = arith.constant 0 : i32
    %scan3A_394 = arith.constant 0 : i32
    %scan3A_395 = arith.constant 63 : i32
    %scan3A_396 = arith.addi %scan3A_394, %scan3A_395 : i32
    %scan3A_397 = arith.constant 1 : i32
    scf.for %scan3A_443 = %scan3A_394 to %scan3A_396 step %scan3A_397  : i32 {
      %mul3A_444 = arith.constant 16 : i32
      %mul3A_445 = arith.muli %scan3A_443, %mul3A_444 : i32
      %min3A = arith.constant 984 : i32
      %min3A_446 = arith.minsi %mul3A_445, %min3A : i32
      %broadcast_in_dim3A = arith.constant 0.000000e+00 : f32
      %broadcast_in_dim3A_447 = vector.broadcast %broadcast_in_dim3A : f32 to vector<16xf32>
      %broadcast_in_dim3A_448 = arith.constant 0.000000e+00 : f32
      %broadcast_in_dim3A_449 = vector.broadcast %broadcast_in_dim3A_448 : f32 to vector<16xf32>
      %get3A = arith.constant 0 : i32
      %get3A_450 = arith.index_cast %get3A : i32 to index
      %get3A_451 = arith.index_cast %min3A_446 : i32 to index
      %get3A_452 = tpu.vector_load %arg13[%get3A_450, %get3A_451] {strides = array<i32>} : memref<8x1000xi32, #tpu.memory_space<vmem>>, vector<16xi32>,
      %bitcast3A = vector.bitcast %get3A_452 : vector<16xi32> to vector<32xbf16>
      %unpack3A = tpu.unpack_subelements %bitcast3A, 0 {pack_format = #tpu.pack_format<interleaved>} : vector<32xbf16> -> vector<16xf32>
      %unpack3A_453 = tpu.unpack_subelements %bitcast3A, 1 {pack_format = #tpu.pack_format<interleaved>} : vector<32xbf16> -> vector<16xf32>
      %add3A_454 = arith.addf %broadcast_in_dim3A_447, %unpack3A : vector<16xf32>
      %add3A_455 = arith.addf %broadcast_in_dim3A_449, %unpack3A_453 : vector<16xf32>
      %get3A_456 = arith.constant 1 : i32
      %get3A_457 = arith.index_cast %get3A_456 : i32 to index
      %get3A_458 = arith.index_cast %min3A_446 : i32 to index
      %get3A_459 = tpu.vector_load %arg13[%get3A_457, %get3A_458] {strides = array<i32>} : memref<8x1000xi32, #tpu.memory_space<vmem>>, vector<16xi32>,
      %bitcast3A_460 = vector.bitcast %get3A_459 : vector<16xi32> to vector<32xbf16>
      %unpack3A_461 = tpu.unpack_subelements %bitcast3A_460, 0 {pack_format = #tpu.pack_format<interleaved>} : vector<32xbf16> -> vector<16xf32>
      %unpack3A_462 = tpu.unpack_subelements %bitcast3A_460, 1 {pack_format = #tpu.pack_format<interleaved>} : vector<32xbf16> -> vector<16xf32>
      %add3A_463 = arith.addf %add3A_454, %unpack3A_461 : vector<16xf32>
      %add3A_464 = arith.addf %add3A_455, %unpack3A_462 : vector<16xf32>
      %get3A_465 = arith.constant 2 : i32
      %get3A_466 = arith.index_cast %get3A_465 : i32 to index
      %get3A_467 = arith.index_cast %min3A_446 : i32 to index
      %get3A_468 = tpu.vector_load %arg13[%get3A_466, %get3A_467] {strides = array<i32>} : memref<8x1000xi32, #tpu.memory_space<vmem>>, vector<16xi32>,
      %bitcast3A_469 = vector.bitcast %get3A_468 : vector<16xi32> to vector<32xbf16>
      %unpack3A_470 = tpu.unpack_subelements %bitcast3A_469, 0 {pack_format = #tpu.pack_format<interleaved>} : vector<32xbf16> -> vector<16xf32>
      %unpack3A_471 = tpu.unpack_subelements %bitcast3A_469, 1 {pack_format = #tpu.pack_format<interleaved>} : vector<32xbf16> -> vector<16xf32>
      %add3A_472 = arith.addf %add3A_463, %unpack3A_470 : vector<16xf32>
      %add3A_473 = arith.addf %add3A_464, %unpack3A_471 : vector<16xf32>
      %get3A_474 = arith.constant 3 : i32
      %get3A_475 = arith.index_cast %get3A_474 : i32 to index
      %get3A_476 = arith.index_cast %min3A_446 : i32 to index
      %get3A_477 = tpu.vector_load %arg13[%get3A_475, %get3A_476] {strides = array<i32>} : memref<8x1000xi32, #tpu.memory_space<vmem>>, vector<16xi32>,
      %bitcast3A_478 = vector.bitcast %get3A_477 : vector<16xi32> to vector<32xbf16>
      %unpack3A_479 = tpu.unpack_subelements %bitcast3A_478, 0 {pack_format = #tpu.pack_format<interleaved>} : vector<32xbf16> -> vector<16xf32>
      %unpack3A_480 = tpu.unpack_subelements %bitcast3A_478, 1 {pack_format = #tpu.pack_format<interleaved>} : vector<32xbf16> -> vector<16xf32>
      %add3A_481 = arith.addf %add3A_472, %unpack3A_479 : vector<16xf32>
      %add3A_482 = arith.addf %add3A_473, %unpack3A_480 : vector<16xf32>
      %get3A_483 = arith.constant 4 : i32
      %get3A_484 = arith.index_cast %get3A_483 : i32 to index
      %get3A_485 = arith.index_cast %min3A_446 : i32 to index
      %get3A_486 = tpu.vector_load %arg13[%get3A_484, %get3A_485] {strides = array<i32>} : memref<8x1000xi32, #tpu.memory_space<vmem>>, vector<16xi32>,
      %bitcast3A_487 = vector.bitcast %get3A_486 : vector<16xi32> to vector<32xbf16>
      %unpack3A_488 = tpu.unpack_subelements %bitcast3A_487, 0 {pack_format = #tpu.pack_format<interleaved>} : vector<32xbf16> -> vector<16xf32>
      %unpack3A_489 = tpu.unpack_subelements %bitcast3A_487, 1 {pack_format = #tpu.pack_format<interleaved>} : vector<32xbf16> -> vector<16xf32>
      %add3A_490 = arith.addf %add3A_481, %unpack3A_488 : vector<16xf32>
      %add3A_491 = arith.addf %add3A_482, %unpack3A_489 : vector<16xf32>
      %get3A_492 = arith.constant 5 : i32
      %get3A_493 = arith.index_cast %get3A_492 : i32 to index
      %get3A_494 = arith.index_cast %min3A_446 : i32 to index
      %get3A_495 = tpu.vector_load %arg13[%get3A_493, %get3A_494] {strides = array<i32>} : memref<8x1000xi32, #tpu.memory_space<vmem>>, vector<16xi32>,
      %bitcast3A_496 = vector.bitcast %get3A_495 : vector<16xi32> to vector<32xbf16>
      %unpack3A_497 = tpu.unpack_subelements %bitcast3A_496, 0 {pack_format = #tpu.pack_format<interleaved>} : vector<32xbf16> -> vector<16xf32>
      %unpack3A_498 = tpu.unpack_subelements %bitcast3A_496, 1 {pack_format = #tpu.pack_format<interleaved>} : vector<32xbf16> -> vector<16xf32>
      %add3A_499 = arith.addf %add3A_490, %unpack3A_497 : vector<16xf32>
      %add3A_500 = arith.addf %add3A_491, %unpack3A_498 : vector<16xf32>
      %get3A_501 = arith.constant 6 : i32
      %get3A_502 = arith.index_cast %get3A_501 : i32 to index
      %get3A_503 = arith.index_cast %min3A_446 : i32 to index
      %get3A_504 = tpu.vector_load %arg13[%get3A_502, %get3A_503] {strides = array<i32>} : memref<8x1000xi32, #tpu.memory_space<vmem>>, vector<16xi32>,
      %bitcast3A_505 = vector.bitcast %get3A_504 : vector<16xi32> to vector<32xbf16>
      %unpack3A_506 = tpu.unpack_subelements %bitcast3A_505, 0 {pack_format = #tpu.pack_format<interleaved>} : vector<32xbf16> -> vector<16xf32>
      %unpack3A_507 = tpu.unpack_subelements %bitcast3A_505, 1 {pack_format = #tpu.pack_format<interleaved>} : vector<32xbf16> -> vector<16xf32>
      %add3A_508 = arith.addf %add3A_499, %unpack3A_506 : vector<16xf32>
      %add3A_509 = arith.addf %add3A_500, %unpack3A_507 : vector<16xf32>
      %get3A_510 = arith.constant 7 : i32
      %get3A_511 = arith.index_cast %get3A_510 : i32 to index
      %get3A_512 = arith.index_cast %min3A_446 : i32 to index
      %get3A_513 = tpu.vector_load %arg13[%get3A_511, %get3A_512] {strides = array<i32>} : memref<8x1000xi32, #tpu.memory_space<vmem>>, vector<16xi32>,
      %bitcast3A_514 = vector.bitcast %get3A_513 : vector<16xi32> to vector<32xbf16>
      %unpack3A_515 = tpu.unpack_subelements %bitcast3A_514, 0 {pack_format = #tpu.pack_format<interleaved>} : vector<32xbf16> -> vector<16xf32>
      %unpack3A_516 = tpu.unpack_subelements %bitcast3A_514, 1 {pack_format = #tpu.pack_format<interleaved>} : vector<32xbf16> -> vector<16xf32>
      %add3A_517 = arith.addf %add3A_508, %unpack3A_515 : vector<16xf32>
      %add3A_518 = arith.addf %add3A_509, %unpack3A_516 : vector<16xf32>
      %mul3A_519 = arith.constant 2 : i32
      %mul3A_520 = arith.muli %min3A_446, %mul3A_519 : i32
      %add3A_521 = arith.constant 0 : i32
      %add3A_522 = arith.addi %add3A_521, %mul3A_520 : i32
      %add3A_523 = vector.broadcast %add3A_522 : i32 to vector<16xi32>
      %add3A_524 = arith.addi %mul3A_39, %add3A_523 : vector<16xi32>
      tpu.vector_store_idx %arg14[%add3A_524], %add3A_517 : memref<6000xf32, #tpu.memory_space<vmem>>[vector<16xi32>], vector<16xf32>,
      %add3A_525 = arith.constant 1 : i32
      %add3A_526 = arith.addi %add3A_522, %add3A_525 : i32
      %add3A_527 = vector.broadcast %add3A_526 : i32 to vector<16xi32>
      %add3A_528 = arith.addi %mul3A_39, %add3A_527 : vector<16xi32>
      tpu.vector_store_idx %arg14[%add3A_528], %add3A_518 : memref<6000xf32, #tpu.memory_space<vmem>>[vector<16xi32>], vector<16xf32>,
    }
    %scan3A_398 = arith.constant 63 : i32
    %mul3A_399 = arith.constant 4000 : i32
    %mul3A_400 = arith.muli %select_n3A_28, %mul3A_399 : i32
    %add3A_401 = arith.constant 2000 : i32
    %add3A_402 = arith.addi %mul3A_400, %add3A_401 : i32
    %jit3A_403 = arith.constant 2 : i32
    %div3A_404 = arith.divsi %add3A_402, %jit3A_403 : i32
    %sign3A_405 = arith.constant 0 : i32
    %sign3A_406 = arith.cmpi sgt, %add3A_402, %sign3A_405 : i32
    %sign3A_407 = arith.extui %sign3A_406 : i1 to i32
    %sign3A_408 = arith.constant 0 : i32
    %sign3A_409 = arith.cmpi slt, %add3A_402, %sign3A_408 : i32
    %sign3A_410 = arith.extui %sign3A_409 : i1 to i32
    %sign3A_411 = arith.subi %sign3A_407, %sign3A_410 : i32
    %sign3A_412 = arith.constant 0 : i32
    %sign3A_413 = arith.cmpi sgt, %jit3A_403, %sign3A_412 : i32
    %sign3A_414 = arith.extui %sign3A_413 : i1 to i32
    %sign3A_415 = arith.constant 0 : i32
    %sign3A_416 = arith.cmpi slt, %jit3A_403, %sign3A_415 : i32
    %sign3A_417 = arith.extui %sign3A_416 : i1 to i32
    %sign3A_418 = arith.subi %sign3A_414, %sign3A_417 : i32
    %ne3A_419 = arith.cmpi ne, %sign3A_411, %sign3A_418 : i32
    %rem3A_420 = arith.remsi %add3A_402, %jit3A_403 : i32
    %ne3A_421 = arith.constant 0 : i32
    %ne3A_422 = arith.cmpi ne, %rem3A_420, %ne3A_421 : i32
    %and3A_423 = arith.andi %ne3A_419, %ne3A_422 : i1
    %sub3A_424 = arith.constant 1 : i32
    %sub3A_425 = arith.subi %div3A_404, %sub3A_424 : i32
    %select_n3A_426 = arith.select %and3A_423, %sub3A_425, %div3A_404 : i32
    %multiple_of3A_427 = tpu.assume_multiple %select_n3A_426, 8 : i32
    "tpu.region"() ({
      %run_scoped3A = tpu.sem_alloc : memref<!tpu.dma_semaphore, #tpu.memory_space<semaphore_mem>>
      %dma_start3A_443 = arith.constant 0 : i32
      %dma_start3A_444 = tpu.memref_slice %arg5[%select_n3A, %dma_start3A_443, %multiple_of3A_427] : memref<2x8x24000xi32, #tpu.memory_space<vmem_shared>> -> memref<1x8x1000xi32, #tpu.memory_space<vmem_shared>>
      %dma_start3A_445 = tpu.memref_squeeze %dma_start3A_444 : memref<1x8x1000xi32, #tpu.memory_space<vmem_shared>> -> memref<8x1000xi32, #tpu.memory_space<vmem_shared>>
      %dma_start3A_446 = arith.constant 0 : i32
      %dma_start3A_447 = tpu.memref_slice %arg5[%select_n3A, %dma_start3A_446, %multiple_of3A_427] : memref<2x8x24000xi32, #tpu.memory_space<vmem_shared>> -> memref<1x8x1000xi32, #tpu.memory_space<vmem_shared>>
      %dma_start3A_448 = tpu.memref_squeeze %dma_start3A_447 : memref<1x8x1000xi32, #tpu.memory_space<vmem_shared>> -> memref<8x1000xi32, #tpu.memory_space<vmem_shared>>
      tpu.enqueue_dma source(%dma_start3A_448 : memref<8x1000xi32, #tpu.memory_space<vmem_shared>>) target(%arg13 : memref<8x1000xi32, #tpu.memory_space<vmem>>) target_semaphore(%run_scoped3A : memref<!tpu.dma_semaphore, #tpu.memory_space<semaphore_mem>>)
      %dma_wait3A_449 = arith.constant 0 : i32
      %dma_wait3A_450 = tpu.memref_slice %arg5[%select_n3A, %dma_wait3A_449, %multiple_of3A_427] : memref<2x8x24000xi32, #tpu.memory_space<vmem_shared>> -> memref<1x8x1000xi32, #tpu.memory_space<vmem_shared>>
      %dma_wait3A_451 = tpu.memref_squeeze %dma_wait3A_450 : memref<1x8x1000xi32, #tpu.memory_space<vmem_shared>> -> memref<8x1000xi32, #tpu.memory_space<vmem_shared>>
      %dma_wait3A_452 = arith.constant 0 : i32
      %dma_wait3A_453 = tpu.memref_slice %arg5[%select_n3A, %dma_wait3A_452, %multiple_of3A_427] : memref<2x8x24000xi32, #tpu.memory_space<vmem_shared>> -> memref<1x8x1000xi32, #tpu.memory_space<vmem_shared>>
      %dma_wait3A_454 = tpu.memref_squeeze %dma_wait3A_453 : memref<1x8x1000xi32, #tpu.memory_space<vmem_shared>> -> memref<8x1000xi32, #tpu.memory_space<vmem_shared>>
      tpu.wait_dma2 semaphore(%run_scoped3A : memref<!tpu.dma_semaphore, #tpu.memory_space<semaphore_mem>>) src(%dma_wait3A_454 : memref<8x1000xi32, #tpu.memory_space<vmem_shared>>) dst(%arg13 : memref<8x1000xi32, #tpu.memory_space<vmem>>)
      tpu.yield
    }) : () -> ()
    %scan3A_428 = arith.constant 0 : i32
    %scan3A_429 = arith.constant 0 : i32
    %scan3A_430 = arith.constant 63 : i32
    %scan3A_431 = arith.addi %scan3A_429, %scan3A_430 : i32
    %scan3A_432 = arith.constant 1 : i32
    scf.for %scan3A_443 = %scan3A_429 to %scan3A_431 step %scan3A_432  : i32 {
      %mul3A_444 = arith.constant 16 : i32
      %mul3A_445 = arith.muli %scan3A_443, %mul3A_444 : i32
      %min3A = arith.constant 984 : i32
      %min3A_446 = arith.minsi %mul3A_445, %min3A : i32
      %broadcast_in_dim3A = arith.constant 0.000000e+00 : f32
      %broadcast_in_dim3A_447 = vector.broadcast %broadcast_in_dim3A : f32 to vector<16xf32>
      %broadcast_in_dim3A_448 = arith.constant 0.000000e+00 : f32
      %broadcast_in_dim3A_449 = vector.broadcast %broadcast_in_dim3A_448 : f32 to vector<16xf32>
      %get3A = arith.constant 0 : i32
      %get3A_450 = arith.index_cast %get3A : i32 to index
      %get3A_451 = arith.index_cast %min3A_446 : i32 to index
      %get3A_452 = tpu.vector_load %arg13[%get3A_450, %get3A_451] {strides = array<i32>} : memref<8x1000xi32, #tpu.memory_space<vmem>>, vector<16xi32>,
      %bitcast3A = vector.bitcast %get3A_452 : vector<16xi32> to vector<32xbf16>
      %unpack3A = tpu.unpack_subelements %bitcast3A, 0 {pack_format = #tpu.pack_format<interleaved>} : vector<32xbf16> -> vector<16xf32>
      %unpack3A_453 = tpu.unpack_subelements %bitcast3A, 1 {pack_format = #tpu.pack_format<interleaved>} : vector<32xbf16> -> vector<16xf32>
      %add3A_454 = arith.addf %broadcast_in_dim3A_447, %unpack3A : vector<16xf32>
      %add3A_455 = arith.addf %broadcast_in_dim3A_449, %unpack3A_453 : vector<16xf32>
      %get3A_456 = arith.constant 1 : i32
      %get3A_457 = arith.index_cast %get3A_456 : i32 to index
      %get3A_458 = arith.index_cast %min3A_446 : i32 to index
      %get3A_459 = tpu.vector_load %arg13[%get3A_457, %get3A_458] {strides = array<i32>} : memref<8x1000xi32, #tpu.memory_space<vmem>>, vector<16xi32>,
      %bitcast3A_460 = vector.bitcast %get3A_459 : vector<16xi32> to vector<32xbf16>
      %unpack3A_461 = tpu.unpack_subelements %bitcast3A_460, 0 {pack_format = #tpu.pack_format<interleaved>} : vector<32xbf16> -> vector<16xf32>
      %unpack3A_462 = tpu.unpack_subelements %bitcast3A_460, 1 {pack_format = #tpu.pack_format<interleaved>} : vector<32xbf16> -> vector<16xf32>
      %add3A_463 = arith.addf %add3A_454, %unpack3A_461 : vector<16xf32>
      %add3A_464 = arith.addf %add3A_455, %unpack3A_462 : vector<16xf32>
      %get3A_465 = arith.constant 2 : i32
      %get3A_466 = arith.index_cast %get3A_465 : i32 to index
      %get3A_467 = arith.index_cast %min3A_446 : i32 to index
      %get3A_468 = tpu.vector_load %arg13[%get3A_466, %get3A_467] {strides = array<i32>} : memref<8x1000xi32, #tpu.memory_space<vmem>>, vector<16xi32>,
      %bitcast3A_469 = vector.bitcast %get3A_468 : vector<16xi32> to vector<32xbf16>
      %unpack3A_470 = tpu.unpack_subelements %bitcast3A_469, 0 {pack_format = #tpu.pack_format<interleaved>} : vector<32xbf16> -> vector<16xf32>
      %unpack3A_471 = tpu.unpack_subelements %bitcast3A_469, 1 {pack_format = #tpu.pack_format<interleaved>} : vector<32xbf16> -> vector<16xf32>
      %add3A_472 = arith.addf %add3A_463, %unpack3A_470 : vector<16xf32>
      %add3A_473 = arith.addf %add3A_464, %unpack3A_471 : vector<16xf32>
      %get3A_474 = arith.constant 3 : i32
      %get3A_475 = arith.index_cast %get3A_474 : i32 to index
      %get3A_476 = arith.index_cast %min3A_446 : i32 to index
      %get3A_477 = tpu.vector_load %arg13[%get3A_475, %get3A_476] {strides = array<i32>} : memref<8x1000xi32, #tpu.memory_space<vmem>>, vector<16xi32>,
      %bitcast3A_478 = vector.bitcast %get3A_477 : vector<16xi32> to vector<32xbf16>
      %unpack3A_479 = tpu.unpack_subelements %bitcast3A_478, 0 {pack_format = #tpu.pack_format<interleaved>} : vector<32xbf16> -> vector<16xf32>
      %unpack3A_480 = tpu.unpack_subelements %bitcast3A_478, 1 {pack_format = #tpu.pack_format<interleaved>} : vector<32xbf16> -> vector<16xf32>
      %add3A_481 = arith.addf %add3A_472, %unpack3A_479 : vector<16xf32>
      %add3A_482 = arith.addf %add3A_473, %unpack3A_480 : vector<16xf32>
      %get3A_483 = arith.constant 4 : i32
      %get3A_484 = arith.index_cast %get3A_483 : i32 to index
      %get3A_485 = arith.index_cast %min3A_446 : i32 to index
      %get3A_486 = tpu.vector_load %arg13[%get3A_484, %get3A_485] {strides = array<i32>} : memref<8x1000xi32, #tpu.memory_space<vmem>>, vector<16xi32>,
      %bitcast3A_487 = vector.bitcast %get3A_486 : vector<16xi32> to vector<32xbf16>
      %unpack3A_488 = tpu.unpack_subelements %bitcast3A_487, 0 {pack_format = #tpu.pack_format<interleaved>} : vector<32xbf16> -> vector<16xf32>
      %unpack3A_489 = tpu.unpack_subelements %bitcast3A_487, 1 {pack_format = #tpu.pack_format<interleaved>} : vector<32xbf16> -> vector<16xf32>
      %add3A_490 = arith.addf %add3A_481, %unpack3A_488 : vector<16xf32>
      %add3A_491 = arith.addf %add3A_482, %unpack3A_489 : vector<16xf32>
      %get3A_492 = arith.constant 5 : i32
      %get3A_493 = arith.index_cast %get3A_492 : i32 to index
      %get3A_494 = arith.index_cast %min3A_446 : i32 to index
      %get3A_495 = tpu.vector_load %arg13[%get3A_493, %get3A_494] {strides = array<i32>} : memref<8x1000xi32, #tpu.memory_space<vmem>>, vector<16xi32>,
      %bitcast3A_496 = vector.bitcast %get3A_495 : vector<16xi32> to vector<32xbf16>
      %unpack3A_497 = tpu.unpack_subelements %bitcast3A_496, 0 {pack_format = #tpu.pack_format<interleaved>} : vector<32xbf16> -> vector<16xf32>
      %unpack3A_498 = tpu.unpack_subelements %bitcast3A_496, 1 {pack_format = #tpu.pack_format<interleaved>} : vector<32xbf16> -> vector<16xf32>
      %add3A_499 = arith.addf %add3A_490, %unpack3A_497 : vector<16xf32>
      %add3A_500 = arith.addf %add3A_491, %unpack3A_498 : vector<16xf32>
      %get3A_501 = arith.constant 6 : i32
      %get3A_502 = arith.index_cast %get3A_501 : i32 to index
      %get3A_503 = arith.index_cast %min3A_446 : i32 to index
      %get3A_504 = tpu.vector_load %arg13[%get3A_502, %get3A_503] {strides = array<i32>} : memref<8x1000xi32, #tpu.memory_space<vmem>>, vector<16xi32>,
      %bitcast3A_505 = vector.bitcast %get3A_504 : vector<16xi32> to vector<32xbf16>
      %unpack3A_506 = tpu.unpack_subelements %bitcast3A_505, 0 {pack_format = #tpu.pack_format<interleaved>} : vector<32xbf16> -> vector<16xf32>
      %unpack3A_507 = tpu.unpack_subelements %bitcast3A_505, 1 {pack_format = #tpu.pack_format<interleaved>} : vector<32xbf16> -> vector<16xf32>
      %add3A_508 = arith.addf %add3A_499, %unpack3A_506 : vector<16xf32>
      %add3A_509 = arith.addf %add3A_500, %unpack3A_507 : vector<16xf32>
      %get3A_510 = arith.constant 7 : i32
      %get3A_511 = arith.index_cast %get3A_510 : i32 to index
      %get3A_512 = arith.index_cast %min3A_446 : i32 to index
      %get3A_513 = tpu.vector_load %arg13[%get3A_511, %get3A_512] {strides = array<i32>} : memref<8x1000xi32, #tpu.memory_space<vmem>>, vector<16xi32>,
      %bitcast3A_514 = vector.bitcast %get3A_513 : vector<16xi32> to vector<32xbf16>
      %unpack3A_515 = tpu.unpack_subelements %bitcast3A_514, 0 {pack_format = #tpu.pack_format<interleaved>} : vector<32xbf16> -> vector<16xf32>
      %unpack3A_516 = tpu.unpack_subelements %bitcast3A_514, 1 {pack_format = #tpu.pack_format<interleaved>} : vector<32xbf16> -> vector<16xf32>
      %add3A_517 = arith.addf %add3A_508, %unpack3A_515 : vector<16xf32>
      %add3A_518 = arith.addf %add3A_509, %unpack3A_516 : vector<16xf32>
      %mul3A_519 = arith.constant 2 : i32
      %mul3A_520 = arith.muli %min3A_446, %mul3A_519 : i32
      %add3A_521 = arith.constant 2000 : i32
      %add3A_522 = arith.addi %add3A_521, %mul3A_520 : i32
      %add3A_523 = vector.broadcast %add3A_522 : i32 to vector<16xi32>
      %add3A_524 = arith.addi %mul3A_39, %add3A_523 : vector<16xi32>
      tpu.vector_store_idx %arg14[%add3A_524], %add3A_517 : memref<6000xf32, #tpu.memory_space<vmem>>[vector<16xi32>], vector<16xf32>,
      %add3A_525 = arith.constant 1 : i32
      %add3A_526 = arith.addi %add3A_522, %add3A_525 : i32
      %add3A_527 = vector.broadcast %add3A_526 : i32 to vector<16xi32>
      %add3A_528 = arith.addi %mul3A_39, %add3A_527 : vector<16xi32>
      tpu.vector_store_idx %arg14[%add3A_528], %add3A_518 : memref<6000xf32, #tpu.memory_space<vmem>>[vector<16xi32>], vector<16xf32>,
    }
    %scan3A_433 = arith.constant 63 : i32
    %mul3A_434 = arith.constant 80000 : i32
    %mul3A_435 = arith.muli %add3A_30, %mul3A_434 : i32
    %add3A_436 = arith.constant 48000 : i32
    %add3A_437 = arith.addi %mul3A_435, %add3A_436 : i32
    %mul3A_438 = arith.constant 4000 : i32
    %mul3A_439 = arith.muli %select_n3A_28, %mul3A_438 : i32
    %add3A_440 = arith.addi %add3A_437, %mul3A_439 : i32
    %multiple_of3A_441 = tpu.assume_multiple %add3A_440, 8 : i32
    "tpu.region"() ({
      %run_scoped3A = tpu.sem_alloc : memref<!tpu.dma_semaphore, #tpu.memory_space<semaphore_mem>>
      %dma_start3A_443 = arith.constant 0 : i32
      %dma_start3A_444 = tpu.memref_slice %arg14[%dma_start3A_443] : memref<6000xf32, #tpu.memory_space<vmem>> -> memref<4000xf32, #tpu.memory_space<vmem>>
      %dma_start3A_445 = tpu.memref_slice %arg4[%multiple_of3A_441] : memref<320000xf32, #tpu.memory_space<hbm>> -> memref<4000xf32, #tpu.memory_space<hbm>>
      %dma_start3A_446 = tpu.memref_slice %arg4[%multiple_of3A_441] : memref<320000xf32, #tpu.memory_space<hbm>> -> memref<4000xf32, #tpu.memory_space<hbm>>
      %dma_start3A_447 = arith.constant 0 : i32
      %dma_start3A_448 = tpu.memref_slice %arg14[%dma_start3A_447] : memref<6000xf32, #tpu.memory_space<vmem>> -> memref<4000xf32, #tpu.memory_space<vmem>>
      tpu.enqueue_dma source(%dma_start3A_448 : memref<4000xf32, #tpu.memory_space<vmem>>) target(%dma_start3A_446 : memref<4000xf32, #tpu.memory_space<hbm>>) target_semaphore(%run_scoped3A : memref<!tpu.dma_semaphore, #tpu.memory_space<semaphore_mem>>)
      %dma_wait3A_449 = arith.constant 0 : i32
      %dma_wait3A_450 = tpu.memref_slice %arg14[%dma_wait3A_449] : memref<6000xf32, #tpu.memory_space<vmem>> -> memref<4000xf32, #tpu.memory_space<vmem>>
      %dma_wait3A_451 = tpu.memref_slice %arg4[%multiple_of3A_441] : memref<320000xf32, #tpu.memory_space<hbm>> -> memref<4000xf32, #tpu.memory_space<hbm>>
      %dma_wait3A_452 = tpu.memref_slice %arg4[%multiple_of3A_441] : memref<320000xf32, #tpu.memory_space<hbm>> -> memref<4000xf32, #tpu.memory_space<hbm>>
      %dma_wait3A_453 = arith.constant 0 : i32
      %dma_wait3A_454 = tpu.memref_slice %arg14[%dma_wait3A_453] : memref<6000xf32, #tpu.memory_space<vmem>> -> memref<4000xf32, #tpu.memory_space<vmem>>
      tpu.wait_dma2 semaphore(%run_scoped3A : memref<!tpu.dma_semaphore, #tpu.memory_space<semaphore_mem>>) src(%dma_wait3A_454 : memref<4000xf32, #tpu.memory_space<vmem>>) dst(%dma_wait3A_452 : memref<4000xf32, #tpu.memory_space<hbm>>)
      tpu.yield
    }) : () -> ()
    %barrier3A_442 = arith.constant 0 : index
    tpu.barrier barrier_id(%barrier3A_442)
    return
  }
}

</mosaic_0001>

<sc_bundles>
// kernel: _sc_call.3.cloned.1.call-start
scs
__scs_entry_jumppad:
0x0: {  	(pc) =	sbr.rel $0x88, $3  }
0x1: {  	(tag) =	ssettag $0x0;
	lr =	simm.s32 $0x1  }
0x2: {  	[smem:$0x3F9F] =	sst lr;
	_ =	strace $0xD0000000  }
0x3: {  	_ = 	snop  }
0x4: {  	_ = 	snop  }
0x5: {  	_ = 	snop  }
0x6: {  	_ = 	snop  }
0x7: {  	_ = 	snop  }
__scs_overlays_trampoline_lowered:
0x8: {  	[smem:$0x3FAE] =	sst s0  }
0x9: {  	[smem:$0x3FAF] =	sst s1  }
0xa: {  	[smem:$0x3FB0] =	sst s2  }
0xb: {  	[smem:$0x3FB1] =	sst s3  }
0xc: {  	[smem:$0x3FB2] =	sst s4  }
0xd: {  	[smem:$0x3FB3] =	sst s5  }
0xe: {  	[smem:$0x3FB4] =	sst s6  }
0xf: {  	[smem:$0x3FB5] =	sst s7  }
0x10: {  	[smem:$0x3FB6] =	sst s8  }
0x11: {  	[smem:$0x3FB7] =	sst s9;
	s0 =	simm.s32 @!p0 $0x0  }
0x12: {  	s1 =	sld [smem:$0x3F9D];
	s0 =	simm.s32 @p0 $0x1  }
0x13: {  	[smem:$0x3FB8] =	sst s0;
	s0 =	simm.s32 @!p1 $0x0  }
0x14: {  	s2 =	sld [smem:$0x3F9C];
	s0 =	simm.s32 @p1 $0x1  }
0x15: {  	[smem:$0x3FB9] =	sst s0;
	s0 =	simm.s32 @!p2 $0x0  }
0x16: {  	s3 =	sld [smem:$0x3FDB];
	s0 =	simm.s32 @p2 $0x1  }
0x17: {  	s4 =	simm.s32 $0x1BF5;
	[smem:$0x3FBB] =	sst s0  }
0x18: {  	s0 =	sld [smem:$0x3F9E];
	_ =	swait.ge [sflag:s4], $0x0  }
0x19: {  	s7 =	sld [smem:$0x3F9F]  }
0x1a: {  	s8 =	sadd.s32 $0xFFFFE003, lr  }
0x1b: {  	s9 =	sadd.s32 $0xFFFFFEF7, lr;
	s5 =	simm.s32 $0xFFFFFFFF;
	p2 =	slt.u32 s8, $0xFFFFF086  }
0x1c: {  	p1 =	slt.u32 s9, $0xF7A;
	s5 =	simm.s32 @!p2 $0x0  }
0x1d: {  	s5 =	simm.s32 @p1 $0x1;
	p0 =	seq.s32 s7, s2  }
0x1e: {  	s7 =	smul.u32 @!p0 $0xF7A, s2;
	p2 =	seq.s32 @!p0 s5, $0x0  }
0x1f: {  	s9 =	smul.u32 $0xF7A, s1;
	s8 =	simm.s32 @!p0 $0x1BF5;
	p2 =	por !p2, p0  }
0x20: {  	[sflag:s8] =	ssyncset.s32 @!p0 $0xFFFFF086;
	s6 =	sadd.s32 @!p0 s3, s7;
	s7 =	simm.s32 @!p0 $0x108  }
0x21: {  	s3 =	sadd.s32 s3, s9;
	s6 =	sadd.s32 @!p0 $0x88, s6;
	s7 =	simm.s32 @p2 $0x1082  }
0x22: {  	[simem:s7], [sflag:s8] =	dma.local @!p0 [hbm:s6], $0xF7A  }
0x23: {  	s9 =	sor.u32 $0xD0000000, s2;
	s6 =	simm.s32 $0x108;
	_ =	swait.ge @!p0 [sflag:s8], $0x0  }
0x24: {  	s3 =	sadd.s32 $0x88, s3;
	s6 =	simm.s32 @!p1 $0x1082;
	[sflag:s4] =	ssyncset.s32 $0xFFFFF086  }
0x25: {  	[simem:s6], [sflag:s4] =	dma.local [hbm:s3], $0xF7A  }
0x26: {  	[smem:$0x3F9F] =	sst s1;
	(tag) =	ssettag s2;
	_ =	strace s9  }
0x27: {  	s1 =	sld [smem:$0x3FAF]  }
0x28: {  	s2 =	sld [smem:$0x3FB0]  }
0x29: {  	s4 =	sld [smem:$0x3FB2]  }
0x2a: {  	p0 =	seq.s32 s5, $0x0;
	s5 =	sld [smem:$0x3FB3]  }
0x2b: {  	s6 =	sld [smem:$0x3FB4]  }
0x2c: {  	s7 =	sld [smem:$0x3FB5]  }
0x2d: {  	s3 =	simm.s32 $0x108;
	s8 =	sld [smem:$0x3FB6]  }
0x2e: {  	s3 =	simm.s32 @!p0 $0x1082;
	s9 =	sld [smem:$0x3FB7]  }
0x2f: {  	lr =	sadd.s32 s0, s3;
	s0 =	sld [smem:$0x3FAE]  }
0x30: {  	s3 =	sld [smem:$0x3FB1]  }
0x31: {  	[smem:$0x3FBA] =	sst s10  }
0x32: {  	s10 =	sld [smem:$0x3FB8];
	_ =	sdelay $0x3  }
0x33: {  	p0 =	seq.s32 s10, $0x1;
	s10 =	sld [smem:$0x3FBA];
	_ =	sdelay $0x3  }
0x34: {  	[smem:$0x3FBA] =	sst s10  }
0x35: {  	s10 =	sld [smem:$0x3FB9];
	_ =	sdelay $0x3  }
0x36: {  	p1 =	seq.s32 s10, $0x1;
	s10 =	sld [smem:$0x3FBA];
	_ =	sdelay $0x3  }
0x37: {  	[smem:$0x3FBA] =	sst s10  }
0x38: {  	s10 =	sld [smem:$0x3FBB]  }
0x39: {  	_ = 	snop;
	(pc) =	sbr.ind lr, $3  }
0x3a: {  	_ = 	snop  }
0x3b: {  	_ = 	snop  }
0x3c: {  	p2 =	seq.s32 s10, $0x1;
	s10 =	sld [smem:$0x3FBA]  }
0x3d: {  	_ =	shalt  }
0x3e: {  	_ =	shalt  }
0x3f: {  	_ =	shalt  }
0x40: {  	_ =	shalt  }
0x41: {  	_ =	shalt  }
0x42: {  	_ =	shalt  }
0x43: {  	_ =	shalt  }
0x44: {  	_ =	shalt  }
0x45: {  	_ =	shalt  }
0x46: {  	_ =	shalt  }
0x47: {  	_ =	shalt  }
0x48: {  	_ =	shalt  }
0x49: {  	_ =	shalt  }
0x4a: {  	_ =	shalt  }
0x4b: {  	_ =	shalt  }
0x4c: {  	_ =	shalt  }
0x4d: {  	_ =	shalt  }
0x4e: {  	_ =	shalt  }
0x4f: {  	_ =	shalt  }
0x50: {  	_ =	shalt  }
0x51: {  	_ =	shalt  }
0x52: {  	_ =	shalt  }
0x53: {  	_ =	shalt  }
0x54: {  	_ =	shalt  }
0x55: {  	_ =	shalt  }
0x56: {  	_ =	shalt  }
0x57: {  	_ =	shalt  }
0x58: {  	_ =	shalt  }
0x59: {  	_ =	shalt  }
0x5a: {  	_ =	shalt  }
0x5b: {  	_ =	shalt  }
0x5c: {  	_ =	shalt  }
0x5d: {  	_ =	shalt  }
0x5e: {  	_ =	shalt  }
0x5f: {  	_ =	shalt  }
0x60: {  	_ =	shalt  }
0x61: {  	_ =	shalt  }
0x62: {  	_ =	shalt  }
0x63: {  	_ =	shalt  }
0x64: {  	_ =	shalt  }
0x65: {  	_ =	shalt  }
0x66: {  	_ =	shalt  }
0x67: {  	_ =	shalt  }
0x68: {  	_ =	shalt  }
0x69: {  	_ =	shalt  }
0x6a: {  	_ =	shalt  }
0x6b: {  	_ =	shalt  }
0x6c: {  	_ =	shalt  }
0x6d: {  	_ =	shalt  }
0x6e: {  	_ =	shalt  }
0x6f: {  	_ =	shalt  }
0x70: {  	_ =	shalt  }
0x71: {  	_ =	shalt  }
0x72: {  	_ =	shalt  }
0x73: {  	_ =	shalt  }
0x74: {  	_ =	shalt  }
0x75: {  	_ =	shalt  }
0x76: {  	_ =	shalt  }
0x77: {  	_ =	shalt  }
0x78: {  	_ =	shalt  }
0x79: {  	_ =	shalt  }
0x7a: {  	_ =	shalt  }
0x7b: {  	_ =	shalt  }
0x7c: {  	_ =	shalt  }
0x7d: {  	_ =	shalt  }
0x7e: {  	_ =	shalt  }
0x7f: {  	_ =	shalt  }
0x80: {  	_ =	shalt  }
0x81: {  	_ =	shalt  }
0x82: {  	_ =	shalt  }
0x83: {  	_ =	shalt  }
0x84: {  	_ =	shalt  }
0x85: {  	_ =	shalt  }
0x86: {  	_ =	shalt  }
0x87: {  	_ =	shalt  }
.Lfunc_end0:
.L_simem_size_0:
called_computation_lowered:
.L_overlay_start_0:
0x88: {  	s2 =	sld [smem:$0x3FD9]  }
0x89: {  	s3 =	sld [smem:$0x3FFE];
	_ =	sdelay $0x1  }
0x8a: {  	s1 =	srdreg.scid  }
0x8b: {  	s0 =	sand.u32 $0x1, s1  }
0x8c: {  	s17 =	sshll.u32 s0, $0xA;
	s2 =	sadd.s32 s3, s2  }
0x8d: {  	s2 =	sadd.s32 s2, s17  }
0x8e: {  	[smem:$0x3FC6] =	sst s2  }
0x8f: {  	_ = 	snop  }
0x90: {  	s2 =	sld [smem:$0x3FC9]  }
0x91: {  	s18 =	sld [smem:$0x3FD0];
	(tm) =	ssettm $0x1  }
0x92: {  	s4 =	sld [smem:$0x3FFB];
	_ =	sdelay $0x3  }
0x93: {  	_ =	strace s4  }
0x94: {  	s4 =	sld [smem:$0x3FFC];
	_ =	sdelay $0x3  }
0x95: {  	_ =	strace s4  }
0x96: {  	s4 =	sld [smem:$0x3FFD];
	_ =	sdelay $0x3  }
0x97: {  	_ =	strace s4  }
0x98: {  	_ =	strace $0x8FFFFFFF  }
0x99: {  	s19 =	sld [smem:$0x3FDB];
	_ =	sdelay $0x1  }
0x9a: {  	s5 =	simm.s32 $_scs_section_size  }
0x9b: {  	s6 =	simm.s32 $_size__tile_overlayer_lowered;
	s7 =	simm.s32 $_tile_overlayer_lowered  }
0x9c: {  	s22 =	simm.s32 $0x1BFF;
	s21 =	sshll.u32 s7, $0x1;
	s4 =	sadd.s32 s5, s19  }
0x9d: {  	s8 =	simm.s32 $0x0;
	s20 =	sshll.u32 s6, $0x1;
	s6 =	sadd.s32 s21, s4  }
0x9e: {  	[timem:s8], [sflag:s22] =	dma.local [hbm:s6], s20  }
0x9f: {  	_ =	swait.ge [sflag:s22], s20  }
0xa0: {  	s5 =	ssub.s32 $0x0, s20;
	[sflag:s22] =	ssyncset.done $0x0  }
0xa1: {  	[sflag:s22] =	ssyncadd.s32 s5;
	_ =	sdelay $0x1  }
0xa2: {  	s23 =	simm.s32 $0x1B8B  }
0xa3: {  	_ =	swait.ge [sflag:s23], $0x1  }
0xa4: {  	[sflag:s23] =	ssyncset.done $0x0  }
0xa5: {  	s25 =	simm.s32 $0x1B8E;
	s24 =	sld [smem:$0x3FFE];
	[sflag:s23] =	ssyncadd.s32 $0xFFFFFFFF  }
0xa6: {  	s26 =	simm.s32 $execute0_lowered;
	[smem:$0x3FD2] =	sst s25  }
0xa7: {  	s6 =	sshll.u32 s26, $0x1;
	_ =	strace $0x80000046;
	[dreg:$0x1] =	wrdreg $0xFFFFFFFF  }
0xa8: {  	s28 =	simm.s32 $_size_execute0_lowered;
	s4 =	sadd.s32 s4, s6;
	[dreg:$0x0] =	wrdreg $0x0  }
0xa9: {  	s6 =	sshll.u32 s28, $0x1;
	[dreg:$0x2] =	wrdreg s4  }
0xaa: {  	[dreg:$0x3] =	wrdreg s6  }
0xab: {  	[dreg:$0x4] =	wrdreg $0xC0  }
0xac: {  	_ =	task [dreg:s8], $0x5FFFF  }
0xad: {  	[dreg:$0x1] =	wrdreg $0xFFFFFFFF  }
0xae: {  	[dreg:$0x0] =	wrdreg $0x60  }
0xaf: {  	[dreg:$0x2] =	wrdreg s2  }
0xb0: {  	[dreg:$0x3] =	wrdreg s24  }
0xb1: {  	[dreg:$0x4] =	wrdreg s18  }
0xb2: {  	[dreg:$0x5] =	wrdreg $0x0  }
0xb3: {  	[dreg:$0x6] =	wrdreg $0x9  }
0xb4: {  	_ =	task.clear_ibuf [dreg:s8], $0x7FFFF;
	_ =	strace $0x90000046  }
0xb5: {  	s29 =	simm.s32 $0x9;
	_ =	strace $0x80000048  }
0xb6: {  	_ =	swait.ge [sflag:s29], $0x1  }
0xb7: {  	[sflag:s29] =	ssyncadd.s32 $0xFFFFFFFF  }
0xb8: {  	_ =	strace $0x90000048  }
0xb9: {  	_ =	sfence  }
0xba: {  	s30 =	sld [smem:$0x0];
	_ =	sdelay $0x2  }
0xbb: {  	s31 =	sshll.u32 s1, $0xD;
	s1 =	sshrl.u32 s1, $0x2  }
0xbc: {  	s3 =	sand.u32 $0x4000, s31;
	s1 =	sadd.s32 s1, s30  }
0xbd: {  	s0 =	sor.u32 s3, s0;
	s1 =	sshll.u32 s1, $0x11  }
0xbe: {  	s0 =	sor.u32 s1, s0  }
0xbf: {  	s0 =	sadd.s32 $0x8F2B, s0  }
0xc0: {  	[sflag:s0] =	ssyncadd.remote.s32 $0x1  }
0xc1: {  	_ =	sfence.sel $0xFFFF  }
0xc2: {  	[dreg:$0x0] =	wrdreg $0xFFFFFFFF;
	(pc) =	sbr.abs _section_cstart, $3  }
0xc3: {  	[dreg:$0x1] =	wrdreg $0xFFFFFFFF  }
0xc4: {  	_ =	task.clear_ibuf [dreg:s8], $0x2FFFF;
	_ =	strace $0x9FFFFFFF  }
0xc5: {  	(tm) =	ssettm $0x7FFFFFFF  }
tec
execute0_lowered:
.L_overlay_start_1:
0x0: {  	(tag) =	ssettag $0x1  }
0x1: {  	s8 =	stileid.u32  }
0x2: {  	s0 =	rddreg [dreg:$0x0];
	s10 =	sand.u32 $0x7, s8  }
0x3: {  	s1 =	rddreg [dreg:$0x1];
	s6 =	sshrl.u32 s8, $0x3;
	s9 =	smul.u32 $0x2710, s10  }
0x4: {  	s2 =	srdreg.scid;
	s11 =	smul.u32 $0xBB800, s6  }
0x5: {  	s5 =	rddreg [dreg:$0x2];
	s26 =	smul.u32 $0x17700, s10  }
0x6: {  	s7 =	rddreg [dreg:$0x3];
	s31 =	simm.s32 $0x5DC0;
	s30 =	smul.u32 $0x1770, s10  }
0x7: {  	s4 =	sand.u32 $0x1, s2;
	s2 =	simm.s32 $0x0;
	s13 =	smul.u32 $0x2EE0, s10  }
0x8: {  	s3 =	sshll.u32 s4, $0x1;
	[smem:$0x7FF] =	sst s2;
	s20 =	smul.u32 $0x1F40, s10  }
0x9: {  	s23 =	ssub.s32 $0x2, s4;
	s4 =	sadd.s32 $0x400, s1;
	s10 =	smul.u32 $0xFA0, s10  }
0xa: {  	s3 =	sor.u32 s6, s3;
	_ =	strace $0x80000047;
	s24 =	sshrl.u32 s23, $0x1  }
0xb: {  	s3 =	smul.u32 $0x13880, s3;
	s1 =	ssub.s32 s23, s24;
	s0 =	sadd.s32 s0, s9  }
0xc: {  	s28 =	sshrl.u32 s11, $0x2;
	s29 =	sshrl.u32 s26, $0x2;
	s16 =	sshrl.u32 s30, $0x1  }
0xd: {  	s23 =	sshrl.u32 s20, $0x2;
	s11 =	simm.s32 $0x1;
	s20 =	simm.s32 $0x0  }
0xe: {  	[dreg:$0x5] =	wrdreg s0;
	s0 =	sadd.s32 s28, s7;
	s7 =	sshrl.u32 s13, $0x2  }
0xf: {  	s25 =	sshrl.u32 s3, $0x3;
	s8 =	sadd.s32 s29, s0;
	s9 =	sadd.s32 $0xC80, s3  }
0x10: {  	s7 =	sadd.s32 s7, s0;
	s17 =	sadd.s32 s0, s16;
	s18 =	sadd.s32 s30, s3  }
0x11: {  	s19 =	sadd.s32 $0xBB80, s3;
	s15 =	sadd.s32 $0x5780, s8;
	[dreg:$0xb] =	wrdreg s7  }
0x12: {  	s16 =	simm.s32 $0x4;
	s13 =	sadd.s32 $0x5AA0, s8;
	[dreg:$0x9] =	wrdreg s15  }
0x13: {  	s6 =	sadd.s32 s4, s25;
	s7 =	sadd.s32 $0x7D0, s17;
	[dreg:$0xa] =	wrdreg s13  }
0x14: {  	s21 =	sshrl.u32 s19, $0x3;
	s25 =	smax.u32 s1, $0x1;
	[dreg:$0xd] =	wrdreg s7  }
0x15: {  	s24 =	sadd.s32 s10, s19;
	s29 =	sadd.s32 $0x3840, s8;
	[dreg:$0x14] =	wrdreg s25  }
0x16: {  	s10 =	sshrl.u32 s10, $0x1;
	s30 =	sadd.s32 $0x3B60, s8;
	[dreg:$0x17] =	wrdreg s29  }
0x17: {  	s1 =	simm.s32 $0x5;
	s12 =	sadd.s32 $0x9C40, s6;
	[dreg:$0x18] =	wrdreg s30  }
0x18: {  	s19 =	simm.s32 $0x1D4C0;
	s14 =	sadd.s32 $0xB2E8, s6;
	[dreg:$0x6] =	wrdreg s12  }
0x19: {  	s7 =	sshrl.u32 s18, $0x3;
	s22 =	sadd.s32 $0xB3B0, s6;
	[dreg:$0x8] =	wrdreg s14  }
0x1a: {  	s26 =	sadd.s32 $0x2648, s6;
	s28 =	sadd.s32 $0xC288, s6;
	[dreg:$0x10] =	wrdreg s22  }
0x1b: {  	s13 =	simm.s32 $0x2;
	s15 =	simm.s32 $0x3;
	[dreg:$0x15] =	wrdreg s26  }
0x1c: {  	s18 =	simm.s32 $0x1B580;
	s12 =	sadd.s32 $0x16A8, s6;
	[dreg:$0x16] =	wrdreg s28  }
0x1d: {  	s7 =	sadd.s32 s5, s7;
	s14 =	simm.s32 $0x1B260;
	[dreg:$0x7] =	wrdreg s12  }
0x1e: {  	s12 =	sadd.s32 $0x3E8, s17;
	[dreg:$0xe] =	wrdreg s7;
	s7 =	sadd.s32 s4, s21  }
0x1f: {  	s21 =	sadd.s32 $0xC1C0, s3;
	s17 =	simm.s32 $0x3E8;
	[dreg:$0xc] =	wrdreg s12  }
0x20: {  	[dreg:$0xf] =	wrdreg s7;
	s7 =	sadd.s32 s23, s0;
	s0 =	sadd.s32 s0, s10  }
0x21: {  	s23 =	sadd.s32 $0xC800, s3;
	s10 =	simm.s32 $0x1A900;
	s12 =	simm.s32 $0x1AF40  }
0x22: {  	v0 =	vlaneseq.u32;
	[dreg:$0x11] =	wrdreg s7;
	s7 =	sshrl.u32 s24, $0x3;
	s0 =	sadd.s32 $0x3E8, s0  }
0x23: {  	v2 =	vand.u32 $0x3, v0;
	s5 =	sadd.s32 s5, s7;
	[dreg:$0x13] =	wrdreg s0;
	s0 =	simm.s32 $0x19640  }
0x24: {  	v1 =	vimm.bf16 $0.0e+00;
	v0 =	vmul.u32 $0x2, v0;
	v2 =	vmul.u32 $0x2, v2;
	s7 =	simm.s32 $0x19C80;
	[dreg:$0x12] =	wrdreg s5;
	s5 =	simm.s32 $0x1A2C0  }
.LBB2_1:
0x25: {  	s22 =	rddreg [dreg:$0x5]  }
0x26: {  	[tilespmem:s31], [sflag:$0x5] =	stream.linear.gather [hbm4b:s22+s2], $0x13880, $0x38;
	[tilespmem:$0x1EC30] =	vst v63  }
0x27: {  	_ =	swait.ge [sflag:s1], $0x13880  }
0x28: {  	[sflag:s1] =	ssyncset.done $0x0  }
0x29: {  	[sflag:s1] =	ssyncadd.s32 $0xFFFEC780  }
0x2a: {  	[tilespmem:s0], [sflag:$0x1] =	stream.linear.gather [hbm4b:s6+s2], $0x640, $0x38;
	[tilespmem:$0x1EC30] =	vst v63  }
0x2b: {  	s22 =	simm.s32 $0x0;
	s30 =	rddreg [dreg:$0x6]  }
0x2c: {  	[tilespmem:s5], [sflag:$0x1] =	stream.linear.gather [hbm4b:s30+s2], $0x640, $0x38;
	[tilespmem:$0x1EC30] =	vst v63  }
.LBB2_2:
0x2d: {  	s24 =	sshllo.u32 s22, $0x1  }
0x2e: {  	s25 =	smul.u32 $0x640, s24;
	_ =	sdelay $0x1  }
0x2f: {  	s25 =	sadd.s32 s3, s25  }
0x30: {  	s25 =	sshrl.u32 s25, $0x3  }
0x31: {  	s25 =	sadd.s32 s4, s25  }
0x32: {  	[tilespmem:s7], [sflag:$0x2] =	stream.linear.gather [hbm4b:s25+s2], $0x640, $0x38;
	[tilespmem:$0x1EC30] =	vst v63  }
0x33: {  	s25 =	sadd.s32 $0x9C40, s25  }
0x34: {  	[tilespmem:s10], [sflag:$0x2] =	stream.linear.gather [hbm4b:s25+s2], $0x640, $0x38;
	[tilespmem:$0x1EC30] =	vst v63  }
0x35: {  	_ =	swait.ge [sflag:s11], $0x640  }
0x36: {  	[sflag:s11] =	ssyncset.done $0x0  }
0x37: {  	[sflag:s11] =	ssyncadd.s32 $0xFFFFF9C0  }
0x38: {  	s30 =	simm.s32 $0x0;
	_ =	swait.ge [sflag:s11], $0x640  }
0x39: {  	p0 =	seq.s32 s22, $0x0;
	v3 =	vor.u32 s30, v0;
	[sflag:s11] =	ssyncset.done $0x0  }
0x3a: {  	s26 =	simm.s32 $0x1;
	s25 =	simm.s32 @!p0 $0x3;
	[sflag:s11] =	ssyncadd.s32 $0xFFFFF9C0  }
0x3b: {  	v4 =	vor.u32 s26, v0;
	_ =	swait.ge @!p0 [sflag:s25], $0x320  }
0x3c: {  	[sflag:s25] =	ssyncset.done @!p0 $0x0  }
0x3d: {  	[sflag:s25] =	ssyncadd.s32 @!p0 $0xFFFFFCE0  }
0x3e: {  	v5 =	vld.idx.msk [tilespmem:v3+s0+$0x0], $0xffff  }
0x3f: {  	v9 =	vld.idx.msk [tilespmem:v3+s5+$0x0], $0xffff  }
0x40: {  	v8 =	vld.idx.msk [tilespmem:v4+s0+$0x0], $0xffff  }
0x41: {  	v11 =	vld.idx.msk [tilespmem:v4+s5+$0x0], $0xffff;
	_ =	sdelay $0x3  }
0x42: {  	v3 =	vadd.s32 $0x7530, v5  }
0x43: {  	v4 =	vadd.s32 $0x2710, v9;
	v7 =	vld.idx.msk [tilespmem:v5+s31+$0x0], $0xffff  }
0x44: {  	v6 =	vadd.s32 $0x4E20, v9;
	v10 =	vld.idx.msk [tilespmem:v9+s31+$0x0], $0xffff  }
0x45: {  	v12 =	vadd.s32 $0xEA60, v5;
	v13 =	vld.idx.msk [tilespmem:v8+s31+$0x0], $0xffff  }
0x46: {  	v14 =	vadd.s32 $0x11170, v5;
	v17 =	vld.idx.msk [tilespmem:v11+s31+$0x0], $0xffff  }
0x47: {  	v16 =	vadd.s32 $0x2710, v5;
	v15 =	vld.idx.msk [tilespmem:v3+s31+$0x0], $0xffff  }
0x48: {  	v19 =	vadd.s32 $0x4E20, v5;
	v18 =	vld.idx.msk [tilespmem:v4+s31+$0x0], $0xffff  }
0x49: {  	v20 =	vadd.s32 $0xC350, v5;
	v21 =	vld.idx.msk [tilespmem:v6+s31+$0x0], $0xffff  }
0x4a: {  	v22 =	vadd.s32 $0x9C40, v9;
	v4 =	vld.idx.msk [tilespmem:v12+s31+$0x0], $0xffff  }
0x4b: {  	v23 =	vadd.s32 $0x7530, v9;
	v3 =	vld.idx.msk [tilespmem:v14+s31+$0x0], $0xffff  }
0x4c: {  	v6 =	vadd.s32 $0x11170, v8;
	v16 =	vld.idx.msk [tilespmem:v16+s31+$0x0], $0xffff  }
0x4d: {  	v12 =	vadd.s32 $0x9C40, v5;
	v19 =	vld.idx.msk [tilespmem:v19+s31+$0x0], $0xffff  }
0x4e: {  	v14 =	vadd.s32 $0xEA60, v9;
	v20 =	vld.idx.msk [tilespmem:v20+s31+$0x0], $0xffff  }
0x4f: {  	v24 =	vadd.s32 $0xC350, v9;
	v22 =	vld.idx.msk [tilespmem:v22+s31+$0x0], $0xffff  }
0x50: {  	v25 =	vadd.s32 $0x2710, v8;
	v23 =	vld.idx.msk [tilespmem:v23+s31+$0x0], $0xffff  }
0x51: {  	v29 =	vadd.s32 $0x9C40, v8;
	v5 =	vld.idx.msk [tilespmem:v6+s31+$0x0], $0xffff  }
0x52: {  	v7 =	vmul.bf16 v10, v7;
	v26 =	vld.idx.msk [tilespmem:v12+s31+$0x0], $0xffff;
	v12 =	vadd.s32 $0x2710, v11  }
0x53: {  	v6 =	vld.idx.msk [tilespmem:v14+s31+$0x0], $0xffff;
	v14 =	vadd.s32 $0x4E20, v8  }
0x54: {  	v27 =	vadd.s32 $0x4E20, v11;
	v24 =	vld.idx.msk [tilespmem:v24+s31+$0x0], $0xffff;
	v7 =	vadd.bf16 v1, v7;
	v16 =	vmul.bf16 v18, v16  }
0x55: {  	v28 =	vadd.s32 $0x7530, v8;
	v25 =	vld.idx.msk [tilespmem:v25+s31+$0x0], $0xffff  }
0x56: {  	v10 =	vadd.s32 $0x7530, v11;
	v7 =	vadd.bf16 v16, v7;
	v16 =	vmul.bf16 v17, v13;
	v13 =	vld.idx.msk [tilespmem:v29+s31+$0x0], $0xffff  }
0x57: {  	v32 =	vadd.s32 $0xC350, v8;
	v18 =	vld.idx.msk [tilespmem:v12+s31+$0x0], $0xffff  }
0x58: {  	v30 =	vadd.s32 $0x9C40, v11;
	v31 =	vld.idx.msk [tilespmem:v14+s31+$0x0], $0xffff;
	v14 =	vmul.bf16 v21, v19  }
0x59: {  	v63 =	vadd.s32 $0xC350, v11;
	v21 =	vld.idx.msk [tilespmem:v27+s31+$0x0], $0xffff  }
0x5a: {  	v15 =	vmul.bf16 v23, v15;
	v12 =	vld.idx.msk [tilespmem:v28+s31+$0x0], $0xffff;
	v17 =	vadd.bf16 v14, v7  }
0x5b: {  	v19 =	vmul.bf16 v22, v26;
	v22 =	vadd.bf16 v1, v16;
	v14 =	vld.idx.msk [tilespmem:v10+s31+$0x0], $0xffff;
	v10 =	vadd.s32 $0xEA60, v8  }
0x5c: {  	v16 =	vld.idx.msk [tilespmem:v32+s31+$0x0], $0xffff;
	v7 =	vadd.s32 $0xEA60, v11;
	v15 =	vadd.bf16 v15, v17;
	v18 =	vmul.bf16 v18, v25  }
0x5d: {  	v9 =	vadd.s32 $0x11170, v9;
	v8 =	vadd.s32 $0x11170, v11;
	v11 =	vmul.bf16 v24, v20;
	v17 =	vld.idx.msk [tilespmem:v30+s31+$0x0], $0xffff  }
0x5e: {  	s28 =	simm.s32 $0x21;
	s26 =	simm.s32 $0x1AF40;
	s25 =	simm.s32 $0x1AF40;
	v20 =	vmul.bf16 v21, v31;
	v15 =	vadd.bf16 v19, v15;
	v19 =	vadd.bf16 v18, v22;
	v18 =	vld.idx.msk [tilespmem:v63+s31+$0x0], $0xffff  }
.LBB2_3:
0x5f: {  	p1 =	sne.s32 s28, $0x621  }
0x60: {  	v10 =	vld.idx.msk [tilespmem:v10+s31+$0x0], $0xffff;
	s26 =	sadd.s32 $0x10, s26;
	s29 =	smov.u32 s28;
	s28 =	sadd.s32 $0x20, s28  }
0x61: {  	v12 =	vmul.bf16 v14, v12;
	v19 =	vadd.bf16 v20, v19;
	v7 =	vld.idx.msk [tilespmem:v7+s31+$0x0], $0xffff  }
0x62: {  	v9 =	vld.idx.msk [tilespmem:v9+s31+$0x0], $0xffff  }
0x63: {  	v13 =	vmul.bf16 v17, v13;
	v12 =	vadd.bf16 v12, v19;
	v8 =	vld.idx.msk [tilespmem:v8+s31+$0x0], $0xffff;
	_ =	sdelay $0x1  }
0x64: {  	v12 =	vadd.bf16 v13, v12;
	v13 =	vmul.bf16 v18, v16  }
0x65: {  	v11 =	vadd.bf16 v11, v15;
	v4 =	vmul.bf16 v6, v4  }
0x66: {  	v7 =	vmul.bf16 v7, v10;
	v6 =	vadd.bf16 v13, v12  }
0x67: {  	v4 =	vadd.bf16 v4, v11;
	v3 =	vmul.bf16 v9, v3  }
0x68: {  	v5 =	vmul.bf16 v8, v5;
	v6 =	vadd.bf16 v7, v6  }
0x69: {  	v3 =	vadd.bf16 v3, v4  }
0x6a: {  	v4 =	vadd.bf16 v5, v6  }
0x6b: {  	s30 =	sadd.s32 $0xFFFFFFFF, s29;
	v5 =	vunpack.i.u.bf16.f32 v3;
	v3 =	vunpack.i.l.bf16.f32 v3  }
0x6c: {  	v6 =	vor.u32 s30, v0;
	v7 =	vunpack.i.u.bf16.f32 v4;
	v4 =	vunpack.i.l.bf16.f32 v4  }
0x6d: {  	v3 =	vadd.f32 v3, v5;
	v4 =	vadd.f32 v4, v7  }
0x6e: {  	v5 =	vor.u32 s29, v0  }
0x6f: {  	v3 =	vpack.i.f32.bf16 v4, v3  }
0x70: {  	[tilespmem:s25+$0x0] =	vst v3;
	s25 =	smov.u32 s26;
	_ =	sdelay $0x1  }
0x71: {  	v3 =	vld.idx.msk [tilespmem:v6+s0+$0x0], $0xffff  }
0x72: {  	v6 =	vld.idx.msk [tilespmem:v6+s5+$0x0], $0xffff  }
0x73: {  	v11 =	vld.idx.msk [tilespmem:v5+s0+$0x0], $0xffff  }
0x74: {  	v4 =	vld.idx.msk [tilespmem:v5+s5+$0x0], $0xffff;
	_ =	sdelay $0x2  }
0x75: {  	v5 =	vadd.s32 $0x7530, v3  }
0x76: {  	v13 =	vadd.s32 $0x9C40, v3;
	v7 =	vadd.s32 $0x2710, v6;
	v12 =	vadd.s32 $0x7530, v6  }
0x77: {  	v15 =	vadd.s32 $0xC350, v3;
	v16 =	vadd.s32 $0xC350, v6;
	v17 =	vadd.s32 $0x2710, v11;
	v14 =	vld.idx.msk [tilespmem:v3+s31+$0x0], $0xffff  }
0x78: {  	v19 =	vadd.s32 $0x11170, v3;
	v8 =	vadd.s32 $0x4E20, v6;
	v20 =	vadd.s32 $0x4E20, v4;
	v18 =	vld.idx.msk [tilespmem:v6+s31+$0x0], $0xffff  }
0x79: {  	v9 =	vadd.s32 $0xEA60, v3;
	v23 =	vadd.s32 $0x4E20, v11;
	v22 =	vadd.s32 $0x2710, v4;
	v21 =	vld.idx.msk [tilespmem:v11+s31+$0x0], $0xffff  }
0x7a: {  	v25 =	vadd.s32 $0x7530, v11;
	v26 =	vadd.s32 $0x7530, v4;
	v27 =	vadd.s32 $0x9C40, v4;
	v24 =	vld.idx.msk [tilespmem:v5+s31+$0x0], $0xffff  }
0x7b: {  	v29 =	vadd.s32 $0x9C40, v11;
	v30 =	vadd.s32 $0xC350, v4;
	v5 =	vadd.s32 $0x2710, v3;
	v28 =	vld.idx.msk [tilespmem:v4+s31+$0x0], $0xffff  }
0x7c: {  	v32 =	vadd.s32 $0x4E20, v3;
	v33 =	vadd.s32 $0xC350, v11;
	v31 =	vld.idx.msk [tilespmem:v7+s31+$0x0], $0xffff;
	v7 =	vadd.s32 $0xEA60, v4  }
0x7d: {  	v35 =	vadd.s32 $0xEA60, v6;
	v10 =	vadd.s32 $0xEA60, v11;
	v34 =	vld.idx.msk [tilespmem:v8+s31+$0x0], $0xffff;
	v8 =	vadd.s32 $0x11170, v4  }
0x7e: {  	v11 =	vadd.s32 $0x11170, v11;
	v4 =	vld.idx.msk [tilespmem:v9+s31+$0x0], $0xffff;
	v9 =	vadd.s32 $0x11170, v6  }
0x7f: {  	v3 =	vld.idx.msk [tilespmem:v19+s31+$0x0], $0xffff  }
0x80: {  	v19 =	vld.idx.msk [tilespmem:v5+s31+$0x0], $0xffff  }
0x81: {  	v14 =	vmul.bf16 v18, v14;
	v21 =	vmul.bf16 v28, v21;
	v18 =	vld.idx.msk [tilespmem:v32+s31+$0x0], $0xffff;
	v32 =	vadd.s32 $0x9C40, v6  }
0x82: {  	v15 =	vld.idx.msk [tilespmem:v15+s31+$0x0], $0xffff  }
0x83: {  	v5 =	vld.idx.msk [tilespmem:v11+s31+$0x0], $0xffff  }
0x84: {  	v11 =	vld.idx.msk [tilespmem:v13+s31+$0x0], $0xffff  }
0x85: {  	v6 =	vld.idx.msk [tilespmem:v35+s31+$0x0], $0xffff  }
0x86: {  	v13 =	vadd.bf16 v1, v14;
	v14 =	vmul.bf16 v31, v19;
	v19 =	vld.idx.msk [tilespmem:v32+s31+$0x0], $0xffff  }
0x87: {  	v12 =	vld.idx.msk [tilespmem:v12+s31+$0x0], $0xffff  }
0x88: {  	v13 =	vadd.bf16 v14, v13;
	v14 =	vmul.bf16 v34, v18;
	v16 =	vld.idx.msk [tilespmem:v16+s31+$0x0], $0xffff  }
0x89: {  	v17 =	vld.idx.msk [tilespmem:v17+s31+$0x0], $0xffff  }
0x8a: {  	v13 =	vadd.bf16 v14, v13;
	v18 =	vld.idx.msk [tilespmem:v22+s31+$0x0], $0xffff  }
0x8b: {  	v22 =	vld.idx.msk [tilespmem:v23+s31+$0x0], $0xffff  }
0x8c: {  	v19 =	vmul.bf16 v19, v11;
	v20 =	vld.idx.msk [tilespmem:v20+s31+$0x0], $0xffff  }
0x8d: {  	v23 =	vmul.bf16 v12, v24;
	v12 =	vld.idx.msk [tilespmem:v25+s31+$0x0], $0xffff  }
.Ltmp0:
0x8e: {  	v11 =	vmul.bf16 v16, v15;
	v14 =	vld.idx.msk [tilespmem:v26+s31+$0x0], $0xffff;
	(pc) =	sbr.rel @p1 .LBB2_3-.Ltmp0, $4  }
0x8f: {  	v15 =	vadd.bf16 v23, v13;
	v13 =	vld.idx.msk [tilespmem:v29+s31+$0x0], $0xffff  }
0x90: {  	v21 =	vadd.bf16 v1, v21;
	v18 =	vmul.bf16 v18, v17;
	v17 =	vld.idx.msk [tilespmem:v27+s31+$0x0], $0xffff  }
0x91: {  	v15 =	vadd.bf16 v19, v15;
	v16 =	vld.idx.msk [tilespmem:v33+s31+$0x0], $0xffff  }
0x92: {  	v19 =	vadd.bf16 v18, v21;
	v20 =	vmul.bf16 v20, v22;
	v18 =	vld.idx.msk [tilespmem:v30+s31+$0x0], $0xffff  }
0x93: {  	_ =	sdelay $0x3  }
0x94: {  	v10 =	vld.idx.msk [tilespmem:v10+s31+$0x0], $0xffff;
	v12 =	vmul.bf16 v14, v12;
	v19 =	vadd.bf16 v20, v19  }
0x95: {  	v7 =	vld.idx.msk [tilespmem:v7+s31+$0x0], $0xffff  }
0x96: {  	v9 =	vld.idx.msk [tilespmem:v9+s31+$0x0], $0xffff;
	v13 =	vmul.bf16 v17, v13;
	v12 =	vadd.bf16 v12, v19  }
0x97: {  	v8 =	vld.idx.msk [tilespmem:v8+s31+$0x0], $0xffff  }
0x98: {  	v12 =	vadd.bf16 v13, v12;
	v13 =	vmul.bf16 v18, v16  }
0x99: {  	v11 =	vadd.bf16 v11, v15;
	v4 =	vmul.bf16 v6, v4  }
0x9a: {  	v7 =	vmul.bf16 v7, v10;
	v6 =	vadd.bf16 v13, v12  }
0x9b: {  	v4 =	vadd.bf16 v4, v11;
	v3 =	vmul.bf16 v9, v3  }
0x9c: {  	v5 =	vmul.bf16 v8, v5;
	v6 =	vadd.bf16 v7, v6  }
0x9d: {  	v3 =	vadd.bf16 v3, v4  }
0x9e: {  	v4 =	vadd.bf16 v5, v6  }
0x9f: {  	v5 =	vunpack.i.u.bf16.f32 v3  }
0xa0: {  	s26 =	smul.u32 $0x1900, s22;
	v3 =	vunpack.i.l.bf16.f32 v3;
	v6 =	vunpack.i.u.bf16.f32 v4;
	v4 =	vunpack.i.l.bf16.f32 v4  }
0xa1: {  	s30 =	smul.u32 $0xC80, s22;
	v3 =	vadd.f32 v3, v5;
	v4 =	vadd.f32 v4, v6  }
0xa2: {  	s26 =	sshra.s32 s26, $0x2  }
0xa3: {  	s29 =	sadd.s32 s26, s8;
	s26 =	sadd.s32 s30, s9;
	v3 =	vpack.i.f32.bf16 v4, v3  }
0xa4: {  	[tilespmem:s25+$0x0] =	vst v3;
	s25 =	sshrl.u32 s26, $0x3  }
0xa5: {  	[spmem:s29] =	stream.linear.scatter [tilespmem:s12], [sflag:$0x3], $0x320, $0x38;
	[tilespmem:$0x1EC30] =	vst v63  }
0xa6: {  	s25 =	sadd.s32 s4, s25  }
0xa7: {  	[tilespmem:s0], [sflag:$0x1] =	stream.linear.gather [hbm4b:s25+s2], $0x640, $0x38;
	[tilespmem:$0x1EC30] =	vst v63  }
0xa8: {  	s25 =	sadd.s32 $0x9C40, s25  }
0xa9: {  	[tilespmem:s5], [sflag:$0x1] =	stream.linear.gather [hbm4b:s25+s2], $0x640, $0x38;
	[tilespmem:$0x1EC30] =	vst v63  }
0xaa: {  	_ =	swait.ge [sflag:s13], $0x640  }
0xab: {  	[sflag:s13] =	ssyncset.done $0x0  }
0xac: {  	[sflag:s13] =	ssyncadd.s32 $0xFFFFF9C0  }
0xad: {  	s29 =	simm.s32 $0x0;
	_ =	swait.ge [sflag:s13], $0x640  }
0xae: {  	v3 =	vor.u32 s29, v0;
	[sflag:s13] =	ssyncset.done $0x0  }
0xaf: {  	s30 =	simm.s32 $0x1;
	s25 =	simm.s32 @!p0 $0x4;
	[sflag:s13] =	ssyncadd.s32 $0xFFFFF9C0  }
0xb0: {  	v4 =	vor.u32 s30, v0;
	_ =	swait.ge @!p0 [sflag:s25], $0x320  }
0xb1: {  	[sflag:s25] =	ssyncset.done @!p0 $0x0  }
0xb2: {  	[sflag:s25] =	ssyncadd.s32 @!p0 $0xFFFFFCE0  }
0xb3: {  	v5 =	vld.idx.msk [tilespmem:v3+s7+$0x0], $0xffff  }
0xb4: {  	v9 =	vld.idx.msk [tilespmem:v3+s10+$0x0], $0xffff  }
0xb5: {  	v8 =	vld.idx.msk [tilespmem:v4+s7+$0x0], $0xffff  }
0xb6: {  	v11 =	vld.idx.msk [tilespmem:v4+s10+$0x0], $0xffff;
	_ =	sdelay $0x3  }
0xb7: {  	v3 =	vadd.s32 $0x7530, v5  }
0xb8: {  	v4 =	vadd.s32 $0x2710, v9;
	v7 =	vld.idx.msk [tilespmem:v5+s31+$0x0], $0xffff  }
0xb9: {  	v6 =	vadd.s32 $0x4E20, v9;
	v10 =	vld.idx.msk [tilespmem:v9+s31+$0x0], $0xffff  }
0xba: {  	v12 =	vadd.s32 $0xEA60, v5;
	v13 =	vld.idx.msk [tilespmem:v8+s31+$0x0], $0xffff  }
0xbb: {  	v14 =	vadd.s32 $0x11170, v5;
	v17 =	vld.idx.msk [tilespmem:v11+s31+$0x0], $0xffff  }
0xbc: {  	v16 =	vadd.s32 $0x2710, v5;
	v15 =	vld.idx.msk [tilespmem:v3+s31+$0x0], $0xffff  }
0xbd: {  	v19 =	vadd.s32 $0x4E20, v5;
	v18 =	vld.idx.msk [tilespmem:v4+s31+$0x0], $0xffff  }
0xbe: {  	v20 =	vadd.s32 $0xC350, v5;
	v21 =	vld.idx.msk [tilespmem:v6+s31+$0x0], $0xffff  }
0xbf: {  	v22 =	vadd.s32 $0x9C40, v9;
	v4 =	vld.idx.msk [tilespmem:v12+s31+$0x0], $0xffff  }
0xc0: {  	v23 =	vadd.s32 $0x7530, v9;
	v3 =	vld.idx.msk [tilespmem:v14+s31+$0x0], $0xffff  }
0xc1: {  	v6 =	vadd.s32 $0x11170, v8;
	v16 =	vld.idx.msk [tilespmem:v16+s31+$0x0], $0xffff  }
0xc2: {  	v12 =	vadd.s32 $0x9C40, v5;
	v19 =	vld.idx.msk [tilespmem:v19+s31+$0x0], $0xffff  }
0xc3: {  	v14 =	vadd.s32 $0xEA60, v9;
	v20 =	vld.idx.msk [tilespmem:v20+s31+$0x0], $0xffff  }
0xc4: {  	v24 =	vadd.s32 $0xC350, v9;
	v22 =	vld.idx.msk [tilespmem:v22+s31+$0x0], $0xffff  }
0xc5: {  	v25 =	vadd.s32 $0x2710, v8;
	v23 =	vld.idx.msk [tilespmem:v23+s31+$0x0], $0xffff  }
0xc6: {  	v29 =	vadd.s32 $0x9C40, v8;
	v5 =	vld.idx.msk [tilespmem:v6+s31+$0x0], $0xffff  }
0xc7: {  	v7 =	vmul.bf16 v10, v7;
	v26 =	vld.idx.msk [tilespmem:v12+s31+$0x0], $0xffff;
	v12 =	vadd.s32 $0x2710, v11  }
0xc8: {  	v6 =	vld.idx.msk [tilespmem:v14+s31+$0x0], $0xffff;
	v14 =	vadd.s32 $0x4E20, v8  }
0xc9: {  	v27 =	vadd.s32 $0x4E20, v11;
	v24 =	vld.idx.msk [tilespmem:v24+s31+$0x0], $0xffff;
	v7 =	vadd.bf16 v1, v7;
	v16 =	vmul.bf16 v18, v16  }
0xca: {  	v28 =	vadd.s32 $0x7530, v8;
	v25 =	vld.idx.msk [tilespmem:v25+s31+$0x0], $0xffff  }
0xcb: {  	v10 =	vadd.s32 $0x7530, v11;
	v7 =	vadd.bf16 v16, v7;
	v16 =	vmul.bf16 v17, v13;
	v13 =	vld.idx.msk [tilespmem:v29+s31+$0x0], $0xffff  }
0xcc: {  	v32 =	vadd.s32 $0xC350, v8;
	v18 =	vld.idx.msk [tilespmem:v12+s31+$0x0], $0xffff  }
0xcd: {  	v30 =	vadd.s32 $0x9C40, v11;
	v31 =	vld.idx.msk [tilespmem:v14+s31+$0x0], $0xffff;
	v14 =	vmul.bf16 v21, v19  }
0xce: {  	v63 =	vadd.s32 $0xC350, v11;
	v21 =	vld.idx.msk [tilespmem:v27+s31+$0x0], $0xffff  }
0xcf: {  	v15 =	vmul.bf16 v23, v15;
	v12 =	vld.idx.msk [tilespmem:v28+s31+$0x0], $0xffff;
	v17 =	vadd.bf16 v14, v7  }
0xd0: {  	v19 =	vmul.bf16 v22, v26;
	v22 =	vadd.bf16 v1, v16;
	v14 =	vld.idx.msk [tilespmem:v10+s31+$0x0], $0xffff;
	v10 =	vadd.s32 $0xEA60, v8  }
0xd1: {  	v16 =	vld.idx.msk [tilespmem:v32+s31+$0x0], $0xffff;
	v7 =	vadd.s32 $0xEA60, v11;
	v15 =	vadd.bf16 v15, v17;
	v18 =	vmul.bf16 v18, v25  }
0xd2: {  	v9 =	vadd.s32 $0x11170, v9;
	v8 =	vadd.s32 $0x11170, v11;
	v11 =	vmul.bf16 v24, v20;
	v17 =	vld.idx.msk [tilespmem:v30+s31+$0x0], $0xffff  }
0xd3: {  	s28 =	simm.s32 $0x21;
	s26 =	simm.s32 $0x1B260;
	s25 =	simm.s32 $0x1B260;
	v20 =	vmul.bf16 v21, v31;
	v15 =	vadd.bf16 v19, v15;
	v19 =	vadd.bf16 v18, v22;
	v18 =	vld.idx.msk [tilespmem:v63+s31+$0x0], $0xffff  }
.LBB2_5:
0xd4: {  	p0 =	sne.s32 s28, $0x621  }
0xd5: {  	v10 =	vld.idx.msk [tilespmem:v10+s31+$0x0], $0xffff;
	s26 =	sadd.s32 $0x10, s26;
	s29 =	smov.u32 s28;
	s28 =	sadd.s32 $0x20, s28  }
0xd6: {  	v12 =	vmul.bf16 v14, v12;
	v19 =	vadd.bf16 v20, v19;
	v7 =	vld.idx.msk [tilespmem:v7+s31+$0x0], $0xffff  }
0xd7: {  	v9 =	vld.idx.msk [tilespmem:v9+s31+$0x0], $0xffff  }
0xd8: {  	v13 =	vmul.bf16 v17, v13;
	v12 =	vadd.bf16 v12, v19;
	v8 =	vld.idx.msk [tilespmem:v8+s31+$0x0], $0xffff;
	_ =	sdelay $0x1  }
0xd9: {  	v12 =	vadd.bf16 v13, v12;
	v13 =	vmul.bf16 v18, v16  }
0xda: {  	v11 =	vadd.bf16 v11, v15;
	v4 =	vmul.bf16 v6, v4  }
0xdb: {  	v7 =	vmul.bf16 v7, v10;
	v6 =	vadd.bf16 v13, v12  }
0xdc: {  	v4 =	vadd.bf16 v4, v11;
	v3 =	vmul.bf16 v9, v3  }
0xdd: {  	v5 =	vmul.bf16 v8, v5;
	v6 =	vadd.bf16 v7, v6  }
0xde: {  	v3 =	vadd.bf16 v3, v4  }
0xdf: {  	v4 =	vadd.bf16 v5, v6  }
0xe0: {  	s30 =	sadd.s32 $0xFFFFFFFF, s29;
	v5 =	vunpack.i.u.bf16.f32 v3;
	v3 =	vunpack.i.l.bf16.f32 v3  }
0xe1: {  	v6 =	vor.u32 s30, v0;
	v7 =	vunpack.i.u.bf16.f32 v4;
	v4 =	vunpack.i.l.bf16.f32 v4  }
0xe2: {  	v3 =	vadd.f32 v3, v5;
	v4 =	vadd.f32 v4, v7  }
0xe3: {  	v5 =	vor.u32 s29, v0  }
0xe4: {  	v3 =	vpack.i.f32.bf16 v4, v3  }
0xe5: {  	[tilespmem:s25+$0x0] =	vst v3;
	s25 =	smov.u32 s26;
	_ =	sdelay $0x1  }
0xe6: {  	v3 =	vld.idx.msk [tilespmem:v6+s7+$0x0], $0xffff  }
0xe7: {  	v6 =	vld.idx.msk [tilespmem:v6+s10+$0x0], $0xffff  }
0xe8: {  	v11 =	vld.idx.msk [tilespmem:v5+s7+$0x0], $0xffff  }
0xe9: {  	v4 =	vld.idx.msk [tilespmem:v5+s10+$0x0], $0xffff;
	_ =	sdelay $0x2  }
0xea: {  	v5 =	vadd.s32 $0x7530, v3  }
0xeb: {  	v13 =	vadd.s32 $0x9C40, v3;
	v7 =	vadd.s32 $0x2710, v6;
	v12 =	vadd.s32 $0x7530, v6  }
0xec: {  	v15 =	vadd.s32 $0xC350, v3;
	v16 =	vadd.s32 $0xC350, v6;
	v17 =	vadd.s32 $0x2710, v11;
	v14 =	vld.idx.msk [tilespmem:v3+s31+$0x0], $0xffff  }
0xed: {  	v19 =	vadd.s32 $0x11170, v3;
	v8 =	vadd.s32 $0x4E20, v6;
	v20 =	vadd.s32 $0x4E20, v4;
	v18 =	vld.idx.msk [tilespmem:v6+s31+$0x0], $0xffff  }
0xee: {  	v9 =	vadd.s32 $0xEA60, v3;
	v23 =	vadd.s32 $0x4E20, v11;
	v22 =	vadd.s32 $0x2710, v4;
	v21 =	vld.idx.msk [tilespmem:v11+s31+$0x0], $0xffff  }
0xef: {  	v25 =	vadd.s32 $0x7530, v11;
	v26 =	vadd.s32 $0x7530, v4;
	v27 =	vadd.s32 $0x9C40, v4;
	v24 =	vld.idx.msk [tilespmem:v5+s31+$0x0], $0xffff  }
0xf0: {  	v29 =	vadd.s32 $0x9C40, v11;
	v30 =	vadd.s32 $0xC350, v4;
	v5 =	vadd.s32 $0x2710, v3;
	v28 =	vld.idx.msk [tilespmem:v4+s31+$0x0], $0xffff  }
0xf1: {  	v32 =	vadd.s32 $0x4E20, v3;
	v33 =	vadd.s32 $0xC350, v11;
	v31 =	vld.idx.msk [tilespmem:v7+s31+$0x0], $0xffff;
	v7 =	vadd.s32 $0xEA60, v4  }
0xf2: {  	v35 =	vadd.s32 $0xEA60, v6;
	v10 =	vadd.s32 $0xEA60, v11;
	v34 =	vld.idx.msk [tilespmem:v8+s31+$0x0], $0xffff;
	v8 =	vadd.s32 $0x11170, v4  }
0xf3: {  	v11 =	vadd.s32 $0x11170, v11;
	v4 =	vld.idx.msk [tilespmem:v9+s31+$0x0], $0xffff;
	v9 =	vadd.s32 $0x11170, v6  }
0xf4: {  	v3 =	vld.idx.msk [tilespmem:v19+s31+$0x0], $0xffff  }
0xf5: {  	v19 =	vld.idx.msk [tilespmem:v5+s31+$0x0], $0xffff  }
0xf6: {  	v14 =	vmul.bf16 v18, v14;
	v21 =	vmul.bf16 v28, v21;
	v18 =	vld.idx.msk [tilespmem:v32+s31+$0x0], $0xffff;
	v32 =	vadd.s32 $0x9C40, v6  }
0xf7: {  	v15 =	vld.idx.msk [tilespmem:v15+s31+$0x0], $0xffff  }
0xf8: {  	v5 =	vld.idx.msk [tilespmem:v11+s31+$0x0], $0xffff  }
0xf9: {  	v11 =	vld.idx.msk [tilespmem:v13+s31+$0x0], $0xffff  }
0xfa: {  	v6 =	vld.idx.msk [tilespmem:v35+s31+$0x0], $0xffff  }
0xfb: {  	v13 =	vadd.bf16 v1, v14;
	v14 =	vmul.bf16 v31, v19;
	v19 =	vld.idx.msk [tilespmem:v32+s31+$0x0], $0xffff  }
0xfc: {  	v12 =	vld.idx.msk [tilespmem:v12+s31+$0x0], $0xffff  }
0xfd: {  	v13 =	vadd.bf16 v14, v13;
	v14 =	vmul.bf16 v34, v18;
	v16 =	vld.idx.msk [tilespmem:v16+s31+$0x0], $0xffff  }
0xfe: {  	v17 =	vld.idx.msk [tilespmem:v17+s31+$0x0], $0xffff  }
0xff: {  	v13 =	vadd.bf16 v14, v13;
	v18 =	vld.idx.msk [tilespmem:v22+s31+$0x0], $0xffff  }
0x100: {  	v22 =	vld.idx.msk [tilespmem:v23+s31+$0x0], $0xffff  }
0x101: {  	v19 =	vmul.bf16 v19, v11;
	v20 =	vld.idx.msk [tilespmem:v20+s31+$0x0], $0xffff  }
0x102: {  	v23 =	vmul.bf16 v12, v24;
	v12 =	vld.idx.msk [tilespmem:v25+s31+$0x0], $0xffff  }
.Ltmp1:
0x103: {  	v11 =	vmul.bf16 v16, v15;
	v14 =	vld.idx.msk [tilespmem:v26+s31+$0x0], $0xffff;
	(pc) =	sbr.rel @p0 .LBB2_5-.Ltmp1, $4  }
0x104: {  	v15 =	vadd.bf16 v23, v13;
	v13 =	vld.idx.msk [tilespmem:v29+s31+$0x0], $0xffff  }
0x105: {  	v21 =	vadd.bf16 v1, v21;
	v18 =	vmul.bf16 v18, v17;
	v17 =	vld.idx.msk [tilespmem:v27+s31+$0x0], $0xffff  }
0x106: {  	v15 =	vadd.bf16 v19, v15;
	v16 =	vld.idx.msk [tilespmem:v33+s31+$0x0], $0xffff  }
0x107: {  	v19 =	vadd.bf16 v18, v21;
	v20 =	vmul.bf16 v20, v22;
	v18 =	vld.idx.msk [tilespmem:v30+s31+$0x0], $0xffff  }
0x108: {  	_ =	sdelay $0x3  }
0x109: {  	v10 =	vld.idx.msk [tilespmem:v10+s31+$0x0], $0xffff;
	v12 =	vmul.bf16 v14, v12;
	v19 =	vadd.bf16 v20, v19  }
0x10a: {  	v7 =	vld.idx.msk [tilespmem:v7+s31+$0x0], $0xffff  }
0x10b: {  	v9 =	vld.idx.msk [tilespmem:v9+s31+$0x0], $0xffff;
	v13 =	vmul.bf16 v17, v13;
	v12 =	vadd.bf16 v12, v19  }
0x10c: {  	v8 =	vld.idx.msk [tilespmem:v8+s31+$0x0], $0xffff  }
0x10d: {  	v60 =	vmul.bf16 v18, v16;
	v12 =	vadd.bf16 v13, v12  }
0x10e: {  	v11 =	vadd.bf16 v11, v15;
	v4 =	vmul.bf16 v6, v4  }
0x10f: {  	v7 =	vmul.bf16 v7, v10;
	v61 =	vadd.bf16 v60, v12  }
0x110: {  	v4 =	vadd.bf16 v4, v11;
	v3 =	vmul.bf16 v9, v3  }
0x111: {  	v5 =	vmul.bf16 v8, v5;
	v6 =	vadd.bf16 v7, v61  }
0x112: {  	v3 =	vadd.bf16 v3, v4  }
0x113: {  	v62 =	vadd.bf16 v5, v6  }
0x114: {  	s22 =	sadd.s32 $0x1, s22;
	v63 =	vunpack.i.u.bf16.f32 v3  }
0x115: {  	s24 =	smul.u32 $0xC80, s24;
	p0 =	sne.s32 s22, $0xE;
	v3 =	vunpack.i.l.bf16.f32 v3;
	v6 =	vunpack.i.u.bf16.f32 v62;
	v4 =	vunpack.i.l.bf16.f32 v62  }
.Ltmp2:
0x116: {  	v3 =	vadd.f32 v3, v63;
	v4 =	vadd.f32 v4, v6;
	(pc) =	sbr.rel @p0 .LBB2_2-.Ltmp2, $4  }
0x117: {  	_ = 	snop  }
0x118: {  	s24 =	sshra.s32 s24, $0x2;
	v3 =	vpack.i.f32.bf16 v4, v3  }
0x119: {  	s24 =	sadd.s32 s24, s8;
	[tilespmem:s25+$0x0] =	vst v3  }
0x11a: {  	[spmem:s24] =	stream.linear.scatter [tilespmem:s14], [sflag:$0x4], $0x320, $0x38;
	[tilespmem:$0x1EC30] =	vst v63  }
0x11b: {  	s22 =	rddreg [dreg:$0x7]  }
0x11c: {  	[tilespmem:s7], [sflag:$0x2] =	stream.linear.gather [hbm4b:s22+s2], $0x640, $0x38;
	[tilespmem:$0x1EC30] =	vst v63  }
0x11d: {  	s29 =	rddreg [dreg:$0x8];
	s30 =	simm.s32 $0x1  }
0x11e: {  	[tilespmem:s10], [sflag:$0x2] =	stream.linear.gather [hbm4b:s29+s2], $0x640, $0x38;
	[tilespmem:$0x1EC30] =	vst v63  }
0x11f: {  	_ =	swait.ge [sflag:s30], $0x640  }
0x120: {  	[sflag:s30] =	ssyncset.done $0x0  }
0x121: {  	[sflag:s30] =	ssyncadd.s32 $0xFFFFF9C0  }
0x122: {  	s24 =	simm.s32 $0x0;
	_ =	swait.ge [sflag:s30], $0x640  }
0x123: {  	v3 =	vor.u32 s24, v0;
	[sflag:s30] =	ssyncset.done $0x0  }
0x124: {  	[sflag:s30] =	ssyncadd.s32 $0xFFFFF9C0  }
0x125: {  	v4 =	vor.u32 s30, v0;
	_ =	swait.ge [sflag:s15], $0x320  }
0x126: {  	[sflag:s15] =	ssyncset.done $0x0  }
0x127: {  	[sflag:s15] =	ssyncadd.s32 $0xFFFFFCE0  }
0x128: {  	v5 =	vld.idx.msk [tilespmem:v3+s0+$0x0], $0xffff  }
0x129: {  	v9 =	vld.idx.msk [tilespmem:v3+s5+$0x0], $0xffff  }
0x12a: {  	v8 =	vld.idx.msk [tilespmem:v4+s0+$0x0], $0xffff  }
0x12b: {  	v11 =	vld.idx.msk [tilespmem:v4+s5+$0x0], $0xffff;
	_ =	sdelay $0x3  }
0x12c: {  	v3 =	vadd.s32 $0x7530, v5  }
0x12d: {  	v4 =	vadd.s32 $0x2710, v9;
	v7 =	vld.idx.msk [tilespmem:v5+s31+$0x0], $0xffff  }
0x12e: {  	v6 =	vadd.s32 $0x4E20, v9;
	v10 =	vld.idx.msk [tilespmem:v9+s31+$0x0], $0xffff  }
0x12f: {  	v12 =	vadd.s32 $0xEA60, v5;
	v13 =	vld.idx.msk [tilespmem:v8+s31+$0x0], $0xffff  }
0x130: {  	v14 =	vadd.s32 $0x11170, v5;
	v17 =	vld.idx.msk [tilespmem:v11+s31+$0x0], $0xffff  }
0x131: {  	v16 =	vadd.s32 $0x2710, v5;
	v15 =	vld.idx.msk [tilespmem:v3+s31+$0x0], $0xffff  }
0x132: {  	v19 =	vadd.s32 $0x4E20, v5;
	v18 =	vld.idx.msk [tilespmem:v4+s31+$0x0], $0xffff  }
0x133: {  	v20 =	vadd.s32 $0xC350, v5;
	v21 =	vld.idx.msk [tilespmem:v6+s31+$0x0], $0xffff  }
0x134: {  	v22 =	vadd.s32 $0x9C40, v9;
	v4 =	vld.idx.msk [tilespmem:v12+s31+$0x0], $0xffff  }
0x135: {  	v23 =	vadd.s32 $0x7530, v9;
	v3 =	vld.idx.msk [tilespmem:v14+s31+$0x0], $0xffff  }
0x136: {  	v6 =	vadd.s32 $0x11170, v8;
	v16 =	vld.idx.msk [tilespmem:v16+s31+$0x0], $0xffff  }
0x137: {  	v12 =	vadd.s32 $0x9C40, v5;
	v19 =	vld.idx.msk [tilespmem:v19+s31+$0x0], $0xffff  }
0x138: {  	v14 =	vadd.s32 $0xEA60, v9;
	v20 =	vld.idx.msk [tilespmem:v20+s31+$0x0], $0xffff  }
0x139: {  	v24 =	vadd.s32 $0xC350, v9;
	v22 =	vld.idx.msk [tilespmem:v22+s31+$0x0], $0xffff  }
0x13a: {  	v25 =	vadd.s32 $0x2710, v8;
	v23 =	vld.idx.msk [tilespmem:v23+s31+$0x0], $0xffff  }
0x13b: {  	v29 =	vadd.s32 $0x9C40, v8;
	v5 =	vld.idx.msk [tilespmem:v6+s31+$0x0], $0xffff  }
0x13c: {  	v7 =	vmul.bf16 v10, v7;
	v26 =	vld.idx.msk [tilespmem:v12+s31+$0x0], $0xffff;
	v12 =	vadd.s32 $0x2710, v11  }
0x13d: {  	v6 =	vld.idx.msk [tilespmem:v14+s31+$0x0], $0xffff;
	v14 =	vadd.s32 $0x4E20, v8  }
0x13e: {  	v27 =	vadd.s32 $0x4E20, v11;
	v24 =	vld.idx.msk [tilespmem:v24+s31+$0x0], $0xffff;
	v7 =	vadd.bf16 v1, v7;
	v16 =	vmul.bf16 v18, v16  }
0x13f: {  	v28 =	vadd.s32 $0x7530, v8;
	v25 =	vld.idx.msk [tilespmem:v25+s31+$0x0], $0xffff  }
0x140: {  	v10 =	vadd.s32 $0x7530, v11;
	v7 =	vadd.bf16 v16, v7;
	v16 =	vmul.bf16 v17, v13;
	v13 =	vld.idx.msk [tilespmem:v29+s31+$0x0], $0xffff  }
0x141: {  	v32 =	vadd.s32 $0xC350, v8;
	v18 =	vld.idx.msk [tilespmem:v12+s31+$0x0], $0xffff  }
0x142: {  	v30 =	vadd.s32 $0x9C40, v11;
	v31 =	vld.idx.msk [tilespmem:v14+s31+$0x0], $0xffff;
	v14 =	vmul.bf16 v21, v19  }
0x143: {  	v63 =	vadd.s32 $0xC350, v11;
	v21 =	vld.idx.msk [tilespmem:v27+s31+$0x0], $0xffff  }
0x144: {  	v15 =	vmul.bf16 v23, v15;
	v12 =	vld.idx.msk [tilespmem:v28+s31+$0x0], $0xffff;
	v17 =	vadd.bf16 v14, v7  }
0x145: {  	v19 =	vmul.bf16 v22, v26;
	v22 =	vadd.bf16 v1, v16;
	v14 =	vld.idx.msk [tilespmem:v10+s31+$0x0], $0xffff;
	v10 =	vadd.s32 $0xEA60, v8  }
0x146: {  	v16 =	vld.idx.msk [tilespmem:v32+s31+$0x0], $0xffff;
	v7 =	vadd.s32 $0xEA60, v11;
	v15 =	vadd.bf16 v15, v17;
	v18 =	vmul.bf16 v18, v25  }
0x147: {  	v9 =	vadd.s32 $0x11170, v9;
	v8 =	vadd.s32 $0x11170, v11;
	v11 =	vmul.bf16 v24, v20;
	v17 =	vld.idx.msk [tilespmem:v30+s31+$0x0], $0xffff  }
0x148: {  	s25 =	simm.s32 $0x21;
	s24 =	simm.s32 $0x1AF40;
	s22 =	simm.s32 $0x1AF40;
	v20 =	vmul.bf16 v21, v31;
	v15 =	vadd.bf16 v19, v15;
	v19 =	vadd.bf16 v18, v22;
	v18 =	vld.idx.msk [tilespmem:v63+s31+$0x0], $0xffff  }
.LBB2_8:
0x149: {  	p0 =	sne.s32 s25, $0x621  }
0x14a: {  	v10 =	vld.idx.msk [tilespmem:v10+s31+$0x0], $0xffff;
	s24 =	sadd.s32 $0x10, s24;
	s26 =	smov.u32 s25;
	s25 =	sadd.s32 $0x20, s25  }
0x14b: {  	v12 =	vmul.bf16 v14, v12;
	v19 =	vadd.bf16 v20, v19;
	v7 =	vld.idx.msk [tilespmem:v7+s31+$0x0], $0xffff  }
0x14c: {  	v9 =	vld.idx.msk [tilespmem:v9+s31+$0x0], $0xffff  }
0x14d: {  	v13 =	vmul.bf16 v17, v13;
	v12 =	vadd.bf16 v12, v19;
	v8 =	vld.idx.msk [tilespmem:v8+s31+$0x0], $0xffff;
	_ =	sdelay $0x1  }
0x14e: {  	v12 =	vadd.bf16 v13, v12;
	v13 =	vmul.bf16 v18, v16  }
0x14f: {  	v11 =	vadd.bf16 v11, v15;
	v4 =	vmul.bf16 v6, v4  }
0x150: {  	v7 =	vmul.bf16 v7, v10;
	v6 =	vadd.bf16 v13, v12  }
0x151: {  	v4 =	vadd.bf16 v4, v11;
	v3 =	vmul.bf16 v9, v3  }
0x152: {  	v5 =	vmul.bf16 v8, v5;
	v6 =	vadd.bf16 v7, v6  }
0x153: {  	v3 =	vadd.bf16 v3, v4  }
0x154: {  	v4 =	vadd.bf16 v5, v6  }
0x155: {  	s28 =	sadd.s32 $0xFFFFFFFF, s26;
	v5 =	vunpack.i.u.bf16.f32 v3;
	v3 =	vunpack.i.l.bf16.f32 v3  }
0x156: {  	v6 =	vor.u32 s28, v0;
	v7 =	vunpack.i.u.bf16.f32 v4;
	v4 =	vunpack.i.l.bf16.f32 v4  }
0x157: {  	v3 =	vadd.f32 v3, v5;
	v4 =	vadd.f32 v4, v7  }
0x158: {  	v5 =	vor.u32 s26, v0  }
0x159: {  	v3 =	vpack.i.f32.bf16 v4, v3  }
0x15a: {  	[tilespmem:s22+$0x0] =	vst v3;
	s22 =	smov.u32 s24;
	_ =	sdelay $0x1  }
0x15b: {  	v3 =	vld.idx.msk [tilespmem:v6+s0+$0x0], $0xffff  }
0x15c: {  	v6 =	vld.idx.msk [tilespmem:v6+s5+$0x0], $0xffff  }
0x15d: {  	v11 =	vld.idx.msk [tilespmem:v5+s0+$0x0], $0xffff  }
0x15e: {  	v4 =	vld.idx.msk [tilespmem:v5+s5+$0x0], $0xffff;
	_ =	sdelay $0x2  }
0x15f: {  	v5 =	vadd.s32 $0x7530, v3  }
0x160: {  	v13 =	vadd.s32 $0x9C40, v3;
	v7 =	vadd.s32 $0x2710, v6;
	v12 =	vadd.s32 $0x7530, v6  }
0x161: {  	v15 =	vadd.s32 $0xC350, v3;
	v16 =	vadd.s32 $0xC350, v6;
	v17 =	vadd.s32 $0x2710, v11;
	v14 =	vld.idx.msk [tilespmem:v3+s31+$0x0], $0xffff  }
0x162: {  	v19 =	vadd.s32 $0x11170, v3;
	v8 =	vadd.s32 $0x4E20, v6;
	v20 =	vadd.s32 $0x4E20, v4;
	v18 =	vld.idx.msk [tilespmem:v6+s31+$0x0], $0xffff  }
0x163: {  	v9 =	vadd.s32 $0xEA60, v3;
	v23 =	vadd.s32 $0x4E20, v11;
	v22 =	vadd.s32 $0x2710, v4;
	v21 =	vld.idx.msk [tilespmem:v11+s31+$0x0], $0xffff  }
0x164: {  	v25 =	vadd.s32 $0x7530, v11;
	v26 =	vadd.s32 $0x7530, v4;
	v27 =	vadd.s32 $0x9C40, v4;
	v24 =	vld.idx.msk [tilespmem:v5+s31+$0x0], $0xffff  }
0x165: {  	v29 =	vadd.s32 $0x9C40, v11;
	v30 =	vadd.s32 $0xC350, v4;
	v5 =	vadd.s32 $0x2710, v3;
	v28 =	vld.idx.msk [tilespmem:v4+s31+$0x0], $0xffff  }
0x166: {  	v32 =	vadd.s32 $0x4E20, v3;
	v33 =	vadd.s32 $0xC350, v11;
	v31 =	vld.idx.msk [tilespmem:v7+s31+$0x0], $0xffff;
	v7 =	vadd.s32 $0xEA60, v4  }
0x167: {  	v35 =	vadd.s32 $0xEA60, v6;
	v10 =	vadd.s32 $0xEA60, v11;
	v34 =	vld.idx.msk [tilespmem:v8+s31+$0x0], $0xffff;
	v8 =	vadd.s32 $0x11170, v4  }
0x168: {  	v11 =	vadd.s32 $0x11170, v11;
	v4 =	vld.idx.msk [tilespmem:v9+s31+$0x0], $0xffff;
	v9 =	vadd.s32 $0x11170, v6  }
0x169: {  	v3 =	vld.idx.msk [tilespmem:v19+s31+$0x0], $0xffff  }
0x16a: {  	v19 =	vld.idx.msk [tilespmem:v5+s31+$0x0], $0xffff  }
0x16b: {  	v14 =	vmul.bf16 v18, v14;
	v21 =	vmul.bf16 v28, v21;
	v18 =	vld.idx.msk [tilespmem:v32+s31+$0x0], $0xffff;
	v32 =	vadd.s32 $0x9C40, v6  }
0x16c: {  	v15 =	vld.idx.msk [tilespmem:v15+s31+$0x0], $0xffff  }
0x16d: {  	v5 =	vld.idx.msk [tilespmem:v11+s31+$0x0], $0xffff  }
0x16e: {  	v11 =	vld.idx.msk [tilespmem:v13+s31+$0x0], $0xffff  }
0x16f: {  	v6 =	vld.idx.msk [tilespmem:v35+s31+$0x0], $0xffff  }
0x170: {  	v13 =	vadd.bf16 v1, v14;
	v14 =	vmul.bf16 v31, v19;
	v19 =	vld.idx.msk [tilespmem:v32+s31+$0x0], $0xffff  }
0x171: {  	v12 =	vld.idx.msk [tilespmem:v12+s31+$0x0], $0xffff  }
0x172: {  	v13 =	vadd.bf16 v14, v13;
	v14 =	vmul.bf16 v34, v18;
	v16 =	vld.idx.msk [tilespmem:v16+s31+$0x0], $0xffff  }
0x173: {  	v17 =	vld.idx.msk [tilespmem:v17+s31+$0x0], $0xffff  }
0x174: {  	v13 =	vadd.bf16 v14, v13;
	v18 =	vld.idx.msk [tilespmem:v22+s31+$0x0], $0xffff  }
0x175: {  	v22 =	vld.idx.msk [tilespmem:v23+s31+$0x0], $0xffff  }
0x176: {  	v19 =	vmul.bf16 v19, v11;
	v20 =	vld.idx.msk [tilespmem:v20+s31+$0x0], $0xffff  }
0x177: {  	v23 =	vmul.bf16 v12, v24;
	v12 =	vld.idx.msk [tilespmem:v25+s31+$0x0], $0xffff  }
.Ltmp3:
0x178: {  	v11 =	vmul.bf16 v16, v15;
	v14 =	vld.idx.msk [tilespmem:v26+s31+$0x0], $0xffff;
	(pc) =	sbr.rel @p0 .LBB2_8-.Ltmp3, $4  }
0x179: {  	v15 =	vadd.bf16 v23, v13;
	v13 =	vld.idx.msk [tilespmem:v29+s31+$0x0], $0xffff  }
0x17a: {  	v21 =	vadd.bf16 v1, v21;
	v18 =	vmul.bf16 v18, v17;
	v17 =	vld.idx.msk [tilespmem:v27+s31+$0x0], $0xffff  }
0x17b: {  	v15 =	vadd.bf16 v19, v15;
	v16 =	vld.idx.msk [tilespmem:v33+s31+$0x0], $0xffff  }
0x17c: {  	v19 =	vadd.bf16 v18, v21;
	v20 =	vmul.bf16 v20, v22;
	v18 =	vld.idx.msk [tilespmem:v30+s31+$0x0], $0xffff  }
0x17d: {  	_ =	sdelay $0x3  }
0x17e: {  	v10 =	vld.idx.msk [tilespmem:v10+s31+$0x0], $0xffff;
	v12 =	vmul.bf16 v14, v12;
	v19 =	vadd.bf16 v20, v19  }
0x17f: {  	v7 =	vld.idx.msk [tilespmem:v7+s31+$0x0], $0xffff  }
0x180: {  	v9 =	vld.idx.msk [tilespmem:v9+s31+$0x0], $0xffff;
	v13 =	vmul.bf16 v17, v13;
	v12 =	vadd.bf16 v12, v19  }
0x181: {  	v8 =	vld.idx.msk [tilespmem:v8+s31+$0x0], $0xffff  }
0x182: {  	v12 =	vadd.bf16 v13, v12;
	v13 =	vmul.bf16 v18, v16  }
0x183: {  	v11 =	vadd.bf16 v11, v15;
	v4 =	vmul.bf16 v6, v4  }
0x184: {  	v7 =	vmul.bf16 v7, v10;
	v6 =	vadd.bf16 v13, v12  }
0x185: {  	v4 =	vadd.bf16 v4, v11;
	v3 =	vmul.bf16 v9, v3  }
0x186: {  	v5 =	vmul.bf16 v8, v5;
	v6 =	vadd.bf16 v7, v6  }
0x187: {  	v3 =	vadd.bf16 v3, v4  }
0x188: {  	v4 =	vadd.bf16 v5, v6  }
0x189: {  	v5 =	vunpack.i.u.bf16.f32 v3  }
0x18a: {  	v3 =	vunpack.i.l.bf16.f32 v3;
	v6 =	vunpack.i.u.bf16.f32 v4;
	v4 =	vunpack.i.l.bf16.f32 v4  }
0x18b: {  	v3 =	vadd.f32 v3, v5;
	v4 =	vadd.f32 v4, v6;
	_ =	sdelay $0x1  }
0x18c: {  	v3 =	vpack.i.f32.bf16 v4, v3  }
0x18d: {  	s28 =	rddreg [dreg:$0x9];
	[tilespmem:s22+$0x0] =	vst v3  }
0x18e: {  	[spmem:s28] =	stream.linear.scatter [tilespmem:s12], [sflag:$0x3], $0x320, $0x38;
	[tilespmem:$0x1EC30] =	vst v63  }
0x18f: {  	_ =	swait.ge [sflag:s13], $0x640  }
0x190: {  	[sflag:s13] =	ssyncset.done $0x0  }
0x191: {  	[sflag:s13] =	ssyncadd.s32 $0xFFFFF9C0  }
0x192: {  	s29 =	simm.s32 $0x0;
	_ =	swait.ge [sflag:s13], $0x640  }
0x193: {  	v3 =	vor.u32 s29, v0;
	[sflag:s13] =	ssyncset.done $0x0  }
0x194: {  	s30 =	simm.s32 $0x1;
	[sflag:s13] =	ssyncadd.s32 $0xFFFFF9C0  }
0x195: {  	v4 =	vor.u32 s30, v0;
	_ =	swait.ge [sflag:s16], $0x320  }
0x196: {  	[sflag:s16] =	ssyncset.done $0x0  }
0x197: {  	[sflag:s16] =	ssyncadd.s32 $0xFFFFFCE0  }
0x198: {  	v5 =	vld.idx.msk [tilespmem:v3+s7+$0x0], $0xffff  }
0x199: {  	v9 =	vld.idx.msk [tilespmem:v3+s10+$0x0], $0xffff  }
0x19a: {  	v8 =	vld.idx.msk [tilespmem:v4+s7+$0x0], $0xffff  }
0x19b: {  	v11 =	vld.idx.msk [tilespmem:v4+s10+$0x0], $0xffff;
	_ =	sdelay $0x3  }
0x19c: {  	v3 =	vadd.s32 $0x7530, v5  }
0x19d: {  	v4 =	vadd.s32 $0x2710, v9;
	v7 =	vld.idx.msk [tilespmem:v5+s31+$0x0], $0xffff  }
0x19e: {  	v6 =	vadd.s32 $0x4E20, v9;
	v10 =	vld.idx.msk [tilespmem:v9+s31+$0x0], $0xffff  }
0x19f: {  	v12 =	vadd.s32 $0xEA60, v5;
	v13 =	vld.idx.msk [tilespmem:v8+s31+$0x0], $0xffff  }
0x1a0: {  	v14 =	vadd.s32 $0x11170, v5;
	v17 =	vld.idx.msk [tilespmem:v11+s31+$0x0], $0xffff  }
0x1a1: {  	v16 =	vadd.s32 $0x2710, v5;
	v15 =	vld.idx.msk [tilespmem:v3+s31+$0x0], $0xffff  }
0x1a2: {  	v19 =	vadd.s32 $0x4E20, v5;
	v18 =	vld.idx.msk [tilespmem:v4+s31+$0x0], $0xffff  }
0x1a3: {  	v20 =	vadd.s32 $0xC350, v5;
	v21 =	vld.idx.msk [tilespmem:v6+s31+$0x0], $0xffff  }
0x1a4: {  	v22 =	vadd.s32 $0x9C40, v9;
	v4 =	vld.idx.msk [tilespmem:v12+s31+$0x0], $0xffff  }
0x1a5: {  	v23 =	vadd.s32 $0x7530, v9;
	v3 =	vld.idx.msk [tilespmem:v14+s31+$0x0], $0xffff  }
0x1a6: {  	v6 =	vadd.s32 $0x11170, v8;
	v16 =	vld.idx.msk [tilespmem:v16+s31+$0x0], $0xffff  }
0x1a7: {  	v12 =	vadd.s32 $0x9C40, v5;
	v19 =	vld.idx.msk [tilespmem:v19+s31+$0x0], $0xffff  }
0x1a8: {  	v14 =	vadd.s32 $0xEA60, v9;
	v20 =	vld.idx.msk [tilespmem:v20+s31+$0x0], $0xffff  }
0x1a9: {  	v24 =	vadd.s32 $0xC350, v9;
	v22 =	vld.idx.msk [tilespmem:v22+s31+$0x0], $0xffff  }
0x1aa: {  	v25 =	vadd.s32 $0x2710, v8;
	v23 =	vld.idx.msk [tilespmem:v23+s31+$0x0], $0xffff  }
0x1ab: {  	v29 =	vadd.s32 $0x9C40, v8;
	v5 =	vld.idx.msk [tilespmem:v6+s31+$0x0], $0xffff  }
0x1ac: {  	v7 =	vmul.bf16 v10, v7;
	v26 =	vld.idx.msk [tilespmem:v12+s31+$0x0], $0xffff;
	v12 =	vadd.s32 $0x2710, v11  }
0x1ad: {  	v6 =	vld.idx.msk [tilespmem:v14+s31+$0x0], $0xffff;
	v14 =	vadd.s32 $0x4E20, v8  }
0x1ae: {  	v27 =	vadd.s32 $0x4E20, v11;
	v24 =	vld.idx.msk [tilespmem:v24+s31+$0x0], $0xffff;
	v7 =	vadd.bf16 v1, v7;
	v16 =	vmul.bf16 v18, v16  }
0x1af: {  	v28 =	vadd.s32 $0x7530, v8;
	v25 =	vld.idx.msk [tilespmem:v25+s31+$0x0], $0xffff  }
0x1b0: {  	v10 =	vadd.s32 $0x7530, v11;
	v7 =	vadd.bf16 v16, v7;
	v16 =	vmul.bf16 v17, v13;
	v13 =	vld.idx.msk [tilespmem:v29+s31+$0x0], $0xffff  }
0x1b1: {  	v32 =	vadd.s32 $0xC350, v8;
	v18 =	vld.idx.msk [tilespmem:v12+s31+$0x0], $0xffff  }
0x1b2: {  	v30 =	vadd.s32 $0x9C40, v11;
	v31 =	vld.idx.msk [tilespmem:v14+s31+$0x0], $0xffff;
	v14 =	vmul.bf16 v21, v19  }
0x1b3: {  	v63 =	vadd.s32 $0xC350, v11;
	v21 =	vld.idx.msk [tilespmem:v27+s31+$0x0], $0xffff  }
0x1b4: {  	v15 =	vmul.bf16 v23, v15;
	v12 =	vld.idx.msk [tilespmem:v28+s31+$0x0], $0xffff;
	v17 =	vadd.bf16 v14, v7  }
0x1b5: {  	v19 =	vmul.bf16 v22, v26;
	v22 =	vadd.bf16 v1, v16;
	v14 =	vld.idx.msk [tilespmem:v10+s31+$0x0], $0xffff;
	v10 =	vadd.s32 $0xEA60, v8  }
0x1b6: {  	v16 =	vld.idx.msk [tilespmem:v32+s31+$0x0], $0xffff;
	v7 =	vadd.s32 $0xEA60, v11;
	v15 =	vadd.bf16 v15, v17;
	v18 =	vmul.bf16 v18, v25  }
0x1b7: {  	v9 =	vadd.s32 $0x11170, v9;
	v8 =	vadd.s32 $0x11170, v11;
	v11 =	vmul.bf16 v24, v20;
	v17 =	vld.idx.msk [tilespmem:v30+s31+$0x0], $0xffff  }
0x1b8: {  	s24 =	simm.s32 $0x1B260;
	s25 =	simm.s32 $0x21;
	s22 =	simm.s32 $0x1B260;
	v20 =	vmul.bf16 v21, v31;
	v15 =	vadd.bf16 v19, v15;
	v19 =	vadd.bf16 v18, v22;
	v18 =	vld.idx.msk [tilespmem:v63+s31+$0x0], $0xffff  }
.LBB2_10:
0x1b9: {  	p0 =	sne.s32 s25, $0x621  }
0x1ba: {  	v10 =	vld.idx.msk [tilespmem:v10+s31+$0x0], $0xffff;
	s24 =	sadd.s32 $0x10, s24;
	s26 =	smov.u32 s25;
	s25 =	sadd.s32 $0x20, s25  }
0x1bb: {  	v12 =	vmul.bf16 v14, v12;
	v19 =	vadd.bf16 v20, v19;
	v7 =	vld.idx.msk [tilespmem:v7+s31+$0x0], $0xffff  }
0x1bc: {  	v9 =	vld.idx.msk [tilespmem:v9+s31+$0x0], $0xffff  }
0x1bd: {  	v13 =	vmul.bf16 v17, v13;
	v12 =	vadd.bf16 v12, v19;
	v8 =	vld.idx.msk [tilespmem:v8+s31+$0x0], $0xffff;
	_ =	sdelay $0x1  }
0x1be: {  	v12 =	vadd.bf16 v13, v12;
	v13 =	vmul.bf16 v18, v16  }
0x1bf: {  	v11 =	vadd.bf16 v11, v15;
	v4 =	vmul.bf16 v6, v4  }
0x1c0: {  	v7 =	vmul.bf16 v7, v10;
	v6 =	vadd.bf16 v13, v12  }
0x1c1: {  	v4 =	vadd.bf16 v4, v11;
	v3 =	vmul.bf16 v9, v3  }
0x1c2: {  	v5 =	vmul.bf16 v8, v5;
	v6 =	vadd.bf16 v7, v6  }
0x1c3: {  	v3 =	vadd.bf16 v3, v4  }
0x1c4: {  	v4 =	vadd.bf16 v5, v6  }
0x1c5: {  	s28 =	sadd.s32 $0xFFFFFFFF, s26;
	v5 =	vunpack.i.u.bf16.f32 v3;
	v3 =	vunpack.i.l.bf16.f32 v3  }
0x1c6: {  	v6 =	vor.u32 s28, v0;
	v7 =	vunpack.i.u.bf16.f32 v4;
	v4 =	vunpack.i.l.bf16.f32 v4  }
0x1c7: {  	v3 =	vadd.f32 v3, v5;
	v4 =	vadd.f32 v4, v7  }
0x1c8: {  	v5 =	vor.u32 s26, v0  }
0x1c9: {  	v3 =	vpack.i.f32.bf16 v4, v3  }
0x1ca: {  	[tilespmem:s22+$0x0] =	vst v3;
	s22 =	smov.u32 s24;
	_ =	sdelay $0x1  }
0x1cb: {  	v3 =	vld.idx.msk [tilespmem:v6+s7+$0x0], $0xffff  }
0x1cc: {  	v6 =	vld.idx.msk [tilespmem:v6+s10+$0x0], $0xffff  }
0x1cd: {  	v11 =	vld.idx.msk [tilespmem:v5+s7+$0x0], $0xffff  }
0x1ce: {  	v4 =	vld.idx.msk [tilespmem:v5+s10+$0x0], $0xffff;
	_ =	sdelay $0x2  }
0x1cf: {  	v5 =	vadd.s32 $0x7530, v3  }
0x1d0: {  	v13 =	vadd.s32 $0x9C40, v3;
	v7 =	vadd.s32 $0x2710, v6;
	v12 =	vadd.s32 $0x7530, v6  }
0x1d1: {  	v15 =	vadd.s32 $0xC350, v3;
	v16 =	vadd.s32 $0xC350, v6;
	v17 =	vadd.s32 $0x2710, v11;
	v14 =	vld.idx.msk [tilespmem:v3+s31+$0x0], $0xffff  }
0x1d2: {  	v19 =	vadd.s32 $0x11170, v3;
	v8 =	vadd.s32 $0x4E20, v6;
	v20 =	vadd.s32 $0x4E20, v4;
	v18 =	vld.idx.msk [tilespmem:v6+s31+$0x0], $0xffff  }
0x1d3: {  	v9 =	vadd.s32 $0xEA60, v3;
	v23 =	vadd.s32 $0x4E20, v11;
	v22 =	vadd.s32 $0x2710, v4;
	v21 =	vld.idx.msk [tilespmem:v11+s31+$0x0], $0xffff  }
0x1d4: {  	v25 =	vadd.s32 $0x7530, v11;
	v26 =	vadd.s32 $0x7530, v4;
	v27 =	vadd.s32 $0x9C40, v4;
	v24 =	vld.idx.msk [tilespmem:v5+s31+$0x0], $0xffff  }
0x1d5: {  	v29 =	vadd.s32 $0x9C40, v11;
	v30 =	vadd.s32 $0xC350, v4;
	v5 =	vadd.s32 $0x2710, v3;
	v28 =	vld.idx.msk [tilespmem:v4+s31+$0x0], $0xffff  }
0x1d6: {  	v32 =	vadd.s32 $0x4E20, v3;
	v33 =	vadd.s32 $0xC350, v11;
	v31 =	vld.idx.msk [tilespmem:v7+s31+$0x0], $0xffff;
	v7 =	vadd.s32 $0xEA60, v4  }
0x1d7: {  	v35 =	vadd.s32 $0xEA60, v6;
	v10 =	vadd.s32 $0xEA60, v11;
	v34 =	vld.idx.msk [tilespmem:v8+s31+$0x0], $0xffff;
	v8 =	vadd.s32 $0x11170, v4  }
0x1d8: {  	v11 =	vadd.s32 $0x11170, v11;
	v4 =	vld.idx.msk [tilespmem:v9+s31+$0x0], $0xffff;
	v9 =	vadd.s32 $0x11170, v6  }
0x1d9: {  	v3 =	vld.idx.msk [tilespmem:v19+s31+$0x0], $0xffff  }
0x1da: {  	v19 =	vld.idx.msk [tilespmem:v5+s31+$0x0], $0xffff  }
0x1db: {  	v14 =	vmul.bf16 v18, v14;
	v21 =	vmul.bf16 v28, v21;
	v18 =	vld.idx.msk [tilespmem:v32+s31+$0x0], $0xffff;
	v32 =	vadd.s32 $0x9C40, v6  }
0x1dc: {  	v15 =	vld.idx.msk [tilespmem:v15+s31+$0x0], $0xffff  }
0x1dd: {  	v5 =	vld.idx.msk [tilespmem:v11+s31+$0x0], $0xffff  }
0x1de: {  	v11 =	vld.idx.msk [tilespmem:v13+s31+$0x0], $0xffff  }
0x1df: {  	v6 =	vld.idx.msk [tilespmem:v35+s31+$0x0], $0xffff  }
0x1e0: {  	v13 =	vadd.bf16 v1, v14;
	v14 =	vmul.bf16 v31, v19;
	v19 =	vld.idx.msk [tilespmem:v32+s31+$0x0], $0xffff  }
0x1e1: {  	v12 =	vld.idx.msk [tilespmem:v12+s31+$0x0], $0xffff  }
0x1e2: {  	v13 =	vadd.bf16 v14, v13;
	v14 =	vmul.bf16 v34, v18;
	v16 =	vld.idx.msk [tilespmem:v16+s31+$0x0], $0xffff  }
0x1e3: {  	v17 =	vld.idx.msk [tilespmem:v17+s31+$0x0], $0xffff  }
0x1e4: {  	v13 =	vadd.bf16 v14, v13;
	v18 =	vld.idx.msk [tilespmem:v22+s31+$0x0], $0xffff  }
0x1e5: {  	v22 =	vld.idx.msk [tilespmem:v23+s31+$0x0], $0xffff  }
0x1e6: {  	v19 =	vmul.bf16 v19, v11;
	v20 =	vld.idx.msk [tilespmem:v20+s31+$0x0], $0xffff  }
0x1e7: {  	v23 =	vmul.bf16 v12, v24;
	v12 =	vld.idx.msk [tilespmem:v25+s31+$0x0], $0xffff  }
.Ltmp4:
0x1e8: {  	v11 =	vmul.bf16 v16, v15;
	v14 =	vld.idx.msk [tilespmem:v26+s31+$0x0], $0xffff;
	(pc) =	sbr.rel @p0 .LBB2_10-.Ltmp4, $4  }
0x1e9: {  	v15 =	vadd.bf16 v23, v13;
	v13 =	vld.idx.msk [tilespmem:v29+s31+$0x0], $0xffff  }
0x1ea: {  	v21 =	vadd.bf16 v1, v21;
	v18 =	vmul.bf16 v18, v17;
	v17 =	vld.idx.msk [tilespmem:v27+s31+$0x0], $0xffff  }
0x1eb: {  	v15 =	vadd.bf16 v19, v15;
	v16 =	vld.idx.msk [tilespmem:v33+s31+$0x0], $0xffff  }
0x1ec: {  	v19 =	vadd.bf16 v18, v21;
	v20 =	vmul.bf16 v20, v22;
	v18 =	vld.idx.msk [tilespmem:v30+s31+$0x0], $0xffff  }
0x1ed: {  	_ =	sdelay $0x3  }
0x1ee: {  	v10 =	vld.idx.msk [tilespmem:v10+s31+$0x0], $0xffff;
	v12 =	vmul.bf16 v14, v12;
	v19 =	vadd.bf16 v20, v19  }
0x1ef: {  	v7 =	vld.idx.msk [tilespmem:v7+s31+$0x0], $0xffff  }
0x1f0: {  	v9 =	vld.idx.msk [tilespmem:v9+s31+$0x0], $0xffff;
	v13 =	vmul.bf16 v17, v13;
	v12 =	vadd.bf16 v12, v19  }
0x1f1: {  	v8 =	vld.idx.msk [tilespmem:v8+s31+$0x0], $0xffff  }
0x1f2: {  	v62 =	vmul.bf16 v18, v16;
	v12 =	vadd.bf16 v13, v12  }
0x1f3: {  	v11 =	vadd.bf16 v11, v15;
	v4 =	vmul.bf16 v6, v4  }
0x1f4: {  	v7 =	vmul.bf16 v7, v10;
	v63 =	vadd.bf16 v62, v12  }
0x1f5: {  	v4 =	vadd.bf16 v4, v11;
	v3 =	vmul.bf16 v9, v3  }
0x1f6: {  	v5 =	vmul.bf16 v8, v5;
	v6 =	vadd.bf16 v7, v63  }
0x1f7: {  	v3 =	vadd.bf16 v3, v4  }
0x1f8: {  	v4 =	vadd.bf16 v5, v6  }
0x1f9: {  	v5 =	vunpack.i.u.bf16.f32 v3  }
0x1fa: {  	v3 =	vunpack.i.l.bf16.f32 v3;
	v6 =	vunpack.i.u.bf16.f32 v4;
	v4 =	vunpack.i.l.bf16.f32 v4  }
0x1fb: {  	v3 =	vadd.f32 v3, v5;
	v4 =	vadd.f32 v4, v6;
	_ =	sdelay $0x1  }
0x1fc: {  	v3 =	vpack.i.f32.bf16 v4, v3  }
0x1fd: {  	s28 =	rddreg [dreg:$0xa];
	[tilespmem:s22+$0x0] =	vst v3  }
0x1fe: {  	[spmem:s28] =	stream.linear.scatter [tilespmem:s14], [sflag:$0x4], $0x320, $0x38;
	[tilespmem:$0x1EC30] =	vst v63  }
0x1ff: {  	_ =	swait.ge [sflag:s15], $0x320  }
0x200: {  	[sflag:s15] =	ssyncset.done $0x0  }
0x201: {  	[sflag:s15] =	ssyncadd.s32 $0xFFFFFCE0  }
0x202: {  	_ =	swait.ge [sflag:s16], $0x320  }
0x203: {  	[sflag:s16] =	ssyncset.done $0x0  }
0x204: {  	[sflag:s16] =	ssyncadd.s32 $0xFFFFFCE0  }
0x205: {  	[bflag:$0x0] =	sbarrier.arrive $0xFFFF  }
0x206: {  	s29 =	rddreg [dreg:$0xb]  }
0x207: {  	[tilespmem:s18], [sflag:$0x5] =	stream.strided.gather [spmem:s29], $0x1F40, s31, s17, $0x38;
	[tilespmem:$0x1EC30] =	vst v63  }
0x208: {  	_ =	swait.ge [sflag:s1], $0x1F40  }
0x209: {  	s30 =	simm.s32 $0x0;
	[sflag:s1] =	ssyncset.done $0x0  }
0x20a: {  	s22 =	smin.u32 s30, $0x3D8;
	[sflag:s1] =	ssyncadd.s32 $0xFFFFE0C0  }
0x20b: {  	s24 =	simm.s32 $0x10;
	v3 =	vld [tilespmem:s22+$0x1B580]  }
.LBB2_12:
0x20c: {  	p0 =	sne.s32 s24, $0x3E0  }
0x20d: {  	v4 =	vld [tilespmem:s22+$0x1B968];
	_ =	sdelay $0x1  }
0x20e: {  	v5 =	vld [tilespmem:s22+$0x1BD50]  }
0x20f: {  	v6 =	vunpack.i.u.bf16.f32 v3;
	v3 =	vunpack.i.l.bf16.f32 v3  }
0x210: {  	v3 =	vadd.f32 $0.0e+00, v3;
	v7 =	vld [tilespmem:s22+$0x1C138]  }
0x211: {  	v6 =	vadd.f32 $0.0e+00, v6;
	v8 =	vunpack.i.u.bf16.f32 v4;
	v4 =	vunpack.i.l.bf16.f32 v4  }
0x212: {  	v3 =	vadd.f32 v4, v3;
	v4 =	vld [tilespmem:s22+$0x1C520]  }
0x213: {  	v6 =	vadd.f32 v8, v6;
	v8 =	vunpack.i.u.bf16.f32 v5;
	v5 =	vunpack.i.l.bf16.f32 v5  }
0x214: {  	v3 =	vadd.f32 v5, v3;
	v5 =	vld [tilespmem:s22+$0x1C908]  }
0x215: {  	s25 =	sshll.u32 s22, $0x1;
	v6 =	vadd.f32 v8, v6;
	v8 =	vunpack.i.u.bf16.f32 v7;
	v7 =	vunpack.i.l.bf16.f32 v7  }
0x216: {  	v9 =	vadd.s32 s25, v0;
	v3 =	vadd.f32 v7, v3;
	v7 =	vld [tilespmem:s22+$0x1CCF0]  }
0x217: {  	v6 =	vadd.f32 v8, v6;
	v8 =	vunpack.i.u.bf16.f32 v4;
	v4 =	vunpack.i.l.bf16.f32 v4  }
0x218: {  	v9 =	vand.u32 $0xFF8, v9;
	v3 =	vadd.f32 v4, v3;
	v4 =	vld [tilespmem:s22+$0x1D0D8]  }
0x219: {  	v6 =	vadd.f32 v8, v6;
	v8 =	vunpack.i.u.bf16.f32 v5;
	v5 =	vunpack.i.l.bf16.f32 v5  }
0x21a: {  	v3 =	vadd.f32 v5, v3;
	v5 =	vor.u32 v2, v9  }
0x21b: {  	s22 =	sshllo.u32 s22, $0x1;
	v6 =	vadd.f32 v8, v6;
	v8 =	vunpack.i.u.bf16.f32 v7;
	v7 =	vunpack.i.l.bf16.f32 v7  }
0x21c: {  	v3 =	vadd.f32 v7, v3;
	v7 =	vadd.s32 s22, v0  }
0x21d: {  	v6 =	vadd.f32 v8, v6;
	v8 =	vunpack.i.u.bf16.f32 v4;
	v4 =	vunpack.i.l.bf16.f32 v4  }
.Ltmp5:
0x21e: {  	v3 =	vadd.f32 v4, v3;
	(pc) =	sbr.rel @p0 .LBB2_12-.Ltmp5, $4  }
0x21f: {  	v4 =	vadd.f32 v8, v6  }
0x220: {  	[tilespmem:v5+s19+$0x0] =	vst.idx.msk $0xffff, v3  }
0x221: {  	s22 =	smin.u32 s24, $0x3D8;
	[tilespmem:v7+s19+$0x0] =	vst.idx.msk $0xffff, v4  }
0x222: {  	s24 =	sadd.s32 $0x10, s24;
	v3 =	vld [tilespmem:s22+$0x1B580]  }
0x223: {  	_ = 	snop  }
0x224: {  	v4 =	vld [tilespmem:s22+$0x1B968];
	_ =	sdelay $0x1  }
0x225: {  	v5 =	vld [tilespmem:s22+$0x1BD50]  }
0x226: {  	v6 =	vunpack.i.l.bf16.f32 v3  }
0x227: {  	v7 =	vld [tilespmem:s22+$0x1C138];
	v3 =	vunpack.i.u.bf16.f32 v3;
	v6 =	vadd.f32 $0.0e+00, v6  }
0x228: {  	v3 =	vadd.f32 $0.0e+00, v3;
	v8 =	vunpack.i.l.bf16.f32 v4  }
0x229: {  	v56 =	vld [tilespmem:s22+$0x1C520];
	v4 =	vunpack.i.u.bf16.f32 v4;
	v6 =	vadd.f32 v8, v6  }
0x22a: {  	v3 =	vadd.f32 v4, v3;
	v4 =	vunpack.i.l.bf16.f32 v5  }
0x22b: {  	v57 =	vld [tilespmem:s22+$0x1C908];
	v5 =	vunpack.i.u.bf16.f32 v5;
	v4 =	vadd.f32 v4, v6  }
0x22c: {  	v3 =	vadd.f32 v5, v3;
	v5 =	vunpack.i.l.bf16.f32 v7  }
0x22d: {  	v7 =	vunpack.i.u.bf16.f32 v7;
	v4 =	vadd.f32 v5, v4;
	v5 =	vld [tilespmem:s22+$0x1CCF0]  }
0x22e: {  	v58 =	vunpack.i.l.bf16.f32 v56;
	v3 =	vadd.f32 v7, v3  }
0x22f: {  	s24 =	sshll.u32 s22, $0x1;
	v59 =	vld [tilespmem:s22+$0x1D0D8];
	v8 =	vunpack.i.u.bf16.f32 v56;
	v4 =	vadd.f32 v58, v4  }
0x230: {  	v9 =	vadd.s32 s24, v0;
	v60 =	vunpack.i.l.bf16.f32 v57;
	v3 =	vadd.f32 v8, v3  }
0x231: {  	v9 =	vand.u32 $0xFF8, v9;
	v6 =	vunpack.i.u.bf16.f32 v57;
	v4 =	vadd.f32 v60, v4  }
0x232: {  	s28 =	sshllo.u32 s22, $0x1;
	v61 =	vor.u32 v2, v9;
	v3 =	vadd.f32 v6, v3;
	v62 =	vunpack.i.l.bf16.f32 v5  }
0x233: {  	v63 =	vadd.s32 s28, v0;
	v5 =	vunpack.i.u.bf16.f32 v5;
	v4 =	vadd.f32 v62, v4  }
0x234: {  	v3 =	vadd.f32 v5, v3;
	v5 =	vunpack.i.l.bf16.f32 v59  }
0x235: {  	v7 =	vunpack.i.u.bf16.f32 v59;
	v4 =	vadd.f32 v5, v4  }
0x236: {  	v3 =	vadd.f32 v7, v3  }
0x237: {  	[tilespmem:v61+s19+$0x0] =	vst.idx.msk $0xffff, v4  }
0x238: {  	s29 =	rddreg [dreg:$0xc];
	[tilespmem:v63+s19+$0x0] =	vst.idx.msk $0xffff, v3  }
0x239: {  	[tilespmem:s18], [sflag:$0x5] =	stream.strided.gather [spmem:s29], $0x1F40, s31, s17, $0x38;
	[tilespmem:$0x1EC30] =	vst v63  }
0x23a: {  	_ =	swait.ge [sflag:s1], $0x1F40  }
0x23b: {  	s30 =	simm.s32 $0x0;
	[sflag:s1] =	ssyncset.done $0x0  }
0x23c: {  	s22 =	smin.u32 s30, $0x3D8;
	[sflag:s1] =	ssyncadd.s32 $0xFFFFE0C0  }
0x23d: {  	s24 =	simm.s32 $0x10;
	v3 =	vld [tilespmem:s22+$0x1B580]  }
.LBB2_14:
0x23e: {  	p0 =	sne.s32 s24, $0x3E0  }
0x23f: {  	v4 =	vld [tilespmem:s22+$0x1B968];
	_ =	sdelay $0x1  }
0x240: {  	v5 =	vld [tilespmem:s22+$0x1BD50]  }
0x241: {  	v6 =	vunpack.i.u.bf16.f32 v3;
	v3 =	vunpack.i.l.bf16.f32 v3  }
0x242: {  	v3 =	vadd.f32 $0.0e+00, v3;
	v7 =	vld [tilespmem:s22+$0x1C138]  }
0x243: {  	v6 =	vadd.f32 $0.0e+00, v6;
	v8 =	vunpack.i.u.bf16.f32 v4;
	v4 =	vunpack.i.l.bf16.f32 v4  }
0x244: {  	v3 =	vadd.f32 v4, v3;
	v4 =	vld [tilespmem:s22+$0x1C520]  }
0x245: {  	v6 =	vadd.f32 v8, v6;
	v8 =	vunpack.i.u.bf16.f32 v5;
	v5 =	vunpack.i.l.bf16.f32 v5  }
0x246: {  	v3 =	vadd.f32 v5, v3;
	v5 =	vld [tilespmem:s22+$0x1C908]  }
0x247: {  	v6 =	vadd.f32 v8, v6;
	v8 =	vunpack.i.u.bf16.f32 v7;
	v7 =	vunpack.i.l.bf16.f32 v7  }
0x248: {  	v3 =	vadd.f32 v7, v3;
	v7 =	vld [tilespmem:s22+$0x1CCF0]  }
0x249: {  	v6 =	vadd.f32 v8, v6;
	v8 =	vunpack.i.u.bf16.f32 v4;
	v4 =	vunpack.i.l.bf16.f32 v4  }
0x24a: {  	v3 =	vadd.f32 v4, v3;
	v4 =	vld [tilespmem:s22+$0x1D0D8];
	s22 =	sshll.u32 s22, $0x1  }
0x24b: {  	v6 =	vadd.f32 v8, v6;
	v8 =	vunpack.i.u.bf16.f32 v5;
	v5 =	vunpack.i.l.bf16.f32 v5;
	s25 =	sadd.s32 $0x7D0, s22  }
0x24c: {  	v3 =	vadd.f32 v5, v3;
	v5 =	vadd.s32 s25, v0  }
0x24d: {  	s22 =	sadd.s32 $0x7D1, s22;
	v6 =	vadd.f32 v8, v6;
	v8 =	vunpack.i.u.bf16.f32 v7;
	v7 =	vunpack.i.l.bf16.f32 v7  }
0x24e: {  	v3 =	vadd.f32 v7, v3;
	v7 =	vadd.s32 s22, v0  }
0x24f: {  	v6 =	vadd.f32 v8, v6;
	v8 =	vunpack.i.u.bf16.f32 v4;
	v4 =	vunpack.i.l.bf16.f32 v4  }
.Ltmp6:
0x250: {  	v3 =	vadd.f32 v4, v3;
	(pc) =	sbr.rel @p0 .LBB2_14-.Ltmp6, $4  }
0x251: {  	v4 =	vadd.f32 v8, v6  }
0x252: {  	[tilespmem:v5+s19+$0x0] =	vst.idx.msk $0xffff, v3  }
0x253: {  	s22 =	smin.u32 s24, $0x3D8;
	[tilespmem:v7+s19+$0x0] =	vst.idx.msk $0xffff, v4  }
0x254: {  	s24 =	sadd.s32 $0x10, s24;
	v3 =	vld [tilespmem:s22+$0x1B580]  }
0x255: {  	_ = 	snop  }
0x256: {  	v4 =	vld [tilespmem:s22+$0x1B968];
	_ =	sdelay $0x1  }
0x257: {  	v5 =	vld [tilespmem:s22+$0x1BD50]  }
0x258: {  	v6 =	vunpack.i.l.bf16.f32 v3  }
0x259: {  	v7 =	vld [tilespmem:s22+$0x1C138];
	v3 =	vunpack.i.u.bf16.f32 v3;
	v6 =	vadd.f32 $0.0e+00, v6  }
0x25a: {  	v3 =	vadd.f32 $0.0e+00, v3;
	v8 =	vunpack.i.l.bf16.f32 v4  }
0x25b: {  	v56 =	vld [tilespmem:s22+$0x1C520];
	v4 =	vunpack.i.u.bf16.f32 v4;
	v6 =	vadd.f32 v8, v6  }
0x25c: {  	v3 =	vadd.f32 v4, v3;
	v4 =	vunpack.i.l.bf16.f32 v5  }
0x25d: {  	v57 =	vld [tilespmem:s22+$0x1C908];
	v5 =	vunpack.i.u.bf16.f32 v5;
	v4 =	vadd.f32 v4, v6  }
0x25e: {  	v3 =	vadd.f32 v5, v3;
	v5 =	vunpack.i.l.bf16.f32 v7  }
0x25f: {  	v7 =	vunpack.i.u.bf16.f32 v7;
	v4 =	vadd.f32 v5, v4;
	v5 =	vld [tilespmem:s22+$0x1CCF0]  }
0x260: {  	v58 =	vunpack.i.l.bf16.f32 v56;
	v3 =	vadd.f32 v7, v3  }
0x261: {  	v59 =	vld [tilespmem:s22+$0x1D0D8];
	v8 =	vunpack.i.u.bf16.f32 v56;
	v4 =	vadd.f32 v58, v4  }
0x262: {  	s28 =	sshll.u32 s22, $0x1;
	v60 =	vunpack.i.l.bf16.f32 v57;
	v3 =	vadd.f32 v8, v3  }
0x263: {  	s24 =	sadd.s32 $0x7D0, s28;
	v6 =	vunpack.i.u.bf16.f32 v57;
	v4 =	vadd.f32 v60, v4  }
0x264: {  	v61 =	vadd.s32 s24, v0;
	s22 =	sadd.s32 $0x7D1, s28;
	v3 =	vadd.f32 v6, v3;
	v62 =	vunpack.i.l.bf16.f32 v5  }
0x265: {  	v63 =	vadd.s32 s22, v0;
	v5 =	vunpack.i.u.bf16.f32 v5;
	v4 =	vadd.f32 v62, v4  }
0x266: {  	v3 =	vadd.f32 v5, v3;
	v5 =	vunpack.i.l.bf16.f32 v59  }
0x267: {  	v7 =	vunpack.i.u.bf16.f32 v59;
	v4 =	vadd.f32 v5, v4  }
0x268: {  	v3 =	vadd.f32 v7, v3  }
0x269: {  	[tilespmem:v61+s19+$0x0] =	vst.idx.msk $0xffff, v4  }
0x26a: {  	s29 =	rddreg [dreg:$0xd];
	[tilespmem:v63+s19+$0x0] =	vst.idx.msk $0xffff, v3  }
0x26b: {  	[tilespmem:s18], [sflag:$0x5] =	stream.strided.gather [spmem:s29], $0x1F40, s31, s17, $0x38;
	[tilespmem:$0x1EC30] =	vst v63  }
0x26c: {  	_ =	swait.ge [sflag:s1], $0x1F40  }
0x26d: {  	s30 =	simm.s32 $0x0;
	[sflag:s1] =	ssyncset.done $0x0  }
0x26e: {  	s22 =	smin.u32 s30, $0x3D8;
	[sflag:s1] =	ssyncadd.s32 $0xFFFFE0C0  }
0x26f: {  	s24 =	simm.s32 $0x10;
	v3 =	vld [tilespmem:s22+$0x1B580]  }
.LBB2_16:
0x270: {  	p0 =	sne.s32 s24, $0x3E0  }
0x271: {  	v4 =	vld [tilespmem:s22+$0x1B968];
	_ =	sdelay $0x1  }
0x272: {  	v5 =	vld [tilespmem:s22+$0x1BD50]  }
0x273: {  	v6 =	vunpack.i.u.bf16.f32 v3;
	v3 =	vunpack.i.l.bf16.f32 v3  }
0x274: {  	v3 =	vadd.f32 $0.0e+00, v3;
	v7 =	vld [tilespmem:s22+$0x1C138]  }
0x275: {  	v6 =	vadd.f32 $0.0e+00, v6;
	v8 =	vunpack.i.u.bf16.f32 v4;
	v4 =	vunpack.i.l.bf16.f32 v4  }
0x276: {  	v3 =	vadd.f32 v4, v3;
	v4 =	vld [tilespmem:s22+$0x1C520]  }
0x277: {  	v6 =	vadd.f32 v8, v6;
	v8 =	vunpack.i.u.bf16.f32 v5;
	v5 =	vunpack.i.l.bf16.f32 v5  }
0x278: {  	v3 =	vadd.f32 v5, v3;
	v5 =	vld [tilespmem:s22+$0x1C908]  }
0x279: {  	v6 =	vadd.f32 v8, v6;
	v8 =	vunpack.i.u.bf16.f32 v7;
	v7 =	vunpack.i.l.bf16.f32 v7  }
0x27a: {  	v3 =	vadd.f32 v7, v3;
	v7 =	vld [tilespmem:s22+$0x1CCF0]  }
0x27b: {  	v6 =	vadd.f32 v8, v6;
	v8 =	vunpack.i.u.bf16.f32 v4;
	v4 =	vunpack.i.l.bf16.f32 v4  }
0x27c: {  	v3 =	vadd.f32 v4, v3;
	v4 =	vld [tilespmem:s22+$0x1D0D8];
	s22 =	sshll.u32 s22, $0x1  }
0x27d: {  	v6 =	vadd.f32 v8, v6;
	v8 =	vunpack.i.u.bf16.f32 v5;
	v5 =	vunpack.i.l.bf16.f32 v5;
	s25 =	sadd.s32 $0xFA0, s22  }
0x27e: {  	v3 =	vadd.f32 v5, v3;
	v5 =	vadd.s32 s25, v0  }
0x27f: {  	s22 =	sadd.s32 $0xFA1, s22;
	v6 =	vadd.f32 v8, v6;
	v8 =	vunpack.i.u.bf16.f32 v7;
	v7 =	vunpack.i.l.bf16.f32 v7  }
0x280: {  	v3 =	vadd.f32 v7, v3;
	v7 =	vadd.s32 s22, v0  }
0x281: {  	v6 =	vadd.f32 v8, v6;
	v8 =	vunpack.i.u.bf16.f32 v4;
	v4 =	vunpack.i.l.bf16.f32 v4  }
.Ltmp7:
0x282: {  	v3 =	vadd.f32 v4, v3;
	(pc) =	sbr.rel @p0 .LBB2_16-.Ltmp7, $4  }
0x283: {  	v4 =	vadd.f32 v8, v6  }
0x284: {  	[tilespmem:v5+s19+$0x0] =	vst.idx.msk $0xffff, v3  }
0x285: {  	s22 =	smin.u32 s24, $0x3D8;
	[tilespmem:v7+s19+$0x0] =	vst.idx.msk $0xffff, v4  }
0x286: {  	s24 =	sadd.s32 $0x10, s24;
	v3 =	vld [tilespmem:s22+$0x1B580]  }
0x287: {  	_ = 	snop  }
0x288: {  	v4 =	vld [tilespmem:s22+$0x1B968];
	_ =	sdelay $0x1  }
0x289: {  	v5 =	vld [tilespmem:s22+$0x1BD50]  }
0x28a: {  	v6 =	vunpack.i.l.bf16.f32 v3  }
0x28b: {  	v7 =	vld [tilespmem:s22+$0x1C138];
	v3 =	vunpack.i.u.bf16.f32 v3;
	v6 =	vadd.f32 $0.0e+00, v6  }
0x28c: {  	v3 =	vadd.f32 $0.0e+00, v3;
	v8 =	vunpack.i.l.bf16.f32 v4  }
0x28d: {  	v52 =	vld [tilespmem:s22+$0x1C520];
	v4 =	vunpack.i.u.bf16.f32 v4;
	v6 =	vadd.f32 v8, v6  }
0x28e: {  	v53 =	vunpack.i.l.bf16.f32 v5;
	v3 =	vadd.f32 v4, v3  }
0x28f: {  	v54 =	vld [tilespmem:s22+$0x1C908];
	v5 =	vunpack.i.u.bf16.f32 v5;
	v4 =	vadd.f32 v53, v6  }
0x290: {  	v55 =	vunpack.i.l.bf16.f32 v7;
	v3 =	vadd.f32 v5, v3  }
0x291: {  	v56 =	vld [tilespmem:s22+$0x1CCF0];
	v7 =	vunpack.i.u.bf16.f32 v7;
	v4 =	vadd.f32 v55, v4  }
0x292: {  	v57 =	vunpack.i.l.bf16.f32 v52;
	v3 =	vadd.f32 v7, v3  }
0x293: {  	v58 =	vld [tilespmem:s22+$0x1D0D8];
	v8 =	vunpack.i.u.bf16.f32 v52;
	v4 =	vadd.f32 v57, v4  }
0x294: {  	s26 =	sshll.u32 s22, $0x1;
	v59 =	vunpack.i.l.bf16.f32 v54;
	v3 =	vadd.f32 v8, v3  }
0x295: {  	s24 =	sadd.s32 $0xFA0, s26;
	v6 =	vunpack.i.u.bf16.f32 v54;
	v4 =	vadd.f32 v59, v4  }
0x296: {  	s22 =	sadd.s32 $0xFA1, s26;
	v60 =	vadd.s32 s24, v0;
	v61 =	vunpack.i.l.bf16.f32 v56;
	v3 =	vadd.f32 v6, v3  }
0x297: {  	v62 =	vadd.s32 s22, v0;
	v5 =	vunpack.i.u.bf16.f32 v56;
	v4 =	vadd.f32 v61, v4  }
0x298: {  	v63 =	vunpack.i.l.bf16.f32 v58;
	v3 =	vadd.f32 v5, v3  }
0x299: {  	v7 =	vunpack.i.u.bf16.f32 v58;
	v4 =	vadd.f32 v63, v4  }
0x29a: {  	v3 =	vadd.f32 v7, v3  }
0x29b: {  	[tilespmem:v60+s19+$0x0] =	vst.idx.msk $0xffff, v4  }
0x29c: {  	s28 =	rddreg [dreg:$0xe];
	s22 =	simm.s32 $0x0;
	[tilespmem:v62+s19+$0x0] =	vst.idx.msk $0xffff, v3  }
0x29d: {  	[hbm4b:s28+s22] =	stream.linear.scatter [tilespmem:s19], [sflag:$0x5], $0x1770, $0x38;
	[tilespmem:$0x1EC30] =	vst v63  }
0x29e: {  	_ =	swait.ge [sflag:s1], $0x1770  }
0x29f: {  	[sflag:s1] =	ssyncset.done $0x0  }
0x2a0: {  	[sflag:s1] =	ssyncadd.s32 $0xFFFFE890  }
0x2a1: {  	[bflag:$0x0] =	sbarrier.arrive $0xFFFF  }
0x2a2: {  	s29 =	rddreg [dreg:$0xf]  }
0x2a3: {  	[tilespmem:s0], [sflag:$0x1] =	stream.linear.gather [hbm4b:s29+s22], $0x640, $0x38;
	[tilespmem:$0x1EC30] =	vst v63  }
0x2a4: {  	s30 =	rddreg [dreg:$0x10]  }
0x2a5: {  	[tilespmem:s5], [sflag:$0x1] =	stream.linear.gather [hbm4b:s30+s22], $0x640, $0x38;
	[tilespmem:$0x1EC30] =	vst v63  }
.LBB2_18:
0x2a6: {  	s24 =	smul.u32 $0xC80, s22;
	_ =	sdelay $0x1  }
0x2a7: {  	s25 =	sadd.s32 s24, s21  }
0x2a8: {  	s25 =	sshrl.u32 s25, $0x3  }
0x2a9: {  	s25 =	sadd.s32 s4, s25  }
0x2aa: {  	[tilespmem:s7], [sflag:$0x2] =	stream.linear.gather [hbm4b:s25+s2], $0x640, $0x38;
	[tilespmem:$0x1EC30] =	vst v63  }
0x2ab: {  	s25 =	sadd.s32 $0x9C40, s25  }
0x2ac: {  	[tilespmem:s10], [sflag:$0x2] =	stream.linear.gather [hbm4b:s25+s2], $0x640, $0x38;
	[tilespmem:$0x1EC30] =	vst v63  }
0x2ad: {  	_ =	swait.ge [sflag:s11], $0x640  }
0x2ae: {  	[sflag:s11] =	ssyncset.done $0x0  }
0x2af: {  	[sflag:s11] =	ssyncadd.s32 $0xFFFFF9C0  }
0x2b0: {  	s30 =	simm.s32 $0x0;
	_ =	swait.ge [sflag:s11], $0x640  }
0x2b1: {  	p0 =	seq.s32 s22, $0x0;
	v3 =	vor.u32 s30, v0;
	[sflag:s11] =	ssyncset.done $0x0  }
0x2b2: {  	s26 =	simm.s32 $0x1;
	s25 =	simm.s32 @!p0 $0x3;
	[sflag:s11] =	ssyncadd.s32 $0xFFFFF9C0  }
0x2b3: {  	v4 =	vor.u32 s26, v0;
	_ =	swait.ge @!p0 [sflag:s25], $0x320  }
0x2b4: {  	[sflag:s25] =	ssyncset.done @!p0 $0x0  }
0x2b5: {  	[sflag:s25] =	ssyncadd.s32 @!p0 $0xFFFFFCE0  }
0x2b6: {  	v5 =	vld.idx.msk [tilespmem:v3+s0+$0x0], $0xffff  }
0x2b7: {  	v9 =	vld.idx.msk [tilespmem:v3+s5+$0x0], $0xffff  }
0x2b8: {  	v8 =	vld.idx.msk [tilespmem:v4+s0+$0x0], $0xffff  }
0x2b9: {  	v11 =	vld.idx.msk [tilespmem:v4+s5+$0x0], $0xffff;
	_ =	sdelay $0x3  }
0x2ba: {  	v3 =	vadd.s32 $0x7530, v5  }
0x2bb: {  	v4 =	vadd.s32 $0x2710, v9;
	v7 =	vld.idx.msk [tilespmem:v5+s31+$0x0], $0xffff  }
0x2bc: {  	v6 =	vadd.s32 $0x4E20, v9;
	v10 =	vld.idx.msk [tilespmem:v9+s31+$0x0], $0xffff  }
0x2bd: {  	v12 =	vadd.s32 $0xEA60, v5;
	v13 =	vld.idx.msk [tilespmem:v8+s31+$0x0], $0xffff  }
0x2be: {  	v14 =	vadd.s32 $0x11170, v5;
	v17 =	vld.idx.msk [tilespmem:v11+s31+$0x0], $0xffff  }
0x2bf: {  	v16 =	vadd.s32 $0x2710, v5;
	v15 =	vld.idx.msk [tilespmem:v3+s31+$0x0], $0xffff  }
0x2c0: {  	v19 =	vadd.s32 $0x4E20, v5;
	v18 =	vld.idx.msk [tilespmem:v4+s31+$0x0], $0xffff  }
0x2c1: {  	v20 =	vadd.s32 $0xC350, v5;
	v21 =	vld.idx.msk [tilespmem:v6+s31+$0x0], $0xffff  }
0x2c2: {  	v22 =	vadd.s32 $0x9C40, v9;
	v4 =	vld.idx.msk [tilespmem:v12+s31+$0x0], $0xffff  }
0x2c3: {  	v23 =	vadd.s32 $0x7530, v9;
	v3 =	vld.idx.msk [tilespmem:v14+s31+$0x0], $0xffff  }
0x2c4: {  	v6 =	vadd.s32 $0x11170, v8;
	v16 =	vld.idx.msk [tilespmem:v16+s31+$0x0], $0xffff  }
0x2c5: {  	v12 =	vadd.s32 $0x9C40, v5;
	v19 =	vld.idx.msk [tilespmem:v19+s31+$0x0], $0xffff  }
0x2c6: {  	v14 =	vadd.s32 $0xEA60, v9;
	v20 =	vld.idx.msk [tilespmem:v20+s31+$0x0], $0xffff  }
0x2c7: {  	v24 =	vadd.s32 $0xC350, v9;
	v22 =	vld.idx.msk [tilespmem:v22+s31+$0x0], $0xffff  }
0x2c8: {  	v25 =	vadd.s32 $0x2710, v8;
	v23 =	vld.idx.msk [tilespmem:v23+s31+$0x0], $0xffff  }
0x2c9: {  	v29 =	vadd.s32 $0x9C40, v8;
	v5 =	vld.idx.msk [tilespmem:v6+s31+$0x0], $0xffff  }
0x2ca: {  	v7 =	vmul.bf16 v10, v7;
	v26 =	vld.idx.msk [tilespmem:v12+s31+$0x0], $0xffff;
	v12 =	vadd.s32 $0x2710, v11  }
0x2cb: {  	v6 =	vld.idx.msk [tilespmem:v14+s31+$0x0], $0xffff;
	v14 =	vadd.s32 $0x4E20, v8  }
0x2cc: {  	v27 =	vadd.s32 $0x4E20, v11;
	v24 =	vld.idx.msk [tilespmem:v24+s31+$0x0], $0xffff;
	v7 =	vadd.bf16 v1, v7;
	v16 =	vmul.bf16 v18, v16  }
0x2cd: {  	v28 =	vadd.s32 $0x7530, v8;
	v25 =	vld.idx.msk [tilespmem:v25+s31+$0x0], $0xffff  }
0x2ce: {  	v10 =	vadd.s32 $0x7530, v11;
	v7 =	vadd.bf16 v16, v7;
	v16 =	vmul.bf16 v17, v13;
	v13 =	vld.idx.msk [tilespmem:v29+s31+$0x0], $0xffff  }
0x2cf: {  	v32 =	vadd.s32 $0xC350, v8;
	v18 =	vld.idx.msk [tilespmem:v12+s31+$0x0], $0xffff  }
0x2d0: {  	v30 =	vadd.s32 $0x9C40, v11;
	v31 =	vld.idx.msk [tilespmem:v14+s31+$0x0], $0xffff;
	v14 =	vmul.bf16 v21, v19  }
0x2d1: {  	v63 =	vadd.s32 $0xC350, v11;
	v21 =	vld.idx.msk [tilespmem:v27+s31+$0x0], $0xffff  }
0x2d2: {  	v15 =	vmul.bf16 v23, v15;
	v12 =	vld.idx.msk [tilespmem:v28+s31+$0x0], $0xffff;
	v17 =	vadd.bf16 v14, v7  }
0x2d3: {  	v19 =	vmul.bf16 v22, v26;
	v22 =	vadd.bf16 v1, v16;
	v14 =	vld.idx.msk [tilespmem:v10+s31+$0x0], $0xffff;
	v10 =	vadd.s32 $0xEA60, v8  }
0x2d4: {  	v16 =	vld.idx.msk [tilespmem:v32+s31+$0x0], $0xffff;
	v7 =	vadd.s32 $0xEA60, v11;
	v15 =	vadd.bf16 v15, v17;
	v18 =	vmul.bf16 v18, v25  }
0x2d5: {  	v9 =	vadd.s32 $0x11170, v9;
	v8 =	vadd.s32 $0x11170, v11;
	v11 =	vmul.bf16 v24, v20;
	v17 =	vld.idx.msk [tilespmem:v30+s31+$0x0], $0xffff  }
0x2d6: {  	s28 =	simm.s32 $0x21;
	s26 =	simm.s32 $0x1AF40;
	s25 =	simm.s32 $0x1AF40;
	v20 =	vmul.bf16 v21, v31;
	v15 =	vadd.bf16 v19, v15;
	v19 =	vadd.bf16 v18, v22;
	v18 =	vld.idx.msk [tilespmem:v63+s31+$0x0], $0xffff  }
.LBB2_19:
0x2d7: {  	p1 =	sne.s32 s28, $0x621  }
0x2d8: {  	v10 =	vld.idx.msk [tilespmem:v10+s31+$0x0], $0xffff;
	s26 =	sadd.s32 $0x10, s26;
	s29 =	smov.u32 s28;
	s28 =	sadd.s32 $0x20, s28  }
0x2d9: {  	v12 =	vmul.bf16 v14, v12;
	v19 =	vadd.bf16 v20, v19;
	v7 =	vld.idx.msk [tilespmem:v7+s31+$0x0], $0xffff  }
0x2da: {  	v9 =	vld.idx.msk [tilespmem:v9+s31+$0x0], $0xffff  }
0x2db: {  	v13 =	vmul.bf16 v17, v13;
	v12 =	vadd.bf16 v12, v19;
	v8 =	vld.idx.msk [tilespmem:v8+s31+$0x0], $0xffff;
	_ =	sdelay $0x1  }
0x2dc: {  	v12 =	vadd.bf16 v13, v12;
	v13 =	vmul.bf16 v18, v16  }
0x2dd: {  	v11 =	vadd.bf16 v11, v15;
	v4 =	vmul.bf16 v6, v4  }
0x2de: {  	v7 =	vmul.bf16 v7, v10;
	v6 =	vadd.bf16 v13, v12  }
0x2df: {  	v4 =	vadd.bf16 v4, v11;
	v3 =	vmul.bf16 v9, v3  }
0x2e0: {  	v5 =	vmul.bf16 v8, v5;
	v6 =	vadd.bf16 v7, v6  }
0x2e1: {  	v3 =	vadd.bf16 v3, v4  }
0x2e2: {  	v4 =	vadd.bf16 v5, v6  }
0x2e3: {  	s30 =	sadd.s32 $0xFFFFFFFF, s29;
	v5 =	vunpack.i.u.bf16.f32 v3;
	v3 =	vunpack.i.l.bf16.f32 v3  }
0x2e4: {  	v6 =	vor.u32 s30, v0;
	v7 =	vunpack.i.u.bf16.f32 v4;
	v4 =	vunpack.i.l.bf16.f32 v4  }
0x2e5: {  	v3 =	vadd.f32 v3, v5;
	v4 =	vadd.f32 v4, v7  }
0x2e6: {  	v5 =	vor.u32 s29, v0  }
0x2e7: {  	v3 =	vpack.i.f32.bf16 v4, v3  }
0x2e8: {  	[tilespmem:s25+$0x0] =	vst v3;
	s25 =	smov.u32 s26;
	_ =	sdelay $0x1  }
0x2e9: {  	v3 =	vld.idx.msk [tilespmem:v6+s0+$0x0], $0xffff  }
0x2ea: {  	v6 =	vld.idx.msk [tilespmem:v6+s5+$0x0], $0xffff  }
0x2eb: {  	v11 =	vld.idx.msk [tilespmem:v5+s0+$0x0], $0xffff  }
0x2ec: {  	v4 =	vld.idx.msk [tilespmem:v5+s5+$0x0], $0xffff;
	_ =	sdelay $0x2  }
0x2ed: {  	v5 =	vadd.s32 $0x7530, v3  }
0x2ee: {  	v13 =	vadd.s32 $0x9C40, v3;
	v7 =	vadd.s32 $0x2710, v6;
	v12 =	vadd.s32 $0x7530, v6  }
0x2ef: {  	v15 =	vadd.s32 $0xC350, v3;
	v16 =	vadd.s32 $0xC350, v6;
	v17 =	vadd.s32 $0x2710, v11;
	v14 =	vld.idx.msk [tilespmem:v3+s31+$0x0], $0xffff  }
0x2f0: {  	v19 =	vadd.s32 $0x11170, v3;
	v8 =	vadd.s32 $0x4E20, v6;
	v20 =	vadd.s32 $0x4E20, v4;
	v18 =	vld.idx.msk [tilespmem:v6+s31+$0x0], $0xffff  }
0x2f1: {  	v9 =	vadd.s32 $0xEA60, v3;
	v23 =	vadd.s32 $0x4E20, v11;
	v22 =	vadd.s32 $0x2710, v4;
	v21 =	vld.idx.msk [tilespmem:v11+s31+$0x0], $0xffff  }
0x2f2: {  	v25 =	vadd.s32 $0x7530, v11;
	v26 =	vadd.s32 $0x7530, v4;
	v27 =	vadd.s32 $0x9C40, v4;
	v24 =	vld.idx.msk [tilespmem:v5+s31+$0x0], $0xffff  }
0x2f3: {  	v29 =	vadd.s32 $0x9C40, v11;
	v30 =	vadd.s32 $0xC350, v4;
	v5 =	vadd.s32 $0x2710, v3;
	v28 =	vld.idx.msk [tilespmem:v4+s31+$0x0], $0xffff  }
0x2f4: {  	v32 =	vadd.s32 $0x4E20, v3;
	v33 =	vadd.s32 $0xC350, v11;
	v31 =	vld.idx.msk [tilespmem:v7+s31+$0x0], $0xffff;
	v7 =	vadd.s32 $0xEA60, v4  }
0x2f5: {  	v35 =	vadd.s32 $0xEA60, v6;
	v10 =	vadd.s32 $0xEA60, v11;
	v34 =	vld.idx.msk [tilespmem:v8+s31+$0x0], $0xffff;
	v8 =	vadd.s32 $0x11170, v4  }
0x2f6: {  	v11 =	vadd.s32 $0x11170, v11;
	v4 =	vld.idx.msk [tilespmem:v9+s31+$0x0], $0xffff;
	v9 =	vadd.s32 $0x11170, v6  }
0x2f7: {  	v3 =	vld.idx.msk [tilespmem:v19+s31+$0x0], $0xffff  }
0x2f8: {  	v19 =	vld.idx.msk [tilespmem:v5+s31+$0x0], $0xffff  }
0x2f9: {  	v14 =	vmul.bf16 v18, v14;
	v21 =	vmul.bf16 v28, v21;
	v18 =	vld.idx.msk [tilespmem:v32+s31+$0x0], $0xffff;
	v32 =	vadd.s32 $0x9C40, v6  }
0x2fa: {  	v15 =	vld.idx.msk [tilespmem:v15+s31+$0x0], $0xffff  }
0x2fb: {  	v5 =	vld.idx.msk [tilespmem:v11+s31+$0x0], $0xffff  }
0x2fc: {  	v11 =	vld.idx.msk [tilespmem:v13+s31+$0x0], $0xffff  }
0x2fd: {  	v6 =	vld.idx.msk [tilespmem:v35+s31+$0x0], $0xffff  }
0x2fe: {  	v13 =	vadd.bf16 v1, v14;
	v14 =	vmul.bf16 v31, v19;
	v19 =	vld.idx.msk [tilespmem:v32+s31+$0x0], $0xffff  }
0x2ff: {  	v12 =	vld.idx.msk [tilespmem:v12+s31+$0x0], $0xffff  }
0x300: {  	v13 =	vadd.bf16 v14, v13;
	v14 =	vmul.bf16 v34, v18;
	v16 =	vld.idx.msk [tilespmem:v16+s31+$0x0], $0xffff  }
0x301: {  	v17 =	vld.idx.msk [tilespmem:v17+s31+$0x0], $0xffff  }
0x302: {  	v13 =	vadd.bf16 v14, v13;
	v18 =	vld.idx.msk [tilespmem:v22+s31+$0x0], $0xffff  }
0x303: {  	v22 =	vld.idx.msk [tilespmem:v23+s31+$0x0], $0xffff  }
0x304: {  	v19 =	vmul.bf16 v19, v11;
	v20 =	vld.idx.msk [tilespmem:v20+s31+$0x0], $0xffff  }
0x305: {  	v23 =	vmul.bf16 v12, v24;
	v12 =	vld.idx.msk [tilespmem:v25+s31+$0x0], $0xffff  }
.Ltmp8:
0x306: {  	v11 =	vmul.bf16 v16, v15;
	v14 =	vld.idx.msk [tilespmem:v26+s31+$0x0], $0xffff;
	(pc) =	sbr.rel @p1 .LBB2_19-.Ltmp8, $4  }
0x307: {  	v15 =	vadd.bf16 v23, v13;
	v13 =	vld.idx.msk [tilespmem:v29+s31+$0x0], $0xffff  }
0x308: {  	v21 =	vadd.bf16 v1, v21;
	v18 =	vmul.bf16 v18, v17;
	v17 =	vld.idx.msk [tilespmem:v27+s31+$0x0], $0xffff  }
0x309: {  	v15 =	vadd.bf16 v19, v15;
	v16 =	vld.idx.msk [tilespmem:v33+s31+$0x0], $0xffff  }
0x30a: {  	v19 =	vadd.bf16 v18, v21;
	v20 =	vmul.bf16 v20, v22;
	v18 =	vld.idx.msk [tilespmem:v30+s31+$0x0], $0xffff  }
0x30b: {  	_ =	sdelay $0x3  }
0x30c: {  	v10 =	vld.idx.msk [tilespmem:v10+s31+$0x0], $0xffff;
	v12 =	vmul.bf16 v14, v12;
	v19 =	vadd.bf16 v20, v19  }
0x30d: {  	v7 =	vld.idx.msk [tilespmem:v7+s31+$0x0], $0xffff  }
0x30e: {  	v9 =	vld.idx.msk [tilespmem:v9+s31+$0x0], $0xffff;
	v13 =	vmul.bf16 v17, v13;
	v12 =	vadd.bf16 v12, v19  }
0x30f: {  	v8 =	vld.idx.msk [tilespmem:v8+s31+$0x0], $0xffff  }
0x310: {  	v12 =	vadd.bf16 v13, v12;
	v13 =	vmul.bf16 v18, v16  }
0x311: {  	v11 =	vadd.bf16 v11, v15;
	v4 =	vmul.bf16 v6, v4  }
0x312: {  	v7 =	vmul.bf16 v7, v10;
	v6 =	vadd.bf16 v13, v12  }
0x313: {  	v4 =	vadd.bf16 v4, v11;
	v3 =	vmul.bf16 v9, v3  }
0x314: {  	v5 =	vmul.bf16 v8, v5;
	v6 =	vadd.bf16 v7, v6  }
0x315: {  	v3 =	vadd.bf16 v3, v4  }
0x316: {  	v4 =	vadd.bf16 v5, v6  }
0x317: {  	v5 =	vunpack.i.u.bf16.f32 v3  }
0x318: {  	v3 =	vunpack.i.l.bf16.f32 v3;
	v6 =	vunpack.i.u.bf16.f32 v4;
	v4 =	vunpack.i.l.bf16.f32 v4  }
0x319: {  	s26 =	smul.u32 $0x1900, s22;
	v3 =	vadd.f32 v3, v5;
	v4 =	vadd.f32 v4, v6;
	_ =	sdelay $0x1  }
0x31a: {  	s24 =	sadd.s32 s24, s23;
	s26 =	sshra.s32 s26, $0x2;
	v3 =	vpack.i.f32.bf16 v4, v3  }
0x31b: {  	s24 =	sshrl.u32 s24, $0x3;
	[tilespmem:s25+$0x0] =	vst v3;
	s25 =	sadd.s32 s26, s8  }
0x31c: {  	[spmem:s25] =	stream.linear.scatter [tilespmem:s12], [sflag:$0x3], $0x320, $0x38;
	[tilespmem:$0x1EC30] =	vst v63  }
0x31d: {  	s24 =	sadd.s32 s4, s24  }
0x31e: {  	[tilespmem:s0], [sflag:$0x1] =	stream.linear.gather [hbm4b:s24+s2], $0x640, $0x38;
	[tilespmem:$0x1EC30] =	vst v63  }
0x31f: {  	s24 =	sadd.s32 $0x9C40, s24  }
0x320: {  	[tilespmem:s5], [sflag:$0x1] =	stream.linear.gather [hbm4b:s24+s2], $0x640, $0x38;
	[tilespmem:$0x1EC30] =	vst v63  }
0x321: {  	_ =	swait.ge [sflag:s13], $0x640  }
0x322: {  	[sflag:s13] =	ssyncset.done $0x0  }
0x323: {  	[sflag:s13] =	ssyncadd.s32 $0xFFFFF9C0  }
0x324: {  	s29 =	simm.s32 $0x0;
	_ =	swait.ge [sflag:s13], $0x640  }
0x325: {  	v3 =	vor.u32 s29, v0;
	[sflag:s13] =	ssyncset.done $0x0  }
0x326: {  	s30 =	simm.s32 $0x1;
	s24 =	simm.s32 @!p0 $0x4;
	[sflag:s13] =	ssyncadd.s32 $0xFFFFF9C0  }
0x327: {  	v4 =	vor.u32 s30, v0;
	_ =	swait.ge @!p0 [sflag:s24], $0x320  }
0x328: {  	[sflag:s24] =	ssyncset.done @!p0 $0x0  }
0x329: {  	[sflag:s24] =	ssyncadd.s32 @!p0 $0xFFFFFCE0  }
0x32a: {  	v5 =	vld.idx.msk [tilespmem:v3+s7+$0x0], $0xffff  }
0x32b: {  	v9 =	vld.idx.msk [tilespmem:v3+s10+$0x0], $0xffff  }
0x32c: {  	v8 =	vld.idx.msk [tilespmem:v4+s7+$0x0], $0xffff  }
0x32d: {  	v11 =	vld.idx.msk [tilespmem:v4+s10+$0x0], $0xffff;
	_ =	sdelay $0x3  }
0x32e: {  	v3 =	vadd.s32 $0x7530, v5  }
0x32f: {  	v4 =	vadd.s32 $0x2710, v9;
	v7 =	vld.idx.msk [tilespmem:v5+s31+$0x0], $0xffff  }
0x330: {  	v6 =	vadd.s32 $0x4E20, v9;
	v10 =	vld.idx.msk [tilespmem:v9+s31+$0x0], $0xffff  }
0x331: {  	v12 =	vadd.s32 $0xEA60, v5;
	v13 =	vld.idx.msk [tilespmem:v8+s31+$0x0], $0xffff  }
0x332: {  	v14 =	vadd.s32 $0x11170, v5;
	v17 =	vld.idx.msk [tilespmem:v11+s31+$0x0], $0xffff  }
0x333: {  	v16 =	vadd.s32 $0x2710, v5;
	v15 =	vld.idx.msk [tilespmem:v3+s31+$0x0], $0xffff  }
0x334: {  	v19 =	vadd.s32 $0x4E20, v5;
	v18 =	vld.idx.msk [tilespmem:v4+s31+$0x0], $0xffff  }
0x335: {  	v20 =	vadd.s32 $0xC350, v5;
	v21 =	vld.idx.msk [tilespmem:v6+s31+$0x0], $0xffff  }
0x336: {  	v22 =	vadd.s32 $0x9C40, v9;
	v4 =	vld.idx.msk [tilespmem:v12+s31+$0x0], $0xffff  }
0x337: {  	v23 =	vadd.s32 $0x7530, v9;
	v3 =	vld.idx.msk [tilespmem:v14+s31+$0x0], $0xffff  }
0x338: {  	v6 =	vadd.s32 $0x11170, v8;
	v16 =	vld.idx.msk [tilespmem:v16+s31+$0x0], $0xffff  }
0x339: {  	v12 =	vadd.s32 $0x9C40, v5;
	v19 =	vld.idx.msk [tilespmem:v19+s31+$0x0], $0xffff  }
0x33a: {  	v14 =	vadd.s32 $0xEA60, v9;
	v20 =	vld.idx.msk [tilespmem:v20+s31+$0x0], $0xffff  }
0x33b: {  	v24 =	vadd.s32 $0xC350, v9;
	v22 =	vld.idx.msk [tilespmem:v22+s31+$0x0], $0xffff  }
0x33c: {  	v25 =	vadd.s32 $0x2710, v8;
	v23 =	vld.idx.msk [tilespmem:v23+s31+$0x0], $0xffff  }
0x33d: {  	v29 =	vadd.s32 $0x9C40, v8;
	v5 =	vld.idx.msk [tilespmem:v6+s31+$0x0], $0xffff  }
0x33e: {  	v7 =	vmul.bf16 v10, v7;
	v26 =	vld.idx.msk [tilespmem:v12+s31+$0x0], $0xffff;
	v12 =	vadd.s32 $0x2710, v11  }
0x33f: {  	v6 =	vld.idx.msk [tilespmem:v14+s31+$0x0], $0xffff;
	v14 =	vadd.s32 $0x4E20, v8  }
0x340: {  	v27 =	vadd.s32 $0x4E20, v11;
	v24 =	vld.idx.msk [tilespmem:v24+s31+$0x0], $0xffff;
	v7 =	vadd.bf16 v1, v7;
	v16 =	vmul.bf16 v18, v16  }
0x341: {  	v28 =	vadd.s32 $0x7530, v8;
	v25 =	vld.idx.msk [tilespmem:v25+s31+$0x0], $0xffff  }
0x342: {  	v10 =	vadd.s32 $0x7530, v11;
	v7 =	vadd.bf16 v16, v7;
	v16 =	vmul.bf16 v17, v13;
	v13 =	vld.idx.msk [tilespmem:v29+s31+$0x0], $0xffff  }
0x343: {  	v32 =	vadd.s32 $0xC350, v8;
	v18 =	vld.idx.msk [tilespmem:v12+s31+$0x0], $0xffff  }
0x344: {  	v30 =	vadd.s32 $0x9C40, v11;
	v31 =	vld.idx.msk [tilespmem:v14+s31+$0x0], $0xffff;
	v14 =	vmul.bf16 v21, v19  }
0x345: {  	v63 =	vadd.s32 $0xC350, v11;
	v21 =	vld.idx.msk [tilespmem:v27+s31+$0x0], $0xffff  }
0x346: {  	v15 =	vmul.bf16 v23, v15;
	v12 =	vld.idx.msk [tilespmem:v28+s31+$0x0], $0xffff;
	v17 =	vadd.bf16 v14, v7  }
0x347: {  	v19 =	vmul.bf16 v22, v26;
	v22 =	vadd.bf16 v1, v16;
	v14 =	vld.idx.msk [tilespmem:v10+s31+$0x0], $0xffff;
	v10 =	vadd.s32 $0xEA60, v8  }
0x348: {  	v16 =	vld.idx.msk [tilespmem:v32+s31+$0x0], $0xffff;
	v7 =	vadd.s32 $0xEA60, v11;
	v15 =	vadd.bf16 v15, v17;
	v18 =	vmul.bf16 v18, v25  }
0x349: {  	v9 =	vadd.s32 $0x11170, v9;
	v8 =	vadd.s32 $0x11170, v11;
	v11 =	vmul.bf16 v24, v20;
	v17 =	vld.idx.msk [tilespmem:v30+s31+$0x0], $0xffff  }
0x34a: {  	s28 =	simm.s32 $0x21;
	s26 =	simm.s32 $0x1B260;
	s24 =	simm.s32 $0x1B260;
	v20 =	vmul.bf16 v21, v31;
	v15 =	vadd.bf16 v19, v15;
	v19 =	vadd.bf16 v18, v22;
	v18 =	vld.idx.msk [tilespmem:v63+s31+$0x0], $0xffff  }
.LBB2_21:
0x34b: {  	p0 =	sne.s32 s28, $0x621  }
0x34c: {  	v10 =	vld.idx.msk [tilespmem:v10+s31+$0x0], $0xffff;
	s26 =	sadd.s32 $0x10, s26;
	s29 =	smov.u32 s28;
	s28 =	sadd.s32 $0x20, s28  }
0x34d: {  	v12 =	vmul.bf16 v14, v12;
	v19 =	vadd.bf16 v20, v19;
	v7 =	vld.idx.msk [tilespmem:v7+s31+$0x0], $0xffff  }
0x34e: {  	v9 =	vld.idx.msk [tilespmem:v9+s31+$0x0], $0xffff  }
0x34f: {  	v13 =	vmul.bf16 v17, v13;
	v12 =	vadd.bf16 v12, v19;
	v8 =	vld.idx.msk [tilespmem:v8+s31+$0x0], $0xffff;
	_ =	sdelay $0x1  }
0x350: {  	v12 =	vadd.bf16 v13, v12;
	v13 =	vmul.bf16 v18, v16  }
0x351: {  	v11 =	vadd.bf16 v11, v15;
	v4 =	vmul.bf16 v6, v4  }
0x352: {  	v7 =	vmul.bf16 v7, v10;
	v6 =	vadd.bf16 v13, v12  }
0x353: {  	v4 =	vadd.bf16 v4, v11;
	v3 =	vmul.bf16 v9, v3  }
0x354: {  	v5 =	vmul.bf16 v8, v5;
	v6 =	vadd.bf16 v7, v6  }
0x355: {  	v3 =	vadd.bf16 v3, v4  }
0x356: {  	v4 =	vadd.bf16 v5, v6  }
0x357: {  	s30 =	sadd.s32 $0xFFFFFFFF, s29;
	v5 =	vunpack.i.u.bf16.f32 v3;
	v3 =	vunpack.i.l.bf16.f32 v3  }
0x358: {  	v6 =	vor.u32 s30, v0;
	v7 =	vunpack.i.u.bf16.f32 v4;
	v4 =	vunpack.i.l.bf16.f32 v4  }
0x359: {  	v3 =	vadd.f32 v3, v5;
	v4 =	vadd.f32 v4, v7  }
0x35a: {  	v5 =	vor.u32 s29, v0  }
0x35b: {  	v3 =	vpack.i.f32.bf16 v4, v3  }
0x35c: {  	[tilespmem:s24+$0x0] =	vst v3;
	s24 =	smov.u32 s26;
	_ =	sdelay $0x1  }
0x35d: {  	v3 =	vld.idx.msk [tilespmem:v6+s7+$0x0], $0xffff  }
0x35e: {  	v6 =	vld.idx.msk [tilespmem:v6+s10+$0x0], $0xffff  }
0x35f: {  	v11 =	vld.idx.msk [tilespmem:v5+s7+$0x0], $0xffff  }
0x360: {  	v4 =	vld.idx.msk [tilespmem:v5+s10+$0x0], $0xffff;
	_ =	sdelay $0x2  }
0x361: {  	v5 =	vadd.s32 $0x7530, v3  }
0x362: {  	v13 =	vadd.s32 $0x9C40, v3;
	v7 =	vadd.s32 $0x2710, v6;
	v12 =	vadd.s32 $0x7530, v6  }
0x363: {  	v15 =	vadd.s32 $0xC350, v3;
	v16 =	vadd.s32 $0xC350, v6;
	v17 =	vadd.s32 $0x2710, v11;
	v14 =	vld.idx.msk [tilespmem:v3+s31+$0x0], $0xffff  }
0x364: {  	v19 =	vadd.s32 $0x11170, v3;
	v8 =	vadd.s32 $0x4E20, v6;
	v20 =	vadd.s32 $0x4E20, v4;
	v18 =	vld.idx.msk [tilespmem:v6+s31+$0x0], $0xffff  }
0x365: {  	v9 =	vadd.s32 $0xEA60, v3;
	v23 =	vadd.s32 $0x4E20, v11;
	v22 =	vadd.s32 $0x2710, v4;
	v21 =	vld.idx.msk [tilespmem:v11+s31+$0x0], $0xffff  }
0x366: {  	v25 =	vadd.s32 $0x7530, v11;
	v26 =	vadd.s32 $0x7530, v4;
	v27 =	vadd.s32 $0x9C40, v4;
	v24 =	vld.idx.msk [tilespmem:v5+s31+$0x0], $0xffff  }
0x367: {  	v29 =	vadd.s32 $0x9C40, v11;
	v30 =	vadd.s32 $0xC350, v4;
	v5 =	vadd.s32 $0x2710, v3;
	v28 =	vld.idx.msk [tilespmem:v4+s31+$0x0], $0xffff  }
0x368: {  	v32 =	vadd.s32 $0x4E20, v3;
	v33 =	vadd.s32 $0xC350, v11;
	v31 =	vld.idx.msk [tilespmem:v7+s31+$0x0], $0xffff;
	v7 =	vadd.s32 $0xEA60, v4  }
0x369: {  	v35 =	vadd.s32 $0xEA60, v6;
	v10 =	vadd.s32 $0xEA60, v11;
	v34 =	vld.idx.msk [tilespmem:v8+s31+$0x0], $0xffff;
	v8 =	vadd.s32 $0x11170, v4  }
0x36a: {  	v11 =	vadd.s32 $0x11170, v11;
	v4 =	vld.idx.msk [tilespmem:v9+s31+$0x0], $0xffff;
	v9 =	vadd.s32 $0x11170, v6  }
0x36b: {  	v3 =	vld.idx.msk [tilespmem:v19+s31+$0x0], $0xffff  }
0x36c: {  	v19 =	vld.idx.msk [tilespmem:v5+s31+$0x0], $0xffff  }
0x36d: {  	v14 =	vmul.bf16 v18, v14;
	v21 =	vmul.bf16 v28, v21;
	v18 =	vld.idx.msk [tilespmem:v32+s31+$0x0], $0xffff;
	v32 =	vadd.s32 $0x9C40, v6  }
0x36e: {  	v15 =	vld.idx.msk [tilespmem:v15+s31+$0x0], $0xffff  }
0x36f: {  	v5 =	vld.idx.msk [tilespmem:v11+s31+$0x0], $0xffff  }
0x370: {  	v11 =	vld.idx.msk [tilespmem:v13+s31+$0x0], $0xffff  }
0x371: {  	v6 =	vld.idx.msk [tilespmem:v35+s31+$0x0], $0xffff  }
0x372: {  	v13 =	vadd.bf16 v1, v14;
	v14 =	vmul.bf16 v31, v19;
	v19 =	vld.idx.msk [tilespmem:v32+s31+$0x0], $0xffff  }
0x373: {  	v12 =	vld.idx.msk [tilespmem:v12+s31+$0x0], $0xffff  }
0x374: {  	v13 =	vadd.bf16 v14, v13;
	v14 =	vmul.bf16 v34, v18;
	v16 =	vld.idx.msk [tilespmem:v16+s31+$0x0], $0xffff  }
0x375: {  	v17 =	vld.idx.msk [tilespmem:v17+s31+$0x0], $0xffff  }
0x376: {  	v13 =	vadd.bf16 v14, v13;
	v18 =	vld.idx.msk [tilespmem:v22+s31+$0x0], $0xffff  }
0x377: {  	v22 =	vld.idx.msk [tilespmem:v23+s31+$0x0], $0xffff  }
0x378: {  	v19 =	vmul.bf16 v19, v11;
	v20 =	vld.idx.msk [tilespmem:v20+s31+$0x0], $0xffff  }
0x379: {  	v23 =	vmul.bf16 v12, v24;
	v12 =	vld.idx.msk [tilespmem:v25+s31+$0x0], $0xffff  }
.Ltmp9:
0x37a: {  	v11 =	vmul.bf16 v16, v15;
	v14 =	vld.idx.msk [tilespmem:v26+s31+$0x0], $0xffff;
	(pc) =	sbr.rel @p0 .LBB2_21-.Ltmp9, $4  }
0x37b: {  	v15 =	vadd.bf16 v23, v13;
	v13 =	vld.idx.msk [tilespmem:v29+s31+$0x0], $0xffff  }
0x37c: {  	v21 =	vadd.bf16 v1, v21;
	v18 =	vmul.bf16 v18, v17;
	v17 =	vld.idx.msk [tilespmem:v27+s31+$0x0], $0xffff  }
0x37d: {  	v15 =	vadd.bf16 v19, v15;
	v16 =	vld.idx.msk [tilespmem:v33+s31+$0x0], $0xffff  }
0x37e: {  	v19 =	vadd.bf16 v18, v21;
	v20 =	vmul.bf16 v20, v22;
	v18 =	vld.idx.msk [tilespmem:v30+s31+$0x0], $0xffff  }
0x37f: {  	_ =	sdelay $0x3  }
0x380: {  	v10 =	vld.idx.msk [tilespmem:v10+s31+$0x0], $0xffff;
	v12 =	vmul.bf16 v14, v12;
	v19 =	vadd.bf16 v20, v19  }
0x381: {  	v7 =	vld.idx.msk [tilespmem:v7+s31+$0x0], $0xffff  }
0x382: {  	v9 =	vld.idx.msk [tilespmem:v9+s31+$0x0], $0xffff;
	v13 =	vmul.bf16 v17, v13;
	v12 =	vadd.bf16 v12, v19  }
0x383: {  	v8 =	vld.idx.msk [tilespmem:v8+s31+$0x0], $0xffff  }
0x384: {  	v60 =	vmul.bf16 v18, v16;
	v12 =	vadd.bf16 v13, v12  }
0x385: {  	v11 =	vadd.bf16 v11, v15;
	v4 =	vmul.bf16 v6, v4  }
0x386: {  	v7 =	vmul.bf16 v7, v10;
	v61 =	vadd.bf16 v60, v12  }
0x387: {  	v4 =	vadd.bf16 v4, v11;
	v3 =	vmul.bf16 v9, v3  }
0x388: {  	v5 =	vmul.bf16 v8, v5;
	v6 =	vadd.bf16 v7, v61  }
0x389: {  	v3 =	vadd.bf16 v3, v4  }
0x38a: {  	v62 =	vadd.bf16 v5, v6  }
0x38b: {  	s22 =	sadd.s32 $0x1, s22;
	v63 =	vunpack.i.u.bf16.f32 v3  }
0x38c: {  	p0 =	sne.s32 s22, $0x9;
	v3 =	vunpack.i.l.bf16.f32 v3;
	v6 =	vunpack.i.u.bf16.f32 v62;
	v4 =	vunpack.i.l.bf16.f32 v62  }
.Ltmp10:
0x38d: {  	v3 =	vadd.f32 v3, v63;
	v4 =	vadd.f32 v4, v6;
	(pc) =	sbr.rel @p0 .LBB2_18-.Ltmp10, $4  }
0x38e: {  	_ = 	snop  }
0x38f: {  	v3 =	vpack.i.f32.bf16 v4, v3  }
0x390: {  	s30 =	sadd.s32 $0x320, s25;
	[tilespmem:s24+$0x0] =	vst v3  }
0x391: {  	[spmem:s30] =	stream.linear.scatter [tilespmem:s14], [sflag:$0x4], $0x320, $0x38;
	[tilespmem:$0x1EC30] =	vst v63  }
0x392: {  	s22 =	rddreg [dreg:$0x15]  }
0x393: {  	[tilespmem:s7], [sflag:$0x2] =	stream.linear.gather [hbm4b:s22+s2], $0x640, $0x38;
	[tilespmem:$0x1EC30] =	vst v63  }
0x394: {  	s29 =	rddreg [dreg:$0x16];
	s30 =	simm.s32 $0x1  }
0x395: {  	[tilespmem:s10], [sflag:$0x2] =	stream.linear.gather [hbm4b:s29+s2], $0x640, $0x38;
	[tilespmem:$0x1EC30] =	vst v63  }
0x396: {  	_ =	swait.ge [sflag:s30], $0x640  }
0x397: {  	[sflag:s30] =	ssyncset.done $0x0  }
0x398: {  	[sflag:s30] =	ssyncadd.s32 $0xFFFFF9C0  }
0x399: {  	s24 =	simm.s32 $0x0;
	_ =	swait.ge [sflag:s30], $0x640  }
0x39a: {  	v3 =	vor.u32 s24, v0;
	[sflag:s30] =	ssyncset.done $0x0  }
0x39b: {  	[sflag:s30] =	ssyncadd.s32 $0xFFFFF9C0  }
0x39c: {  	v4 =	vor.u32 s30, v0;
	_ =	swait.ge [sflag:s15], $0x320  }
0x39d: {  	[sflag:s15] =	ssyncset.done $0x0  }
0x39e: {  	[sflag:s15] =	ssyncadd.s32 $0xFFFFFCE0  }
0x39f: {  	v5 =	vld.idx.msk [tilespmem:v3+s0+$0x0], $0xffff  }
0x3a0: {  	v9 =	vld.idx.msk [tilespmem:v3+s5+$0x0], $0xffff  }
0x3a1: {  	v8 =	vld.idx.msk [tilespmem:v4+s0+$0x0], $0xffff  }
0x3a2: {  	v11 =	vld.idx.msk [tilespmem:v4+s5+$0x0], $0xffff;
	_ =	sdelay $0x3  }
0x3a3: {  	v3 =	vadd.s32 $0x7530, v5  }
0x3a4: {  	v4 =	vadd.s32 $0x2710, v9;
	v7 =	vld.idx.msk [tilespmem:v5+s31+$0x0], $0xffff  }
0x3a5: {  	v6 =	vadd.s32 $0x4E20, v9;
	v10 =	vld.idx.msk [tilespmem:v9+s31+$0x0], $0xffff  }
0x3a6: {  	v12 =	vadd.s32 $0xEA60, v5;
	v13 =	vld.idx.msk [tilespmem:v8+s31+$0x0], $0xffff  }
0x3a7: {  	v14 =	vadd.s32 $0x11170, v5;
	v17 =	vld.idx.msk [tilespmem:v11+s31+$0x0], $0xffff  }
0x3a8: {  	v16 =	vadd.s32 $0x2710, v5;
	v15 =	vld.idx.msk [tilespmem:v3+s31+$0x0], $0xffff  }
0x3a9: {  	v19 =	vadd.s32 $0x4E20, v5;
	v18 =	vld.idx.msk [tilespmem:v4+s31+$0x0], $0xffff  }
0x3aa: {  	v20 =	vadd.s32 $0xC350, v5;
	v21 =	vld.idx.msk [tilespmem:v6+s31+$0x0], $0xffff  }
0x3ab: {  	v22 =	vadd.s32 $0x9C40, v9;
	v4 =	vld.idx.msk [tilespmem:v12+s31+$0x0], $0xffff  }
0x3ac: {  	v23 =	vadd.s32 $0x7530, v9;
	v3 =	vld.idx.msk [tilespmem:v14+s31+$0x0], $0xffff  }
0x3ad: {  	v6 =	vadd.s32 $0x11170, v8;
	v16 =	vld.idx.msk [tilespmem:v16+s31+$0x0], $0xffff  }
0x3ae: {  	v12 =	vadd.s32 $0x9C40, v5;
	v19 =	vld.idx.msk [tilespmem:v19+s31+$0x0], $0xffff  }
0x3af: {  	v14 =	vadd.s32 $0xEA60, v9;
	v20 =	vld.idx.msk [tilespmem:v20+s31+$0x0], $0xffff  }
0x3b0: {  	v24 =	vadd.s32 $0xC350, v9;
	v22 =	vld.idx.msk [tilespmem:v22+s31+$0x0], $0xffff  }
0x3b1: {  	v25 =	vadd.s32 $0x2710, v8;
	v23 =	vld.idx.msk [tilespmem:v23+s31+$0x0], $0xffff  }
0x3b2: {  	v29 =	vadd.s32 $0x9C40, v8;
	v5 =	vld.idx.msk [tilespmem:v6+s31+$0x0], $0xffff  }
0x3b3: {  	v7 =	vmul.bf16 v10, v7;
	v26 =	vld.idx.msk [tilespmem:v12+s31+$0x0], $0xffff;
	v12 =	vadd.s32 $0x2710, v11  }
0x3b4: {  	v6 =	vld.idx.msk [tilespmem:v14+s31+$0x0], $0xffff;
	v14 =	vadd.s32 $0x4E20, v8  }
0x3b5: {  	v27 =	vadd.s32 $0x4E20, v11;
	v24 =	vld.idx.msk [tilespmem:v24+s31+$0x0], $0xffff;
	v7 =	vadd.bf16 v1, v7;
	v16 =	vmul.bf16 v18, v16  }
0x3b6: {  	v28 =	vadd.s32 $0x7530, v8;
	v25 =	vld.idx.msk [tilespmem:v25+s31+$0x0], $0xffff  }
0x3b7: {  	v10 =	vadd.s32 $0x7530, v11;
	v7 =	vadd.bf16 v16, v7;
	v16 =	vmul.bf16 v17, v13;
	v13 =	vld.idx.msk [tilespmem:v29+s31+$0x0], $0xffff  }
0x3b8: {  	v32 =	vadd.s32 $0xC350, v8;
	v18 =	vld.idx.msk [tilespmem:v12+s31+$0x0], $0xffff  }
0x3b9: {  	v30 =	vadd.s32 $0x9C40, v11;
	v31 =	vld.idx.msk [tilespmem:v14+s31+$0x0], $0xffff;
	v14 =	vmul.bf16 v21, v19  }
0x3ba: {  	v63 =	vadd.s32 $0xC350, v11;
	v21 =	vld.idx.msk [tilespmem:v27+s31+$0x0], $0xffff  }
0x3bb: {  	v15 =	vmul.bf16 v23, v15;
	v12 =	vld.idx.msk [tilespmem:v28+s31+$0x0], $0xffff;
	v17 =	vadd.bf16 v14, v7  }
0x3bc: {  	v19 =	vmul.bf16 v22, v26;
	v22 =	vadd.bf16 v1, v16;
	v14 =	vld.idx.msk [tilespmem:v10+s31+$0x0], $0xffff;
	v10 =	vadd.s32 $0xEA60, v8  }
0x3bd: {  	v16 =	vld.idx.msk [tilespmem:v32+s31+$0x0], $0xffff;
	v7 =	vadd.s32 $0xEA60, v11;
	v15 =	vadd.bf16 v15, v17;
	v18 =	vmul.bf16 v18, v25  }
0x3be: {  	v9 =	vadd.s32 $0x11170, v9;
	v8 =	vadd.s32 $0x11170, v11;
	v11 =	vmul.bf16 v24, v20;
	v17 =	vld.idx.msk [tilespmem:v30+s31+$0x0], $0xffff  }
0x3bf: {  	s25 =	simm.s32 $0x21;
	s24 =	simm.s32 $0x1AF40;
	s22 =	simm.s32 $0x1AF40;
	v20 =	vmul.bf16 v21, v31;
	v15 =	vadd.bf16 v19, v15;
	v19 =	vadd.bf16 v18, v22;
	v18 =	vld.idx.msk [tilespmem:v63+s31+$0x0], $0xffff  }
.LBB2_24:
0x3c0: {  	p0 =	sne.s32 s25, $0x621  }
0x3c1: {  	v10 =	vld.idx.msk [tilespmem:v10+s31+$0x0], $0xffff;
	s24 =	sadd.s32 $0x10, s24;
	s26 =	smov.u32 s25;
	s25 =	sadd.s32 $0x20, s25  }
0x3c2: {  	v12 =	vmul.bf16 v14, v12;
	v19 =	vadd.bf16 v20, v19;
	v7 =	vld.idx.msk [tilespmem:v7+s31+$0x0], $0xffff  }
0x3c3: {  	v9 =	vld.idx.msk [tilespmem:v9+s31+$0x0], $0xffff  }
0x3c4: {  	v13 =	vmul.bf16 v17, v13;
	v12 =	vadd.bf16 v12, v19;
	v8 =	vld.idx.msk [tilespmem:v8+s31+$0x0], $0xffff;
	_ =	sdelay $0x1  }
0x3c5: {  	v12 =	vadd.bf16 v13, v12;
	v13 =	vmul.bf16 v18, v16  }
0x3c6: {  	v11 =	vadd.bf16 v11, v15;
	v4 =	vmul.bf16 v6, v4  }
0x3c7: {  	v7 =	vmul.bf16 v7, v10;
	v6 =	vadd.bf16 v13, v12  }
0x3c8: {  	v4 =	vadd.bf16 v4, v11;
	v3 =	vmul.bf16 v9, v3  }
0x3c9: {  	v5 =	vmul.bf16 v8, v5;
	v6 =	vadd.bf16 v7, v6  }
0x3ca: {  	v3 =	vadd.bf16 v3, v4  }
0x3cb: {  	v4 =	vadd.bf16 v5, v6  }
0x3cc: {  	s28 =	sadd.s32 $0xFFFFFFFF, s26;
	v5 =	vunpack.i.u.bf16.f32 v3;
	v3 =	vunpack.i.l.bf16.f32 v3  }
0x3cd: {  	v6 =	vor.u32 s28, v0;
	v7 =	vunpack.i.u.bf16.f32 v4;
	v4 =	vunpack.i.l.bf16.f32 v4  }
0x3ce: {  	v3 =	vadd.f32 v3, v5;
	v4 =	vadd.f32 v4, v7  }
0x3cf: {  	v5 =	vor.u32 s26, v0  }
0x3d0: {  	v3 =	vpack.i.f32.bf16 v4, v3  }
0x3d1: {  	[tilespmem:s22+$0x0] =	vst v3;
	s22 =	smov.u32 s24;
	_ =	sdelay $0x1  }
0x3d2: {  	v3 =	vld.idx.msk [tilespmem:v6+s0+$0x0], $0xffff  }
0x3d3: {  	v6 =	vld.idx.msk [tilespmem:v6+s5+$0x0], $0xffff  }
0x3d4: {  	v11 =	vld.idx.msk [tilespmem:v5+s0+$0x0], $0xffff  }
0x3d5: {  	v4 =	vld.idx.msk [tilespmem:v5+s5+$0x0], $0xffff;
	_ =	sdelay $0x2  }
0x3d6: {  	v5 =	vadd.s32 $0x7530, v3  }
0x3d7: {  	v13 =	vadd.s32 $0x9C40, v3;
	v7 =	vadd.s32 $0x2710, v6;
	v12 =	vadd.s32 $0x7530, v6  }
0x3d8: {  	v15 =	vadd.s32 $0xC350, v3;
	v16 =	vadd.s32 $0xC350, v6;
	v17 =	vadd.s32 $0x2710, v11;
	v14 =	vld.idx.msk [tilespmem:v3+s31+$0x0], $0xffff  }
0x3d9: {  	v19 =	vadd.s32 $0x11170, v3;
	v8 =	vadd.s32 $0x4E20, v6;
	v20 =	vadd.s32 $0x4E20, v4;
	v18 =	vld.idx.msk [tilespmem:v6+s31+$0x0], $0xffff  }
0x3da: {  	v9 =	vadd.s32 $0xEA60, v3;
	v23 =	vadd.s32 $0x4E20, v11;
	v22 =	vadd.s32 $0x2710, v4;
	v21 =	vld.idx.msk [tilespmem:v11+s31+$0x0], $0xffff  }
0x3db: {  	v25 =	vadd.s32 $0x7530, v11;
	v26 =	vadd.s32 $0x7530, v4;
	v27 =	vadd.s32 $0x9C40, v4;
	v24 =	vld.idx.msk [tilespmem:v5+s31+$0x0], $0xffff  }
0x3dc: {  	v29 =	vadd.s32 $0x9C40, v11;
	v30 =	vadd.s32 $0xC350, v4;
	v5 =	vadd.s32 $0x2710, v3;
	v28 =	vld.idx.msk [tilespmem:v4+s31+$0x0], $0xffff  }
0x3dd: {  	v32 =	vadd.s32 $0x4E20, v3;
	v33 =	vadd.s32 $0xC350, v11;
	v31 =	vld.idx.msk [tilespmem:v7+s31+$0x0], $0xffff;
	v7 =	vadd.s32 $0xEA60, v4  }
0x3de: {  	v35 =	vadd.s32 $0xEA60, v6;
	v10 =	vadd.s32 $0xEA60, v11;
	v34 =	vld.idx.msk [tilespmem:v8+s31+$0x0], $0xffff;
	v8 =	vadd.s32 $0x11170, v4  }
0x3df: {  	v11 =	vadd.s32 $0x11170, v11;
	v4 =	vld.idx.msk [tilespmem:v9+s31+$0x0], $0xffff;
	v9 =	vadd.s32 $0x11170, v6  }
0x3e0: {  	v3 =	vld.idx.msk [tilespmem:v19+s31+$0x0], $0xffff  }
0x3e1: {  	v19 =	vld.idx.msk [tilespmem:v5+s31+$0x0], $0xffff  }
0x3e2: {  	v14 =	vmul.bf16 v18, v14;
	v21 =	vmul.bf16 v28, v21;
	v18 =	vld.idx.msk [tilespmem:v32+s31+$0x0], $0xffff;
	v32 =	vadd.s32 $0x9C40, v6  }
0x3e3: {  	v15 =	vld.idx.msk [tilespmem:v15+s31+$0x0], $0xffff  }
0x3e4: {  	v5 =	vld.idx.msk [tilespmem:v11+s31+$0x0], $0xffff  }
0x3e5: {  	v11 =	vld.idx.msk [tilespmem:v13+s31+$0x0], $0xffff  }
0x3e6: {  	v6 =	vld.idx.msk [tilespmem:v35+s31+$0x0], $0xffff  }
0x3e7: {  	v13 =	vadd.bf16 v1, v14;
	v14 =	vmul.bf16 v31, v19;
	v19 =	vld.idx.msk [tilespmem:v32+s31+$0x0], $0xffff  }
0x3e8: {  	v12 =	vld.idx.msk [tilespmem:v12+s31+$0x0], $0xffff  }
0x3e9: {  	v13 =	vadd.bf16 v14, v13;
	v14 =	vmul.bf16 v34, v18;
	v16 =	vld.idx.msk [tilespmem:v16+s31+$0x0], $0xffff  }
0x3ea: {  	v17 =	vld.idx.msk [tilespmem:v17+s31+$0x0], $0xffff  }
0x3eb: {  	v13 =	vadd.bf16 v14, v13;
	v18 =	vld.idx.msk [tilespmem:v22+s31+$0x0], $0xffff  }
0x3ec: {  	v22 =	vld.idx.msk [tilespmem:v23+s31+$0x0], $0xffff  }
0x3ed: {  	v19 =	vmul.bf16 v19, v11;
	v20 =	vld.idx.msk [tilespmem:v20+s31+$0x0], $0xffff  }
0x3ee: {  	v23 =	vmul.bf16 v12, v24;
	v12 =	vld.idx.msk [tilespmem:v25+s31+$0x0], $0xffff  }
.Ltmp11:
0x3ef: {  	v11 =	vmul.bf16 v16, v15;
	v14 =	vld.idx.msk [tilespmem:v26+s31+$0x0], $0xffff;
	(pc) =	sbr.rel @p0 .LBB2_24-.Ltmp11, $4  }
0x3f0: {  	v15 =	vadd.bf16 v23, v13;
	v13 =	vld.idx.msk [tilespmem:v29+s31+$0x0], $0xffff  }
0x3f1: {  	v21 =	vadd.bf16 v1, v21;
	v18 =	vmul.bf16 v18, v17;
	v17 =	vld.idx.msk [tilespmem:v27+s31+$0x0], $0xffff  }
0x3f2: {  	v15 =	vadd.bf16 v19, v15;
	v16 =	vld.idx.msk [tilespmem:v33+s31+$0x0], $0xffff  }
0x3f3: {  	v19 =	vadd.bf16 v18, v21;
	v20 =	vmul.bf16 v20, v22;
	v18 =	vld.idx.msk [tilespmem:v30+s31+$0x0], $0xffff  }
0x3f4: {  	_ =	sdelay $0x3  }
0x3f5: {  	v10 =	vld.idx.msk [tilespmem:v10+s31+$0x0], $0xffff;
	v12 =	vmul.bf16 v14, v12;
	v19 =	vadd.bf16 v20, v19  }
0x3f6: {  	v7 =	vld.idx.msk [tilespmem:v7+s31+$0x0], $0xffff  }
0x3f7: {  	v9 =	vld.idx.msk [tilespmem:v9+s31+$0x0], $0xffff;
	v13 =	vmul.bf16 v17, v13;
	v12 =	vadd.bf16 v12, v19  }
0x3f8: {  	v8 =	vld.idx.msk [tilespmem:v8+s31+$0x0], $0xffff  }
0x3f9: {  	v12 =	vadd.bf16 v13, v12;
	v13 =	vmul.bf16 v18, v16  }
0x3fa: {  	v11 =	vadd.bf16 v11, v15;
	v4 =	vmul.bf16 v6, v4  }
0x3fb: {  	v7 =	vmul.bf16 v7, v10;
	v6 =	vadd.bf16 v13, v12  }
0x3fc: {  	v4 =	vadd.bf16 v4, v11;
	v3 =	vmul.bf16 v9, v3  }
0x3fd: {  	v5 =	vmul.bf16 v8, v5;
	v6 =	vadd.bf16 v7, v6  }
0x3fe: {  	v3 =	vadd.bf16 v3, v4  }
0x3ff: {  	v4 =	vadd.bf16 v5, v6  }
0x400: {  	v5 =	vunpack.i.u.bf16.f32 v3  }
0x401: {  	v3 =	vunpack.i.l.bf16.f32 v3;
	v6 =	vunpack.i.u.bf16.f32 v4;
	v4 =	vunpack.i.l.bf16.f32 v4  }
0x402: {  	v3 =	vadd.f32 v3, v5;
	v4 =	vadd.f32 v4, v6;
	_ =	sdelay $0x1  }
0x403: {  	v3 =	vpack.i.f32.bf16 v4, v3  }
0x404: {  	s28 =	rddreg [dreg:$0x17];
	[tilespmem:s22+$0x0] =	vst v3  }
0x405: {  	[spmem:s28] =	stream.linear.scatter [tilespmem:s12], [sflag:$0x3], $0x320, $0x38;
	[tilespmem:$0x1EC30] =	vst v63  }
0x406: {  	_ =	swait.ge [sflag:s13], $0x640  }
0x407: {  	[sflag:s13] =	ssyncset.done $0x0  }
0x408: {  	[sflag:s13] =	ssyncadd.s32 $0xFFFFF9C0  }
0x409: {  	s29 =	simm.s32 $0x0;
	_ =	swait.ge [sflag:s13], $0x640  }
0x40a: {  	v3 =	vor.u32 s29, v0;
	[sflag:s13] =	ssyncset.done $0x0  }
0x40b: {  	s30 =	simm.s32 $0x1;
	[sflag:s13] =	ssyncadd.s32 $0xFFFFF9C0  }
0x40c: {  	v4 =	vor.u32 s30, v0;
	_ =	swait.ge [sflag:s16], $0x320  }
0x40d: {  	[sflag:s16] =	ssyncset.done $0x0  }
0x40e: {  	[sflag:s16] =	ssyncadd.s32 $0xFFFFFCE0  }
0x40f: {  	v5 =	vld.idx.msk [tilespmem:v3+s7+$0x0], $0xffff  }
0x410: {  	v9 =	vld.idx.msk [tilespmem:v3+s10+$0x0], $0xffff  }
0x411: {  	v8 =	vld.idx.msk [tilespmem:v4+s7+$0x0], $0xffff  }
0x412: {  	v11 =	vld.idx.msk [tilespmem:v4+s10+$0x0], $0xffff;
	_ =	sdelay $0x3  }
0x413: {  	v3 =	vadd.s32 $0x7530, v5  }
0x414: {  	v4 =	vadd.s32 $0x2710, v9;
	v7 =	vld.idx.msk [tilespmem:v5+s31+$0x0], $0xffff  }
0x415: {  	v6 =	vadd.s32 $0x4E20, v9;
	v10 =	vld.idx.msk [tilespmem:v9+s31+$0x0], $0xffff  }
0x416: {  	v12 =	vadd.s32 $0xEA60, v5;
	v13 =	vld.idx.msk [tilespmem:v8+s31+$0x0], $0xffff  }
0x417: {  	v14 =	vadd.s32 $0x11170, v5;
	v17 =	vld.idx.msk [tilespmem:v11+s31+$0x0], $0xffff  }
0x418: {  	v16 =	vadd.s32 $0x2710, v5;
	v15 =	vld.idx.msk [tilespmem:v3+s31+$0x0], $0xffff  }
0x419: {  	v19 =	vadd.s32 $0x4E20, v5;
	v18 =	vld.idx.msk [tilespmem:v4+s31+$0x0], $0xffff  }
0x41a: {  	v20 =	vadd.s32 $0xC350, v5;
	v21 =	vld.idx.msk [tilespmem:v6+s31+$0x0], $0xffff  }
0x41b: {  	v22 =	vadd.s32 $0x9C40, v9;
	v4 =	vld.idx.msk [tilespmem:v12+s31+$0x0], $0xffff  }
0x41c: {  	v23 =	vadd.s32 $0x7530, v9;
	v3 =	vld.idx.msk [tilespmem:v14+s31+$0x0], $0xffff  }
0x41d: {  	v6 =	vadd.s32 $0x11170, v8;
	v16 =	vld.idx.msk [tilespmem:v16+s31+$0x0], $0xffff  }
0x41e: {  	v12 =	vadd.s32 $0x9C40, v5;
	v19 =	vld.idx.msk [tilespmem:v19+s31+$0x0], $0xffff  }
0x41f: {  	v14 =	vadd.s32 $0xEA60, v9;
	v20 =	vld.idx.msk [tilespmem:v20+s31+$0x0], $0xffff  }
0x420: {  	v24 =	vadd.s32 $0xC350, v9;
	v22 =	vld.idx.msk [tilespmem:v22+s31+$0x0], $0xffff  }
0x421: {  	v25 =	vadd.s32 $0x2710, v8;
	v23 =	vld.idx.msk [tilespmem:v23+s31+$0x0], $0xffff  }
0x422: {  	v29 =	vadd.s32 $0x9C40, v8;
	v5 =	vld.idx.msk [tilespmem:v6+s31+$0x0], $0xffff  }
0x423: {  	v7 =	vmul.bf16 v10, v7;
	v26 =	vld.idx.msk [tilespmem:v12+s31+$0x0], $0xffff;
	v12 =	vadd.s32 $0x2710, v11  }
0x424: {  	v6 =	vld.idx.msk [tilespmem:v14+s31+$0x0], $0xffff;
	v14 =	vadd.s32 $0x4E20, v8  }
0x425: {  	v27 =	vadd.s32 $0x4E20, v11;
	v24 =	vld.idx.msk [tilespmem:v24+s31+$0x0], $0xffff;
	v7 =	vadd.bf16 v1, v7;
	v16 =	vmul.bf16 v18, v16  }
0x426: {  	v28 =	vadd.s32 $0x7530, v8;
	v25 =	vld.idx.msk [tilespmem:v25+s31+$0x0], $0xffff  }
0x427: {  	v10 =	vadd.s32 $0x7530, v11;
	v7 =	vadd.bf16 v16, v7;
	v16 =	vmul.bf16 v17, v13;
	v13 =	vld.idx.msk [tilespmem:v29+s31+$0x0], $0xffff  }
0x428: {  	v32 =	vadd.s32 $0xC350, v8;
	v18 =	vld.idx.msk [tilespmem:v12+s31+$0x0], $0xffff  }
0x429: {  	v30 =	vadd.s32 $0x9C40, v11;
	v31 =	vld.idx.msk [tilespmem:v14+s31+$0x0], $0xffff;
	v14 =	vmul.bf16 v21, v19  }
0x42a: {  	v63 =	vadd.s32 $0xC350, v11;
	v21 =	vld.idx.msk [tilespmem:v27+s31+$0x0], $0xffff  }
0x42b: {  	v15 =	vmul.bf16 v23, v15;
	v12 =	vld.idx.msk [tilespmem:v28+s31+$0x0], $0xffff;
	v17 =	vadd.bf16 v14, v7  }
0x42c: {  	v19 =	vmul.bf16 v22, v26;
	v22 =	vadd.bf16 v1, v16;
	v14 =	vld.idx.msk [tilespmem:v10+s31+$0x0], $0xffff;
	v10 =	vadd.s32 $0xEA60, v8  }
0x42d: {  	v16 =	vld.idx.msk [tilespmem:v32+s31+$0x0], $0xffff;
	v7 =	vadd.s32 $0xEA60, v11;
	v15 =	vadd.bf16 v15, v17;
	v18 =	vmul.bf16 v18, v25  }
0x42e: {  	v9 =	vadd.s32 $0x11170, v9;
	v8 =	vadd.s32 $0x11170, v11;
	v11 =	vmul.bf16 v24, v20;
	v17 =	vld.idx.msk [tilespmem:v30+s31+$0x0], $0xffff  }
0x42f: {  	s24 =	simm.s32 $0x1B260;
	s25 =	simm.s32 $0x21;
	s22 =	simm.s32 $0x1B260;
	v20 =	vmul.bf16 v21, v31;
	v15 =	vadd.bf16 v19, v15;
	v19 =	vadd.bf16 v18, v22;
	v18 =	vld.idx.msk [tilespmem:v63+s31+$0x0], $0xffff  }
.LBB2_26:
0x430: {  	p0 =	sne.s32 s25, $0x621  }
0x431: {  	v10 =	vld.idx.msk [tilespmem:v10+s31+$0x0], $0xffff;
	s24 =	sadd.s32 $0x10, s24;
	s26 =	smov.u32 s25;
	s25 =	sadd.s32 $0x20, s25  }
0x432: {  	v12 =	vmul.bf16 v14, v12;
	v19 =	vadd.bf16 v20, v19;
	v7 =	vld.idx.msk [tilespmem:v7+s31+$0x0], $0xffff  }
0x433: {  	v9 =	vld.idx.msk [tilespmem:v9+s31+$0x0], $0xffff  }
0x434: {  	v13 =	vmul.bf16 v17, v13;
	v12 =	vadd.bf16 v12, v19;
	v8 =	vld.idx.msk [tilespmem:v8+s31+$0x0], $0xffff;
	_ =	sdelay $0x1  }
0x435: {  	v12 =	vadd.bf16 v13, v12;
	v13 =	vmul.bf16 v18, v16  }
0x436: {  	v11 =	vadd.bf16 v11, v15;
	v4 =	vmul.bf16 v6, v4  }
0x437: {  	v7 =	vmul.bf16 v7, v10;
	v6 =	vadd.bf16 v13, v12  }
0x438: {  	v4 =	vadd.bf16 v4, v11;
	v3 =	vmul.bf16 v9, v3  }
0x439: {  	v5 =	vmul.bf16 v8, v5;
	v6 =	vadd.bf16 v7, v6  }
0x43a: {  	v3 =	vadd.bf16 v3, v4  }
0x43b: {  	v4 =	vadd.bf16 v5, v6  }
0x43c: {  	s28 =	sadd.s32 $0xFFFFFFFF, s26;
	v5 =	vunpack.i.u.bf16.f32 v3;
	v3 =	vunpack.i.l.bf16.f32 v3  }
0x43d: {  	v6 =	vor.u32 s28, v0;
	v7 =	vunpack.i.u.bf16.f32 v4;
	v4 =	vunpack.i.l.bf16.f32 v4  }
0x43e: {  	v3 =	vadd.f32 v3, v5;
	v4 =	vadd.f32 v4, v7  }
0x43f: {  	v5 =	vor.u32 s26, v0  }
0x440: {  	v3 =	vpack.i.f32.bf16 v4, v3  }
0x441: {  	[tilespmem:s22+$0x0] =	vst v3;
	s22 =	smov.u32 s24;
	_ =	sdelay $0x1  }
0x442: {  	v3 =	vld.idx.msk [tilespmem:v6+s7+$0x0], $0xffff  }
0x443: {  	v6 =	vld.idx.msk [tilespmem:v6+s10+$0x0], $0xffff  }
0x444: {  	v11 =	vld.idx.msk [tilespmem:v5+s7+$0x0], $0xffff  }
0x445: {  	v4 =	vld.idx.msk [tilespmem:v5+s10+$0x0], $0xffff;
	_ =	sdelay $0x2  }
0x446: {  	v5 =	vadd.s32 $0x7530, v3  }
0x447: {  	v13 =	vadd.s32 $0x9C40, v3;
	v7 =	vadd.s32 $0x2710, v6;
	v12 =	vadd.s32 $0x7530, v6  }
0x448: {  	v15 =	vadd.s32 $0xC350, v3;
	v16 =	vadd.s32 $0xC350, v6;
	v17 =	vadd.s32 $0x2710, v11;
	v14 =	vld.idx.msk [tilespmem:v3+s31+$0x0], $0xffff  }
0x449: {  	v19 =	vadd.s32 $0x11170, v3;
	v8 =	vadd.s32 $0x4E20, v6;
	v20 =	vadd.s32 $0x4E20, v4;
	v18 =	vld.idx.msk [tilespmem:v6+s31+$0x0], $0xffff  }
0x44a: {  	v9 =	vadd.s32 $0xEA60, v3;
	v23 =	vadd.s32 $0x4E20, v11;
	v22 =	vadd.s32 $0x2710, v4;
	v21 =	vld.idx.msk [tilespmem:v11+s31+$0x0], $0xffff  }
0x44b: {  	v25 =	vadd.s32 $0x7530, v11;
	v26 =	vadd.s32 $0x7530, v4;
	v27 =	vadd.s32 $0x9C40, v4;
	v24 =	vld.idx.msk [tilespmem:v5+s31+$0x0], $0xffff  }
0x44c: {  	v29 =	vadd.s32 $0x9C40, v11;
	v30 =	vadd.s32 $0xC350, v4;
	v5 =	vadd.s32 $0x2710, v3;
	v28 =	vld.idx.msk [tilespmem:v4+s31+$0x0], $0xffff  }
0x44d: {  	v32 =	vadd.s32 $0x4E20, v3;
	v33 =	vadd.s32 $0xC350, v11;
	v31 =	vld.idx.msk [tilespmem:v7+s31+$0x0], $0xffff;
	v7 =	vadd.s32 $0xEA60, v4  }
0x44e: {  	v35 =	vadd.s32 $0xEA60, v6;
	v10 =	vadd.s32 $0xEA60, v11;
	v34 =	vld.idx.msk [tilespmem:v8+s31+$0x0], $0xffff;
	v8 =	vadd.s32 $0x11170, v4  }
0x44f: {  	v11 =	vadd.s32 $0x11170, v11;
	v4 =	vld.idx.msk [tilespmem:v9+s31+$0x0], $0xffff;
	v9 =	vadd.s32 $0x11170, v6  }
0x450: {  	v3 =	vld.idx.msk [tilespmem:v19+s31+$0x0], $0xffff  }
0x451: {  	v19 =	vld.idx.msk [tilespmem:v5+s31+$0x0], $0xffff  }
0x452: {  	v14 =	vmul.bf16 v18, v14;
	v21 =	vmul.bf16 v28, v21;
	v18 =	vld.idx.msk [tilespmem:v32+s31+$0x0], $0xffff;
	v32 =	vadd.s32 $0x9C40, v6  }
0x453: {  	v15 =	vld.idx.msk [tilespmem:v15+s31+$0x0], $0xffff  }
0x454: {  	v5 =	vld.idx.msk [tilespmem:v11+s31+$0x0], $0xffff  }
0x455: {  	v11 =	vld.idx.msk [tilespmem:v13+s31+$0x0], $0xffff  }
0x456: {  	v6 =	vld.idx.msk [tilespmem:v35+s31+$0x0], $0xffff  }
0x457: {  	v13 =	vadd.bf16 v1, v14;
	v14 =	vmul.bf16 v31, v19;
	v19 =	vld.idx.msk [tilespmem:v32+s31+$0x0], $0xffff  }
0x458: {  	v12 =	vld.idx.msk [tilespmem:v12+s31+$0x0], $0xffff  }
0x459: {  	v13 =	vadd.bf16 v14, v13;
	v14 =	vmul.bf16 v34, v18;
	v16 =	vld.idx.msk [tilespmem:v16+s31+$0x0], $0xffff  }
0x45a: {  	v17 =	vld.idx.msk [tilespmem:v17+s31+$0x0], $0xffff  }
0x45b: {  	v13 =	vadd.bf16 v14, v13;
	v18 =	vld.idx.msk [tilespmem:v22+s31+$0x0], $0xffff  }
0x45c: {  	v22 =	vld.idx.msk [tilespmem:v23+s31+$0x0], $0xffff  }
0x45d: {  	v19 =	vmul.bf16 v19, v11;
	v20 =	vld.idx.msk [tilespmem:v20+s31+$0x0], $0xffff  }
0x45e: {  	v23 =	vmul.bf16 v12, v24;
	v12 =	vld.idx.msk [tilespmem:v25+s31+$0x0], $0xffff  }
.Ltmp12:
0x45f: {  	v11 =	vmul.bf16 v16, v15;
	v14 =	vld.idx.msk [tilespmem:v26+s31+$0x0], $0xffff;
	(pc) =	sbr.rel @p0 .LBB2_26-.Ltmp12, $4  }
0x460: {  	v15 =	vadd.bf16 v23, v13;
	v13 =	vld.idx.msk [tilespmem:v29+s31+$0x0], $0xffff  }
0x461: {  	v21 =	vadd.bf16 v1, v21;
	v18 =	vmul.bf16 v18, v17;
	v17 =	vld.idx.msk [tilespmem:v27+s31+$0x0], $0xffff  }
0x462: {  	v15 =	vadd.bf16 v19, v15;
	v16 =	vld.idx.msk [tilespmem:v33+s31+$0x0], $0xffff  }
0x463: {  	v19 =	vadd.bf16 v18, v21;
	v20 =	vmul.bf16 v20, v22;
	v18 =	vld.idx.msk [tilespmem:v30+s31+$0x0], $0xffff  }
0x464: {  	_ =	sdelay $0x3  }
0x465: {  	v10 =	vld.idx.msk [tilespmem:v10+s31+$0x0], $0xffff;
	v12 =	vmul.bf16 v14, v12;
	v19 =	vadd.bf16 v20, v19  }
0x466: {  	v7 =	vld.idx.msk [tilespmem:v7+s31+$0x0], $0xffff  }
0x467: {  	v9 =	vld.idx.msk [tilespmem:v9+s31+$0x0], $0xffff;
	v13 =	vmul.bf16 v17, v13;
	v12 =	vadd.bf16 v12, v19  }
0x468: {  	v8 =	vld.idx.msk [tilespmem:v8+s31+$0x0], $0xffff  }
0x469: {  	v62 =	vmul.bf16 v18, v16;
	v12 =	vadd.bf16 v13, v12  }
0x46a: {  	v11 =	vadd.bf16 v11, v15;
	v4 =	vmul.bf16 v6, v4  }
0x46b: {  	v7 =	vmul.bf16 v7, v10;
	v63 =	vadd.bf16 v62, v12  }
0x46c: {  	v4 =	vadd.bf16 v4, v11;
	v3 =	vmul.bf16 v9, v3  }
0x46d: {  	v5 =	vmul.bf16 v8, v5;
	v6 =	vadd.bf16 v7, v63  }
0x46e: {  	v3 =	vadd.bf16 v3, v4  }
0x46f: {  	v4 =	vadd.bf16 v5, v6  }
0x470: {  	v5 =	vunpack.i.u.bf16.f32 v3  }
0x471: {  	v3 =	vunpack.i.l.bf16.f32 v3;
	v6 =	vunpack.i.u.bf16.f32 v4;
	v4 =	vunpack.i.l.bf16.f32 v4  }
0x472: {  	v3 =	vadd.f32 v3, v5;
	v4 =	vadd.f32 v4, v6;
	_ =	sdelay $0x1  }
0x473: {  	v3 =	vpack.i.f32.bf16 v4, v3  }
0x474: {  	s28 =	rddreg [dreg:$0x18];
	[tilespmem:s22+$0x0] =	vst v3  }
0x475: {  	[spmem:s28] =	stream.linear.scatter [tilespmem:s14], [sflag:$0x4], $0x320, $0x38;
	[tilespmem:$0x1EC30] =	vst v63  }
0x476: {  	_ =	swait.ge [sflag:s15], $0x320  }
0x477: {  	[sflag:s15] =	ssyncset.done $0x0  }
0x478: {  	[sflag:s15] =	ssyncadd.s32 $0xFFFFFCE0  }
0x479: {  	_ =	swait.ge [sflag:s16], $0x320  }
0x47a: {  	[sflag:s16] =	ssyncset.done $0x0  }
0x47b: {  	[sflag:s16] =	ssyncadd.s32 $0xFFFFFCE0  }
0x47c: {  	[bflag:$0x0] =	sbarrier.arrive $0xFFFF  }
0x47d: {  	s29 =	rddreg [dreg:$0x11]  }
0x47e: {  	[tilespmem:s18], [sflag:$0x5] =	stream.strided.gather [spmem:s29], $0x1F40, s31, s17, $0x38;
	[tilespmem:$0x1EC30] =	vst v63  }
0x47f: {  	_ =	swait.ge [sflag:s1], $0x1F40  }
0x480: {  	s30 =	simm.s32 $0x0;
	[sflag:s1] =	ssyncset.done $0x0  }
0x481: {  	s22 =	smin.u32 s30, $0x3D8;
	[sflag:s1] =	ssyncadd.s32 $0xFFFFE0C0  }
0x482: {  	s24 =	simm.s32 $0x10;
	v3 =	vld [tilespmem:s22+$0x1B580]  }
.LBB2_28:
0x483: {  	p0 =	sne.s32 s24, $0x3E0  }
0x484: {  	v4 =	vld [tilespmem:s22+$0x1B968];
	_ =	sdelay $0x1  }
0x485: {  	v5 =	vld [tilespmem:s22+$0x1BD50]  }
0x486: {  	v6 =	vunpack.i.u.bf16.f32 v3;
	v3 =	vunpack.i.l.bf16.f32 v3  }
0x487: {  	v3 =	vadd.f32 $0.0e+00, v3;
	v7 =	vld [tilespmem:s22+$0x1C138]  }
0x488: {  	v6 =	vadd.f32 $0.0e+00, v6;
	v8 =	vunpack.i.u.bf16.f32 v4;
	v4 =	vunpack.i.l.bf16.f32 v4  }
0x489: {  	v3 =	vadd.f32 v4, v3;
	v4 =	vld [tilespmem:s22+$0x1C520]  }
0x48a: {  	v6 =	vadd.f32 v8, v6;
	v8 =	vunpack.i.u.bf16.f32 v5;
	v5 =	vunpack.i.l.bf16.f32 v5  }
0x48b: {  	v3 =	vadd.f32 v5, v3;
	v5 =	vld [tilespmem:s22+$0x1C908]  }
0x48c: {  	s25 =	sshll.u32 s22, $0x1;
	v6 =	vadd.f32 v8, v6;
	v8 =	vunpack.i.u.bf16.f32 v7;
	v7 =	vunpack.i.l.bf16.f32 v7  }
0x48d: {  	v9 =	vadd.s32 s25, v0;
	v3 =	vadd.f32 v7, v3;
	v7 =	vld [tilespmem:s22+$0x1CCF0]  }
0x48e: {  	v6 =	vadd.f32 v8, v6;
	v8 =	vunpack.i.u.bf16.f32 v4;
	v4 =	vunpack.i.l.bf16.f32 v4  }
0x48f: {  	v9 =	vand.u32 $0xFF8, v9;
	v3 =	vadd.f32 v4, v3;
	v4 =	vld [tilespmem:s22+$0x1D0D8]  }
0x490: {  	v6 =	vadd.f32 v8, v6;
	v8 =	vunpack.i.u.bf16.f32 v5;
	v5 =	vunpack.i.l.bf16.f32 v5  }
0x491: {  	v3 =	vadd.f32 v5, v3;
	v5 =	vor.u32 v2, v9  }
0x492: {  	s22 =	sshllo.u32 s22, $0x1;
	v6 =	vadd.f32 v8, v6;
	v8 =	vunpack.i.u.bf16.f32 v7;
	v7 =	vunpack.i.l.bf16.f32 v7  }
0x493: {  	v3 =	vadd.f32 v7, v3;
	v7 =	vadd.s32 s22, v0  }
0x494: {  	v6 =	vadd.f32 v8, v6;
	v8 =	vunpack.i.u.bf16.f32 v4;
	v4 =	vunpack.i.l.bf16.f32 v4  }
.Ltmp13:
0x495: {  	v3 =	vadd.f32 v4, v3;
	(pc) =	sbr.rel @p0 .LBB2_28-.Ltmp13, $4  }
0x496: {  	v4 =	vadd.f32 v8, v6  }
0x497: {  	[tilespmem:v5+s19+$0x0] =	vst.idx.msk $0xffff, v3  }
0x498: {  	s22 =	smin.u32 s24, $0x3D8;
	[tilespmem:v7+s19+$0x0] =	vst.idx.msk $0xffff, v4  }
0x499: {  	s24 =	sadd.s32 $0x10, s24;
	v3 =	vld [tilespmem:s22+$0x1B580]  }
0x49a: {  	_ = 	snop  }
0x49b: {  	v4 =	vld [tilespmem:s22+$0x1B968];
	_ =	sdelay $0x1  }
0x49c: {  	v5 =	vld [tilespmem:s22+$0x1BD50]  }
0x49d: {  	v6 =	vunpack.i.l.bf16.f32 v3  }
0x49e: {  	v7 =	vld [tilespmem:s22+$0x1C138];
	v3 =	vunpack.i.u.bf16.f32 v3;
	v6 =	vadd.f32 $0.0e+00, v6  }
0x49f: {  	v3 =	vadd.f32 $0.0e+00, v3;
	v8 =	vunpack.i.l.bf16.f32 v4  }
0x4a0: {  	v56 =	vld [tilespmem:s22+$0x1C520];
	v4 =	vunpack.i.u.bf16.f32 v4;
	v6 =	vadd.f32 v8, v6  }
0x4a1: {  	v3 =	vadd.f32 v4, v3;
	v4 =	vunpack.i.l.bf16.f32 v5  }
0x4a2: {  	v57 =	vld [tilespmem:s22+$0x1C908];
	v5 =	vunpack.i.u.bf16.f32 v5;
	v4 =	vadd.f32 v4, v6  }
0x4a3: {  	v3 =	vadd.f32 v5, v3;
	v5 =	vunpack.i.l.bf16.f32 v7  }
0x4a4: {  	v7 =	vunpack.i.u.bf16.f32 v7;
	v4 =	vadd.f32 v5, v4;
	v5 =	vld [tilespmem:s22+$0x1CCF0]  }
0x4a5: {  	v58 =	vunpack.i.l.bf16.f32 v56;
	v3 =	vadd.f32 v7, v3  }
0x4a6: {  	s24 =	sshll.u32 s22, $0x1;
	v59 =	vld [tilespmem:s22+$0x1D0D8];
	v8 =	vunpack.i.u.bf16.f32 v56;
	v4 =	vadd.f32 v58, v4  }
0x4a7: {  	v9 =	vadd.s32 s24, v0;
	v60 =	vunpack.i.l.bf16.f32 v57;
	v3 =	vadd.f32 v8, v3  }
0x4a8: {  	v9 =	vand.u32 $0xFF8, v9;
	v6 =	vunpack.i.u.bf16.f32 v57;
	v4 =	vadd.f32 v60, v4  }
0x4a9: {  	s28 =	sshllo.u32 s22, $0x1;
	v61 =	vor.u32 v2, v9;
	v3 =	vadd.f32 v6, v3;
	v62 =	vunpack.i.l.bf16.f32 v5  }
0x4aa: {  	v63 =	vadd.s32 s28, v0;
	v5 =	vunpack.i.u.bf16.f32 v5;
	v4 =	vadd.f32 v62, v4  }
0x4ab: {  	v3 =	vadd.f32 v5, v3;
	v5 =	vunpack.i.l.bf16.f32 v59  }
0x4ac: {  	v7 =	vunpack.i.u.bf16.f32 v59;
	v4 =	vadd.f32 v5, v4  }
0x4ad: {  	v3 =	vadd.f32 v7, v3  }
0x4ae: {  	[tilespmem:v61+s19+$0x0] =	vst.idx.msk $0xffff, v4  }
0x4af: {  	s29 =	rddreg [dreg:$0x13];
	[tilespmem:v63+s19+$0x0] =	vst.idx.msk $0xffff, v3  }
0x4b0: {  	[tilespmem:s18], [sflag:$0x5] =	stream.strided.gather [spmem:s29], $0x1F40, s31, s17, $0x38;
	[tilespmem:$0x1EC30] =	vst v63  }
0x4b1: {  	_ =	swait.ge [sflag:s1], $0x1F40  }
0x4b2: {  	s30 =	simm.s32 $0x0;
	[sflag:s1] =	ssyncset.done $0x0  }
0x4b3: {  	s22 =	smin.u32 s30, $0x3D8;
	[sflag:s1] =	ssyncadd.s32 $0xFFFFE0C0  }
0x4b4: {  	s24 =	simm.s32 $0x10;
	v3 =	vld [tilespmem:s22+$0x1B580]  }
.LBB2_30:
0x4b5: {  	p0 =	sne.s32 s24, $0x3E0  }
0x4b6: {  	v4 =	vld [tilespmem:s22+$0x1B968];
	_ =	sdelay $0x1  }
0x4b7: {  	v5 =	vld [tilespmem:s22+$0x1BD50]  }
0x4b8: {  	v6 =	vunpack.i.u.bf16.f32 v3;
	v3 =	vunpack.i.l.bf16.f32 v3  }
0x4b9: {  	v3 =	vadd.f32 $0.0e+00, v3;
	v7 =	vld [tilespmem:s22+$0x1C138]  }
0x4ba: {  	v6 =	vadd.f32 $0.0e+00, v6;
	v8 =	vunpack.i.u.bf16.f32 v4;
	v4 =	vunpack.i.l.bf16.f32 v4  }
0x4bb: {  	v3 =	vadd.f32 v4, v3;
	v4 =	vld [tilespmem:s22+$0x1C520]  }
0x4bc: {  	v6 =	vadd.f32 v8, v6;
	v8 =	vunpack.i.u.bf16.f32 v5;
	v5 =	vunpack.i.l.bf16.f32 v5  }
0x4bd: {  	v3 =	vadd.f32 v5, v3;
	v5 =	vld [tilespmem:s22+$0x1C908]  }
0x4be: {  	v6 =	vadd.f32 v8, v6;
	v8 =	vunpack.i.u.bf16.f32 v7;
	v7 =	vunpack.i.l.bf16.f32 v7  }
0x4bf: {  	v3 =	vadd.f32 v7, v3;
	v7 =	vld [tilespmem:s22+$0x1CCF0]  }
0x4c0: {  	v6 =	vadd.f32 v8, v6;
	v8 =	vunpack.i.u.bf16.f32 v4;
	v4 =	vunpack.i.l.bf16.f32 v4  }
0x4c1: {  	v3 =	vadd.f32 v4, v3;
	v4 =	vld [tilespmem:s22+$0x1D0D8];
	s22 =	sshll.u32 s22, $0x1  }
0x4c2: {  	v6 =	vadd.f32 v8, v6;
	v8 =	vunpack.i.u.bf16.f32 v5;
	v5 =	vunpack.i.l.bf16.f32 v5;
	s25 =	sadd.s32 $0x7D0, s22  }
0x4c3: {  	v3 =	vadd.f32 v5, v3;
	v5 =	vadd.s32 s25, v0  }
0x4c4: {  	s22 =	sadd.s32 $0x7D1, s22;
	v6 =	vadd.f32 v8, v6;
	v8 =	vunpack.i.u.bf16.f32 v7;
	v7 =	vunpack.i.l.bf16.f32 v7  }
0x4c5: {  	v3 =	vadd.f32 v7, v3;
	v7 =	vadd.s32 s22, v0  }
0x4c6: {  	v6 =	vadd.f32 v8, v6;
	v8 =	vunpack.i.u.bf16.f32 v4;
	v4 =	vunpack.i.l.bf16.f32 v4  }
.Ltmp14:
0x4c7: {  	v3 =	vadd.f32 v4, v3;
	(pc) =	sbr.rel @p0 .LBB2_30-.Ltmp14, $4  }
0x4c8: {  	v4 =	vadd.f32 v8, v6  }
0x4c9: {  	[tilespmem:v5+s19+$0x0] =	vst.idx.msk $0xffff, v3  }
0x4ca: {  	s22 =	smin.u32 s24, $0x3D8;
	[tilespmem:v7+s19+$0x0] =	vst.idx.msk $0xffff, v4  }
0x4cb: {  	s24 =	sadd.s32 $0x10, s24;
	v3 =	vld [tilespmem:s22+$0x1B580]  }
0x4cc: {  	_ = 	snop  }
0x4cd: {  	v4 =	vld [tilespmem:s22+$0x1B968];
	_ =	sdelay $0x1  }
0x4ce: {  	v5 =	vld [tilespmem:s22+$0x1BD50]  }
0x4cf: {  	v6 =	vunpack.i.l.bf16.f32 v3  }
0x4d0: {  	v7 =	vld [tilespmem:s22+$0x1C138];
	v3 =	vunpack.i.u.bf16.f32 v3;
	v6 =	vadd.f32 $0.0e+00, v6  }
0x4d1: {  	v3 =	vadd.f32 $0.0e+00, v3;
	v8 =	vunpack.i.l.bf16.f32 v4  }
0x4d2: {  	v52 =	vld [tilespmem:s22+$0x1C520];
	v4 =	vunpack.i.u.bf16.f32 v4;
	v6 =	vadd.f32 v8, v6  }
0x4d3: {  	v53 =	vunpack.i.l.bf16.f32 v5;
	v3 =	vadd.f32 v4, v3  }
0x4d4: {  	v54 =	vld [tilespmem:s22+$0x1C908];
	v5 =	vunpack.i.u.bf16.f32 v5;
	v4 =	vadd.f32 v53, v6  }
0x4d5: {  	v55 =	vunpack.i.l.bf16.f32 v7;
	v3 =	vadd.f32 v5, v3  }
0x4d6: {  	v56 =	vld [tilespmem:s22+$0x1CCF0];
	v7 =	vunpack.i.u.bf16.f32 v7;
	v4 =	vadd.f32 v55, v4  }
0x4d7: {  	v57 =	vunpack.i.l.bf16.f32 v52;
	v3 =	vadd.f32 v7, v3  }
0x4d8: {  	v58 =	vld [tilespmem:s22+$0x1D0D8];
	v8 =	vunpack.i.u.bf16.f32 v52;
	v4 =	vadd.f32 v57, v4  }
0x4d9: {  	s28 =	sshll.u32 s22, $0x1;
	v59 =	vunpack.i.l.bf16.f32 v54;
	v3 =	vadd.f32 v8, v3  }
0x4da: {  	s24 =	sadd.s32 $0x7D0, s28;
	v6 =	vunpack.i.u.bf16.f32 v54;
	v4 =	vadd.f32 v59, v4  }
0x4db: {  	s22 =	sadd.s32 $0x7D1, s28;
	v60 =	vadd.s32 s24, v0;
	v61 =	vunpack.i.l.bf16.f32 v56;
	v3 =	vadd.f32 v6, v3  }
0x4dc: {  	v62 =	vadd.s32 s22, v0;
	v5 =	vunpack.i.u.bf16.f32 v56;
	v4 =	vadd.f32 v61, v4  }
0x4dd: {  	v63 =	vunpack.i.l.bf16.f32 v58;
	v3 =	vadd.f32 v5, v3  }
0x4de: {  	v7 =	vunpack.i.u.bf16.f32 v58;
	v4 =	vadd.f32 v63, v4  }
0x4df: {  	v3 =	vadd.f32 v7, v3  }
0x4e0: {  	[tilespmem:v60+s19+$0x0] =	vst.idx.msk $0xffff, v4  }
0x4e1: {  	s29 =	rddreg [dreg:$0x12];
	[tilespmem:v62+s19+$0x0] =	vst.idx.msk $0xffff, v3  }
0x4e2: {  	[hbm4b:s29+s2] =	stream.linear.scatter [tilespmem:s19], [sflag:$0x5], $0xFA0, $0x38;
	[tilespmem:$0x1EC30] =	vst v63  }
0x4e3: {  	_ =	swait.ge [sflag:s1], $0xFA0  }
0x4e4: {  	s20 =	sadd.s32 $0x1, s20;
	s30 =	rddreg [dreg:$0x14]  }
0x4e5: {  	p0 =	sne.s32 s20, s30  }
.Ltmp15:
0x4e6: {  	_ = 	snop;
	(pc) =	sbr.rel @p0 .LBB2_1-.Ltmp15, $3  }
0x4e7: {  	[sflag:s1] =	ssyncset.done $0x0  }
0x4e8: {  	[sflag:s1] =	ssyncadd.s32 $0xFFFFF060  }
0x4e9: {  	[bflag:$0x0] =	sbarrier.arrive $0xFFFF;
	_ =	sdelay $0x1  }
0x4ea: {  	_ =	sfence.sel $0x180000  }
0x4eb: {  	[bflag:$0x0] =	sbarrier.arrive $0xFFFF  }
0x4ec: {  	_ =	strace $0x90000047  }
0x4ed: {  	s0 =	stileid.u32;
	[bflag:$0x2] =	sbarrier.arrive $0xFFFF  }
0x4ee: {  	p0 =	sne.s32 s0, $0x0;
	s0 =	rddreg [dreg:$0x4]  }
0x4ef: {  	s0 =	sadd.s32 @!p0 $0x100000, s0  }
0x4f0: {  	[sflag:s0] =	ssyncadd.tile.s32 @!p0 $0x1;
	_ =	shalt  }
.Lfunc_end2:
_tile_overlayer_lowered:
.L_overlay_start_2:
0x4f1: {  	(tag) =	ssettag $0x2  }
0x4f2: {  	s0 =	rddreg [dreg:$0x0];
	s2 =	stileid.u32  }
0x4f3: {  	s1 =	rddreg [dreg:$0x1];
	p0 =	sne.s32 s2, $0x0  }
0x4f4: {  	s3 =	rddreg [dreg:$0x2];
	[bflag:$0x3] =	sbarrier.arrive $0xFFFF;
	s2 =	simm.s32 @!p0 $0x1C05  }
0x4f5: {  	[timem:s3], [sflag:s2] =	dma.local @!p0 [hbm:s0], s1  }
0x4f6: {  	s0 =	simm.s32 @!p0 $0x5  }
0x4f7: {  	_ =	swait.ge @!p0 [sflag:s0], s1  }
0x4f8: {  	s1 =	ssub.s32 @!p0 $0x0, s1;
	[sflag:s0] =	ssyncset.done @!p0 $0x0  }
0x4f9: {  	[sflag:s0] =	ssyncadd.s32 @!p0 s1  }
0x4fa: {  	[bflag:$0x3] =	sbarrier.arrive $0xFFFF  }
0x4fb: {  	_ =	shalt  }

</sc_bundles>
